<compile_context>
chip_gen: v7x
topology: tpu7x:2x2x1
jax: 0.10.2.dev20260603
libtpu: 0.0.44.dev20260713+nightly
codegen_flags: <defaults>
</compile_context>

<pallas_src>
import functools

import jax
import jax.numpy as jnp
from jax import lax
from jax.experimental import pallas as pl
from jax.experimental.pallas import tpu as pltpu
from jax.experimental.pallas import tpu_sc as plsc

NC = 2
NS = 16
LANES = 16

TRASH = 1024
C = 80


def _make_scatter_kernel(E, N, D):
    DH = D // NC
    assert D % NC == 0
    assert E % NS == 0
    ES = E // NS
    assert ES % C == 0
    SR = 25
    assert (ES // C) % SR == 0
    slab = -(-N // (NS * 8)) * 8
    AR = slab * NS

    mesh = plsc.VectorSubcoreMesh(core_axis_name="c", subcore_axis_name="s")

    @functools.partial(
        pl.kernel,
        out_type=jax.ShapeDtypeStruct((NC, AR, DH), jnp.float32),
        mesh=mesh,
        compiler_params=pltpu.CompilerParams(use_tc_tiling_on_sc=False),
        scratch_types=[
            pltpu.VMEM((SR, C), jnp.int32),
            pltpu.VMEM((SR, C), jnp.int32),
            pltpu.VMEM((C, DH), jnp.float32),
            pltpu.VMEM((C, DH), jnp.float32),
            pltpu.VMEM((slab, DH), jnp.float32),
            pltpu.VMEM_SHARED((AR, DH), jnp.float32),
            pltpu.SemaphoreType.DMA,
            pltpu.SemaphoreType.DMA,
            pltpu.SemaphoreType.DMA,
            pltpu.SemaphoreType.DMA,
        ],
    )
    def scatter_kernel(src_hbm, dst_hbm, g_hbm, out_hbm,
                       sb_src, sb_dst, rows_a, rows_b, zbuf_v,
                       acc_sh, sem_a, sem_b, sem_sa, sem_sb):
        c = lax.axis_index("c")
        s = lax.axis_index("s")

        def zrow(i, carry):
            for j in range(DH // LANES):
                zbuf_v[i, pl.ds(j * LANES, LANES)] = jnp.zeros(
                    (LANES,), jnp.float32)
            return carry

        lax.fori_loop(0, slab, zrow, 0)
        pltpu.sync_copy(zbuf_v, acc_sh.at[pl.ds(s * slab, slab)])
        plsc.subcore_barrier()

        rows_bufs = (rows_a, rows_b)
        sems = (sem_a, sem_b)
        ssems = (sem_sa, sem_sb)

        def stage(t, carry):
            pltpu.sync_copy(src_hbm.at[c, s, t], sb_src)
            pltpu.sync_copy(dst_hbm.at[s, t], sb_dst)
            gd = [None, None]
            gd[0] = pltpu.async_copy(
                g_hbm.at[sb_src.at[0]], rows_bufs[0], sems[0])
            for j in range(SR):
                b = j % 2
                if j >= 1:
                    pltpu.make_async_copy(
                        rows_bufs[1 - b], acc_sh.at[sb_dst.at[j - 1]],
                        ssems[1 - b]).wait()
                if j + 1 < SR:
                    gd[1 - b] = pltpu.async_copy(
                        g_hbm.at[sb_src.at[j + 1]],
                        rows_bufs[1 - b], sems[1 - b])
                gd[b].wait()
                pltpu.async_copy(
                    rows_bufs[b], acc_sh.at[sb_dst.at[j]], ssems[b],
                    add=True)
            pltpu.make_async_copy(
                rows_bufs[(SR - 1) % 2], acc_sh.at[sb_dst.at[SR - 1]],
                ssems[(SR - 1) % 2]).wait()
            return carry

        lax.fori_loop(0, (ES // C) // SR, stage, 0)
        plsc.subcore_barrier()

        pltpu.sync_copy(acc_sh.at[pl.ds(s * slab, slab)],
                        out_hbm.at[c, pl.ds(s * slab, slab)])

    return scatter_kernel


def _make_count_kernel(E, N):
    assert E % NS == 0
    ES = E // NS
    assert ES % C == 0
    SR = 25
    stages = (ES // C) // SR
    assert stages % NC == 0
    slab = -(-N // (NS * 8)) * 8
    AR = slab * NS

    mesh = plsc.VectorSubcoreMesh(core_axis_name="c", subcore_axis_name="s")

    @functools.partial(
        pl.kernel,
        out_type=jax.ShapeDtypeStruct((NC, AR, LANES), jnp.float32),
        mesh=mesh,
        compiler_params=pltpu.CompilerParams(use_tc_tiling_on_sc=False),
        scratch_types=[
            pltpu.VMEM((SR, C), jnp.int32),
            pltpu.VMEM((C, LANES), jnp.float32),
            pltpu.VMEM((slab, LANES), jnp.float32),
            pltpu.VMEM_SHARED((AR, LANES), jnp.float32),
            pltpu.SemaphoreType.DMA,
        ],
    )
    def count_kernel(dst_hbm, out_hbm, sb_dst, ones_v, zbuf_v, acc_sh, sem):
        c = lax.axis_index("c")
        s = lax.axis_index("s")

        def orow(i, carry):
            ones_v[i, :] = jnp.full((LANES,), 1.0, jnp.float32)
            zbuf_v[i, :] = jnp.zeros((LANES,), jnp.float32)
            return carry

        lax.fori_loop(0, C, orow, 0)

        def zrow(i, carry):
            zbuf_v[i, :] = jnp.zeros((LANES,), jnp.float32)
            return carry

        lax.fori_loop(0, slab, zrow, 0)
        pltpu.sync_copy(zbuf_v, acc_sh.at[pl.ds(s * slab, slab)])
        plsc.subcore_barrier()

        def stage(t, carry):
            pltpu.sync_copy(
                dst_hbm.at[s, c * (stages // NC) + t], sb_dst)
            for j in range(SR):
                pltpu.async_copy(
                    ones_v, acc_sh.at[sb_dst.at[j]], sem, add=True)
            for j in range(SR):
                pltpu.make_async_copy(
                    ones_v, acc_sh.at[sb_dst.at[j]], sem).wait()
            return carry

        lax.fori_loop(0, stages // NC, stage, 0)
        plsc.subcore_barrier()
        pltpu.sync_copy(acc_sh.at[pl.ds(s * slab, slab)],
                        out_hbm.at[c, pl.ds(s * slab, slab)])

    return count_kernel


def _tc1_body(x_ref, w1_ref, deg_ref, h1_ref, g1_ref, dis_ref):
    deg = deg_ref[:, 0:1] + 1.0
    dis = lax.rsqrt(deg)
    h1 = jnp.dot(x_ref[...], w1_ref[...], preferred_element_type=jnp.float32)
    h1_ref[...] = h1
    g1_ref[...] = h1 * dis
    dis_ref[...] = jnp.broadcast_to(dis, dis_ref.shape)


def _tc2_body(p_ref, h1_ref, dis_ref, b1_ref, w2_ref, h2_ref, g2_ref):
    dis = dis_ref[...]
    pre = dis * p_ref[...] + dis * dis * h1_ref[...] + b1_ref[...]
    t = jnp.maximum(pre, 0.0)
    h2 = jnp.dot(t, w2_ref[...], preferred_element_type=jnp.float32)
    h2_ref[...] = h2
    g2_ref[...] = h2 * dis


def _tc3_body(q_ref, h2_ref, dis_ref, b2_ref, out_ref):
    dis = dis_ref[...]
    out_ref[...] = dis * q_ref[...] + dis * dis * h2_ref[...] + b2_ref[...]


@jax.jit
def kernel(x, edge_index, W1, b1, W2, b2):
    N, D_in = x.shape
    D_hid = W1.shape[1]
    D_out = W2.shape[1]
    E = edge_index.shape[1]
    NH = N // NC
    f32 = jnp.float32

    ei = edge_index.astype(jnp.int32)
    stages = E // C // 25 // NS
    src0 = ei[0].reshape(NS, stages, 25, C)
    src = jnp.stack([src0, src0 + N])
    dst = ei[1].reshape(NS, stages, 25, C)

    assert D_hid == D_out == D_in
    DH = D_hid // NC
    scat = _make_scatter_kernel(E, N, D_hid)

    def split_cols(g):
        return jnp.concatenate([g[:, :DH], g[:, DH:]], axis=0)

    def merge(o):
        return jnp.concatenate([o[0, :N], o[1, :N]], axis=1)

    cnt = _make_count_kernel(E, N)(dst)
    degc = cnt[0, :N] + cnt[1, :N]

    h1, g1, dis = pl.pallas_call(
        _tc1_body,
        out_shape=(
            jax.ShapeDtypeStruct((N, D_hid), f32),
            jax.ShapeDtypeStruct((N, D_hid), f32),
            jax.ShapeDtypeStruct((N, D_hid), f32),
        ),
    )(x, W1, degc)

    p = merge(scat(src, dst, split_cols(g1)))

    h2, g2 = pl.pallas_call(
        _tc2_body,
        out_shape=(
            jax.ShapeDtypeStruct((N, D_out), f32),
            jax.ShapeDtypeStruct((N, D_out), f32),
        ),
    )(p, h1, dis, b1.reshape(1, -1), W2)

    q = merge(scat(src, dst, split_cols(g2)))

    out = pl.pallas_call(
        _tc3_body,
        out_shape=jax.ShapeDtypeStruct((N, D_out), f32),
    )(q, h2, dis, b2.reshape(1, -1))

    return out

# --- scband reference (transcript-rebuilt; emitter-appended) ---
"""Pipeline reference for scband-gcn-2516850835925 (READ-ONLY COPY).

The authoritative reference and input builder live on the scoring server;
editing this copy changes nothing except your own understanding.
"""

import jax, jax.numpy as jnp
import numpy as np

N = 10000
E = 320000
D_IN = 128
D_HID = 128
D_OUT = 128


def _gcn_conv(x, edge_index, W, b):
    num_nodes = x.shape[0]
    loop = jnp.arange(num_nodes, dtype=edge_index.dtype)
    src = jnp.concatenate([edge_index[0], loop])
    dst = jnp.concatenate([edge_index[1], loop])
    deg = jnp.zeros((num_nodes,), dtype=x.dtype).at[dst].add(1.0)
    deg_inv_sqrt = jnp.where(deg > 0, jax.lax.rsqrt(jnp.maximum(deg, 1e-12)), 0.0)
    norm = deg_inv_sqrt[src] * deg_inv_sqrt[dst]
    h = x @ W
    msg = h[src] * norm[:, None]
    out = jax.ops.segment_sum(msg, dst, num_segments=num_nodes)
    return out + b


def setup_inputs(seed: int = 0):
    key = jax.random.key(seed)
    ks = jax.random.split(key, 6)
    x = jax.random.normal(ks[0], (N, D_IN), dtype=jnp.float32)
    edge_index = jax.random.randint(ks[1], (2, E), 0, N)
    W1 = jax.random.normal(ks[2], (D_IN, D_HID), dtype=jnp.float32) / np.sqrt(D_IN).astype(np.float32)
    b1 = jnp.zeros((D_HID,), dtype=jnp.float32)
    W2 = jax.random.normal(ks[3], (D_HID, D_OUT), dtype=jnp.float32) / np.sqrt(D_HID).astype(np.float32)
    b2 = jnp.zeros((D_OUT,), dtype=jnp.float32)
    return {"x": x, "edge_index": edge_index, "W1": W1, "b1": b1, "W2": W2, "b2": b2}


def reference(x, edge_index, W1, b1, W2, b2):
    # Layer 1: GCNConv + ReLU (dropout p=0.0 is a no-op; eval mode)
    h = _gcn_conv(x, edge_index, W1, b1)
    h = jax.nn.relu(h)
    # Layer 2: GCNConv (no activation on final layer)
    out = _gcn_conv(h, edge_index, W2, b2)
    return out

if __name__ == "__main__":
    import jax
    _d = setup_inputs()
    print(jax.jit(kernel)(*tuple(_d.values())))

</pallas_src>

<mosaic_0001>
#map = affine_map<(d0, d1) -> (0, 0, 0, 0)>
#map1 = affine_map<(d0, d1) -> (0, 0, 0)>
module attributes {stable_mosaic.version = 14 : i64} {
  func.func @count_kernel(%arg0: i32, %arg1: i32, %arg2: memref<16x10x25x80xi32, #tpu.memory_space<hbm>>, %arg3: memref<2x10112x16xf32, #tpu.memory_space<hbm>>, %arg4: memref<25x80xi32, #tpu.memory_space<vmem>>, %arg5: memref<80x16xf32, #tpu.memory_space<vmem>>, %arg6: memref<632x16xf32, #tpu.memory_space<vmem>>, %arg7: memref<10112x16xf32, #tpu.memory_space<vmem_shared>>, %arg8: memref<!tpu.dma_semaphore, #tpu.memory_space<semaphore_mem>>) attributes {dimension_semantics = [#tpu.dimension_semantics<core_parallel>, #tpu.dimension_semantics<subcore_parallel>], iteration_bounds = array<i64: 2, 16>, scalar_prefetch = 0 : i64, scratch_operands = 5 : i64, tpu.core_type = #tpu.core_type<sc_vector_subcore>, window_params = [{transform_indices = #map}, {transform_indices = #map1}]} {
    %scan3A = arith.constant 0 : i32
    %scan3A_0 = arith.constant 0 : i32
    %scan3A_1 = arith.constant 80 : i32
    %scan3A_2 = arith.addi %scan3A_0, %scan3A_1 : i32
    %scan3A_3 = arith.constant 1 : i32
    scf.for %scan3A_23 = %scan3A_0 to %scan3A_2 step %scan3A_3  : i32 {
      %broadcast_in_dim3A = arith.constant 1.000000e+00 : f32
      %broadcast_in_dim3A_24 = vector.broadcast %broadcast_in_dim3A : f32 to vector<16xf32>
      %swap3A = arith.index_cast %scan3A_23 : i32 to index
      %swap3A_25 = arith.constant 0 : index
      %swap3A_26 = tpu.vector_load %arg5[%swap3A, %swap3A_25] {strides = array<i32>} : memref<80x16xf32, #tpu.memory_space<vmem>>, vector<1x16xf32>,
      %swap3A_27 = vector.shape_cast %swap3A_26 : vector<1x16xf32> to vector<16xf32>
      %swap3A_28 = vector.shape_cast %broadcast_in_dim3A_24 : vector<16xf32> to vector<1x16xf32>
      tpu.vector_store %arg5[%swap3A, %swap3A_25], %swap3A_28 {strides = array<i32>} : memref<80x16xf32, #tpu.memory_space<vmem>>, vector<1x16xf32>,
      %broadcast_in_dim3A_29 = arith.constant 0.000000e+00 : f32
      %broadcast_in_dim3A_30 = vector.broadcast %broadcast_in_dim3A_29 : f32 to vector<16xf32>
      %swap3A_31 = arith.index_cast %scan3A_23 : i32 to index
      %swap3A_32 = arith.constant 0 : index
      %swap3A_33 = tpu.vector_load %arg6[%swap3A_31, %swap3A_32] {strides = array<i32>} : memref<632x16xf32, #tpu.memory_space<vmem>>, vector<1x16xf32>,
      %swap3A_34 = vector.shape_cast %swap3A_33 : vector<1x16xf32> to vector<16xf32>
      %swap3A_35 = vector.shape_cast %broadcast_in_dim3A_30 : vector<16xf32> to vector<1x16xf32>
      tpu.vector_store %arg6[%swap3A_31, %swap3A_32], %swap3A_35 {strides = array<i32>} : memref<632x16xf32, #tpu.memory_space<vmem>>, vector<1x16xf32>,
    }
    %scan3A_4 = arith.constant 80 : i32
    %scan3A_5 = arith.constant 0 : i32
    %scan3A_6 = arith.constant 0 : i32
    %scan3A_7 = arith.constant 632 : i32
    %scan3A_8 = arith.addi %scan3A_6, %scan3A_7 : i32
    %scan3A_9 = arith.constant 1 : i32
    scf.for %scan3A_23 = %scan3A_6 to %scan3A_8 step %scan3A_9  : i32 {
      %broadcast_in_dim3A = arith.constant 0.000000e+00 : f32
      %broadcast_in_dim3A_24 = vector.broadcast %broadcast_in_dim3A : f32 to vector<16xf32>
      %swap3A = arith.index_cast %scan3A_23 : i32 to index
      %swap3A_25 = arith.constant 0 : index
      %swap3A_26 = tpu.vector_load %arg6[%swap3A, %swap3A_25] {strides = array<i32>} : memref<632x16xf32, #tpu.memory_space<vmem>>, vector<1x16xf32>,
      %swap3A_27 = vector.shape_cast %swap3A_26 : vector<1x16xf32> to vector<16xf32>
      %swap3A_28 = vector.shape_cast %broadcast_in_dim3A_24 : vector<16xf32> to vector<1x16xf32>
      tpu.vector_store %arg6[%swap3A, %swap3A_25], %swap3A_28 {strides = array<i32>} : memref<632x16xf32, #tpu.memory_space<vmem>>, vector<1x16xf32>,
    }
    %scan3A_10 = arith.constant 632 : i32
    %mul3A = arith.constant 632 : i32
    %mul3A_11 = arith.muli %arg1, %mul3A : i32
    "tpu.region"() ({
      %run_scoped3A = tpu.sem_alloc : memref<!tpu.dma_semaphore, #tpu.memory_space<semaphore_mem>>
      %dma_start3A = arith.constant 0 : i32
      %dma_start3A_23 = tpu.memref_slice %arg7[%mul3A_11, %dma_start3A] : memref<10112x16xf32, #tpu.memory_space<vmem_shared>> -> memref<632x16xf32, #tpu.memory_space<vmem_shared>>
      %dma_start3A_24 = arith.constant 0 : i32
      %dma_start3A_25 = tpu.memref_slice %arg7[%mul3A_11, %dma_start3A_24] : memref<10112x16xf32, #tpu.memory_space<vmem_shared>> -> memref<632x16xf32, #tpu.memory_space<vmem_shared>>
      tpu.enqueue_dma source(%arg6 : memref<632x16xf32, #tpu.memory_space<vmem>>) target(%dma_start3A_25 : memref<632x16xf32, #tpu.memory_space<vmem_shared>>) target_semaphore(%run_scoped3A : memref<!tpu.dma_semaphore, #tpu.memory_space<semaphore_mem>>)
      %dma_wait3A = arith.constant 0 : i32
      %dma_wait3A_26 = tpu.memref_slice %arg7[%mul3A_11, %dma_wait3A] : memref<10112x16xf32, #tpu.memory_space<vmem_shared>> -> memref<632x16xf32, #tpu.memory_space<vmem_shared>>
      %dma_wait3A_27 = arith.constant 0 : i32
      %dma_wait3A_28 = tpu.memref_slice %arg7[%mul3A_11, %dma_wait3A_27] : memref<10112x16xf32, #tpu.memory_space<vmem_shared>> -> memref<632x16xf32, #tpu.memory_space<vmem_shared>>
      tpu.wait_dma2 semaphore(%run_scoped3A : memref<!tpu.dma_semaphore, #tpu.memory_space<semaphore_mem>>) src(%arg6 : memref<632x16xf32, #tpu.memory_space<vmem>>) dst(%dma_wait3A_28 : memref<632x16xf32, #tpu.memory_space<vmem_shared>>)
      tpu.yield
    }) : () -> ()
    %barrier3A = arith.constant 0 : index
    tpu.barrier barrier_id(%barrier3A)
    %scan3A_12 = arith.constant 0 : i32
    %scan3A_13 = arith.constant 0 : i32
    %scan3A_14 = arith.constant 5 : i32
    %scan3A_15 = arith.addi %scan3A_13, %scan3A_14 : i32
    %scan3A_16 = arith.constant 1 : i32
    scf.for %scan3A_23 = %scan3A_13 to %scan3A_15 step %scan3A_16  : i32 {
      %mul3A_24 = arith.constant 5 : i32
      %mul3A_25 = arith.muli %arg0, %mul3A_24 : i32
      %add3A = arith.addi %mul3A_25, %scan3A_23 : i32
      "tpu.region"() ({
        %run_scoped3A = tpu.sem_alloc : memref<!tpu.dma_semaphore, #tpu.memory_space<semaphore_mem>>
        %dma_start3A_374 = arith.constant 0 : i32
        %dma_start3A_375 = arith.constant 0 : i32
        %dma_start3A_376 = tpu.memref_slice %arg2[%arg1, %add3A, %dma_start3A_374, %dma_start3A_375] : memref<16x10x25x80xi32, #tpu.memory_space<hbm>> -> memref<1x1x25x80xi32, #tpu.memory_space<hbm>>
        %dma_start3A_377 = tpu.memref_squeeze %dma_start3A_376 : memref<1x1x25x80xi32, #tpu.memory_space<hbm>> -> memref<25x80xi32, #tpu.memory_space<hbm>>
        %dma_start3A_378 = arith.constant 0 : i32
        %dma_start3A_379 = arith.constant 0 : i32
        %dma_start3A_380 = tpu.memref_slice %arg2[%arg1, %add3A, %dma_start3A_378, %dma_start3A_379] : memref<16x10x25x80xi32, #tpu.memory_space<hbm>> -> memref<1x1x25x80xi32, #tpu.memory_space<hbm>>
        %dma_start3A_381 = tpu.memref_squeeze %dma_start3A_380 : memref<1x1x25x80xi32, #tpu.memory_space<hbm>> -> memref<25x80xi32, #tpu.memory_space<hbm>>
        tpu.enqueue_dma source(%dma_start3A_381 : memref<25x80xi32, #tpu.memory_space<hbm>>) target(%arg4 : memref<25x80xi32, #tpu.memory_space<vmem>>) target_semaphore(%run_scoped3A : memref<!tpu.dma_semaphore, #tpu.memory_space<semaphore_mem>>)
        %dma_wait3A_382 = arith.constant 0 : i32
        %dma_wait3A_383 = arith.constant 0 : i32
        %dma_wait3A_384 = tpu.memref_slice %arg2[%arg1, %add3A, %dma_wait3A_382, %dma_wait3A_383] : memref<16x10x25x80xi32, #tpu.memory_space<hbm>> -> memref<1x1x25x80xi32, #tpu.memory_space<hbm>>
        %dma_wait3A_385 = tpu.memref_squeeze %dma_wait3A_384 : memref<1x1x25x80xi32, #tpu.memory_space<hbm>> -> memref<25x80xi32, #tpu.memory_space<hbm>>
        %dma_wait3A_386 = arith.constant 0 : i32
        %dma_wait3A_387 = arith.constant 0 : i32
        %dma_wait3A_388 = tpu.memref_slice %arg2[%arg1, %add3A, %dma_wait3A_386, %dma_wait3A_387] : memref<16x10x25x80xi32, #tpu.memory_space<hbm>> -> memref<1x1x25x80xi32, #tpu.memory_space<hbm>>
        %dma_wait3A_389 = tpu.memref_squeeze %dma_wait3A_388 : memref<1x1x25x80xi32, #tpu.memory_space<hbm>> -> memref<25x80xi32, #tpu.memory_space<hbm>>
        tpu.wait_dma2 semaphore(%run_scoped3A : memref<!tpu.dma_semaphore, #tpu.memory_space<semaphore_mem>>) src(%dma_wait3A_389 : memref<25x80xi32, #tpu.memory_space<hbm>>) dst(%arg4 : memref<25x80xi32, #tpu.memory_space<vmem>>)
        tpu.yield
      }) : () -> ()
      %dma_start3A = arith.constant 0 : i32
      %dma_start3A_26 = arith.constant 0 : i32
      %dma_start3A_27 = tpu.memref_slice %arg4[%dma_start3A, %dma_start3A_26] : memref<25x80xi32, #tpu.memory_space<vmem>> -> memref<1x80xi32, #tpu.memory_space<vmem>>
      %dma_start3A_28 = tpu.memref_squeeze %dma_start3A_27 : memref<1x80xi32, #tpu.memory_space<vmem>> -> memref<80xi32, #tpu.memory_space<vmem>>
      %dma_start3A_29 = arith.constant 0 : i32
      %dma_start3A_30 = arith.constant 0 : i32
      %dma_start3A_31 = tpu.memref_slice %arg7[%dma_start3A_29, %dma_start3A_30] : memref<10112x16xf32, #tpu.memory_space<vmem_shared>> -> memref<10112x16xf32, #tpu.memory_space<vmem_shared>>
      tpu.enqueue_indirect_dma source(%arg5 : memref<80x16xf32, #tpu.memory_space<vmem>>) target(%dma_start3A_31 : memref<10112x16xf32, #tpu.memory_space<vmem_shared>>) offsets(%dma_start3A_28 : memref<80xi32, #tpu.memory_space<vmem>>) semaphore(%arg8 : memref<!tpu.dma_semaphore, #tpu.memory_space<semaphore_mem>>) {add = true}
      %dma_start3A_32 = arith.constant 1 : i32
      %dma_start3A_33 = arith.constant 0 : i32
      %dma_start3A_34 = tpu.memref_slice %arg4[%dma_start3A_32, %dma_start3A_33] : memref<25x80xi32, #tpu.memory_space<vmem>> -> memref<1x80xi32, #tpu.memory_space<vmem>>
      %dma_start3A_35 = tpu.memref_squeeze %dma_start3A_34 : memref<1x80xi32, #tpu.memory_space<vmem>> -> memref<80xi32, #tpu.memory_space<vmem>>
      %dma_start3A_36 = arith.constant 0 : i32
      %dma_start3A_37 = arith.constant 0 : i32
      %dma_start3A_38 = tpu.memref_slice %arg7[%dma_start3A_36, %dma_start3A_37] : memref<10112x16xf32, #tpu.memory_space<vmem_shared>> -> memref<10112x16xf32, #tpu.memory_space<vmem_shared>>
      tpu.enqueue_indirect_dma source(%arg5 : memref<80x16xf32, #tpu.memory_space<vmem>>) target(%dma_start3A_38 : memref<10112x16xf32, #tpu.memory_space<vmem_shared>>) offsets(%dma_start3A_35 : memref<80xi32, #tpu.memory_space<vmem>>) semaphore(%arg8 : memref<!tpu.dma_semaphore, #tpu.memory_space<semaphore_mem>>) {add = true}
      %dma_start3A_39 = arith.constant 2 : i32
      %dma_start3A_40 = arith.constant 0 : i32
      %dma_start3A_41 = tpu.memref_slice %arg4[%dma_start3A_39, %dma_start3A_40] : memref<25x80xi32, #tpu.memory_space<vmem>> -> memref<1x80xi32, #tpu.memory_space<vmem>>
      %dma_start3A_42 = tpu.memref_squeeze %dma_start3A_41 : memref<1x80xi32, #tpu.memory_space<vmem>> -> memref<80xi32, #tpu.memory_space<vmem>>
      %dma_start3A_43 = arith.constant 0 : i32
      %dma_start3A_44 = arith.constant 0 : i32
      %dma_start3A_45 = tpu.memref_slice %arg7[%dma_start3A_43, %dma_start3A_44] : memref<10112x16xf32, #tpu.memory_space<vmem_shared>> -> memref<10112x16xf32, #tpu.memory_space<vmem_shared>>
      tpu.enqueue_indirect_dma source(%arg5 : memref<80x16xf32, #tpu.memory_space<vmem>>) target(%dma_start3A_45 : memref<10112x16xf32, #tpu.memory_space<vmem_shared>>) offsets(%dma_start3A_42 : memref<80xi32, #tpu.memory_space<vmem>>) semaphore(%arg8 : memref<!tpu.dma_semaphore, #tpu.memory_space<semaphore_mem>>) {add = true}
      %dma_start3A_46 = arith.constant 3 : i32
      %dma_start3A_47 = arith.constant 0 : i32
      %dma_start3A_48 = tpu.memref_slice %arg4[%dma_start3A_46, %dma_start3A_47] : memref<25x80xi32, #tpu.memory_space<vmem>> -> memref<1x80xi32, #tpu.memory_space<vmem>>
      %dma_start3A_49 = tpu.memref_squeeze %dma_start3A_48 : memref<1x80xi32, #tpu.memory_space<vmem>> -> memref<80xi32, #tpu.memory_space<vmem>>
      %dma_start3A_50 = arith.constant 0 : i32
      %dma_start3A_51 = arith.constant 0 : i32
      %dma_start3A_52 = tpu.memref_slice %arg7[%dma_start3A_50, %dma_start3A_51] : memref<10112x16xf32, #tpu.memory_space<vmem_shared>> -> memref<10112x16xf32, #tpu.memory_space<vmem_shared>>
      tpu.enqueue_indirect_dma source(%arg5 : memref<80x16xf32, #tpu.memory_space<vmem>>) target(%dma_start3A_52 : memref<10112x16xf32, #tpu.memory_space<vmem_shared>>) offsets(%dma_start3A_49 : memref<80xi32, #tpu.memory_space<vmem>>) semaphore(%arg8 : memref<!tpu.dma_semaphore, #tpu.memory_space<semaphore_mem>>) {add = true}
      %dma_start3A_53 = arith.constant 4 : i32
      %dma_start3A_54 = arith.constant 0 : i32
      %dma_start3A_55 = tpu.memref_slice %arg4[%dma_start3A_53, %dma_start3A_54] : memref<25x80xi32, #tpu.memory_space<vmem>> -> memref<1x80xi32, #tpu.memory_space<vmem>>
      %dma_start3A_56 = tpu.memref_squeeze %dma_start3A_55 : memref<1x80xi32, #tpu.memory_space<vmem>> -> memref<80xi32, #tpu.memory_space<vmem>>
      %dma_start3A_57 = arith.constant 0 : i32
      %dma_start3A_58 = arith.constant 0 : i32
      %dma_start3A_59 = tpu.memref_slice %arg7[%dma_start3A_57, %dma_start3A_58] : memref<10112x16xf32, #tpu.memory_space<vmem_shared>> -> memref<10112x16xf32, #tpu.memory_space<vmem_shared>>
      tpu.enqueue_indirect_dma source(%arg5 : memref<80x16xf32, #tpu.memory_space<vmem>>) target(%dma_start3A_59 : memref<10112x16xf32, #tpu.memory_space<vmem_shared>>) offsets(%dma_start3A_56 : memref<80xi32, #tpu.memory_space<vmem>>) semaphore(%arg8 : memref<!tpu.dma_semaphore, #tpu.memory_space<semaphore_mem>>) {add = true}
      %dma_start3A_60 = arith.constant 5 : i32
      %dma_start3A_61 = arith.constant 0 : i32
      %dma_start3A_62 = tpu.memref_slice %arg4[%dma_start3A_60, %dma_start3A_61] : memref<25x80xi32, #tpu.memory_space<vmem>> -> memref<1x80xi32, #tpu.memory_space<vmem>>
      %dma_start3A_63 = tpu.memref_squeeze %dma_start3A_62 : memref<1x80xi32, #tpu.memory_space<vmem>> -> memref<80xi32, #tpu.memory_space<vmem>>
      %dma_start3A_64 = arith.constant 0 : i32
      %dma_start3A_65 = arith.constant 0 : i32
      %dma_start3A_66 = tpu.memref_slice %arg7[%dma_start3A_64, %dma_start3A_65] : memref<10112x16xf32, #tpu.memory_space<vmem_shared>> -> memref<10112x16xf32, #tpu.memory_space<vmem_shared>>
      tpu.enqueue_indirect_dma source(%arg5 : memref<80x16xf32, #tpu.memory_space<vmem>>) target(%dma_start3A_66 : memref<10112x16xf32, #tpu.memory_space<vmem_shared>>) offsets(%dma_start3A_63 : memref<80xi32, #tpu.memory_space<vmem>>) semaphore(%arg8 : memref<!tpu.dma_semaphore, #tpu.memory_space<semaphore_mem>>) {add = true}
      %dma_start3A_67 = arith.constant 6 : i32
      %dma_start3A_68 = arith.constant 0 : i32
      %dma_start3A_69 = tpu.memref_slice %arg4[%dma_start3A_67, %dma_start3A_68] : memref<25x80xi32, #tpu.memory_space<vmem>> -> memref<1x80xi32, #tpu.memory_space<vmem>>
      %dma_start3A_70 = tpu.memref_squeeze %dma_start3A_69 : memref<1x80xi32, #tpu.memory_space<vmem>> -> memref<80xi32, #tpu.memory_space<vmem>>
      %dma_start3A_71 = arith.constant 0 : i32
      %dma_start3A_72 = arith.constant 0 : i32
      %dma_start3A_73 = tpu.memref_slice %arg7[%dma_start3A_71, %dma_start3A_72] : memref<10112x16xf32, #tpu.memory_space<vmem_shared>> -> memref<10112x16xf32, #tpu.memory_space<vmem_shared>>
      tpu.enqueue_indirect_dma source(%arg5 : memref<80x16xf32, #tpu.memory_space<vmem>>) target(%dma_start3A_73 : memref<10112x16xf32, #tpu.memory_space<vmem_shared>>) offsets(%dma_start3A_70 : memref<80xi32, #tpu.memory_space<vmem>>) semaphore(%arg8 : memref<!tpu.dma_semaphore, #tpu.memory_space<semaphore_mem>>) {add = true}
      %dma_start3A_74 = arith.constant 7 : i32
      %dma_start3A_75 = arith.constant 0 : i32
      %dma_start3A_76 = tpu.memref_slice %arg4[%dma_start3A_74, %dma_start3A_75] : memref<25x80xi32, #tpu.memory_space<vmem>> -> memref<1x80xi32, #tpu.memory_space<vmem>>
      %dma_start3A_77 = tpu.memref_squeeze %dma_start3A_76 : memref<1x80xi32, #tpu.memory_space<vmem>> -> memref<80xi32, #tpu.memory_space<vmem>>
      %dma_start3A_78 = arith.constant 0 : i32
      %dma_start3A_79 = arith.constant 0 : i32
      %dma_start3A_80 = tpu.memref_slice %arg7[%dma_start3A_78, %dma_start3A_79] : memref<10112x16xf32, #tpu.memory_space<vmem_shared>> -> memref<10112x16xf32, #tpu.memory_space<vmem_shared>>
      tpu.enqueue_indirect_dma source(%arg5 : memref<80x16xf32, #tpu.memory_space<vmem>>) target(%dma_start3A_80 : memref<10112x16xf32, #tpu.memory_space<vmem_shared>>) offsets(%dma_start3A_77 : memref<80xi32, #tpu.memory_space<vmem>>) semaphore(%arg8 : memref<!tpu.dma_semaphore, #tpu.memory_space<semaphore_mem>>) {add = true}
      %dma_start3A_81 = arith.constant 8 : i32
      %dma_start3A_82 = arith.constant 0 : i32
      %dma_start3A_83 = tpu.memref_slice %arg4[%dma_start3A_81, %dma_start3A_82] : memref<25x80xi32, #tpu.memory_space<vmem>> -> memref<1x80xi32, #tpu.memory_space<vmem>>
      %dma_start3A_84 = tpu.memref_squeeze %dma_start3A_83 : memref<1x80xi32, #tpu.memory_space<vmem>> -> memref<80xi32, #tpu.memory_space<vmem>>
      %dma_start3A_85 = arith.constant 0 : i32
      %dma_start3A_86 = arith.constant 0 : i32
      %dma_start3A_87 = tpu.memref_slice %arg7[%dma_start3A_85, %dma_start3A_86] : memref<10112x16xf32, #tpu.memory_space<vmem_shared>> -> memref<10112x16xf32, #tpu.memory_space<vmem_shared>>
      tpu.enqueue_indirect_dma source(%arg5 : memref<80x16xf32, #tpu.memory_space<vmem>>) target(%dma_start3A_87 : memref<10112x16xf32, #tpu.memory_space<vmem_shared>>) offsets(%dma_start3A_84 : memref<80xi32, #tpu.memory_space<vmem>>) semaphore(%arg8 : memref<!tpu.dma_semaphore, #tpu.memory_space<semaphore_mem>>) {add = true}
      %dma_start3A_88 = arith.constant 9 : i32
      %dma_start3A_89 = arith.constant 0 : i32
      %dma_start3A_90 = tpu.memref_slice %arg4[%dma_start3A_88, %dma_start3A_89] : memref<25x80xi32, #tpu.memory_space<vmem>> -> memref<1x80xi32, #tpu.memory_space<vmem>>
      %dma_start3A_91 = tpu.memref_squeeze %dma_start3A_90 : memref<1x80xi32, #tpu.memory_space<vmem>> -> memref<80xi32, #tpu.memory_space<vmem>>
      %dma_start3A_92 = arith.constant 0 : i32
      %dma_start3A_93 = arith.constant 0 : i32
      %dma_start3A_94 = tpu.memref_slice %arg7[%dma_start3A_92, %dma_start3A_93] : memref<10112x16xf32, #tpu.memory_space<vmem_shared>> -> memref<10112x16xf32, #tpu.memory_space<vmem_shared>>
      tpu.enqueue_indirect_dma source(%arg5 : memref<80x16xf32, #tpu.memory_space<vmem>>) target(%dma_start3A_94 : memref<10112x16xf32, #tpu.memory_space<vmem_shared>>) offsets(%dma_start3A_91 : memref<80xi32, #tpu.memory_space<vmem>>) semaphore(%arg8 : memref<!tpu.dma_semaphore, #tpu.memory_space<semaphore_mem>>) {add = true}
      %dma_start3A_95 = arith.constant 10 : i32
      %dma_start3A_96 = arith.constant 0 : i32
      %dma_start3A_97 = tpu.memref_slice %arg4[%dma_start3A_95, %dma_start3A_96] : memref<25x80xi32, #tpu.memory_space<vmem>> -> memref<1x80xi32, #tpu.memory_space<vmem>>
      %dma_start3A_98 = tpu.memref_squeeze %dma_start3A_97 : memref<1x80xi32, #tpu.memory_space<vmem>> -> memref<80xi32, #tpu.memory_space<vmem>>
      %dma_start3A_99 = arith.constant 0 : i32
      %dma_start3A_100 = arith.constant 0 : i32
      %dma_start3A_101 = tpu.memref_slice %arg7[%dma_start3A_99, %dma_start3A_100] : memref<10112x16xf32, #tpu.memory_space<vmem_shared>> -> memref<10112x16xf32, #tpu.memory_space<vmem_shared>>
      tpu.enqueue_indirect_dma source(%arg5 : memref<80x16xf32, #tpu.memory_space<vmem>>) target(%dma_start3A_101 : memref<10112x16xf32, #tpu.memory_space<vmem_shared>>) offsets(%dma_start3A_98 : memref<80xi32, #tpu.memory_space<vmem>>) semaphore(%arg8 : memref<!tpu.dma_semaphore, #tpu.memory_space<semaphore_mem>>) {add = true}
      %dma_start3A_102 = arith.constant 11 : i32
      %dma_start3A_103 = arith.constant 0 : i32
      %dma_start3A_104 = tpu.memref_slice %arg4[%dma_start3A_102, %dma_start3A_103] : memref<25x80xi32, #tpu.memory_space<vmem>> -> memref<1x80xi32, #tpu.memory_space<vmem>>
      %dma_start3A_105 = tpu.memref_squeeze %dma_start3A_104 : memref<1x80xi32, #tpu.memory_space<vmem>> -> memref<80xi32, #tpu.memory_space<vmem>>
      %dma_start3A_106 = arith.constant 0 : i32
      %dma_start3A_107 = arith.constant 0 : i32
      %dma_start3A_108 = tpu.memref_slice %arg7[%dma_start3A_106, %dma_start3A_107] : memref<10112x16xf32, #tpu.memory_space<vmem_shared>> -> memref<10112x16xf32, #tpu.memory_space<vmem_shared>>
      tpu.enqueue_indirect_dma source(%arg5 : memref<80x16xf32, #tpu.memory_space<vmem>>) target(%dma_start3A_108 : memref<10112x16xf32, #tpu.memory_space<vmem_shared>>) offsets(%dma_start3A_105 : memref<80xi32, #tpu.memory_space<vmem>>) semaphore(%arg8 : memref<!tpu.dma_semaphore, #tpu.memory_space<semaphore_mem>>) {add = true}
      %dma_start3A_109 = arith.constant 12 : i32
      %dma_start3A_110 = arith.constant 0 : i32
      %dma_start3A_111 = tpu.memref_slice %arg4[%dma_start3A_109, %dma_start3A_110] : memref<25x80xi32, #tpu.memory_space<vmem>> -> memref<1x80xi32, #tpu.memory_space<vmem>>
      %dma_start3A_112 = tpu.memref_squeeze %dma_start3A_111 : memref<1x80xi32, #tpu.memory_space<vmem>> -> memref<80xi32, #tpu.memory_space<vmem>>
      %dma_start3A_113 = arith.constant 0 : i32
      %dma_start3A_114 = arith.constant 0 : i32
      %dma_start3A_115 = tpu.memref_slice %arg7[%dma_start3A_113, %dma_start3A_114] : memref<10112x16xf32, #tpu.memory_space<vmem_shared>> -> memref<10112x16xf32, #tpu.memory_space<vmem_shared>>
      tpu.enqueue_indirect_dma source(%arg5 : memref<80x16xf32, #tpu.memory_space<vmem>>) target(%dma_start3A_115 : memref<10112x16xf32, #tpu.memory_space<vmem_shared>>) offsets(%dma_start3A_112 : memref<80xi32, #tpu.memory_space<vmem>>) semaphore(%arg8 : memref<!tpu.dma_semaphore, #tpu.memory_space<semaphore_mem>>) {add = true}
      %dma_start3A_116 = arith.constant 13 : i32
      %dma_start3A_117 = arith.constant 0 : i32
      %dma_start3A_118 = tpu.memref_slice %arg4[%dma_start3A_116, %dma_start3A_117] : memref<25x80xi32, #tpu.memory_space<vmem>> -> memref<1x80xi32, #tpu.memory_space<vmem>>
      %dma_start3A_119 = tpu.memref_squeeze %dma_start3A_118 : memref<1x80xi32, #tpu.memory_space<vmem>> -> memref<80xi32, #tpu.memory_space<vmem>>
      %dma_start3A_120 = arith.constant 0 : i32
      %dma_start3A_121 = arith.constant 0 : i32
      %dma_start3A_122 = tpu.memref_slice %arg7[%dma_start3A_120, %dma_start3A_121] : memref<10112x16xf32, #tpu.memory_space<vmem_shared>> -> memref<10112x16xf32, #tpu.memory_space<vmem_shared>>
      tpu.enqueue_indirect_dma source(%arg5 : memref<80x16xf32, #tpu.memory_space<vmem>>) target(%dma_start3A_122 : memref<10112x16xf32, #tpu.memory_space<vmem_shared>>) offsets(%dma_start3A_119 : memref<80xi32, #tpu.memory_space<vmem>>) semaphore(%arg8 : memref<!tpu.dma_semaphore, #tpu.memory_space<semaphore_mem>>) {add = true}
      %dma_start3A_123 = arith.constant 14 : i32
      %dma_start3A_124 = arith.constant 0 : i32
      %dma_start3A_125 = tpu.memref_slice %arg4[%dma_start3A_123, %dma_start3A_124] : memref<25x80xi32, #tpu.memory_space<vmem>> -> memref<1x80xi32, #tpu.memory_space<vmem>>
      %dma_start3A_126 = tpu.memref_squeeze %dma_start3A_125 : memref<1x80xi32, #tpu.memory_space<vmem>> -> memref<80xi32, #tpu.memory_space<vmem>>
      %dma_start3A_127 = arith.constant 0 : i32
      %dma_start3A_128 = arith.constant 0 : i32
      %dma_start3A_129 = tpu.memref_slice %arg7[%dma_start3A_127, %dma_start3A_128] : memref<10112x16xf32, #tpu.memory_space<vmem_shared>> -> memref<10112x16xf32, #tpu.memory_space<vmem_shared>>
      tpu.enqueue_indirect_dma source(%arg5 : memref<80x16xf32, #tpu.memory_space<vmem>>) target(%dma_start3A_129 : memref<10112x16xf32, #tpu.memory_space<vmem_shared>>) offsets(%dma_start3A_126 : memref<80xi32, #tpu.memory_space<vmem>>) semaphore(%arg8 : memref<!tpu.dma_semaphore, #tpu.memory_space<semaphore_mem>>) {add = true}
      %dma_start3A_130 = arith.constant 15 : i32
      %dma_start3A_131 = arith.constant 0 : i32
      %dma_start3A_132 = tpu.memref_slice %arg4[%dma_start3A_130, %dma_start3A_131] : memref<25x80xi32, #tpu.memory_space<vmem>> -> memref<1x80xi32, #tpu.memory_space<vmem>>
      %dma_start3A_133 = tpu.memref_squeeze %dma_start3A_132 : memref<1x80xi32, #tpu.memory_space<vmem>> -> memref<80xi32, #tpu.memory_space<vmem>>
      %dma_start3A_134 = arith.constant 0 : i32
      %dma_start3A_135 = arith.constant 0 : i32
      %dma_start3A_136 = tpu.memref_slice %arg7[%dma_start3A_134, %dma_start3A_135] : memref<10112x16xf32, #tpu.memory_space<vmem_shared>> -> memref<10112x16xf32, #tpu.memory_space<vmem_shared>>
      tpu.enqueue_indirect_dma source(%arg5 : memref<80x16xf32, #tpu.memory_space<vmem>>) target(%dma_start3A_136 : memref<10112x16xf32, #tpu.memory_space<vmem_shared>>) offsets(%dma_start3A_133 : memref<80xi32, #tpu.memory_space<vmem>>) semaphore(%arg8 : memref<!tpu.dma_semaphore, #tpu.memory_space<semaphore_mem>>) {add = true}
      %dma_start3A_137 = arith.constant 16 : i32
      %dma_start3A_138 = arith.constant 0 : i32
      %dma_start3A_139 = tpu.memref_slice %arg4[%dma_start3A_137, %dma_start3A_138] : memref<25x80xi32, #tpu.memory_space<vmem>> -> memref<1x80xi32, #tpu.memory_space<vmem>>
      %dma_start3A_140 = tpu.memref_squeeze %dma_start3A_139 : memref<1x80xi32, #tpu.memory_space<vmem>> -> memref<80xi32, #tpu.memory_space<vmem>>
      %dma_start3A_141 = arith.constant 0 : i32
      %dma_start3A_142 = arith.constant 0 : i32
      %dma_start3A_143 = tpu.memref_slice %arg7[%dma_start3A_141, %dma_start3A_142] : memref<10112x16xf32, #tpu.memory_space<vmem_shared>> -> memref<10112x16xf32, #tpu.memory_space<vmem_shared>>
      tpu.enqueue_indirect_dma source(%arg5 : memref<80x16xf32, #tpu.memory_space<vmem>>) target(%dma_start3A_143 : memref<10112x16xf32, #tpu.memory_space<vmem_shared>>) offsets(%dma_start3A_140 : memref<80xi32, #tpu.memory_space<vmem>>) semaphore(%arg8 : memref<!tpu.dma_semaphore, #tpu.memory_space<semaphore_mem>>) {add = true}
      %dma_start3A_144 = arith.constant 17 : i32
      %dma_start3A_145 = arith.constant 0 : i32
      %dma_start3A_146 = tpu.memref_slice %arg4[%dma_start3A_144, %dma_start3A_145] : memref<25x80xi32, #tpu.memory_space<vmem>> -> memref<1x80xi32, #tpu.memory_space<vmem>>
      %dma_start3A_147 = tpu.memref_squeeze %dma_start3A_146 : memref<1x80xi32, #tpu.memory_space<vmem>> -> memref<80xi32, #tpu.memory_space<vmem>>
      %dma_start3A_148 = arith.constant 0 : i32
      %dma_start3A_149 = arith.constant 0 : i32
      %dma_start3A_150 = tpu.memref_slice %arg7[%dma_start3A_148, %dma_start3A_149] : memref<10112x16xf32, #tpu.memory_space<vmem_shared>> -> memref<10112x16xf32, #tpu.memory_space<vmem_shared>>
      tpu.enqueue_indirect_dma source(%arg5 : memref<80x16xf32, #tpu.memory_space<vmem>>) target(%dma_start3A_150 : memref<10112x16xf32, #tpu.memory_space<vmem_shared>>) offsets(%dma_start3A_147 : memref<80xi32, #tpu.memory_space<vmem>>) semaphore(%arg8 : memref<!tpu.dma_semaphore, #tpu.memory_space<semaphore_mem>>) {add = true}
      %dma_start3A_151 = arith.constant 18 : i32
      %dma_start3A_152 = arith.constant 0 : i32
      %dma_start3A_153 = tpu.memref_slice %arg4[%dma_start3A_151, %dma_start3A_152] : memref<25x80xi32, #tpu.memory_space<vmem>> -> memref<1x80xi32, #tpu.memory_space<vmem>>
      %dma_start3A_154 = tpu.memref_squeeze %dma_start3A_153 : memref<1x80xi32, #tpu.memory_space<vmem>> -> memref<80xi32, #tpu.memory_space<vmem>>
      %dma_start3A_155 = arith.constant 0 : i32
      %dma_start3A_156 = arith.constant 0 : i32
      %dma_start3A_157 = tpu.memref_slice %arg7[%dma_start3A_155, %dma_start3A_156] : memref<10112x16xf32, #tpu.memory_space<vmem_shared>> -> memref<10112x16xf32, #tpu.memory_space<vmem_shared>>
      tpu.enqueue_indirect_dma source(%arg5 : memref<80x16xf32, #tpu.memory_space<vmem>>) target(%dma_start3A_157 : memref<10112x16xf32, #tpu.memory_space<vmem_shared>>) offsets(%dma_start3A_154 : memref<80xi32, #tpu.memory_space<vmem>>) semaphore(%arg8 : memref<!tpu.dma_semaphore, #tpu.memory_space<semaphore_mem>>) {add = true}
      %dma_start3A_158 = arith.constant 19 : i32
      %dma_start3A_159 = arith.constant 0 : i32
      %dma_start3A_160 = tpu.memref_slice %arg4[%dma_start3A_158, %dma_start3A_159] : memref<25x80xi32, #tpu.memory_space<vmem>> -> memref<1x80xi32, #tpu.memory_space<vmem>>
      %dma_start3A_161 = tpu.memref_squeeze %dma_start3A_160 : memref<1x80xi32, #tpu.memory_space<vmem>> -> memref<80xi32, #tpu.memory_space<vmem>>
      %dma_start3A_162 = arith.constant 0 : i32
      %dma_start3A_163 = arith.constant 0 : i32
      %dma_start3A_164 = tpu.memref_slice %arg7[%dma_start3A_162, %dma_start3A_163] : memref<10112x16xf32, #tpu.memory_space<vmem_shared>> -> memref<10112x16xf32, #tpu.memory_space<vmem_shared>>
      tpu.enqueue_indirect_dma source(%arg5 : memref<80x16xf32, #tpu.memory_space<vmem>>) target(%dma_start3A_164 : memref<10112x16xf32, #tpu.memory_space<vmem_shared>>) offsets(%dma_start3A_161 : memref<80xi32, #tpu.memory_space<vmem>>) semaphore(%arg8 : memref<!tpu.dma_semaphore, #tpu.memory_space<semaphore_mem>>) {add = true}
      %dma_start3A_165 = arith.constant 20 : i32
      %dma_start3A_166 = arith.constant 0 : i32
      %dma_start3A_167 = tpu.memref_slice %arg4[%dma_start3A_165, %dma_start3A_166] : memref<25x80xi32, #tpu.memory_space<vmem>> -> memref<1x80xi32, #tpu.memory_space<vmem>>
      %dma_start3A_168 = tpu.memref_squeeze %dma_start3A_167 : memref<1x80xi32, #tpu.memory_space<vmem>> -> memref<80xi32, #tpu.memory_space<vmem>>
      %dma_start3A_169 = arith.constant 0 : i32
      %dma_start3A_170 = arith.constant 0 : i32
      %dma_start3A_171 = tpu.memref_slice %arg7[%dma_start3A_169, %dma_start3A_170] : memref<10112x16xf32, #tpu.memory_space<vmem_shared>> -> memref<10112x16xf32, #tpu.memory_space<vmem_shared>>
      tpu.enqueue_indirect_dma source(%arg5 : memref<80x16xf32, #tpu.memory_space<vmem>>) target(%dma_start3A_171 : memref<10112x16xf32, #tpu.memory_space<vmem_shared>>) offsets(%dma_start3A_168 : memref<80xi32, #tpu.memory_space<vmem>>) semaphore(%arg8 : memref<!tpu.dma_semaphore, #tpu.memory_space<semaphore_mem>>) {add = true}
      %dma_start3A_172 = arith.constant 21 : i32
      %dma_start3A_173 = arith.constant 0 : i32
      %dma_start3A_174 = tpu.memref_slice %arg4[%dma_start3A_172, %dma_start3A_173] : memref<25x80xi32, #tpu.memory_space<vmem>> -> memref<1x80xi32, #tpu.memory_space<vmem>>
      %dma_start3A_175 = tpu.memref_squeeze %dma_start3A_174 : memref<1x80xi32, #tpu.memory_space<vmem>> -> memref<80xi32, #tpu.memory_space<vmem>>
      %dma_start3A_176 = arith.constant 0 : i32
      %dma_start3A_177 = arith.constant 0 : i32
      %dma_start3A_178 = tpu.memref_slice %arg7[%dma_start3A_176, %dma_start3A_177] : memref<10112x16xf32, #tpu.memory_space<vmem_shared>> -> memref<10112x16xf32, #tpu.memory_space<vmem_shared>>
      tpu.enqueue_indirect_dma source(%arg5 : memref<80x16xf32, #tpu.memory_space<vmem>>) target(%dma_start3A_178 : memref<10112x16xf32, #tpu.memory_space<vmem_shared>>) offsets(%dma_start3A_175 : memref<80xi32, #tpu.memory_space<vmem>>) semaphore(%arg8 : memref<!tpu.dma_semaphore, #tpu.memory_space<semaphore_mem>>) {add = true}
      %dma_start3A_179 = arith.constant 22 : i32
      %dma_start3A_180 = arith.constant 0 : i32
      %dma_start3A_181 = tpu.memref_slice %arg4[%dma_start3A_179, %dma_start3A_180] : memref<25x80xi32, #tpu.memory_space<vmem>> -> memref<1x80xi32, #tpu.memory_space<vmem>>
      %dma_start3A_182 = tpu.memref_squeeze %dma_start3A_181 : memref<1x80xi32, #tpu.memory_space<vmem>> -> memref<80xi32, #tpu.memory_space<vmem>>
      %dma_start3A_183 = arith.constant 0 : i32
      %dma_start3A_184 = arith.constant 0 : i32
      %dma_start3A_185 = tpu.memref_slice %arg7[%dma_start3A_183, %dma_start3A_184] : memref<10112x16xf32, #tpu.memory_space<vmem_shared>> -> memref<10112x16xf32, #tpu.memory_space<vmem_shared>>
      tpu.enqueue_indirect_dma source(%arg5 : memref<80x16xf32, #tpu.memory_space<vmem>>) target(%dma_start3A_185 : memref<10112x16xf32, #tpu.memory_space<vmem_shared>>) offsets(%dma_start3A_182 : memref<80xi32, #tpu.memory_space<vmem>>) semaphore(%arg8 : memref<!tpu.dma_semaphore, #tpu.memory_space<semaphore_mem>>) {add = true}
      %dma_start3A_186 = arith.constant 23 : i32
      %dma_start3A_187 = arith.constant 0 : i32
      %dma_start3A_188 = tpu.memref_slice %arg4[%dma_start3A_186, %dma_start3A_187] : memref<25x80xi32, #tpu.memory_space<vmem>> -> memref<1x80xi32, #tpu.memory_space<vmem>>
      %dma_start3A_189 = tpu.memref_squeeze %dma_start3A_188 : memref<1x80xi32, #tpu.memory_space<vmem>> -> memref<80xi32, #tpu.memory_space<vmem>>
      %dma_start3A_190 = arith.constant 0 : i32
      %dma_start3A_191 = arith.constant 0 : i32
      %dma_start3A_192 = tpu.memref_slice %arg7[%dma_start3A_190, %dma_start3A_191] : memref<10112x16xf32, #tpu.memory_space<vmem_shared>> -> memref<10112x16xf32, #tpu.memory_space<vmem_shared>>
      tpu.enqueue_indirect_dma source(%arg5 : memref<80x16xf32, #tpu.memory_space<vmem>>) target(%dma_start3A_192 : memref<10112x16xf32, #tpu.memory_space<vmem_shared>>) offsets(%dma_start3A_189 : memref<80xi32, #tpu.memory_space<vmem>>) semaphore(%arg8 : memref<!tpu.dma_semaphore, #tpu.memory_space<semaphore_mem>>) {add = true}
      %dma_start3A_193 = arith.constant 24 : i32
      %dma_start3A_194 = arith.constant 0 : i32
      %dma_start3A_195 = tpu.memref_slice %arg4[%dma_start3A_193, %dma_start3A_194] : memref<25x80xi32, #tpu.memory_space<vmem>> -> memref<1x80xi32, #tpu.memory_space<vmem>>
      %dma_start3A_196 = tpu.memref_squeeze %dma_start3A_195 : memref<1x80xi32, #tpu.memory_space<vmem>> -> memref<80xi32, #tpu.memory_space<vmem>>
      %dma_start3A_197 = arith.constant 0 : i32
      %dma_start3A_198 = arith.constant 0 : i32
      %dma_start3A_199 = tpu.memref_slice %arg7[%dma_start3A_197, %dma_start3A_198] : memref<10112x16xf32, #tpu.memory_space<vmem_shared>> -> memref<10112x16xf32, #tpu.memory_space<vmem_shared>>
      tpu.enqueue_indirect_dma source(%arg5 : memref<80x16xf32, #tpu.memory_space<vmem>>) target(%dma_start3A_199 : memref<10112x16xf32, #tpu.memory_space<vmem_shared>>) offsets(%dma_start3A_196 : memref<80xi32, #tpu.memory_space<vmem>>) semaphore(%arg8 : memref<!tpu.dma_semaphore, #tpu.memory_space<semaphore_mem>>) {add = true}
      %dma_wait3A = arith.constant 0 : i32
      %dma_wait3A_200 = arith.constant 0 : i32
      %dma_wait3A_201 = tpu.memref_slice %arg4[%dma_wait3A, %dma_wait3A_200] : memref<25x80xi32, #tpu.memory_space<vmem>> -> memref<1x80xi32, #tpu.memory_space<vmem>>
      %dma_wait3A_202 = tpu.memref_squeeze %dma_wait3A_201 : memref<1x80xi32, #tpu.memory_space<vmem>> -> memref<80xi32, #tpu.memory_space<vmem>>
      %dma_wait3A_203 = arith.constant 0 : i32
      %dma_wait3A_204 = arith.constant 0 : i32
      %dma_wait3A_205 = tpu.memref_slice %arg7[%dma_wait3A_203, %dma_wait3A_204] : memref<10112x16xf32, #tpu.memory_space<vmem_shared>> -> memref<10112x16xf32, #tpu.memory_space<vmem_shared>>
      tpu.wait_indirect_dma semaphore(%arg8 : memref<!tpu.dma_semaphore, #tpu.memory_space<semaphore_mem>>) src(%arg5 : memref<80x16xf32, #tpu.memory_space<vmem>>) dst(%dma_wait3A_205 : memref<10112x16xf32, #tpu.memory_space<vmem_shared>>)
      %dma_wait3A_206 = arith.constant 1 : i32
      %dma_wait3A_207 = arith.constant 0 : i32
      %dma_wait3A_208 = tpu.memref_slice %arg4[%dma_wait3A_206, %dma_wait3A_207] : memref<25x80xi32, #tpu.memory_space<vmem>> -> memref<1x80xi32, #tpu.memory_space<vmem>>
      %dma_wait3A_209 = tpu.memref_squeeze %dma_wait3A_208 : memref<1x80xi32, #tpu.memory_space<vmem>> -> memref<80xi32, #tpu.memory_space<vmem>>
      %dma_wait3A_210 = arith.constant 0 : i32
      %dma_wait3A_211 = arith.constant 0 : i32
      %dma_wait3A_212 = tpu.memref_slice %arg7[%dma_wait3A_210, %dma_wait3A_211] : memref<10112x16xf32, #tpu.memory_space<vmem_shared>> -> memref<10112x16xf32, #tpu.memory_space<vmem_shared>>
      tpu.wait_indirect_dma semaphore(%arg8 : memref<!tpu.dma_semaphore, #tpu.memory_space<semaphore_mem>>) src(%arg5 : memref<80x16xf32, #tpu.memory_space<vmem>>) dst(%dma_wait3A_212 : memref<10112x16xf32, #tpu.memory_space<vmem_shared>>)
      %dma_wait3A_213 = arith.constant 2 : i32
      %dma_wait3A_214 = arith.constant 0 : i32
      %dma_wait3A_215 = tpu.memref_slice %arg4[%dma_wait3A_213, %dma_wait3A_214] : memref<25x80xi32, #tpu.memory_space<vmem>> -> memref<1x80xi32, #tpu.memory_space<vmem>>
      %dma_wait3A_216 = tpu.memref_squeeze %dma_wait3A_215 : memref<1x80xi32, #tpu.memory_space<vmem>> -> memref<80xi32, #tpu.memory_space<vmem>>
      %dma_wait3A_217 = arith.constant 0 : i32
      %dma_wait3A_218 = arith.constant 0 : i32
      %dma_wait3A_219 = tpu.memref_slice %arg7[%dma_wait3A_217, %dma_wait3A_218] : memref<10112x16xf32, #tpu.memory_space<vmem_shared>> -> memref<10112x16xf32, #tpu.memory_space<vmem_shared>>
      tpu.wait_indirect_dma semaphore(%arg8 : memref<!tpu.dma_semaphore, #tpu.memory_space<semaphore_mem>>) src(%arg5 : memref<80x16xf32, #tpu.memory_space<vmem>>) dst(%dma_wait3A_219 : memref<10112x16xf32, #tpu.memory_space<vmem_shared>>)
      %dma_wait3A_220 = arith.constant 3 : i32
      %dma_wait3A_221 = arith.constant 0 : i32
      %dma_wait3A_222 = tpu.memref_slice %arg4[%dma_wait3A_220, %dma_wait3A_221] : memref<25x80xi32, #tpu.memory_space<vmem>> -> memref<1x80xi32, #tpu.memory_space<vmem>>
      %dma_wait3A_223 = tpu.memref_squeeze %dma_wait3A_222 : memref<1x80xi32, #tpu.memory_space<vmem>> -> memref<80xi32, #tpu.memory_space<vmem>>
      %dma_wait3A_224 = arith.constant 0 : i32
      %dma_wait3A_225 = arith.constant 0 : i32
      %dma_wait3A_226 = tpu.memref_slice %arg7[%dma_wait3A_224, %dma_wait3A_225] : memref<10112x16xf32, #tpu.memory_space<vmem_shared>> -> memref<10112x16xf32, #tpu.memory_space<vmem_shared>>
      tpu.wait_indirect_dma semaphore(%arg8 : memref<!tpu.dma_semaphore, #tpu.memory_space<semaphore_mem>>) src(%arg5 : memref<80x16xf32, #tpu.memory_space<vmem>>) dst(%dma_wait3A_226 : memref<10112x16xf32, #tpu.memory_space<vmem_shared>>)
      %dma_wait3A_227 = arith.constant 4 : i32
      %dma_wait3A_228 = arith.constant 0 : i32
      %dma_wait3A_229 = tpu.memref_slice %arg4[%dma_wait3A_227, %dma_wait3A_228] : memref<25x80xi32, #tpu.memory_space<vmem>> -> memref<1x80xi32, #tpu.memory_space<vmem>>
      %dma_wait3A_230 = tpu.memref_squeeze %dma_wait3A_229 : memref<1x80xi32, #tpu.memory_space<vmem>> -> memref<80xi32, #tpu.memory_space<vmem>>
      %dma_wait3A_231 = arith.constant 0 : i32
      %dma_wait3A_232 = arith.constant 0 : i32
      %dma_wait3A_233 = tpu.memref_slice %arg7[%dma_wait3A_231, %dma_wait3A_232] : memref<10112x16xf32, #tpu.memory_space<vmem_shared>> -> memref<10112x16xf32, #tpu.memory_space<vmem_shared>>
      tpu.wait_indirect_dma semaphore(%arg8 : memref<!tpu.dma_semaphore, #tpu.memory_space<semaphore_mem>>) src(%arg5 : memref<80x16xf32, #tpu.memory_space<vmem>>) dst(%dma_wait3A_233 : memref<10112x16xf32, #tpu.memory_space<vmem_shared>>)
      %dma_wait3A_234 = arith.constant 5 : i32
      %dma_wait3A_235 = arith.constant 0 : i32
      %dma_wait3A_236 = tpu.memref_slice %arg4[%dma_wait3A_234, %dma_wait3A_235] : memref<25x80xi32, #tpu.memory_space<vmem>> -> memref<1x80xi32, #tpu.memory_space<vmem>>
      %dma_wait3A_237 = tpu.memref_squeeze %dma_wait3A_236 : memref<1x80xi32, #tpu.memory_space<vmem>> -> memref<80xi32, #tpu.memory_space<vmem>>
      %dma_wait3A_238 = arith.constant 0 : i32
      %dma_wait3A_239 = arith.constant 0 : i32
      %dma_wait3A_240 = tpu.memref_slice %arg7[%dma_wait3A_238, %dma_wait3A_239] : memref<10112x16xf32, #tpu.memory_space<vmem_shared>> -> memref<10112x16xf32, #tpu.memory_space<vmem_shared>>
      tpu.wait_indirect_dma semaphore(%arg8 : memref<!tpu.dma_semaphore, #tpu.memory_space<semaphore_mem>>) src(%arg5 : memref<80x16xf32, #tpu.memory_space<vmem>>) dst(%dma_wait3A_240 : memref<10112x16xf32, #tpu.memory_space<vmem_shared>>)
      %dma_wait3A_241 = arith.constant 6 : i32
      %dma_wait3A_242 = arith.constant 0 : i32
      %dma_wait3A_243 = tpu.memref_slice %arg4[%dma_wait3A_241, %dma_wait3A_242] : memref<25x80xi32, #tpu.memory_space<vmem>> -> memref<1x80xi32, #tpu.memory_space<vmem>>
      %dma_wait3A_244 = tpu.memref_squeeze %dma_wait3A_243 : memref<1x80xi32, #tpu.memory_space<vmem>> -> memref<80xi32, #tpu.memory_space<vmem>>
      %dma_wait3A_245 = arith.constant 0 : i32
      %dma_wait3A_246 = arith.constant 0 : i32
      %dma_wait3A_247 = tpu.memref_slice %arg7[%dma_wait3A_245, %dma_wait3A_246] : memref<10112x16xf32, #tpu.memory_space<vmem_shared>> -> memref<10112x16xf32, #tpu.memory_space<vmem_shared>>
      tpu.wait_indirect_dma semaphore(%arg8 : memref<!tpu.dma_semaphore, #tpu.memory_space<semaphore_mem>>) src(%arg5 : memref<80x16xf32, #tpu.memory_space<vmem>>) dst(%dma_wait3A_247 : memref<10112x16xf32, #tpu.memory_space<vmem_shared>>)
      %dma_wait3A_248 = arith.constant 7 : i32
      %dma_wait3A_249 = arith.constant 0 : i32
      %dma_wait3A_250 = tpu.memref_slice %arg4[%dma_wait3A_248, %dma_wait3A_249] : memref<25x80xi32, #tpu.memory_space<vmem>> -> memref<1x80xi32, #tpu.memory_space<vmem>>
      %dma_wait3A_251 = tpu.memref_squeeze %dma_wait3A_250 : memref<1x80xi32, #tpu.memory_space<vmem>> -> memref<80xi32, #tpu.memory_space<vmem>>
      %dma_wait3A_252 = arith.constant 0 : i32
      %dma_wait3A_253 = arith.constant 0 : i32
      %dma_wait3A_254 = tpu.memref_slice %arg7[%dma_wait3A_252, %dma_wait3A_253] : memref<10112x16xf32, #tpu.memory_space<vmem_shared>> -> memref<10112x16xf32, #tpu.memory_space<vmem_shared>>
      tpu.wait_indirect_dma semaphore(%arg8 : memref<!tpu.dma_semaphore, #tpu.memory_space<semaphore_mem>>) src(%arg5 : memref<80x16xf32, #tpu.memory_space<vmem>>) dst(%dma_wait3A_254 : memref<10112x16xf32, #tpu.memory_space<vmem_shared>>)
      %dma_wait3A_255 = arith.constant 8 : i32
      %dma_wait3A_256 = arith.constant 0 : i32
      %dma_wait3A_257 = tpu.memref_slice %arg4[%dma_wait3A_255, %dma_wait3A_256] : memref<25x80xi32, #tpu.memory_space<vmem>> -> memref<1x80xi32, #tpu.memory_space<vmem>>
      %dma_wait3A_258 = tpu.memref_squeeze %dma_wait3A_257 : memref<1x80xi32, #tpu.memory_space<vmem>> -> memref<80xi32, #tpu.memory_space<vmem>>
      %dma_wait3A_259 = arith.constant 0 : i32
      %dma_wait3A_260 = arith.constant 0 : i32
      %dma_wait3A_261 = tpu.memref_slice %arg7[%dma_wait3A_259, %dma_wait3A_260] : memref<10112x16xf32, #tpu.memory_space<vmem_shared>> -> memref<10112x16xf32, #tpu.memory_space<vmem_shared>>
      tpu.wait_indirect_dma semaphore(%arg8 : memref<!tpu.dma_semaphore, #tpu.memory_space<semaphore_mem>>) src(%arg5 : memref<80x16xf32, #tpu.memory_space<vmem>>) dst(%dma_wait3A_261 : memref<10112x16xf32, #tpu.memory_space<vmem_shared>>)
      %dma_wait3A_262 = arith.constant 9 : i32
      %dma_wait3A_263 = arith.constant 0 : i32
      %dma_wait3A_264 = tpu.memref_slice %arg4[%dma_wait3A_262, %dma_wait3A_263] : memref<25x80xi32, #tpu.memory_space<vmem>> -> memref<1x80xi32, #tpu.memory_space<vmem>>
      %dma_wait3A_265 = tpu.memref_squeeze %dma_wait3A_264 : memref<1x80xi32, #tpu.memory_space<vmem>> -> memref<80xi32, #tpu.memory_space<vmem>>
      %dma_wait3A_266 = arith.constant 0 : i32
      %dma_wait3A_267 = arith.constant 0 : i32
      %dma_wait3A_268 = tpu.memref_slice %arg7[%dma_wait3A_266, %dma_wait3A_267] : memref<10112x16xf32, #tpu.memory_space<vmem_shared>> -> memref<10112x16xf32, #tpu.memory_space<vmem_shared>>
      tpu.wait_indirect_dma semaphore(%arg8 : memref<!tpu.dma_semaphore, #tpu.memory_space<semaphore_mem>>) src(%arg5 : memref<80x16xf32, #tpu.memory_space<vmem>>) dst(%dma_wait3A_268 : memref<10112x16xf32, #tpu.memory_space<vmem_shared>>)
      %dma_wait3A_269 = arith.constant 10 : i32
      %dma_wait3A_270 = arith.constant 0 : i32
      %dma_wait3A_271 = tpu.memref_slice %arg4[%dma_wait3A_269, %dma_wait3A_270] : memref<25x80xi32, #tpu.memory_space<vmem>> -> memref<1x80xi32, #tpu.memory_space<vmem>>
      %dma_wait3A_272 = tpu.memref_squeeze %dma_wait3A_271 : memref<1x80xi32, #tpu.memory_space<vmem>> -> memref<80xi32, #tpu.memory_space<vmem>>
      %dma_wait3A_273 = arith.constant 0 : i32
      %dma_wait3A_274 = arith.constant 0 : i32
      %dma_wait3A_275 = tpu.memref_slice %arg7[%dma_wait3A_273, %dma_wait3A_274] : memref<10112x16xf32, #tpu.memory_space<vmem_shared>> -> memref<10112x16xf32, #tpu.memory_space<vmem_shared>>
      tpu.wait_indirect_dma semaphore(%arg8 : memref<!tpu.dma_semaphore, #tpu.memory_space<semaphore_mem>>) src(%arg5 : memref<80x16xf32, #tpu.memory_space<vmem>>) dst(%dma_wait3A_275 : memref<10112x16xf32, #tpu.memory_space<vmem_shared>>)
      %dma_wait3A_276 = arith.constant 11 : i32
      %dma_wait3A_277 = arith.constant 0 : i32
      %dma_wait3A_278 = tpu.memref_slice %arg4[%dma_wait3A_276, %dma_wait3A_277] : memref<25x80xi32, #tpu.memory_space<vmem>> -> memref<1x80xi32, #tpu.memory_space<vmem>>
      %dma_wait3A_279 = tpu.memref_squeeze %dma_wait3A_278 : memref<1x80xi32, #tpu.memory_space<vmem>> -> memref<80xi32, #tpu.memory_space<vmem>>
      %dma_wait3A_280 = arith.constant 0 : i32
      %dma_wait3A_281 = arith.constant 0 : i32
      %dma_wait3A_282 = tpu.memref_slice %arg7[%dma_wait3A_280, %dma_wait3A_281] : memref<10112x16xf32, #tpu.memory_space<vmem_shared>> -> memref<10112x16xf32, #tpu.memory_space<vmem_shared>>
      tpu.wait_indirect_dma semaphore(%arg8 : memref<!tpu.dma_semaphore, #tpu.memory_space<semaphore_mem>>) src(%arg5 : memref<80x16xf32, #tpu.memory_space<vmem>>) dst(%dma_wait3A_282 : memref<10112x16xf32, #tpu.memory_space<vmem_shared>>)
      %dma_wait3A_283 = arith.constant 12 : i32
      %dma_wait3A_284 = arith.constant 0 : i32
      %dma_wait3A_285 = tpu.memref_slice %arg4[%dma_wait3A_283, %dma_wait3A_284] : memref<25x80xi32, #tpu.memory_space<vmem>> -> memref<1x80xi32, #tpu.memory_space<vmem>>
      %dma_wait3A_286 = tpu.memref_squeeze %dma_wait3A_285 : memref<1x80xi32, #tpu.memory_space<vmem>> -> memref<80xi32, #tpu.memory_space<vmem>>
      %dma_wait3A_287 = arith.constant 0 : i32
      %dma_wait3A_288 = arith.constant 0 : i32
      %dma_wait3A_289 = tpu.memref_slice %arg7[%dma_wait3A_287, %dma_wait3A_288] : memref<10112x16xf32, #tpu.memory_space<vmem_shared>> -> memref<10112x16xf32, #tpu.memory_space<vmem_shared>>
      tpu.wait_indirect_dma semaphore(%arg8 : memref<!tpu.dma_semaphore, #tpu.memory_space<semaphore_mem>>) src(%arg5 : memref<80x16xf32, #tpu.memory_space<vmem>>) dst(%dma_wait3A_289 : memref<10112x16xf32, #tpu.memory_space<vmem_shared>>)
      %dma_wait3A_290 = arith.constant 13 : i32
      %dma_wait3A_291 = arith.constant 0 : i32
      %dma_wait3A_292 = tpu.memref_slice %arg4[%dma_wait3A_290, %dma_wait3A_291] : memref<25x80xi32, #tpu.memory_space<vmem>> -> memref<1x80xi32, #tpu.memory_space<vmem>>
      %dma_wait3A_293 = tpu.memref_squeeze %dma_wait3A_292 : memref<1x80xi32, #tpu.memory_space<vmem>> -> memref<80xi32, #tpu.memory_space<vmem>>
      %dma_wait3A_294 = arith.constant 0 : i32
      %dma_wait3A_295 = arith.constant 0 : i32
      %dma_wait3A_296 = tpu.memref_slice %arg7[%dma_wait3A_294, %dma_wait3A_295] : memref<10112x16xf32, #tpu.memory_space<vmem_shared>> -> memref<10112x16xf32, #tpu.memory_space<vmem_shared>>
      tpu.wait_indirect_dma semaphore(%arg8 : memref<!tpu.dma_semaphore, #tpu.memory_space<semaphore_mem>>) src(%arg5 : memref<80x16xf32, #tpu.memory_space<vmem>>) dst(%dma_wait3A_296 : memref<10112x16xf32, #tpu.memory_space<vmem_shared>>)
      %dma_wait3A_297 = arith.constant 14 : i32
      %dma_wait3A_298 = arith.constant 0 : i32
      %dma_wait3A_299 = tpu.memref_slice %arg4[%dma_wait3A_297, %dma_wait3A_298] : memref<25x80xi32, #tpu.memory_space<vmem>> -> memref<1x80xi32, #tpu.memory_space<vmem>>
      %dma_wait3A_300 = tpu.memref_squeeze %dma_wait3A_299 : memref<1x80xi32, #tpu.memory_space<vmem>> -> memref<80xi32, #tpu.memory_space<vmem>>
      %dma_wait3A_301 = arith.constant 0 : i32
      %dma_wait3A_302 = arith.constant 0 : i32
      %dma_wait3A_303 = tpu.memref_slice %arg7[%dma_wait3A_301, %dma_wait3A_302] : memref<10112x16xf32, #tpu.memory_space<vmem_shared>> -> memref<10112x16xf32, #tpu.memory_space<vmem_shared>>
      tpu.wait_indirect_dma semaphore(%arg8 : memref<!tpu.dma_semaphore, #tpu.memory_space<semaphore_mem>>) src(%arg5 : memref<80x16xf32, #tpu.memory_space<vmem>>) dst(%dma_wait3A_303 : memref<10112x16xf32, #tpu.memory_space<vmem_shared>>)
      %dma_wait3A_304 = arith.constant 15 : i32
      %dma_wait3A_305 = arith.constant 0 : i32
      %dma_wait3A_306 = tpu.memref_slice %arg4[%dma_wait3A_304, %dma_wait3A_305] : memref<25x80xi32, #tpu.memory_space<vmem>> -> memref<1x80xi32, #tpu.memory_space<vmem>>
      %dma_wait3A_307 = tpu.memref_squeeze %dma_wait3A_306 : memref<1x80xi32, #tpu.memory_space<vmem>> -> memref<80xi32, #tpu.memory_space<vmem>>
      %dma_wait3A_308 = arith.constant 0 : i32
      %dma_wait3A_309 = arith.constant 0 : i32
      %dma_wait3A_310 = tpu.memref_slice %arg7[%dma_wait3A_308, %dma_wait3A_309] : memref<10112x16xf32, #tpu.memory_space<vmem_shared>> -> memref<10112x16xf32, #tpu.memory_space<vmem_shared>>
      tpu.wait_indirect_dma semaphore(%arg8 : memref<!tpu.dma_semaphore, #tpu.memory_space<semaphore_mem>>) src(%arg5 : memref<80x16xf32, #tpu.memory_space<vmem>>) dst(%dma_wait3A_310 : memref<10112x16xf32, #tpu.memory_space<vmem_shared>>)
      %dma_wait3A_311 = arith.constant 16 : i32
      %dma_wait3A_312 = arith.constant 0 : i32
      %dma_wait3A_313 = tpu.memref_slice %arg4[%dma_wait3A_311, %dma_wait3A_312] : memref<25x80xi32, #tpu.memory_space<vmem>> -> memref<1x80xi32, #tpu.memory_space<vmem>>
      %dma_wait3A_314 = tpu.memref_squeeze %dma_wait3A_313 : memref<1x80xi32, #tpu.memory_space<vmem>> -> memref<80xi32, #tpu.memory_space<vmem>>
      %dma_wait3A_315 = arith.constant 0 : i32
      %dma_wait3A_316 = arith.constant 0 : i32
      %dma_wait3A_317 = tpu.memref_slice %arg7[%dma_wait3A_315, %dma_wait3A_316] : memref<10112x16xf32, #tpu.memory_space<vmem_shared>> -> memref<10112x16xf32, #tpu.memory_space<vmem_shared>>
      tpu.wait_indirect_dma semaphore(%arg8 : memref<!tpu.dma_semaphore, #tpu.memory_space<semaphore_mem>>) src(%arg5 : memref<80x16xf32, #tpu.memory_space<vmem>>) dst(%dma_wait3A_317 : memref<10112x16xf32, #tpu.memory_space<vmem_shared>>)
      %dma_wait3A_318 = arith.constant 17 : i32
      %dma_wait3A_319 = arith.constant 0 : i32
      %dma_wait3A_320 = tpu.memref_slice %arg4[%dma_wait3A_318, %dma_wait3A_319] : memref<25x80xi32, #tpu.memory_space<vmem>> -> memref<1x80xi32, #tpu.memory_space<vmem>>
      %dma_wait3A_321 = tpu.memref_squeeze %dma_wait3A_320 : memref<1x80xi32, #tpu.memory_space<vmem>> -> memref<80xi32, #tpu.memory_space<vmem>>
      %dma_wait3A_322 = arith.constant 0 : i32
      %dma_wait3A_323 = arith.constant 0 : i32
      %dma_wait3A_324 = tpu.memref_slice %arg7[%dma_wait3A_322, %dma_wait3A_323] : memref<10112x16xf32, #tpu.memory_space<vmem_shared>> -> memref<10112x16xf32, #tpu.memory_space<vmem_shared>>
      tpu.wait_indirect_dma semaphore(%arg8 : memref<!tpu.dma_semaphore, #tpu.memory_space<semaphore_mem>>) src(%arg5 : memref<80x16xf32, #tpu.memory_space<vmem>>) dst(%dma_wait3A_324 : memref<10112x16xf32, #tpu.memory_space<vmem_shared>>)
      %dma_wait3A_325 = arith.constant 18 : i32
      %dma_wait3A_326 = arith.constant 0 : i32
      %dma_wait3A_327 = tpu.memref_slice %arg4[%dma_wait3A_325, %dma_wait3A_326] : memref<25x80xi32, #tpu.memory_space<vmem>> -> memref<1x80xi32, #tpu.memory_space<vmem>>
      %dma_wait3A_328 = tpu.memref_squeeze %dma_wait3A_327 : memref<1x80xi32, #tpu.memory_space<vmem>> -> memref<80xi32, #tpu.memory_space<vmem>>
      %dma_wait3A_329 = arith.constant 0 : i32
      %dma_wait3A_330 = arith.constant 0 : i32
      %dma_wait3A_331 = tpu.memref_slice %arg7[%dma_wait3A_329, %dma_wait3A_330] : memref<10112x16xf32, #tpu.memory_space<vmem_shared>> -> memref<10112x16xf32, #tpu.memory_space<vmem_shared>>
      tpu.wait_indirect_dma semaphore(%arg8 : memref<!tpu.dma_semaphore, #tpu.memory_space<semaphore_mem>>) src(%arg5 : memref<80x16xf32, #tpu.memory_space<vmem>>) dst(%dma_wait3A_331 : memref<10112x16xf32, #tpu.memory_space<vmem_shared>>)
      %dma_wait3A_332 = arith.constant 19 : i32
      %dma_wait3A_333 = arith.constant 0 : i32
      %dma_wait3A_334 = tpu.memref_slice %arg4[%dma_wait3A_332, %dma_wait3A_333] : memref<25x80xi32, #tpu.memory_space<vmem>> -> memref<1x80xi32, #tpu.memory_space<vmem>>
      %dma_wait3A_335 = tpu.memref_squeeze %dma_wait3A_334 : memref<1x80xi32, #tpu.memory_space<vmem>> -> memref<80xi32, #tpu.memory_space<vmem>>
      %dma_wait3A_336 = arith.constant 0 : i32
      %dma_wait3A_337 = arith.constant 0 : i32
      %dma_wait3A_338 = tpu.memref_slice %arg7[%dma_wait3A_336, %dma_wait3A_337] : memref<10112x16xf32, #tpu.memory_space<vmem_shared>> -> memref<10112x16xf32, #tpu.memory_space<vmem_shared>>
      tpu.wait_indirect_dma semaphore(%arg8 : memref<!tpu.dma_semaphore, #tpu.memory_space<semaphore_mem>>) src(%arg5 : memref<80x16xf32, #tpu.memory_space<vmem>>) dst(%dma_wait3A_338 : memref<10112x16xf32, #tpu.memory_space<vmem_shared>>)
      %dma_wait3A_339 = arith.constant 20 : i32
      %dma_wait3A_340 = arith.constant 0 : i32
      %dma_wait3A_341 = tpu.memref_slice %arg4[%dma_wait3A_339, %dma_wait3A_340] : memref<25x80xi32, #tpu.memory_space<vmem>> -> memref<1x80xi32, #tpu.memory_space<vmem>>
      %dma_wait3A_342 = tpu.memref_squeeze %dma_wait3A_341 : memref<1x80xi32, #tpu.memory_space<vmem>> -> memref<80xi32, #tpu.memory_space<vmem>>
      %dma_wait3A_343 = arith.constant 0 : i32
      %dma_wait3A_344 = arith.constant 0 : i32
      %dma_wait3A_345 = tpu.memref_slice %arg7[%dma_wait3A_343, %dma_wait3A_344] : memref<10112x16xf32, #tpu.memory_space<vmem_shared>> -> memref<10112x16xf32, #tpu.memory_space<vmem_shared>>
      tpu.wait_indirect_dma semaphore(%arg8 : memref<!tpu.dma_semaphore, #tpu.memory_space<semaphore_mem>>) src(%arg5 : memref<80x16xf32, #tpu.memory_space<vmem>>) dst(%dma_wait3A_345 : memref<10112x16xf32, #tpu.memory_space<vmem_shared>>)
      %dma_wait3A_346 = arith.constant 21 : i32
      %dma_wait3A_347 = arith.constant 0 : i32
      %dma_wait3A_348 = tpu.memref_slice %arg4[%dma_wait3A_346, %dma_wait3A_347] : memref<25x80xi32, #tpu.memory_space<vmem>> -> memref<1x80xi32, #tpu.memory_space<vmem>>
      %dma_wait3A_349 = tpu.memref_squeeze %dma_wait3A_348 : memref<1x80xi32, #tpu.memory_space<vmem>> -> memref<80xi32, #tpu.memory_space<vmem>>
      %dma_wait3A_350 = arith.constant 0 : i32
      %dma_wait3A_351 = arith.constant 0 : i32
      %dma_wait3A_352 = tpu.memref_slice %arg7[%dma_wait3A_350, %dma_wait3A_351] : memref<10112x16xf32, #tpu.memory_space<vmem_shared>> -> memref<10112x16xf32, #tpu.memory_space<vmem_shared>>
      tpu.wait_indirect_dma semaphore(%arg8 : memref<!tpu.dma_semaphore, #tpu.memory_space<semaphore_mem>>) src(%arg5 : memref<80x16xf32, #tpu.memory_space<vmem>>) dst(%dma_wait3A_352 : memref<10112x16xf32, #tpu.memory_space<vmem_shared>>)
      %dma_wait3A_353 = arith.constant 22 : i32
      %dma_wait3A_354 = arith.constant 0 : i32
      %dma_wait3A_355 = tpu.memref_slice %arg4[%dma_wait3A_353, %dma_wait3A_354] : memref<25x80xi32, #tpu.memory_space<vmem>> -> memref<1x80xi32, #tpu.memory_space<vmem>>
      %dma_wait3A_356 = tpu.memref_squeeze %dma_wait3A_355 : memref<1x80xi32, #tpu.memory_space<vmem>> -> memref<80xi32, #tpu.memory_space<vmem>>
      %dma_wait3A_357 = arith.constant 0 : i32
      %dma_wait3A_358 = arith.constant 0 : i32
      %dma_wait3A_359 = tpu.memref_slice %arg7[%dma_wait3A_357, %dma_wait3A_358] : memref<10112x16xf32, #tpu.memory_space<vmem_shared>> -> memref<10112x16xf32, #tpu.memory_space<vmem_shared>>
      tpu.wait_indirect_dma semaphore(%arg8 : memref<!tpu.dma_semaphore, #tpu.memory_space<semaphore_mem>>) src(%arg5 : memref<80x16xf32, #tpu.memory_space<vmem>>) dst(%dma_wait3A_359 : memref<10112x16xf32, #tpu.memory_space<vmem_shared>>)
      %dma_wait3A_360 = arith.constant 23 : i32
      %dma_wait3A_361 = arith.constant 0 : i32
      %dma_wait3A_362 = tpu.memref_slice %arg4[%dma_wait3A_360, %dma_wait3A_361] : memref<25x80xi32, #tpu.memory_space<vmem>> -> memref<1x80xi32, #tpu.memory_space<vmem>>
      %dma_wait3A_363 = tpu.memref_squeeze %dma_wait3A_362 : memref<1x80xi32, #tpu.memory_space<vmem>> -> memref<80xi32, #tpu.memory_space<vmem>>
      %dma_wait3A_364 = arith.constant 0 : i32
      %dma_wait3A_365 = arith.constant 0 : i32
      %dma_wait3A_366 = tpu.memref_slice %arg7[%dma_wait3A_364, %dma_wait3A_365] : memref<10112x16xf32, #tpu.memory_space<vmem_shared>> -> memref<10112x16xf32, #tpu.memory_space<vmem_shared>>
      tpu.wait_indirect_dma semaphore(%arg8 : memref<!tpu.dma_semaphore, #tpu.memory_space<semaphore_mem>>) src(%arg5 : memref<80x16xf32, #tpu.memory_space<vmem>>) dst(%dma_wait3A_366 : memref<10112x16xf32, #tpu.memory_space<vmem_shared>>)
      %dma_wait3A_367 = arith.constant 24 : i32
      %dma_wait3A_368 = arith.constant 0 : i32
      %dma_wait3A_369 = tpu.memref_slice %arg4[%dma_wait3A_367, %dma_wait3A_368] : memref<25x80xi32, #tpu.memory_space<vmem>> -> memref<1x80xi32, #tpu.memory_space<vmem>>
      %dma_wait3A_370 = tpu.memref_squeeze %dma_wait3A_369 : memref<1x80xi32, #tpu.memory_space<vmem>> -> memref<80xi32, #tpu.memory_space<vmem>>
      %dma_wait3A_371 = arith.constant 0 : i32
      %dma_wait3A_372 = arith.constant 0 : i32
      %dma_wait3A_373 = tpu.memref_slice %arg7[%dma_wait3A_371, %dma_wait3A_372] : memref<10112x16xf32, #tpu.memory_space<vmem_shared>> -> memref<10112x16xf32, #tpu.memory_space<vmem_shared>>
      tpu.wait_indirect_dma semaphore(%arg8 : memref<!tpu.dma_semaphore, #tpu.memory_space<semaphore_mem>>) src(%arg5 : memref<80x16xf32, #tpu.memory_space<vmem>>) dst(%dma_wait3A_373 : memref<10112x16xf32, #tpu.memory_space<vmem_shared>>)
    }
    %scan3A_17 = arith.constant 5 : i32
    %barrier3A_18 = arith.constant 0 : index
    tpu.barrier barrier_id(%barrier3A_18)
    %mul3A_19 = arith.constant 632 : i32
    %mul3A_20 = arith.muli %arg1, %mul3A_19 : i32
    %mul3A_21 = arith.constant 632 : i32
    %mul3A_22 = arith.muli %arg1, %mul3A_21 : i32
    "tpu.region"() ({
      %run_scoped3A = tpu.sem_alloc : memref<!tpu.dma_semaphore, #tpu.memory_space<semaphore_mem>>
      %dma_start3A = arith.constant 0 : i32
      %dma_start3A_23 = tpu.memref_slice %arg3[%arg0, %mul3A_22, %dma_start3A] : memref<2x10112x16xf32, #tpu.memory_space<hbm>> -> memref<1x632x16xf32, #tpu.memory_space<hbm>>
      %dma_start3A_24 = tpu.memref_squeeze %dma_start3A_23 : memref<1x632x16xf32, #tpu.memory_space<hbm>> -> memref<632x16xf32, #tpu.memory_space<hbm>>
      %dma_start3A_25 = arith.constant 0 : i32
      %dma_start3A_26 = tpu.memref_slice %arg7[%mul3A_20, %dma_start3A_25] : memref<10112x16xf32, #tpu.memory_space<vmem_shared>> -> memref<632x16xf32, #tpu.memory_space<vmem_shared>>
      tpu.enqueue_dma source(%dma_start3A_26 : memref<632x16xf32, #tpu.memory_space<vmem_shared>>) target(%dma_start3A_24 : memref<632x16xf32, #tpu.memory_space<hbm>>) target_semaphore(%run_scoped3A : memref<!tpu.dma_semaphore, #tpu.memory_space<semaphore_mem>>)
      %dma_wait3A = arith.constant 0 : i32
      %dma_wait3A_27 = tpu.memref_slice %arg3[%arg0, %mul3A_22, %dma_wait3A] : memref<2x10112x16xf32, #tpu.memory_space<hbm>> -> memref<1x632x16xf32, #tpu.memory_space<hbm>>
      %dma_wait3A_28 = tpu.memref_squeeze %dma_wait3A_27 : memref<1x632x16xf32, #tpu.memory_space<hbm>> -> memref<632x16xf32, #tpu.memory_space<hbm>>
      %dma_wait3A_29 = arith.constant 0 : i32
      %dma_wait3A_30 = tpu.memref_slice %arg7[%mul3A_20, %dma_wait3A_29] : memref<10112x16xf32, #tpu.memory_space<vmem_shared>> -> memref<632x16xf32, #tpu.memory_space<vmem_shared>>
      tpu.wait_dma2 semaphore(%run_scoped3A : memref<!tpu.dma_semaphore, #tpu.memory_space<semaphore_mem>>) src(%dma_wait3A_30 : memref<632x16xf32, #tpu.memory_space<vmem_shared>>) dst(%dma_wait3A_28 : memref<632x16xf32, #tpu.memory_space<hbm>>)
      tpu.yield
    }) : () -> ()
    return
  }
}

#map = affine_map<(d0, d1) -> (0, 0, 0, 0, 0)>
#map1 = affine_map<(d0, d1) -> (0, 0, 0, 0)>
#map2 = affine_map<(d0, d1) -> (0, 0)>
#map3 = affine_map<(d0, d1) -> (0, 0, 0)>
module attributes {stable_mosaic.version = 14 : i64} {
  func.func @scatter_kernel(%arg0: i32, %arg1: i32, %arg2: memref<2x16x10x25x80xi32, #tpu.memory_space<hbm>>, %arg3: memref<16x10x25x80xi32, #tpu.memory_space<hbm>>, %arg4: memref<20000x64xf32, #tpu.memory_space<hbm>>, %arg5: memref<2x10112x64xf32, #tpu.memory_space<hbm>>, %arg6: memref<25x80xi32, #tpu.memory_space<vmem>>, %arg7: memref<25x80xi32, #tpu.memory_space<vmem>>, %arg8: memref<80x64xf32, #tpu.memory_space<vmem>>, %arg9: memref<80x64xf32, #tpu.memory_space<vmem>>, %arg10: memref<632x64xf32, #tpu.memory_space<vmem>>, %arg11: memref<10112x64xf32, #tpu.memory_space<vmem_shared>>, %arg12: memref<!tpu.dma_semaphore, #tpu.memory_space<semaphore_mem>>, %arg13: memref<!tpu.dma_semaphore, #tpu.memory_space<semaphore_mem>>, %arg14: memref<!tpu.dma_semaphore, #tpu.memory_space<semaphore_mem>>, %arg15: memref<!tpu.dma_semaphore, #tpu.memory_space<semaphore_mem>>) attributes {dimension_semantics = [#tpu.dimension_semantics<core_parallel>, #tpu.dimension_semantics<subcore_parallel>], iteration_bounds = array<i64: 2, 16>, scalar_prefetch = 0 : i64, scratch_operands = 10 : i64, tpu.core_type = #tpu.core_type<sc_vector_subcore>, window_params = [{transform_indices = #map}, {transform_indices = #map1}, {transform_indices = #map2}, {transform_indices = #map3}]} {
    %scan3A = arith.constant 0 : i32
    %scan3A_0 = arith.constant 0 : i32
    %scan3A_1 = arith.constant 632 : i32
    %scan3A_2 = arith.addi %scan3A_0, %scan3A_1 : i32
    %scan3A_3 = arith.constant 1 : i32
    scf.for %scan3A_17 = %scan3A_0 to %scan3A_2 step %scan3A_3  : i32 {
      %broadcast_in_dim3A = arith.constant 0.000000e+00 : f32
      %broadcast_in_dim3A_18 = vector.broadcast %broadcast_in_dim3A : f32 to vector<16xf32>
      %swap3A = arith.index_cast %scan3A_17 : i32 to index
      %swap3A_19 = arith.constant 0 : index
      %swap3A_20 = tpu.vector_load %arg10[%swap3A, %swap3A_19] {strides = array<i32>} : memref<632x64xf32, #tpu.memory_space<vmem>>, vector<1x16xf32>,
      %swap3A_21 = vector.shape_cast %swap3A_20 : vector<1x16xf32> to vector<16xf32>
      %swap3A_22 = vector.shape_cast %broadcast_in_dim3A_18 : vector<16xf32> to vector<1x16xf32>
      tpu.vector_store %arg10[%swap3A, %swap3A_19], %swap3A_22 {strides = array<i32>} : memref<632x64xf32, #tpu.memory_space<vmem>>, vector<1x16xf32>,
      %broadcast_in_dim3A_23 = arith.constant 0.000000e+00 : f32
      %broadcast_in_dim3A_24 = vector.broadcast %broadcast_in_dim3A_23 : f32 to vector<16xf32>
      %swap3A_25 = arith.index_cast %scan3A_17 : i32 to index
      %swap3A_26 = arith.constant 16 : index
      %swap3A_27 = tpu.vector_load %arg10[%swap3A_25, %swap3A_26] {strides = array<i32>} : memref<632x64xf32, #tpu.memory_space<vmem>>, vector<1x16xf32>,
      %swap3A_28 = vector.shape_cast %swap3A_27 : vector<1x16xf32> to vector<16xf32>
      %swap3A_29 = vector.shape_cast %broadcast_in_dim3A_24 : vector<16xf32> to vector<1x16xf32>
      tpu.vector_store %arg10[%swap3A_25, %swap3A_26], %swap3A_29 {strides = array<i32>} : memref<632x64xf32, #tpu.memory_space<vmem>>, vector<1x16xf32>,
      %broadcast_in_dim3A_30 = arith.constant 0.000000e+00 : f32
      %broadcast_in_dim3A_31 = vector.broadcast %broadcast_in_dim3A_30 : f32 to vector<16xf32>
      %swap3A_32 = arith.index_cast %scan3A_17 : i32 to index
      %swap3A_33 = arith.constant 32 : index
      %swap3A_34 = tpu.vector_load %arg10[%swap3A_32, %swap3A_33] {strides = array<i32>} : memref<632x64xf32, #tpu.memory_space<vmem>>, vector<1x16xf32>,
      %swap3A_35 = vector.shape_cast %swap3A_34 : vector<1x16xf32> to vector<16xf32>
      %swap3A_36 = vector.shape_cast %broadcast_in_dim3A_31 : vector<16xf32> to vector<1x16xf32>
      tpu.vector_store %arg10[%swap3A_32, %swap3A_33], %swap3A_36 {strides = array<i32>} : memref<632x64xf32, #tpu.memory_space<vmem>>, vector<1x16xf32>,
      %broadcast_in_dim3A_37 = arith.constant 0.000000e+00 : f32
      %broadcast_in_dim3A_38 = vector.broadcast %broadcast_in_dim3A_37 : f32 to vector<16xf32>
      %swap3A_39 = arith.index_cast %scan3A_17 : i32 to index
      %swap3A_40 = arith.constant 48 : index
      %swap3A_41 = tpu.vector_load %arg10[%swap3A_39, %swap3A_40] {strides = array<i32>} : memref<632x64xf32, #tpu.memory_space<vmem>>, vector<1x16xf32>,
      %swap3A_42 = vector.shape_cast %swap3A_41 : vector<1x16xf32> to vector<16xf32>
      %swap3A_43 = vector.shape_cast %broadcast_in_dim3A_38 : vector<16xf32> to vector<1x16xf32>
      tpu.vector_store %arg10[%swap3A_39, %swap3A_40], %swap3A_43 {strides = array<i32>} : memref<632x64xf32, #tpu.memory_space<vmem>>, vector<1x16xf32>,
    }
    %scan3A_4 = arith.constant 632 : i32
    %mul3A = arith.constant 632 : i32
    %mul3A_5 = arith.muli %arg1, %mul3A : i32
    "tpu.region"() ({
      %run_scoped3A = tpu.sem_alloc : memref<!tpu.dma_semaphore, #tpu.memory_space<semaphore_mem>>
      %dma_start3A = arith.constant 0 : i32
      %dma_start3A_17 = tpu.memref_slice %arg11[%mul3A_5, %dma_start3A] : memref<10112x64xf32, #tpu.memory_space<vmem_shared>> -> memref<632x64xf32, #tpu.memory_space<vmem_shared>>
      %dma_start3A_18 = arith.constant 0 : i32
      %dma_start3A_19 = tpu.memref_slice %arg11[%mul3A_5, %dma_start3A_18] : memref<10112x64xf32, #tpu.memory_space<vmem_shared>> -> memref<632x64xf32, #tpu.memory_space<vmem_shared>>
      tpu.enqueue_dma source(%arg10 : memref<632x64xf32, #tpu.memory_space<vmem>>) target(%dma_start3A_19 : memref<632x64xf32, #tpu.memory_space<vmem_shared>>) target_semaphore(%run_scoped3A : memref<!tpu.dma_semaphore, #tpu.memory_space<semaphore_mem>>)
      %dma_wait3A = arith.constant 0 : i32
      %dma_wait3A_20 = tpu.memref_slice %arg11[%mul3A_5, %dma_wait3A] : memref<10112x64xf32, #tpu.memory_space<vmem_shared>> -> memref<632x64xf32, #tpu.memory_space<vmem_shared>>
      %dma_wait3A_21 = arith.constant 0 : i32
      %dma_wait3A_22 = tpu.memref_slice %arg11[%mul3A_5, %dma_wait3A_21] : memref<10112x64xf32, #tpu.memory_space<vmem_shared>> -> memref<632x64xf32, #tpu.memory_space<vmem_shared>>
      tpu.wait_dma2 semaphore(%run_scoped3A : memref<!tpu.dma_semaphore, #tpu.memory_space<semaphore_mem>>) src(%arg10 : memref<632x64xf32, #tpu.memory_space<vmem>>) dst(%dma_wait3A_22 : memref<632x64xf32, #tpu.memory_space<vmem_shared>>)
      tpu.yield
    }) : () -> ()
    %barrier3A = arith.constant 0 : index
    tpu.barrier barrier_id(%barrier3A)
    %scan3A_6 = arith.constant 0 : i32
    %scan3A_7 = arith.constant 0 : i32
    %scan3A_8 = arith.constant 10 : i32
    %scan3A_9 = arith.addi %scan3A_7, %scan3A_8 : i32
    %scan3A_10 = arith.constant 1 : i32
    scf.for %scan3A_17 = %scan3A_7 to %scan3A_9 step %scan3A_10  : i32 {
      "tpu.region"() ({
        %run_scoped3A = tpu.sem_alloc : memref<!tpu.dma_semaphore, #tpu.memory_space<semaphore_mem>>
        %dma_start3A_716 = arith.constant 0 : i32
        %dma_start3A_717 = arith.constant 0 : i32
        %dma_start3A_718 = tpu.memref_slice %arg2[%arg0, %arg1, %scan3A_17, %dma_start3A_716, %dma_start3A_717] : memref<2x16x10x25x80xi32, #tpu.memory_space<hbm>> -> memref<1x1x1x25x80xi32, #tpu.memory_space<hbm>>
        %dma_start3A_719 = tpu.memref_squeeze %dma_start3A_718 : memref<1x1x1x25x80xi32, #tpu.memory_space<hbm>> -> memref<25x80xi32, #tpu.memory_space<hbm>>
        %dma_start3A_720 = arith.constant 0 : i32
        %dma_start3A_721 = arith.constant 0 : i32
        %dma_start3A_722 = tpu.memref_slice %arg2[%arg0, %arg1, %scan3A_17, %dma_start3A_720, %dma_start3A_721] : memref<2x16x10x25x80xi32, #tpu.memory_space<hbm>> -> memref<1x1x1x25x80xi32, #tpu.memory_space<hbm>>
        %dma_start3A_723 = tpu.memref_squeeze %dma_start3A_722 : memref<1x1x1x25x80xi32, #tpu.memory_space<hbm>> -> memref<25x80xi32, #tpu.memory_space<hbm>>
        tpu.enqueue_dma source(%dma_start3A_723 : memref<25x80xi32, #tpu.memory_space<hbm>>) target(%arg6 : memref<25x80xi32, #tpu.memory_space<vmem>>) target_semaphore(%run_scoped3A : memref<!tpu.dma_semaphore, #tpu.memory_space<semaphore_mem>>)
        %dma_wait3A_724 = arith.constant 0 : i32
        %dma_wait3A_725 = arith.constant 0 : i32
        %dma_wait3A_726 = tpu.memref_slice %arg2[%arg0, %arg1, %scan3A_17, %dma_wait3A_724, %dma_wait3A_725] : memref<2x16x10x25x80xi32, #tpu.memory_space<hbm>> -> memref<1x1x1x25x80xi32, #tpu.memory_space<hbm>>
        %dma_wait3A_727 = tpu.memref_squeeze %dma_wait3A_726 : memref<1x1x1x25x80xi32, #tpu.memory_space<hbm>> -> memref<25x80xi32, #tpu.memory_space<hbm>>
        %dma_wait3A_728 = arith.constant 0 : i32
        %dma_wait3A_729 = arith.constant 0 : i32
        %dma_wait3A_730 = tpu.memref_slice %arg2[%arg0, %arg1, %scan3A_17, %dma_wait3A_728, %dma_wait3A_729] : memref<2x16x10x25x80xi32, #tpu.memory_space<hbm>> -> memref<1x1x1x25x80xi32, #tpu.memory_space<hbm>>
        %dma_wait3A_731 = tpu.memref_squeeze %dma_wait3A_730 : memref<1x1x1x25x80xi32, #tpu.memory_space<hbm>> -> memref<25x80xi32, #tpu.memory_space<hbm>>
        tpu.wait_dma2 semaphore(%run_scoped3A : memref<!tpu.dma_semaphore, #tpu.memory_space<semaphore_mem>>) src(%dma_wait3A_731 : memref<25x80xi32, #tpu.memory_space<hbm>>) dst(%arg6 : memref<25x80xi32, #tpu.memory_space<vmem>>)
        tpu.yield
      }) : () -> ()
      "tpu.region"() ({
        %run_scoped3A = tpu.sem_alloc : memref<!tpu.dma_semaphore, #tpu.memory_space<semaphore_mem>>
        %dma_start3A_716 = arith.constant 0 : i32
        %dma_start3A_717 = arith.constant 0 : i32
        %dma_start3A_718 = tpu.memref_slice %arg3[%arg1, %scan3A_17, %dma_start3A_716, %dma_start3A_717] : memref<16x10x25x80xi32, #tpu.memory_space<hbm>> -> memref<1x1x25x80xi32, #tpu.memory_space<hbm>>
        %dma_start3A_719 = tpu.memref_squeeze %dma_start3A_718 : memref<1x1x25x80xi32, #tpu.memory_space<hbm>> -> memref<25x80xi32, #tpu.memory_space<hbm>>
        %dma_start3A_720 = arith.constant 0 : i32
        %dma_start3A_721 = arith.constant 0 : i32
        %dma_start3A_722 = tpu.memref_slice %arg3[%arg1, %scan3A_17, %dma_start3A_720, %dma_start3A_721] : memref<16x10x25x80xi32, #tpu.memory_space<hbm>> -> memref<1x1x25x80xi32, #tpu.memory_space<hbm>>
        %dma_start3A_723 = tpu.memref_squeeze %dma_start3A_722 : memref<1x1x25x80xi32, #tpu.memory_space<hbm>> -> memref<25x80xi32, #tpu.memory_space<hbm>>
        tpu.enqueue_dma source(%dma_start3A_723 : memref<25x80xi32, #tpu.memory_space<hbm>>) target(%arg7 : memref<25x80xi32, #tpu.memory_space<vmem>>) target_semaphore(%run_scoped3A : memref<!tpu.dma_semaphore, #tpu.memory_space<semaphore_mem>>)
        %dma_wait3A_724 = arith.constant 0 : i32
        %dma_wait3A_725 = arith.constant 0 : i32
        %dma_wait3A_726 = tpu.memref_slice %arg3[%arg1, %scan3A_17, %dma_wait3A_724, %dma_wait3A_725] : memref<16x10x25x80xi32, #tpu.memory_space<hbm>> -> memref<1x1x25x80xi32, #tpu.memory_space<hbm>>
        %dma_wait3A_727 = tpu.memref_squeeze %dma_wait3A_726 : memref<1x1x25x80xi32, #tpu.memory_space<hbm>> -> memref<25x80xi32, #tpu.memory_space<hbm>>
        %dma_wait3A_728 = arith.constant 0 : i32
        %dma_wait3A_729 = arith.constant 0 : i32
        %dma_wait3A_730 = tpu.memref_slice %arg3[%arg1, %scan3A_17, %dma_wait3A_728, %dma_wait3A_729] : memref<16x10x25x80xi32, #tpu.memory_space<hbm>> -> memref<1x1x25x80xi32, #tpu.memory_space<hbm>>
        %dma_wait3A_731 = tpu.memref_squeeze %dma_wait3A_730 : memref<1x1x25x80xi32, #tpu.memory_space<hbm>> -> memref<25x80xi32, #tpu.memory_space<hbm>>
        tpu.wait_dma2 semaphore(%run_scoped3A : memref<!tpu.dma_semaphore, #tpu.memory_space<semaphore_mem>>) src(%dma_wait3A_731 : memref<25x80xi32, #tpu.memory_space<hbm>>) dst(%arg7 : memref<25x80xi32, #tpu.memory_space<vmem>>)
        tpu.yield
      }) : () -> ()
      %dma_start3A = arith.constant 0 : i32
      %dma_start3A_18 = arith.constant 0 : i32
      %dma_start3A_19 = tpu.memref_slice %arg6[%dma_start3A, %dma_start3A_18] : memref<25x80xi32, #tpu.memory_space<vmem>> -> memref<1x80xi32, #tpu.memory_space<vmem>>
      %dma_start3A_20 = tpu.memref_squeeze %dma_start3A_19 : memref<1x80xi32, #tpu.memory_space<vmem>> -> memref<80xi32, #tpu.memory_space<vmem>>
      %dma_start3A_21 = arith.constant 0 : i32
      %dma_start3A_22 = arith.constant 0 : i32
      %dma_start3A_23 = tpu.memref_slice %arg4[%dma_start3A_21, %dma_start3A_22] : memref<20000x64xf32, #tpu.memory_space<hbm>> -> memref<20000x64xf32, #tpu.memory_space<hbm>>
      tpu.enqueue_indirect_dma source(%dma_start3A_23 : memref<20000x64xf32, #tpu.memory_space<hbm>>) target(%arg8 : memref<80x64xf32, #tpu.memory_space<vmem>>) offsets(%dma_start3A_20 : memref<80xi32, #tpu.memory_space<vmem>>) semaphore(%arg12 : memref<!tpu.dma_semaphore, #tpu.memory_space<semaphore_mem>>)
      %dma_start3A_24 = arith.constant 1 : i32
      %dma_start3A_25 = arith.constant 0 : i32
      %dma_start3A_26 = tpu.memref_slice %arg6[%dma_start3A_24, %dma_start3A_25] : memref<25x80xi32, #tpu.memory_space<vmem>> -> memref<1x80xi32, #tpu.memory_space<vmem>>
      %dma_start3A_27 = tpu.memref_squeeze %dma_start3A_26 : memref<1x80xi32, #tpu.memory_space<vmem>> -> memref<80xi32, #tpu.memory_space<vmem>>
      %dma_start3A_28 = arith.constant 0 : i32
      %dma_start3A_29 = arith.constant 0 : i32
      %dma_start3A_30 = tpu.memref_slice %arg4[%dma_start3A_28, %dma_start3A_29] : memref<20000x64xf32, #tpu.memory_space<hbm>> -> memref<20000x64xf32, #tpu.memory_space<hbm>>
      tpu.enqueue_indirect_dma source(%dma_start3A_30 : memref<20000x64xf32, #tpu.memory_space<hbm>>) target(%arg9 : memref<80x64xf32, #tpu.memory_space<vmem>>) offsets(%dma_start3A_27 : memref<80xi32, #tpu.memory_space<vmem>>) semaphore(%arg13 : memref<!tpu.dma_semaphore, #tpu.memory_space<semaphore_mem>>)
      %dma_wait3A = arith.constant 0 : i32
      %dma_wait3A_31 = arith.constant 0 : i32
      %dma_wait3A_32 = tpu.memref_slice %arg6[%dma_wait3A, %dma_wait3A_31] : memref<25x80xi32, #tpu.memory_space<vmem>> -> memref<1x80xi32, #tpu.memory_space<vmem>>
      %dma_wait3A_33 = tpu.memref_squeeze %dma_wait3A_32 : memref<1x80xi32, #tpu.memory_space<vmem>> -> memref<80xi32, #tpu.memory_space<vmem>>
      %dma_wait3A_34 = arith.constant 0 : i32
      %dma_wait3A_35 = arith.constant 0 : i32
      %dma_wait3A_36 = tpu.memref_slice %arg4[%dma_wait3A_34, %dma_wait3A_35] : memref<20000x64xf32, #tpu.memory_space<hbm>> -> memref<20000x64xf32, #tpu.memory_space<hbm>>
      tpu.wait_indirect_dma semaphore(%arg12 : memref<!tpu.dma_semaphore, #tpu.memory_space<semaphore_mem>>) src(%dma_wait3A_36 : memref<20000x64xf32, #tpu.memory_space<hbm>>) dst(%arg8 : memref<80x64xf32, #tpu.memory_space<vmem>>)
      %dma_start3A_37 = arith.constant 0 : i32
      %dma_start3A_38 = arith.constant 0 : i32
      %dma_start3A_39 = tpu.memref_slice %arg7[%dma_start3A_37, %dma_start3A_38] : memref<25x80xi32, #tpu.memory_space<vmem>> -> memref<1x80xi32, #tpu.memory_space<vmem>>
      %dma_start3A_40 = tpu.memref_squeeze %dma_start3A_39 : memref<1x80xi32, #tpu.memory_space<vmem>> -> memref<80xi32, #tpu.memory_space<vmem>>
      %dma_start3A_41 = arith.constant 0 : i32
      %dma_start3A_42 = arith.constant 0 : i32
      %dma_start3A_43 = tpu.memref_slice %arg11[%dma_start3A_41, %dma_start3A_42] : memref<10112x64xf32, #tpu.memory_space<vmem_shared>> -> memref<10112x64xf32, #tpu.memory_space<vmem_shared>>
      tpu.enqueue_indirect_dma source(%arg8 : memref<80x64xf32, #tpu.memory_space<vmem>>) target(%dma_start3A_43 : memref<10112x64xf32, #tpu.memory_space<vmem_shared>>) offsets(%dma_start3A_40 : memref<80xi32, #tpu.memory_space<vmem>>) semaphore(%arg14 : memref<!tpu.dma_semaphore, #tpu.memory_space<semaphore_mem>>) {add = true}
      %dma_wait3A_44 = arith.constant 0 : i32
      %dma_wait3A_45 = arith.constant 0 : i32
      %dma_wait3A_46 = tpu.memref_slice %arg7[%dma_wait3A_44, %dma_wait3A_45] : memref<25x80xi32, #tpu.memory_space<vmem>> -> memref<1x80xi32, #tpu.memory_space<vmem>>
      %dma_wait3A_47 = tpu.memref_squeeze %dma_wait3A_46 : memref<1x80xi32, #tpu.memory_space<vmem>> -> memref<80xi32, #tpu.memory_space<vmem>>
      %dma_wait3A_48 = arith.constant 0 : i32
      %dma_wait3A_49 = arith.constant 0 : i32
      %dma_wait3A_50 = tpu.memref_slice %arg11[%dma_wait3A_48, %dma_wait3A_49] : memref<10112x64xf32, #tpu.memory_space<vmem_shared>> -> memref<10112x64xf32, #tpu.memory_space<vmem_shared>>
      tpu.wait_indirect_dma semaphore(%arg14 : memref<!tpu.dma_semaphore, #tpu.memory_space<semaphore_mem>>) src(%arg8 : memref<80x64xf32, #tpu.memory_space<vmem>>) dst(%dma_wait3A_50 : memref<10112x64xf32, #tpu.memory_space<vmem_shared>>)
      %dma_start3A_51 = arith.constant 2 : i32
      %dma_start3A_52 = arith.constant 0 : i32
      %dma_start3A_53 = tpu.memref_slice %arg6[%dma_start3A_51, %dma_start3A_52] : memref<25x80xi32, #tpu.memory_space<vmem>> -> memref<1x80xi32, #tpu.memory_space<vmem>>
      %dma_start3A_54 = tpu.memref_squeeze %dma_start3A_53 : memref<1x80xi32, #tpu.memory_space<vmem>> -> memref<80xi32, #tpu.memory_space<vmem>>
      %dma_start3A_55 = arith.constant 0 : i32
      %dma_start3A_56 = arith.constant 0 : i32
      %dma_start3A_57 = tpu.memref_slice %arg4[%dma_start3A_55, %dma_start3A_56] : memref<20000x64xf32, #tpu.memory_space<hbm>> -> memref<20000x64xf32, #tpu.memory_space<hbm>>
      tpu.enqueue_indirect_dma source(%dma_start3A_57 : memref<20000x64xf32, #tpu.memory_space<hbm>>) target(%arg8 : memref<80x64xf32, #tpu.memory_space<vmem>>) offsets(%dma_start3A_54 : memref<80xi32, #tpu.memory_space<vmem>>) semaphore(%arg12 : memref<!tpu.dma_semaphore, #tpu.memory_space<semaphore_mem>>)
      %dma_wait3A_58 = arith.constant 1 : i32
      %dma_wait3A_59 = arith.constant 0 : i32
      %dma_wait3A_60 = tpu.memref_slice %arg6[%dma_wait3A_58, %dma_wait3A_59] : memref<25x80xi32, #tpu.memory_space<vmem>> -> memref<1x80xi32, #tpu.memory_space<vmem>>
      %dma_wait3A_61 = tpu.memref_squeeze %dma_wait3A_60 : memref<1x80xi32, #tpu.memory_space<vmem>> -> memref<80xi32, #tpu.memory_space<vmem>>
      %dma_wait3A_62 = arith.constant 0 : i32
      %dma_wait3A_63 = arith.constant 0 : i32
      %dma_wait3A_64 = tpu.memref_slice %arg4[%dma_wait3A_62, %dma_wait3A_63] : memref<20000x64xf32, #tpu.memory_space<hbm>> -> memref<20000x64xf32, #tpu.memory_space<hbm>>
      tpu.wait_indirect_dma semaphore(%arg13 : memref<!tpu.dma_semaphore, #tpu.memory_space<semaphore_mem>>) src(%dma_wait3A_64 : memref<20000x64xf32, #tpu.memory_space<hbm>>) dst(%arg9 : memref<80x64xf32, #tpu.memory_space<vmem>>)
      %dma_start3A_65 = arith.constant 1 : i32
      %dma_start3A_66 = arith.constant 0 : i32
      %dma_start3A_67 = tpu.memref_slice %arg7[%dma_start3A_65, %dma_start3A_66] : memref<25x80xi32, #tpu.memory_space<vmem>> -> memref<1x80xi32, #tpu.memory_space<vmem>>
      %dma_start3A_68 = tpu.memref_squeeze %dma_start3A_67 : memref<1x80xi32, #tpu.memory_space<vmem>> -> memref<80xi32, #tpu.memory_space<vmem>>
      %dma_start3A_69 = arith.constant 0 : i32
      %dma_start3A_70 = arith.constant 0 : i32
      %dma_start3A_71 = tpu.memref_slice %arg11[%dma_start3A_69, %dma_start3A_70] : memref<10112x64xf32, #tpu.memory_space<vmem_shared>> -> memref<10112x64xf32, #tpu.memory_space<vmem_shared>>
      tpu.enqueue_indirect_dma source(%arg9 : memref<80x64xf32, #tpu.memory_space<vmem>>) target(%dma_start3A_71 : memref<10112x64xf32, #tpu.memory_space<vmem_shared>>) offsets(%dma_start3A_68 : memref<80xi32, #tpu.memory_space<vmem>>) semaphore(%arg15 : memref<!tpu.dma_semaphore, #tpu.memory_space<semaphore_mem>>) {add = true}
      %dma_wait3A_72 = arith.constant 1 : i32
      %dma_wait3A_73 = arith.constant 0 : i32
      %dma_wait3A_74 = tpu.memref_slice %arg7[%dma_wait3A_72, %dma_wait3A_73] : memref<25x80xi32, #tpu.memory_space<vmem>> -> memref<1x80xi32, #tpu.memory_space<vmem>>
      %dma_wait3A_75 = tpu.memref_squeeze %dma_wait3A_74 : memref<1x80xi32, #tpu.memory_space<vmem>> -> memref<80xi32, #tpu.memory_space<vmem>>
      %dma_wait3A_76 = arith.constant 0 : i32
      %dma_wait3A_77 = arith.constant 0 : i32
      %dma_wait3A_78 = tpu.memref_slice %arg11[%dma_wait3A_76, %dma_wait3A_77] : memref<10112x64xf32, #tpu.memory_space<vmem_shared>> -> memref<10112x64xf32, #tpu.memory_space<vmem_shared>>
      tpu.wait_indirect_dma semaphore(%arg15 : memref<!tpu.dma_semaphore, #tpu.memory_space<semaphore_mem>>) src(%arg9 : memref<80x64xf32, #tpu.memory_space<vmem>>) dst(%dma_wait3A_78 : memref<10112x64xf32, #tpu.memory_space<vmem_shared>>)
      %dma_start3A_79 = arith.constant 3 : i32
      %dma_start3A_80 = arith.constant 0 : i32
      %dma_start3A_81 = tpu.memref_slice %arg6[%dma_start3A_79, %dma_start3A_80] : memref<25x80xi32, #tpu.memory_space<vmem>> -> memref<1x80xi32, #tpu.memory_space<vmem>>
      %dma_start3A_82 = tpu.memref_squeeze %dma_start3A_81 : memref<1x80xi32, #tpu.memory_space<vmem>> -> memref<80xi32, #tpu.memory_space<vmem>>
      %dma_start3A_83 = arith.constant 0 : i32
      %dma_start3A_84 = arith.constant 0 : i32
      %dma_start3A_85 = tpu.memref_slice %arg4[%dma_start3A_83, %dma_start3A_84] : memref<20000x64xf32, #tpu.memory_space<hbm>> -> memref<20000x64xf32, #tpu.memory_space<hbm>>
      tpu.enqueue_indirect_dma source(%dma_start3A_85 : memref<20000x64xf32, #tpu.memory_space<hbm>>) target(%arg9 : memref<80x64xf32, #tpu.memory_space<vmem>>) offsets(%dma_start3A_82 : memref<80xi32, #tpu.memory_space<vmem>>) semaphore(%arg13 : memref<!tpu.dma_semaphore, #tpu.memory_space<semaphore_mem>>)
      %dma_wait3A_86 = arith.constant 2 : i32
      %dma_wait3A_87 = arith.constant 0 : i32
      %dma_wait3A_88 = tpu.memref_slice %arg6[%dma_wait3A_86, %dma_wait3A_87] : memref<25x80xi32, #tpu.memory_space<vmem>> -> memref<1x80xi32, #tpu.memory_space<vmem>>
      %dma_wait3A_89 = tpu.memref_squeeze %dma_wait3A_88 : memref<1x80xi32, #tpu.memory_space<vmem>> -> memref<80xi32, #tpu.memory_space<vmem>>
      %dma_wait3A_90 = arith.constant 0 : i32
      %dma_wait3A_91 = arith.constant 0 : i32
      %dma_wait3A_92 = tpu.memref_slice %arg4[%dma_wait3A_90, %dma_wait3A_91] : memref<20000x64xf32, #tpu.memory_space<hbm>> -> memref<20000x64xf32, #tpu.memory_space<hbm>>
      tpu.wait_indirect_dma semaphore(%arg12 : memref<!tpu.dma_semaphore, #tpu.memory_space<semaphore_mem>>) src(%dma_wait3A_92 : memref<20000x64xf32, #tpu.memory_space<hbm>>) dst(%arg8 : memref<80x64xf32, #tpu.memory_space<vmem>>)
      %dma_start3A_93 = arith.constant 2 : i32
      %dma_start3A_94 = arith.constant 0 : i32
      %dma_start3A_95 = tpu.memref_slice %arg7[%dma_start3A_93, %dma_start3A_94] : memref<25x80xi32, #tpu.memory_space<vmem>> -> memref<1x80xi32, #tpu.memory_space<vmem>>
      %dma_start3A_96 = tpu.memref_squeeze %dma_start3A_95 : memref<1x80xi32, #tpu.memory_space<vmem>> -> memref<80xi32, #tpu.memory_space<vmem>>
      %dma_start3A_97 = arith.constant 0 : i32
      %dma_start3A_98 = arith.constant 0 : i32
      %dma_start3A_99 = tpu.memref_slice %arg11[%dma_start3A_97, %dma_start3A_98] : memref<10112x64xf32, #tpu.memory_space<vmem_shared>> -> memref<10112x64xf32, #tpu.memory_space<vmem_shared>>
      tpu.enqueue_indirect_dma source(%arg8 : memref<80x64xf32, #tpu.memory_space<vmem>>) target(%dma_start3A_99 : memref<10112x64xf32, #tpu.memory_space<vmem_shared>>) offsets(%dma_start3A_96 : memref<80xi32, #tpu.memory_space<vmem>>) semaphore(%arg14 : memref<!tpu.dma_semaphore, #tpu.memory_space<semaphore_mem>>) {add = true}
      %dma_wait3A_100 = arith.constant 2 : i32
      %dma_wait3A_101 = arith.constant 0 : i32
      %dma_wait3A_102 = tpu.memref_slice %arg7[%dma_wait3A_100, %dma_wait3A_101] : memref<25x80xi32, #tpu.memory_space<vmem>> -> memref<1x80xi32, #tpu.memory_space<vmem>>
      %dma_wait3A_103 = tpu.memref_squeeze %dma_wait3A_102 : memref<1x80xi32, #tpu.memory_space<vmem>> -> memref<80xi32, #tpu.memory_space<vmem>>
      %dma_wait3A_104 = arith.constant 0 : i32
      %dma_wait3A_105 = arith.constant 0 : i32
      %dma_wait3A_106 = tpu.memref_slice %arg11[%dma_wait3A_104, %dma_wait3A_105] : memref<10112x64xf32, #tpu.memory_space<vmem_shared>> -> memref<10112x64xf32, #tpu.memory_space<vmem_shared>>
      tpu.wait_indirect_dma semaphore(%arg14 : memref<!tpu.dma_semaphore, #tpu.memory_space<semaphore_mem>>) src(%arg8 : memref<80x64xf32, #tpu.memory_space<vmem>>) dst(%dma_wait3A_106 : memref<10112x64xf32, #tpu.memory_space<vmem_shared>>)
      %dma_start3A_107 = arith.constant 4 : i32
      %dma_start3A_108 = arith.constant 0 : i32
      %dma_start3A_109 = tpu.memref_slice %arg6[%dma_start3A_107, %dma_start3A_108] : memref<25x80xi32, #tpu.memory_space<vmem>> -> memref<1x80xi32, #tpu.memory_space<vmem>>
      %dma_start3A_110 = tpu.memref_squeeze %dma_start3A_109 : memref<1x80xi32, #tpu.memory_space<vmem>> -> memref<80xi32, #tpu.memory_space<vmem>>
      %dma_start3A_111 = arith.constant 0 : i32
      %dma_start3A_112 = arith.constant 0 : i32
      %dma_start3A_113 = tpu.memref_slice %arg4[%dma_start3A_111, %dma_start3A_112] : memref<20000x64xf32, #tpu.memory_space<hbm>> -> memref<20000x64xf32, #tpu.memory_space<hbm>>
      tpu.enqueue_indirect_dma source(%dma_start3A_113 : memref<20000x64xf32, #tpu.memory_space<hbm>>) target(%arg8 : memref<80x64xf32, #tpu.memory_space<vmem>>) offsets(%dma_start3A_110 : memref<80xi32, #tpu.memory_space<vmem>>) semaphore(%arg12 : memref<!tpu.dma_semaphore, #tpu.memory_space<semaphore_mem>>)
      %dma_wait3A_114 = arith.constant 3 : i32
      %dma_wait3A_115 = arith.constant 0 : i32
      %dma_wait3A_116 = tpu.memref_slice %arg6[%dma_wait3A_114, %dma_wait3A_115] : memref<25x80xi32, #tpu.memory_space<vmem>> -> memref<1x80xi32, #tpu.memory_space<vmem>>
      %dma_wait3A_117 = tpu.memref_squeeze %dma_wait3A_116 : memref<1x80xi32, #tpu.memory_space<vmem>> -> memref<80xi32, #tpu.memory_space<vmem>>
      %dma_wait3A_118 = arith.constant 0 : i32
      %dma_wait3A_119 = arith.constant 0 : i32
      %dma_wait3A_120 = tpu.memref_slice %arg4[%dma_wait3A_118, %dma_wait3A_119] : memref<20000x64xf32, #tpu.memory_space<hbm>> -> memref<20000x64xf32, #tpu.memory_space<hbm>>
      tpu.wait_indirect_dma semaphore(%arg13 : memref<!tpu.dma_semaphore, #tpu.memory_space<semaphore_mem>>) src(%dma_wait3A_120 : memref<20000x64xf32, #tpu.memory_space<hbm>>) dst(%arg9 : memref<80x64xf32, #tpu.memory_space<vmem>>)
      %dma_start3A_121 = arith.constant 3 : i32
      %dma_start3A_122 = arith.constant 0 : i32
      %dma_start3A_123 = tpu.memref_slice %arg7[%dma_start3A_121, %dma_start3A_122] : memref<25x80xi32, #tpu.memory_space<vmem>> -> memref<1x80xi32, #tpu.memory_space<vmem>>
      %dma_start3A_124 = tpu.memref_squeeze %dma_start3A_123 : memref<1x80xi32, #tpu.memory_space<vmem>> -> memref<80xi32, #tpu.memory_space<vmem>>
      %dma_start3A_125 = arith.constant 0 : i32
      %dma_start3A_126 = arith.constant 0 : i32
      %dma_start3A_127 = tpu.memref_slice %arg11[%dma_start3A_125, %dma_start3A_126] : memref<10112x64xf32, #tpu.memory_space<vmem_shared>> -> memref<10112x64xf32, #tpu.memory_space<vmem_shared>>
      tpu.enqueue_indirect_dma source(%arg9 : memref<80x64xf32, #tpu.memory_space<vmem>>) target(%dma_start3A_127 : memref<10112x64xf32, #tpu.memory_space<vmem_shared>>) offsets(%dma_start3A_124 : memref<80xi32, #tpu.memory_space<vmem>>) semaphore(%arg15 : memref<!tpu.dma_semaphore, #tpu.memory_space<semaphore_mem>>) {add = true}
      %dma_wait3A_128 = arith.constant 3 : i32
      %dma_wait3A_129 = arith.constant 0 : i32
      %dma_wait3A_130 = tpu.memref_slice %arg7[%dma_wait3A_128, %dma_wait3A_129] : memref<25x80xi32, #tpu.memory_space<vmem>> -> memref<1x80xi32, #tpu.memory_space<vmem>>
      %dma_wait3A_131 = tpu.memref_squeeze %dma_wait3A_130 : memref<1x80xi32, #tpu.memory_space<vmem>> -> memref<80xi32, #tpu.memory_space<vmem>>
      %dma_wait3A_132 = arith.constant 0 : i32
      %dma_wait3A_133 = arith.constant 0 : i32
      %dma_wait3A_134 = tpu.memref_slice %arg11[%dma_wait3A_132, %dma_wait3A_133] : memref<10112x64xf32, #tpu.memory_space<vmem_shared>> -> memref<10112x64xf32, #tpu.memory_space<vmem_shared>>
      tpu.wait_indirect_dma semaphore(%arg15 : memref<!tpu.dma_semaphore, #tpu.memory_space<semaphore_mem>>) src(%arg9 : memref<80x64xf32, #tpu.memory_space<vmem>>) dst(%dma_wait3A_134 : memref<10112x64xf32, #tpu.memory_space<vmem_shared>>)
      %dma_start3A_135 = arith.constant 5 : i32
      %dma_start3A_136 = arith.constant 0 : i32
      %dma_start3A_137 = tpu.memref_slice %arg6[%dma_start3A_135, %dma_start3A_136] : memref<25x80xi32, #tpu.memory_space<vmem>> -> memref<1x80xi32, #tpu.memory_space<vmem>>
      %dma_start3A_138 = tpu.memref_squeeze %dma_start3A_137 : memref<1x80xi32, #tpu.memory_space<vmem>> -> memref<80xi32, #tpu.memory_space<vmem>>
      %dma_start3A_139 = arith.constant 0 : i32
      %dma_start3A_140 = arith.constant 0 : i32
      %dma_start3A_141 = tpu.memref_slice %arg4[%dma_start3A_139, %dma_start3A_140] : memref<20000x64xf32, #tpu.memory_space<hbm>> -> memref<20000x64xf32, #tpu.memory_space<hbm>>
      tpu.enqueue_indirect_dma source(%dma_start3A_141 : memref<20000x64xf32, #tpu.memory_space<hbm>>) target(%arg9 : memref<80x64xf32, #tpu.memory_space<vmem>>) offsets(%dma_start3A_138 : memref<80xi32, #tpu.memory_space<vmem>>) semaphore(%arg13 : memref<!tpu.dma_semaphore, #tpu.memory_space<semaphore_mem>>)
      %dma_wait3A_142 = arith.constant 4 : i32
      %dma_wait3A_143 = arith.constant 0 : i32
      %dma_wait3A_144 = tpu.memref_slice %arg6[%dma_wait3A_142, %dma_wait3A_143] : memref<25x80xi32, #tpu.memory_space<vmem>> -> memref<1x80xi32, #tpu.memory_space<vmem>>
      %dma_wait3A_145 = tpu.memref_squeeze %dma_wait3A_144 : memref<1x80xi32, #tpu.memory_space<vmem>> -> memref<80xi32, #tpu.memory_space<vmem>>
      %dma_wait3A_146 = arith.constant 0 : i32
      %dma_wait3A_147 = arith.constant 0 : i32
      %dma_wait3A_148 = tpu.memref_slice %arg4[%dma_wait3A_146, %dma_wait3A_147] : memref<20000x64xf32, #tpu.memory_space<hbm>> -> memref<20000x64xf32, #tpu.memory_space<hbm>>
      tpu.wait_indirect_dma semaphore(%arg12 : memref<!tpu.dma_semaphore, #tpu.memory_space<semaphore_mem>>) src(%dma_wait3A_148 : memref<20000x64xf32, #tpu.memory_space<hbm>>) dst(%arg8 : memref<80x64xf32, #tpu.memory_space<vmem>>)
      %dma_start3A_149 = arith.constant 4 : i32
      %dma_start3A_150 = arith.constant 0 : i32
      %dma_start3A_151 = tpu.memref_slice %arg7[%dma_start3A_149, %dma_start3A_150] : memref<25x80xi32, #tpu.memory_space<vmem>> -> memref<1x80xi32, #tpu.memory_space<vmem>>
      %dma_start3A_152 = tpu.memref_squeeze %dma_start3A_151 : memref<1x80xi32, #tpu.memory_space<vmem>> -> memref<80xi32, #tpu.memory_space<vmem>>
      %dma_start3A_153 = arith.constant 0 : i32
      %dma_start3A_154 = arith.constant 0 : i32
      %dma_start3A_155 = tpu.memref_slice %arg11[%dma_start3A_153, %dma_start3A_154] : memref<10112x64xf32, #tpu.memory_space<vmem_shared>> -> memref<10112x64xf32, #tpu.memory_space<vmem_shared>>
      tpu.enqueue_indirect_dma source(%arg8 : memref<80x64xf32, #tpu.memory_space<vmem>>) target(%dma_start3A_155 : memref<10112x64xf32, #tpu.memory_space<vmem_shared>>) offsets(%dma_start3A_152 : memref<80xi32, #tpu.memory_space<vmem>>) semaphore(%arg14 : memref<!tpu.dma_semaphore, #tpu.memory_space<semaphore_mem>>) {add = true}
      %dma_wait3A_156 = arith.constant 4 : i32
      %dma_wait3A_157 = arith.constant 0 : i32
      %dma_wait3A_158 = tpu.memref_slice %arg7[%dma_wait3A_156, %dma_wait3A_157] : memref<25x80xi32, #tpu.memory_space<vmem>> -> memref<1x80xi32, #tpu.memory_space<vmem>>
      %dma_wait3A_159 = tpu.memref_squeeze %dma_wait3A_158 : memref<1x80xi32, #tpu.memory_space<vmem>> -> memref<80xi32, #tpu.memory_space<vmem>>
      %dma_wait3A_160 = arith.constant 0 : i32
      %dma_wait3A_161 = arith.constant 0 : i32
      %dma_wait3A_162 = tpu.memref_slice %arg11[%dma_wait3A_160, %dma_wait3A_161] : memref<10112x64xf32, #tpu.memory_space<vmem_shared>> -> memref<10112x64xf32, #tpu.memory_space<vmem_shared>>
      tpu.wait_indirect_dma semaphore(%arg14 : memref<!tpu.dma_semaphore, #tpu.memory_space<semaphore_mem>>) src(%arg8 : memref<80x64xf32, #tpu.memory_space<vmem>>) dst(%dma_wait3A_162 : memref<10112x64xf32, #tpu.memory_space<vmem_shared>>)
      %dma_start3A_163 = arith.constant 6 : i32
      %dma_start3A_164 = arith.constant 0 : i32
      %dma_start3A_165 = tpu.memref_slice %arg6[%dma_start3A_163, %dma_start3A_164] : memref<25x80xi32, #tpu.memory_space<vmem>> -> memref<1x80xi32, #tpu.memory_space<vmem>>
      %dma_start3A_166 = tpu.memref_squeeze %dma_start3A_165 : memref<1x80xi32, #tpu.memory_space<vmem>> -> memref<80xi32, #tpu.memory_space<vmem>>
      %dma_start3A_167 = arith.constant 0 : i32
      %dma_start3A_168 = arith.constant 0 : i32
      %dma_start3A_169 = tpu.memref_slice %arg4[%dma_start3A_167, %dma_start3A_168] : memref<20000x64xf32, #tpu.memory_space<hbm>> -> memref<20000x64xf32, #tpu.memory_space<hbm>>
      tpu.enqueue_indirect_dma source(%dma_start3A_169 : memref<20000x64xf32, #tpu.memory_space<hbm>>) target(%arg8 : memref<80x64xf32, #tpu.memory_space<vmem>>) offsets(%dma_start3A_166 : memref<80xi32, #tpu.memory_space<vmem>>) semaphore(%arg12 : memref<!tpu.dma_semaphore, #tpu.memory_space<semaphore_mem>>)
      %dma_wait3A_170 = arith.constant 5 : i32
      %dma_wait3A_171 = arith.constant 0 : i32
      %dma_wait3A_172 = tpu.memref_slice %arg6[%dma_wait3A_170, %dma_wait3A_171] : memref<25x80xi32, #tpu.memory_space<vmem>> -> memref<1x80xi32, #tpu.memory_space<vmem>>
      %dma_wait3A_173 = tpu.memref_squeeze %dma_wait3A_172 : memref<1x80xi32, #tpu.memory_space<vmem>> -> memref<80xi32, #tpu.memory_space<vmem>>
      %dma_wait3A_174 = arith.constant 0 : i32
      %dma_wait3A_175 = arith.constant 0 : i32
      %dma_wait3A_176 = tpu.memref_slice %arg4[%dma_wait3A_174, %dma_wait3A_175] : memref<20000x64xf32, #tpu.memory_space<hbm>> -> memref<20000x64xf32, #tpu.memory_space<hbm>>
      tpu.wait_indirect_dma semaphore(%arg13 : memref<!tpu.dma_semaphore, #tpu.memory_space<semaphore_mem>>) src(%dma_wait3A_176 : memref<20000x64xf32, #tpu.memory_space<hbm>>) dst(%arg9 : memref<80x64xf32, #tpu.memory_space<vmem>>)
      %dma_start3A_177 = arith.constant 5 : i32
      %dma_start3A_178 = arith.constant 0 : i32
      %dma_start3A_179 = tpu.memref_slice %arg7[%dma_start3A_177, %dma_start3A_178] : memref<25x80xi32, #tpu.memory_space<vmem>> -> memref<1x80xi32, #tpu.memory_space<vmem>>
      %dma_start3A_180 = tpu.memref_squeeze %dma_start3A_179 : memref<1x80xi32, #tpu.memory_space<vmem>> -> memref<80xi32, #tpu.memory_space<vmem>>
      %dma_start3A_181 = arith.constant 0 : i32
      %dma_start3A_182 = arith.constant 0 : i32
      %dma_start3A_183 = tpu.memref_slice %arg11[%dma_start3A_181, %dma_start3A_182] : memref<10112x64xf32, #tpu.memory_space<vmem_shared>> -> memref<10112x64xf32, #tpu.memory_space<vmem_shared>>
      tpu.enqueue_indirect_dma source(%arg9 : memref<80x64xf32, #tpu.memory_space<vmem>>) target(%dma_start3A_183 : memref<10112x64xf32, #tpu.memory_space<vmem_shared>>) offsets(%dma_start3A_180 : memref<80xi32, #tpu.memory_space<vmem>>) semaphore(%arg15 : memref<!tpu.dma_semaphore, #tpu.memory_space<semaphore_mem>>) {add = true}
      %dma_wait3A_184 = arith.constant 5 : i32
      %dma_wait3A_185 = arith.constant 0 : i32
      %dma_wait3A_186 = tpu.memref_slice %arg7[%dma_wait3A_184, %dma_wait3A_185] : memref<25x80xi32, #tpu.memory_space<vmem>> -> memref<1x80xi32, #tpu.memory_space<vmem>>
      %dma_wait3A_187 = tpu.memref_squeeze %dma_wait3A_186 : memref<1x80xi32, #tpu.memory_space<vmem>> -> memref<80xi32, #tpu.memory_space<vmem>>
      %dma_wait3A_188 = arith.constant 0 : i32
      %dma_wait3A_189 = arith.constant 0 : i32
      %dma_wait3A_190 = tpu.memref_slice %arg11[%dma_wait3A_188, %dma_wait3A_189] : memref<10112x64xf32, #tpu.memory_space<vmem_shared>> -> memref<10112x64xf32, #tpu.memory_space<vmem_shared>>
      tpu.wait_indirect_dma semaphore(%arg15 : memref<!tpu.dma_semaphore, #tpu.memory_space<semaphore_mem>>) src(%arg9 : memref<80x64xf32, #tpu.memory_space<vmem>>) dst(%dma_wait3A_190 : memref<10112x64xf32, #tpu.memory_space<vmem_shared>>)
      %dma_start3A_191 = arith.constant 7 : i32
      %dma_start3A_192 = arith.constant 0 : i32
      %dma_start3A_193 = tpu.memref_slice %arg6[%dma_start3A_191, %dma_start3A_192] : memref<25x80xi32, #tpu.memory_space<vmem>> -> memref<1x80xi32, #tpu.memory_space<vmem>>
      %dma_start3A_194 = tpu.memref_squeeze %dma_start3A_193 : memref<1x80xi32, #tpu.memory_space<vmem>> -> memref<80xi32, #tpu.memory_space<vmem>>
      %dma_start3A_195 = arith.constant 0 : i32
      %dma_start3A_196 = arith.constant 0 : i32
      %dma_start3A_197 = tpu.memref_slice %arg4[%dma_start3A_195, %dma_start3A_196] : memref<20000x64xf32, #tpu.memory_space<hbm>> -> memref<20000x64xf32, #tpu.memory_space<hbm>>
      tpu.enqueue_indirect_dma source(%dma_start3A_197 : memref<20000x64xf32, #tpu.memory_space<hbm>>) target(%arg9 : memref<80x64xf32, #tpu.memory_space<vmem>>) offsets(%dma_start3A_194 : memref<80xi32, #tpu.memory_space<vmem>>) semaphore(%arg13 : memref<!tpu.dma_semaphore, #tpu.memory_space<semaphore_mem>>)
      %dma_wait3A_198 = arith.constant 6 : i32
      %dma_wait3A_199 = arith.constant 0 : i32
      %dma_wait3A_200 = tpu.memref_slice %arg6[%dma_wait3A_198, %dma_wait3A_199] : memref<25x80xi32, #tpu.memory_space<vmem>> -> memref<1x80xi32, #tpu.memory_space<vmem>>
      %dma_wait3A_201 = tpu.memref_squeeze %dma_wait3A_200 : memref<1x80xi32, #tpu.memory_space<vmem>> -> memref<80xi32, #tpu.memory_space<vmem>>
      %dma_wait3A_202 = arith.constant 0 : i32
      %dma_wait3A_203 = arith.constant 0 : i32
      %dma_wait3A_204 = tpu.memref_slice %arg4[%dma_wait3A_202, %dma_wait3A_203] : memref<20000x64xf32, #tpu.memory_space<hbm>> -> memref<20000x64xf32, #tpu.memory_space<hbm>>
      tpu.wait_indirect_dma semaphore(%arg12 : memref<!tpu.dma_semaphore, #tpu.memory_space<semaphore_mem>>) src(%dma_wait3A_204 : memref<20000x64xf32, #tpu.memory_space<hbm>>) dst(%arg8 : memref<80x64xf32, #tpu.memory_space<vmem>>)
      %dma_start3A_205 = arith.constant 6 : i32
      %dma_start3A_206 = arith.constant 0 : i32
      %dma_start3A_207 = tpu.memref_slice %arg7[%dma_start3A_205, %dma_start3A_206] : memref<25x80xi32, #tpu.memory_space<vmem>> -> memref<1x80xi32, #tpu.memory_space<vmem>>
      %dma_start3A_208 = tpu.memref_squeeze %dma_start3A_207 : memref<1x80xi32, #tpu.memory_space<vmem>> -> memref<80xi32, #tpu.memory_space<vmem>>
      %dma_start3A_209 = arith.constant 0 : i32
      %dma_start3A_210 = arith.constant 0 : i32
      %dma_start3A_211 = tpu.memref_slice %arg11[%dma_start3A_209, %dma_start3A_210] : memref<10112x64xf32, #tpu.memory_space<vmem_shared>> -> memref<10112x64xf32, #tpu.memory_space<vmem_shared>>
      tpu.enqueue_indirect_dma source(%arg8 : memref<80x64xf32, #tpu.memory_space<vmem>>) target(%dma_start3A_211 : memref<10112x64xf32, #tpu.memory_space<vmem_shared>>) offsets(%dma_start3A_208 : memref<80xi32, #tpu.memory_space<vmem>>) semaphore(%arg14 : memref<!tpu.dma_semaphore, #tpu.memory_space<semaphore_mem>>) {add = true}
      %dma_wait3A_212 = arith.constant 6 : i32
      %dma_wait3A_213 = arith.constant 0 : i32
      %dma_wait3A_214 = tpu.memref_slice %arg7[%dma_wait3A_212, %dma_wait3A_213] : memref<25x80xi32, #tpu.memory_space<vmem>> -> memref<1x80xi32, #tpu.memory_space<vmem>>
      %dma_wait3A_215 = tpu.memref_squeeze %dma_wait3A_214 : memref<1x80xi32, #tpu.memory_space<vmem>> -> memref<80xi32, #tpu.memory_space<vmem>>
      %dma_wait3A_216 = arith.constant 0 : i32
      %dma_wait3A_217 = arith.constant 0 : i32
      %dma_wait3A_218 = tpu.memref_slice %arg11[%dma_wait3A_216, %dma_wait3A_217] : memref<10112x64xf32, #tpu.memory_space<vmem_shared>> -> memref<10112x64xf32, #tpu.memory_space<vmem_shared>>
      tpu.wait_indirect_dma semaphore(%arg14 : memref<!tpu.dma_semaphore, #tpu.memory_space<semaphore_mem>>) src(%arg8 : memref<80x64xf32, #tpu.memory_space<vmem>>) dst(%dma_wait3A_218 : memref<10112x64xf32, #tpu.memory_space<vmem_shared>>)
      %dma_start3A_219 = arith.constant 8 : i32
      %dma_start3A_220 = arith.constant 0 : i32
      %dma_start3A_221 = tpu.memref_slice %arg6[%dma_start3A_219, %dma_start3A_220] : memref<25x80xi32, #tpu.memory_space<vmem>> -> memref<1x80xi32, #tpu.memory_space<vmem>>
      %dma_start3A_222 = tpu.memref_squeeze %dma_start3A_221 : memref<1x80xi32, #tpu.memory_space<vmem>> -> memref<80xi32, #tpu.memory_space<vmem>>
      %dma_start3A_223 = arith.constant 0 : i32
      %dma_start3A_224 = arith.constant 0 : i32
      %dma_start3A_225 = tpu.memref_slice %arg4[%dma_start3A_223, %dma_start3A_224] : memref<20000x64xf32, #tpu.memory_space<hbm>> -> memref<20000x64xf32, #tpu.memory_space<hbm>>
      tpu.enqueue_indirect_dma source(%dma_start3A_225 : memref<20000x64xf32, #tpu.memory_space<hbm>>) target(%arg8 : memref<80x64xf32, #tpu.memory_space<vmem>>) offsets(%dma_start3A_222 : memref<80xi32, #tpu.memory_space<vmem>>) semaphore(%arg12 : memref<!tpu.dma_semaphore, #tpu.memory_space<semaphore_mem>>)
      %dma_wait3A_226 = arith.constant 7 : i32
      %dma_wait3A_227 = arith.constant 0 : i32
      %dma_wait3A_228 = tpu.memref_slice %arg6[%dma_wait3A_226, %dma_wait3A_227] : memref<25x80xi32, #tpu.memory_space<vmem>> -> memref<1x80xi32, #tpu.memory_space<vmem>>
      %dma_wait3A_229 = tpu.memref_squeeze %dma_wait3A_228 : memref<1x80xi32, #tpu.memory_space<vmem>> -> memref<80xi32, #tpu.memory_space<vmem>>
      %dma_wait3A_230 = arith.constant 0 : i32
      %dma_wait3A_231 = arith.constant 0 : i32
      %dma_wait3A_232 = tpu.memref_slice %arg4[%dma_wait3A_230, %dma_wait3A_231] : memref<20000x64xf32, #tpu.memory_space<hbm>> -> memref<20000x64xf32, #tpu.memory_space<hbm>>
      tpu.wait_indirect_dma semaphore(%arg13 : memref<!tpu.dma_semaphore, #tpu.memory_space<semaphore_mem>>) src(%dma_wait3A_232 : memref<20000x64xf32, #tpu.memory_space<hbm>>) dst(%arg9 : memref<80x64xf32, #tpu.memory_space<vmem>>)
      %dma_start3A_233 = arith.constant 7 : i32
      %dma_start3A_234 = arith.constant 0 : i32
      %dma_start3A_235 = tpu.memref_slice %arg7[%dma_start3A_233, %dma_start3A_234] : memref<25x80xi32, #tpu.memory_space<vmem>> -> memref<1x80xi32, #tpu.memory_space<vmem>>
      %dma_start3A_236 = tpu.memref_squeeze %dma_start3A_235 : memref<1x80xi32, #tpu.memory_space<vmem>> -> memref<80xi32, #tpu.memory_space<vmem>>
      %dma_start3A_237 = arith.constant 0 : i32
      %dma_start3A_238 = arith.constant 0 : i32
      %dma_start3A_239 = tpu.memref_slice %arg11[%dma_start3A_237, %dma_start3A_238] : memref<10112x64xf32, #tpu.memory_space<vmem_shared>> -> memref<10112x64xf32, #tpu.memory_space<vmem_shared>>
      tpu.enqueue_indirect_dma source(%arg9 : memref<80x64xf32, #tpu.memory_space<vmem>>) target(%dma_start3A_239 : memref<10112x64xf32, #tpu.memory_space<vmem_shared>>) offsets(%dma_start3A_236 : memref<80xi32, #tpu.memory_space<vmem>>) semaphore(%arg15 : memref<!tpu.dma_semaphore, #tpu.memory_space<semaphore_mem>>) {add = true}
      %dma_wait3A_240 = arith.constant 7 : i32
      %dma_wait3A_241 = arith.constant 0 : i32
      %dma_wait3A_242 = tpu.memref_slice %arg7[%dma_wait3A_240, %dma_wait3A_241] : memref<25x80xi32, #tpu.memory_space<vmem>> -> memref<1x80xi32, #tpu.memory_space<vmem>>
      %dma_wait3A_243 = tpu.memref_squeeze %dma_wait3A_242 : memref<1x80xi32, #tpu.memory_space<vmem>> -> memref<80xi32, #tpu.memory_space<vmem>>
      %dma_wait3A_244 = arith.constant 0 : i32
      %dma_wait3A_245 = arith.constant 0 : i32
      %dma_wait3A_246 = tpu.memref_slice %arg11[%dma_wait3A_244, %dma_wait3A_245] : memref<10112x64xf32, #tpu.memory_space<vmem_shared>> -> memref<10112x64xf32, #tpu.memory_space<vmem_shared>>
      tpu.wait_indirect_dma semaphore(%arg15 : memref<!tpu.dma_semaphore, #tpu.memory_space<semaphore_mem>>) src(%arg9 : memref<80x64xf32, #tpu.memory_space<vmem>>) dst(%dma_wait3A_246 : memref<10112x64xf32, #tpu.memory_space<vmem_shared>>)
      %dma_start3A_247 = arith.constant 9 : i32
      %dma_start3A_248 = arith.constant 0 : i32
      %dma_start3A_249 = tpu.memref_slice %arg6[%dma_start3A_247, %dma_start3A_248] : memref<25x80xi32, #tpu.memory_space<vmem>> -> memref<1x80xi32, #tpu.memory_space<vmem>>
      %dma_start3A_250 = tpu.memref_squeeze %dma_start3A_249 : memref<1x80xi32, #tpu.memory_space<vmem>> -> memref<80xi32, #tpu.memory_space<vmem>>
      %dma_start3A_251 = arith.constant 0 : i32
      %dma_start3A_252 = arith.constant 0 : i32
      %dma_start3A_253 = tpu.memref_slice %arg4[%dma_start3A_251, %dma_start3A_252] : memref<20000x64xf32, #tpu.memory_space<hbm>> -> memref<20000x64xf32, #tpu.memory_space<hbm>>
      tpu.enqueue_indirect_dma source(%dma_start3A_253 : memref<20000x64xf32, #tpu.memory_space<hbm>>) target(%arg9 : memref<80x64xf32, #tpu.memory_space<vmem>>) offsets(%dma_start3A_250 : memref<80xi32, #tpu.memory_space<vmem>>) semaphore(%arg13 : memref<!tpu.dma_semaphore, #tpu.memory_space<semaphore_mem>>)
      %dma_wait3A_254 = arith.constant 8 : i32
      %dma_wait3A_255 = arith.constant 0 : i32
      %dma_wait3A_256 = tpu.memref_slice %arg6[%dma_wait3A_254, %dma_wait3A_255] : memref<25x80xi32, #tpu.memory_space<vmem>> -> memref<1x80xi32, #tpu.memory_space<vmem>>
      %dma_wait3A_257 = tpu.memref_squeeze %dma_wait3A_256 : memref<1x80xi32, #tpu.memory_space<vmem>> -> memref<80xi32, #tpu.memory_space<vmem>>
      %dma_wait3A_258 = arith.constant 0 : i32
      %dma_wait3A_259 = arith.constant 0 : i32
      %dma_wait3A_260 = tpu.memref_slice %arg4[%dma_wait3A_258, %dma_wait3A_259] : memref<20000x64xf32, #tpu.memory_space<hbm>> -> memref<20000x64xf32, #tpu.memory_space<hbm>>
      tpu.wait_indirect_dma semaphore(%arg12 : memref<!tpu.dma_semaphore, #tpu.memory_space<semaphore_mem>>) src(%dma_wait3A_260 : memref<20000x64xf32, #tpu.memory_space<hbm>>) dst(%arg8 : memref<80x64xf32, #tpu.memory_space<vmem>>)
      %dma_start3A_261 = arith.constant 8 : i32
      %dma_start3A_262 = arith.constant 0 : i32
      %dma_start3A_263 = tpu.memref_slice %arg7[%dma_start3A_261, %dma_start3A_262] : memref<25x80xi32, #tpu.memory_space<vmem>> -> memref<1x80xi32, #tpu.memory_space<vmem>>
      %dma_start3A_264 = tpu.memref_squeeze %dma_start3A_263 : memref<1x80xi32, #tpu.memory_space<vmem>> -> memref<80xi32, #tpu.memory_space<vmem>>
      %dma_start3A_265 = arith.constant 0 : i32
      %dma_start3A_266 = arith.constant 0 : i32
      %dma_start3A_267 = tpu.memref_slice %arg11[%dma_start3A_265, %dma_start3A_266] : memref<10112x64xf32, #tpu.memory_space<vmem_shared>> -> memref<10112x64xf32, #tpu.memory_space<vmem_shared>>
      tpu.enqueue_indirect_dma source(%arg8 : memref<80x64xf32, #tpu.memory_space<vmem>>) target(%dma_start3A_267 : memref<10112x64xf32, #tpu.memory_space<vmem_shared>>) offsets(%dma_start3A_264 : memref<80xi32, #tpu.memory_space<vmem>>) semaphore(%arg14 : memref<!tpu.dma_semaphore, #tpu.memory_space<semaphore_mem>>) {add = true}
      %dma_wait3A_268 = arith.constant 8 : i32
      %dma_wait3A_269 = arith.constant 0 : i32
      %dma_wait3A_270 = tpu.memref_slice %arg7[%dma_wait3A_268, %dma_wait3A_269] : memref<25x80xi32, #tpu.memory_space<vmem>> -> memref<1x80xi32, #tpu.memory_space<vmem>>
      %dma_wait3A_271 = tpu.memref_squeeze %dma_wait3A_270 : memref<1x80xi32, #tpu.memory_space<vmem>> -> memref<80xi32, #tpu.memory_space<vmem>>
      %dma_wait3A_272 = arith.constant 0 : i32
      %dma_wait3A_273 = arith.constant 0 : i32
      %dma_wait3A_274 = tpu.memref_slice %arg11[%dma_wait3A_272, %dma_wait3A_273] : memref<10112x64xf32, #tpu.memory_space<vmem_shared>> -> memref<10112x64xf32, #tpu.memory_space<vmem_shared>>
      tpu.wait_indirect_dma semaphore(%arg14 : memref<!tpu.dma_semaphore, #tpu.memory_space<semaphore_mem>>) src(%arg8 : memref<80x64xf32, #tpu.memory_space<vmem>>) dst(%dma_wait3A_274 : memref<10112x64xf32, #tpu.memory_space<vmem_shared>>)
      %dma_start3A_275 = arith.constant 10 : i32
      %dma_start3A_276 = arith.constant 0 : i32
      %dma_start3A_277 = tpu.memref_slice %arg6[%dma_start3A_275, %dma_start3A_276] : memref<25x80xi32, #tpu.memory_space<vmem>> -> memref<1x80xi32, #tpu.memory_space<vmem>>
      %dma_start3A_278 = tpu.memref_squeeze %dma_start3A_277 : memref<1x80xi32, #tpu.memory_space<vmem>> -> memref<80xi32, #tpu.memory_space<vmem>>
      %dma_start3A_279 = arith.constant 0 : i32
      %dma_start3A_280 = arith.constant 0 : i32
      %dma_start3A_281 = tpu.memref_slice %arg4[%dma_start3A_279, %dma_start3A_280] : memref<20000x64xf32, #tpu.memory_space<hbm>> -> memref<20000x64xf32, #tpu.memory_space<hbm>>
      tpu.enqueue_indirect_dma source(%dma_start3A_281 : memref<20000x64xf32, #tpu.memory_space<hbm>>) target(%arg8 : memref<80x64xf32, #tpu.memory_space<vmem>>) offsets(%dma_start3A_278 : memref<80xi32, #tpu.memory_space<vmem>>) semaphore(%arg12 : memref<!tpu.dma_semaphore, #tpu.memory_space<semaphore_mem>>)
      %dma_wait3A_282 = arith.constant 9 : i32
      %dma_wait3A_283 = arith.constant 0 : i32
      %dma_wait3A_284 = tpu.memref_slice %arg6[%dma_wait3A_282, %dma_wait3A_283] : memref<25x80xi32, #tpu.memory_space<vmem>> -> memref<1x80xi32, #tpu.memory_space<vmem>>
      %dma_wait3A_285 = tpu.memref_squeeze %dma_wait3A_284 : memref<1x80xi32, #tpu.memory_space<vmem>> -> memref<80xi32, #tpu.memory_space<vmem>>
      %dma_wait3A_286 = arith.constant 0 : i32
      %dma_wait3A_287 = arith.constant 0 : i32
      %dma_wait3A_288 = tpu.memref_slice %arg4[%dma_wait3A_286, %dma_wait3A_287] : memref<20000x64xf32, #tpu.memory_space<hbm>> -> memref<20000x64xf32, #tpu.memory_space<hbm>>
      tpu.wait_indirect_dma semaphore(%arg13 : memref<!tpu.dma_semaphore, #tpu.memory_space<semaphore_mem>>) src(%dma_wait3A_288 : memref<20000x64xf32, #tpu.memory_space<hbm>>) dst(%arg9 : memref<80x64xf32, #tpu.memory_space<vmem>>)
      %dma_start3A_289 = arith.constant 9 : i32
      %dma_start3A_290 = arith.constant 0 : i32
      %dma_start3A_291 = tpu.memref_slice %arg7[%dma_start3A_289, %dma_start3A_290] : memref<25x80xi32, #tpu.memory_space<vmem>> -> memref<1x80xi32, #tpu.memory_space<vmem>>
      %dma_start3A_292 = tpu.memref_squeeze %dma_start3A_291 : memref<1x80xi32, #tpu.memory_space<vmem>> -> memref<80xi32, #tpu.memory_space<vmem>>
      %dma_start3A_293 = arith.constant 0 : i32
      %dma_start3A_294 = arith.constant 0 : i32
      %dma_start3A_295 = tpu.memref_slice %arg11[%dma_start3A_293, %dma_start3A_294] : memref<10112x64xf32, #tpu.memory_space<vmem_shared>> -> memref<10112x64xf32, #tpu.memory_space<vmem_shared>>
      tpu.enqueue_indirect_dma source(%arg9 : memref<80x64xf32, #tpu.memory_space<vmem>>) target(%dma_start3A_295 : memref<10112x64xf32, #tpu.memory_space<vmem_shared>>) offsets(%dma_start3A_292 : memref<80xi32, #tpu.memory_space<vmem>>) semaphore(%arg15 : memref<!tpu.dma_semaphore, #tpu.memory_space<semaphore_mem>>) {add = true}
      %dma_wait3A_296 = arith.constant 9 : i32
      %dma_wait3A_297 = arith.constant 0 : i32
      %dma_wait3A_298 = tpu.memref_slice %arg7[%dma_wait3A_296, %dma_wait3A_297] : memref<25x80xi32, #tpu.memory_space<vmem>> -> memref<1x80xi32, #tpu.memory_space<vmem>>
      %dma_wait3A_299 = tpu.memref_squeeze %dma_wait3A_298 : memref<1x80xi32, #tpu.memory_space<vmem>> -> memref<80xi32, #tpu.memory_space<vmem>>
      %dma_wait3A_300 = arith.constant 0 : i32
      %dma_wait3A_301 = arith.constant 0 : i32
      %dma_wait3A_302 = tpu.memref_slice %arg11[%dma_wait3A_300, %dma_wait3A_301] : memref<10112x64xf32, #tpu.memory_space<vmem_shared>> -> memref<10112x64xf32, #tpu.memory_space<vmem_shared>>
      tpu.wait_indirect_dma semaphore(%arg15 : memref<!tpu.dma_semaphore, #tpu.memory_space<semaphore_mem>>) src(%arg9 : memref<80x64xf32, #tpu.memory_space<vmem>>) dst(%dma_wait3A_302 : memref<10112x64xf32, #tpu.memory_space<vmem_shared>>)
      %dma_start3A_303 = arith.constant 11 : i32
      %dma_start3A_304 = arith.constant 0 : i32
      %dma_start3A_305 = tpu.memref_slice %arg6[%dma_start3A_303, %dma_start3A_304] : memref<25x80xi32, #tpu.memory_space<vmem>> -> memref<1x80xi32, #tpu.memory_space<vmem>>
      %dma_start3A_306 = tpu.memref_squeeze %dma_start3A_305 : memref<1x80xi32, #tpu.memory_space<vmem>> -> memref<80xi32, #tpu.memory_space<vmem>>
      %dma_start3A_307 = arith.constant 0 : i32
      %dma_start3A_308 = arith.constant 0 : i32
      %dma_start3A_309 = tpu.memref_slice %arg4[%dma_start3A_307, %dma_start3A_308] : memref<20000x64xf32, #tpu.memory_space<hbm>> -> memref<20000x64xf32, #tpu.memory_space<hbm>>
      tpu.enqueue_indirect_dma source(%dma_start3A_309 : memref<20000x64xf32, #tpu.memory_space<hbm>>) target(%arg9 : memref<80x64xf32, #tpu.memory_space<vmem>>) offsets(%dma_start3A_306 : memref<80xi32, #tpu.memory_space<vmem>>) semaphore(%arg13 : memref<!tpu.dma_semaphore, #tpu.memory_space<semaphore_mem>>)
      %dma_wait3A_310 = arith.constant 10 : i32
      %dma_wait3A_311 = arith.constant 0 : i32
      %dma_wait3A_312 = tpu.memref_slice %arg6[%dma_wait3A_310, %dma_wait3A_311] : memref<25x80xi32, #tpu.memory_space<vmem>> -> memref<1x80xi32, #tpu.memory_space<vmem>>
      %dma_wait3A_313 = tpu.memref_squeeze %dma_wait3A_312 : memref<1x80xi32, #tpu.memory_space<vmem>> -> memref<80xi32, #tpu.memory_space<vmem>>
      %dma_wait3A_314 = arith.constant 0 : i32
      %dma_wait3A_315 = arith.constant 0 : i32
      %dma_wait3A_316 = tpu.memref_slice %arg4[%dma_wait3A_314, %dma_wait3A_315] : memref<20000x64xf32, #tpu.memory_space<hbm>> -> memref<20000x64xf32, #tpu.memory_space<hbm>>
      tpu.wait_indirect_dma semaphore(%arg12 : memref<!tpu.dma_semaphore, #tpu.memory_space<semaphore_mem>>) src(%dma_wait3A_316 : memref<20000x64xf32, #tpu.memory_space<hbm>>) dst(%arg8 : memref<80x64xf32, #tpu.memory_space<vmem>>)
      %dma_start3A_317 = arith.constant 10 : i32
      %dma_start3A_318 = arith.constant 0 : i32
      %dma_start3A_319 = tpu.memref_slice %arg7[%dma_start3A_317, %dma_start3A_318] : memref<25x80xi32, #tpu.memory_space<vmem>> -> memref<1x80xi32, #tpu.memory_space<vmem>>
      %dma_start3A_320 = tpu.memref_squeeze %dma_start3A_319 : memref<1x80xi32, #tpu.memory_space<vmem>> -> memref<80xi32, #tpu.memory_space<vmem>>
      %dma_start3A_321 = arith.constant 0 : i32
      %dma_start3A_322 = arith.constant 0 : i32
      %dma_start3A_323 = tpu.memref_slice %arg11[%dma_start3A_321, %dma_start3A_322] : memref<10112x64xf32, #tpu.memory_space<vmem_shared>> -> memref<10112x64xf32, #tpu.memory_space<vmem_shared>>
      tpu.enqueue_indirect_dma source(%arg8 : memref<80x64xf32, #tpu.memory_space<vmem>>) target(%dma_start3A_323 : memref<10112x64xf32, #tpu.memory_space<vmem_shared>>) offsets(%dma_start3A_320 : memref<80xi32, #tpu.memory_space<vmem>>) semaphore(%arg14 : memref<!tpu.dma_semaphore, #tpu.memory_space<semaphore_mem>>) {add = true}
      %dma_wait3A_324 = arith.constant 10 : i32
      %dma_wait3A_325 = arith.constant 0 : i32
      %dma_wait3A_326 = tpu.memref_slice %arg7[%dma_wait3A_324, %dma_wait3A_325] : memref<25x80xi32, #tpu.memory_space<vmem>> -> memref<1x80xi32, #tpu.memory_space<vmem>>
      %dma_wait3A_327 = tpu.memref_squeeze %dma_wait3A_326 : memref<1x80xi32, #tpu.memory_space<vmem>> -> memref<80xi32, #tpu.memory_space<vmem>>
      %dma_wait3A_328 = arith.constant 0 : i32
      %dma_wait3A_329 = arith.constant 0 : i32
      %dma_wait3A_330 = tpu.memref_slice %arg11[%dma_wait3A_328, %dma_wait3A_329] : memref<10112x64xf32, #tpu.memory_space<vmem_shared>> -> memref<10112x64xf32, #tpu.memory_space<vmem_shared>>
      tpu.wait_indirect_dma semaphore(%arg14 : memref<!tpu.dma_semaphore, #tpu.memory_space<semaphore_mem>>) src(%arg8 : memref<80x64xf32, #tpu.memory_space<vmem>>) dst(%dma_wait3A_330 : memref<10112x64xf32, #tpu.memory_space<vmem_shared>>)
      %dma_start3A_331 = arith.constant 12 : i32
      %dma_start3A_332 = arith.constant 0 : i32
      %dma_start3A_333 = tpu.memref_slice %arg6[%dma_start3A_331, %dma_start3A_332] : memref<25x80xi32, #tpu.memory_space<vmem>> -> memref<1x80xi32, #tpu.memory_space<vmem>>
      %dma_start3A_334 = tpu.memref_squeeze %dma_start3A_333 : memref<1x80xi32, #tpu.memory_space<vmem>> -> memref<80xi32, #tpu.memory_space<vmem>>
      %dma_start3A_335 = arith.constant 0 : i32
      %dma_start3A_336 = arith.constant 0 : i32
      %dma_start3A_337 = tpu.memref_slice %arg4[%dma_start3A_335, %dma_start3A_336] : memref<20000x64xf32, #tpu.memory_space<hbm>> -> memref<20000x64xf32, #tpu.memory_space<hbm>>
      tpu.enqueue_indirect_dma source(%dma_start3A_337 : memref<20000x64xf32, #tpu.memory_space<hbm>>) target(%arg8 : memref<80x64xf32, #tpu.memory_space<vmem>>) offsets(%dma_start3A_334 : memref<80xi32, #tpu.memory_space<vmem>>) semaphore(%arg12 : memref<!tpu.dma_semaphore, #tpu.memory_space<semaphore_mem>>)
      %dma_wait3A_338 = arith.constant 11 : i32
      %dma_wait3A_339 = arith.constant 0 : i32
      %dma_wait3A_340 = tpu.memref_slice %arg6[%dma_wait3A_338, %dma_wait3A_339] : memref<25x80xi32, #tpu.memory_space<vmem>> -> memref<1x80xi32, #tpu.memory_space<vmem>>
      %dma_wait3A_341 = tpu.memref_squeeze %dma_wait3A_340 : memref<1x80xi32, #tpu.memory_space<vmem>> -> memref<80xi32, #tpu.memory_space<vmem>>
      %dma_wait3A_342 = arith.constant 0 : i32
      %dma_wait3A_343 = arith.constant 0 : i32
      %dma_wait3A_344 = tpu.memref_slice %arg4[%dma_wait3A_342, %dma_wait3A_343] : memref<20000x64xf32, #tpu.memory_space<hbm>> -> memref<20000x64xf32, #tpu.memory_space<hbm>>
      tpu.wait_indirect_dma semaphore(%arg13 : memref<!tpu.dma_semaphore, #tpu.memory_space<semaphore_mem>>) src(%dma_wait3A_344 : memref<20000x64xf32, #tpu.memory_space<hbm>>) dst(%arg9 : memref<80x64xf32, #tpu.memory_space<vmem>>)
      %dma_start3A_345 = arith.constant 11 : i32
      %dma_start3A_346 = arith.constant 0 : i32
      %dma_start3A_347 = tpu.memref_slice %arg7[%dma_start3A_345, %dma_start3A_346] : memref<25x80xi32, #tpu.memory_space<vmem>> -> memref<1x80xi32, #tpu.memory_space<vmem>>
      %dma_start3A_348 = tpu.memref_squeeze %dma_start3A_347 : memref<1x80xi32, #tpu.memory_space<vmem>> -> memref<80xi32, #tpu.memory_space<vmem>>
      %dma_start3A_349 = arith.constant 0 : i32
      %dma_start3A_350 = arith.constant 0 : i32
      %dma_start3A_351 = tpu.memref_slice %arg11[%dma_start3A_349, %dma_start3A_350] : memref<10112x64xf32, #tpu.memory_space<vmem_shared>> -> memref<10112x64xf32, #tpu.memory_space<vmem_shared>>
      tpu.enqueue_indirect_dma source(%arg9 : memref<80x64xf32, #tpu.memory_space<vmem>>) target(%dma_start3A_351 : memref<10112x64xf32, #tpu.memory_space<vmem_shared>>) offsets(%dma_start3A_348 : memref<80xi32, #tpu.memory_space<vmem>>) semaphore(%arg15 : memref<!tpu.dma_semaphore, #tpu.memory_space<semaphore_mem>>) {add = true}
      %dma_wait3A_352 = arith.constant 11 : i32
      %dma_wait3A_353 = arith.constant 0 : i32
      %dma_wait3A_354 = tpu.memref_slice %arg7[%dma_wait3A_352, %dma_wait3A_353] : memref<25x80xi32, #tpu.memory_space<vmem>> -> memref<1x80xi32, #tpu.memory_space<vmem>>
      %dma_wait3A_355 = tpu.memref_squeeze %dma_wait3A_354 : memref<1x80xi32, #tpu.memory_space<vmem>> -> memref<80xi32, #tpu.memory_space<vmem>>
      %dma_wait3A_356 = arith.constant 0 : i32
      %dma_wait3A_357 = arith.constant 0 : i32
      %dma_wait3A_358 = tpu.memref_slice %arg11[%dma_wait3A_356, %dma_wait3A_357] : memref<10112x64xf32, #tpu.memory_space<vmem_shared>> -> memref<10112x64xf32, #tpu.memory_space<vmem_shared>>
      tpu.wait_indirect_dma semaphore(%arg15 : memref<!tpu.dma_semaphore, #tpu.memory_space<semaphore_mem>>) src(%arg9 : memref<80x64xf32, #tpu.memory_space<vmem>>) dst(%dma_wait3A_358 : memref<10112x64xf32, #tpu.memory_space<vmem_shared>>)
      %dma_start3A_359 = arith.constant 13 : i32
      %dma_start3A_360 = arith.constant 0 : i32
      %dma_start3A_361 = tpu.memref_slice %arg6[%dma_start3A_359, %dma_start3A_360] : memref<25x80xi32, #tpu.memory_space<vmem>> -> memref<1x80xi32, #tpu.memory_space<vmem>>
      %dma_start3A_362 = tpu.memref_squeeze %dma_start3A_361 : memref<1x80xi32, #tpu.memory_space<vmem>> -> memref<80xi32, #tpu.memory_space<vmem>>
      %dma_start3A_363 = arith.constant 0 : i32
      %dma_start3A_364 = arith.constant 0 : i32
      %dma_start3A_365 = tpu.memref_slice %arg4[%dma_start3A_363, %dma_start3A_364] : memref<20000x64xf32, #tpu.memory_space<hbm>> -> memref<20000x64xf32, #tpu.memory_space<hbm>>
      tpu.enqueue_indirect_dma source(%dma_start3A_365 : memref<20000x64xf32, #tpu.memory_space<hbm>>) target(%arg9 : memref<80x64xf32, #tpu.memory_space<vmem>>) offsets(%dma_start3A_362 : memref<80xi32, #tpu.memory_space<vmem>>) semaphore(%arg13 : memref<!tpu.dma_semaphore, #tpu.memory_space<semaphore_mem>>)
      %dma_wait3A_366 = arith.constant 12 : i32
      %dma_wait3A_367 = arith.constant 0 : i32
      %dma_wait3A_368 = tpu.memref_slice %arg6[%dma_wait3A_366, %dma_wait3A_367] : memref<25x80xi32, #tpu.memory_space<vmem>> -> memref<1x80xi32, #tpu.memory_space<vmem>>
      %dma_wait3A_369 = tpu.memref_squeeze %dma_wait3A_368 : memref<1x80xi32, #tpu.memory_space<vmem>> -> memref<80xi32, #tpu.memory_space<vmem>>
      %dma_wait3A_370 = arith.constant 0 : i32
      %dma_wait3A_371 = arith.constant 0 : i32
      %dma_wait3A_372 = tpu.memref_slice %arg4[%dma_wait3A_370, %dma_wait3A_371] : memref<20000x64xf32, #tpu.memory_space<hbm>> -> memref<20000x64xf32, #tpu.memory_space<hbm>>
      tpu.wait_indirect_dma semaphore(%arg12 : memref<!tpu.dma_semaphore, #tpu.memory_space<semaphore_mem>>) src(%dma_wait3A_372 : memref<20000x64xf32, #tpu.memory_space<hbm>>) dst(%arg8 : memref<80x64xf32, #tpu.memory_space<vmem>>)
      %dma_start3A_373 = arith.constant 12 : i32
      %dma_start3A_374 = arith.constant 0 : i32
      %dma_start3A_375 = tpu.memref_slice %arg7[%dma_start3A_373, %dma_start3A_374] : memref<25x80xi32, #tpu.memory_space<vmem>> -> memref<1x80xi32, #tpu.memory_space<vmem>>
      %dma_start3A_376 = tpu.memref_squeeze %dma_start3A_375 : memref<1x80xi32, #tpu.memory_space<vmem>> -> memref<80xi32, #tpu.memory_space<vmem>>
      %dma_start3A_377 = arith.constant 0 : i32
      %dma_start3A_378 = arith.constant 0 : i32
      %dma_start3A_379 = tpu.memref_slice %arg11[%dma_start3A_377, %dma_start3A_378] : memref<10112x64xf32, #tpu.memory_space<vmem_shared>> -> memref<10112x64xf32, #tpu.memory_space<vmem_shared>>
      tpu.enqueue_indirect_dma source(%arg8 : memref<80x64xf32, #tpu.memory_space<vmem>>) target(%dma_start3A_379 : memref<10112x64xf32, #tpu.memory_space<vmem_shared>>) offsets(%dma_start3A_376 : memref<80xi32, #tpu.memory_space<vmem>>) semaphore(%arg14 : memref<!tpu.dma_semaphore, #tpu.memory_space<semaphore_mem>>) {add = true}
      %dma_wait3A_380 = arith.constant 12 : i32
      %dma_wait3A_381 = arith.constant 0 : i32
      %dma_wait3A_382 = tpu.memref_slice %arg7[%dma_wait3A_380, %dma_wait3A_381] : memref<25x80xi32, #tpu.memory_space<vmem>> -> memref<1x80xi32, #tpu.memory_space<vmem>>
      %dma_wait3A_383 = tpu.memref_squeeze %dma_wait3A_382 : memref<1x80xi32, #tpu.memory_space<vmem>> -> memref<80xi32, #tpu.memory_space<vmem>>
      %dma_wait3A_384 = arith.constant 0 : i32
      %dma_wait3A_385 = arith.constant 0 : i32
      %dma_wait3A_386 = tpu.memref_slice %arg11[%dma_wait3A_384, %dma_wait3A_385] : memref<10112x64xf32, #tpu.memory_space<vmem_shared>> -> memref<10112x64xf32, #tpu.memory_space<vmem_shared>>
      tpu.wait_indirect_dma semaphore(%arg14 : memref<!tpu.dma_semaphore, #tpu.memory_space<semaphore_mem>>) src(%arg8 : memref<80x64xf32, #tpu.memory_space<vmem>>) dst(%dma_wait3A_386 : memref<10112x64xf32, #tpu.memory_space<vmem_shared>>)
      %dma_start3A_387 = arith.constant 14 : i32
      %dma_start3A_388 = arith.constant 0 : i32
      %dma_start3A_389 = tpu.memref_slice %arg6[%dma_start3A_387, %dma_start3A_388] : memref<25x80xi32, #tpu.memory_space<vmem>> -> memref<1x80xi32, #tpu.memory_space<vmem>>
      %dma_start3A_390 = tpu.memref_squeeze %dma_start3A_389 : memref<1x80xi32, #tpu.memory_space<vmem>> -> memref<80xi32, #tpu.memory_space<vmem>>
      %dma_start3A_391 = arith.constant 0 : i32
      %dma_start3A_392 = arith.constant 0 : i32
      %dma_start3A_393 = tpu.memref_slice %arg4[%dma_start3A_391, %dma_start3A_392] : memref<20000x64xf32, #tpu.memory_space<hbm>> -> memref<20000x64xf32, #tpu.memory_space<hbm>>
      tpu.enqueue_indirect_dma source(%dma_start3A_393 : memref<20000x64xf32, #tpu.memory_space<hbm>>) target(%arg8 : memref<80x64xf32, #tpu.memory_space<vmem>>) offsets(%dma_start3A_390 : memref<80xi32, #tpu.memory_space<vmem>>) semaphore(%arg12 : memref<!tpu.dma_semaphore, #tpu.memory_space<semaphore_mem>>)
      %dma_wait3A_394 = arith.constant 13 : i32
      %dma_wait3A_395 = arith.constant 0 : i32
      %dma_wait3A_396 = tpu.memref_slice %arg6[%dma_wait3A_394, %dma_wait3A_395] : memref<25x80xi32, #tpu.memory_space<vmem>> -> memref<1x80xi32, #tpu.memory_space<vmem>>
      %dma_wait3A_397 = tpu.memref_squeeze %dma_wait3A_396 : memref<1x80xi32, #tpu.memory_space<vmem>> -> memref<80xi32, #tpu.memory_space<vmem>>
      %dma_wait3A_398 = arith.constant 0 : i32
      %dma_wait3A_399 = arith.constant 0 : i32
      %dma_wait3A_400 = tpu.memref_slice %arg4[%dma_wait3A_398, %dma_wait3A_399] : memref<20000x64xf32, #tpu.memory_space<hbm>> -> memref<20000x64xf32, #tpu.memory_space<hbm>>
      tpu.wait_indirect_dma semaphore(%arg13 : memref<!tpu.dma_semaphore, #tpu.memory_space<semaphore_mem>>) src(%dma_wait3A_400 : memref<20000x64xf32, #tpu.memory_space<hbm>>) dst(%arg9 : memref<80x64xf32, #tpu.memory_space<vmem>>)
      %dma_start3A_401 = arith.constant 13 : i32
      %dma_start3A_402 = arith.constant 0 : i32
      %dma_start3A_403 = tpu.memref_slice %arg7[%dma_start3A_401, %dma_start3A_402] : memref<25x80xi32, #tpu.memory_space<vmem>> -> memref<1x80xi32, #tpu.memory_space<vmem>>
      %dma_start3A_404 = tpu.memref_squeeze %dma_start3A_403 : memref<1x80xi32, #tpu.memory_space<vmem>> -> memref<80xi32, #tpu.memory_space<vmem>>
      %dma_start3A_405 = arith.constant 0 : i32
      %dma_start3A_406 = arith.constant 0 : i32
      %dma_start3A_407 = tpu.memref_slice %arg11[%dma_start3A_405, %dma_start3A_406] : memref<10112x64xf32, #tpu.memory_space<vmem_shared>> -> memref<10112x64xf32, #tpu.memory_space<vmem_shared>>
      tpu.enqueue_indirect_dma source(%arg9 : memref<80x64xf32, #tpu.memory_space<vmem>>) target(%dma_start3A_407 : memref<10112x64xf32, #tpu.memory_space<vmem_shared>>) offsets(%dma_start3A_404 : memref<80xi32, #tpu.memory_space<vmem>>) semaphore(%arg15 : memref<!tpu.dma_semaphore, #tpu.memory_space<semaphore_mem>>) {add = true}
      %dma_wait3A_408 = arith.constant 13 : i32
      %dma_wait3A_409 = arith.constant 0 : i32
      %dma_wait3A_410 = tpu.memref_slice %arg7[%dma_wait3A_408, %dma_wait3A_409] : memref<25x80xi32, #tpu.memory_space<vmem>> -> memref<1x80xi32, #tpu.memory_space<vmem>>
      %dma_wait3A_411 = tpu.memref_squeeze %dma_wait3A_410 : memref<1x80xi32, #tpu.memory_space<vmem>> -> memref<80xi32, #tpu.memory_space<vmem>>
      %dma_wait3A_412 = arith.constant 0 : i32
      %dma_wait3A_413 = arith.constant 0 : i32
      %dma_wait3A_414 = tpu.memref_slice %arg11[%dma_wait3A_412, %dma_wait3A_413] : memref<10112x64xf32, #tpu.memory_space<vmem_shared>> -> memref<10112x64xf32, #tpu.memory_space<vmem_shared>>
      tpu.wait_indirect_dma semaphore(%arg15 : memref<!tpu.dma_semaphore, #tpu.memory_space<semaphore_mem>>) src(%arg9 : memref<80x64xf32, #tpu.memory_space<vmem>>) dst(%dma_wait3A_414 : memref<10112x64xf32, #tpu.memory_space<vmem_shared>>)
      %dma_start3A_415 = arith.constant 15 : i32
      %dma_start3A_416 = arith.constant 0 : i32
      %dma_start3A_417 = tpu.memref_slice %arg6[%dma_start3A_415, %dma_start3A_416] : memref<25x80xi32, #tpu.memory_space<vmem>> -> memref<1x80xi32, #tpu.memory_space<vmem>>
      %dma_start3A_418 = tpu.memref_squeeze %dma_start3A_417 : memref<1x80xi32, #tpu.memory_space<vmem>> -> memref<80xi32, #tpu.memory_space<vmem>>
      %dma_start3A_419 = arith.constant 0 : i32
      %dma_start3A_420 = arith.constant 0 : i32
      %dma_start3A_421 = tpu.memref_slice %arg4[%dma_start3A_419, %dma_start3A_420] : memref<20000x64xf32, #tpu.memory_space<hbm>> -> memref<20000x64xf32, #tpu.memory_space<hbm>>
      tpu.enqueue_indirect_dma source(%dma_start3A_421 : memref<20000x64xf32, #tpu.memory_space<hbm>>) target(%arg9 : memref<80x64xf32, #tpu.memory_space<vmem>>) offsets(%dma_start3A_418 : memref<80xi32, #tpu.memory_space<vmem>>) semaphore(%arg13 : memref<!tpu.dma_semaphore, #tpu.memory_space<semaphore_mem>>)
      %dma_wait3A_422 = arith.constant 14 : i32
      %dma_wait3A_423 = arith.constant 0 : i32
      %dma_wait3A_424 = tpu.memref_slice %arg6[%dma_wait3A_422, %dma_wait3A_423] : memref<25x80xi32, #tpu.memory_space<vmem>> -> memref<1x80xi32, #tpu.memory_space<vmem>>
      %dma_wait3A_425 = tpu.memref_squeeze %dma_wait3A_424 : memref<1x80xi32, #tpu.memory_space<vmem>> -> memref<80xi32, #tpu.memory_space<vmem>>
      %dma_wait3A_426 = arith.constant 0 : i32
      %dma_wait3A_427 = arith.constant 0 : i32
      %dma_wait3A_428 = tpu.memref_slice %arg4[%dma_wait3A_426, %dma_wait3A_427] : memref<20000x64xf32, #tpu.memory_space<hbm>> -> memref<20000x64xf32, #tpu.memory_space<hbm>>
      tpu.wait_indirect_dma semaphore(%arg12 : memref<!tpu.dma_semaphore, #tpu.memory_space<semaphore_mem>>) src(%dma_wait3A_428 : memref<20000x64xf32, #tpu.memory_space<hbm>>) dst(%arg8 : memref<80x64xf32, #tpu.memory_space<vmem>>)
      %dma_start3A_429 = arith.constant 14 : i32
      %dma_start3A_430 = arith.constant 0 : i32
      %dma_start3A_431 = tpu.memref_slice %arg7[%dma_start3A_429, %dma_start3A_430] : memref<25x80xi32, #tpu.memory_space<vmem>> -> memref<1x80xi32, #tpu.memory_space<vmem>>
      %dma_start3A_432 = tpu.memref_squeeze %dma_start3A_431 : memref<1x80xi32, #tpu.memory_space<vmem>> -> memref<80xi32, #tpu.memory_space<vmem>>
      %dma_start3A_433 = arith.constant 0 : i32
      %dma_start3A_434 = arith.constant 0 : i32
      %dma_start3A_435 = tpu.memref_slice %arg11[%dma_start3A_433, %dma_start3A_434] : memref<10112x64xf32, #tpu.memory_space<vmem_shared>> -> memref<10112x64xf32, #tpu.memory_space<vmem_shared>>
      tpu.enqueue_indirect_dma source(%arg8 : memref<80x64xf32, #tpu.memory_space<vmem>>) target(%dma_start3A_435 : memref<10112x64xf32, #tpu.memory_space<vmem_shared>>) offsets(%dma_start3A_432 : memref<80xi32, #tpu.memory_space<vmem>>) semaphore(%arg14 : memref<!tpu.dma_semaphore, #tpu.memory_space<semaphore_mem>>) {add = true}
      %dma_wait3A_436 = arith.constant 14 : i32
      %dma_wait3A_437 = arith.constant 0 : i32
      %dma_wait3A_438 = tpu.memref_slice %arg7[%dma_wait3A_436, %dma_wait3A_437] : memref<25x80xi32, #tpu.memory_space<vmem>> -> memref<1x80xi32, #tpu.memory_space<vmem>>
      %dma_wait3A_439 = tpu.memref_squeeze %dma_wait3A_438 : memref<1x80xi32, #tpu.memory_space<vmem>> -> memref<80xi32, #tpu.memory_space<vmem>>
      %dma_wait3A_440 = arith.constant 0 : i32
      %dma_wait3A_441 = arith.constant 0 : i32
      %dma_wait3A_442 = tpu.memref_slice %arg11[%dma_wait3A_440, %dma_wait3A_441] : memref<10112x64xf32, #tpu.memory_space<vmem_shared>> -> memref<10112x64xf32, #tpu.memory_space<vmem_shared>>
      tpu.wait_indirect_dma semaphore(%arg14 : memref<!tpu.dma_semaphore, #tpu.memory_space<semaphore_mem>>) src(%arg8 : memref<80x64xf32, #tpu.memory_space<vmem>>) dst(%dma_wait3A_442 : memref<10112x64xf32, #tpu.memory_space<vmem_shared>>)
      %dma_start3A_443 = arith.constant 16 : i32
      %dma_start3A_444 = arith.constant 0 : i32
      %dma_start3A_445 = tpu.memref_slice %arg6[%dma_start3A_443, %dma_start3A_444] : memref<25x80xi32, #tpu.memory_space<vmem>> -> memref<1x80xi32, #tpu.memory_space<vmem>>
      %dma_start3A_446 = tpu.memref_squeeze %dma_start3A_445 : memref<1x80xi32, #tpu.memory_space<vmem>> -> memref<80xi32, #tpu.memory_space<vmem>>
      %dma_start3A_447 = arith.constant 0 : i32
      %dma_start3A_448 = arith.constant 0 : i32
      %dma_start3A_449 = tpu.memref_slice %arg4[%dma_start3A_447, %dma_start3A_448] : memref<20000x64xf32, #tpu.memory_space<hbm>> -> memref<20000x64xf32, #tpu.memory_space<hbm>>
      tpu.enqueue_indirect_dma source(%dma_start3A_449 : memref<20000x64xf32, #tpu.memory_space<hbm>>) target(%arg8 : memref<80x64xf32, #tpu.memory_space<vmem>>) offsets(%dma_start3A_446 : memref<80xi32, #tpu.memory_space<vmem>>) semaphore(%arg12 : memref<!tpu.dma_semaphore, #tpu.memory_space<semaphore_mem>>)
      %dma_wait3A_450 = arith.constant 15 : i32
      %dma_wait3A_451 = arith.constant 0 : i32
      %dma_wait3A_452 = tpu.memref_slice %arg6[%dma_wait3A_450, %dma_wait3A_451] : memref<25x80xi32, #tpu.memory_space<vmem>> -> memref<1x80xi32, #tpu.memory_space<vmem>>
      %dma_wait3A_453 = tpu.memref_squeeze %dma_wait3A_452 : memref<1x80xi32, #tpu.memory_space<vmem>> -> memref<80xi32, #tpu.memory_space<vmem>>
      %dma_wait3A_454 = arith.constant 0 : i32
      %dma_wait3A_455 = arith.constant 0 : i32
      %dma_wait3A_456 = tpu.memref_slice %arg4[%dma_wait3A_454, %dma_wait3A_455] : memref<20000x64xf32, #tpu.memory_space<hbm>> -> memref<20000x64xf32, #tpu.memory_space<hbm>>
      tpu.wait_indirect_dma semaphore(%arg13 : memref<!tpu.dma_semaphore, #tpu.memory_space<semaphore_mem>>) src(%dma_wait3A_456 : memref<20000x64xf32, #tpu.memory_space<hbm>>) dst(%arg9 : memref<80x64xf32, #tpu.memory_space<vmem>>)
      %dma_start3A_457 = arith.constant 15 : i32
      %dma_start3A_458 = arith.constant 0 : i32
      %dma_start3A_459 = tpu.memref_slice %arg7[%dma_start3A_457, %dma_start3A_458] : memref<25x80xi32, #tpu.memory_space<vmem>> -> memref<1x80xi32, #tpu.memory_space<vmem>>
      %dma_start3A_460 = tpu.memref_squeeze %dma_start3A_459 : memref<1x80xi32, #tpu.memory_space<vmem>> -> memref<80xi32, #tpu.memory_space<vmem>>
      %dma_start3A_461 = arith.constant 0 : i32
      %dma_start3A_462 = arith.constant 0 : i32
      %dma_start3A_463 = tpu.memref_slice %arg11[%dma_start3A_461, %dma_start3A_462] : memref<10112x64xf32, #tpu.memory_space<vmem_shared>> -> memref<10112x64xf32, #tpu.memory_space<vmem_shared>>
      tpu.enqueue_indirect_dma source(%arg9 : memref<80x64xf32, #tpu.memory_space<vmem>>) target(%dma_start3A_463 : memref<10112x64xf32, #tpu.memory_space<vmem_shared>>) offsets(%dma_start3A_460 : memref<80xi32, #tpu.memory_space<vmem>>) semaphore(%arg15 : memref<!tpu.dma_semaphore, #tpu.memory_space<semaphore_mem>>) {add = true}
      %dma_wait3A_464 = arith.constant 15 : i32
      %dma_wait3A_465 = arith.constant 0 : i32
      %dma_wait3A_466 = tpu.memref_slice %arg7[%dma_wait3A_464, %dma_wait3A_465] : memref<25x80xi32, #tpu.memory_space<vmem>> -> memref<1x80xi32, #tpu.memory_space<vmem>>
      %dma_wait3A_467 = tpu.memref_squeeze %dma_wait3A_466 : memref<1x80xi32, #tpu.memory_space<vmem>> -> memref<80xi32, #tpu.memory_space<vmem>>
      %dma_wait3A_468 = arith.constant 0 : i32
      %dma_wait3A_469 = arith.constant 0 : i32
      %dma_wait3A_470 = tpu.memref_slice %arg11[%dma_wait3A_468, %dma_wait3A_469] : memref<10112x64xf32, #tpu.memory_space<vmem_shared>> -> memref<10112x64xf32, #tpu.memory_space<vmem_shared>>
      tpu.wait_indirect_dma semaphore(%arg15 : memref<!tpu.dma_semaphore, #tpu.memory_space<semaphore_mem>>) src(%arg9 : memref<80x64xf32, #tpu.memory_space<vmem>>) dst(%dma_wait3A_470 : memref<10112x64xf32, #tpu.memory_space<vmem_shared>>)
      %dma_start3A_471 = arith.constant 17 : i32
      %dma_start3A_472 = arith.constant 0 : i32
      %dma_start3A_473 = tpu.memref_slice %arg6[%dma_start3A_471, %dma_start3A_472] : memref<25x80xi32, #tpu.memory_space<vmem>> -> memref<1x80xi32, #tpu.memory_space<vmem>>
      %dma_start3A_474 = tpu.memref_squeeze %dma_start3A_473 : memref<1x80xi32, #tpu.memory_space<vmem>> -> memref<80xi32, #tpu.memory_space<vmem>>
      %dma_start3A_475 = arith.constant 0 : i32
      %dma_start3A_476 = arith.constant 0 : i32
      %dma_start3A_477 = tpu.memref_slice %arg4[%dma_start3A_475, %dma_start3A_476] : memref<20000x64xf32, #tpu.memory_space<hbm>> -> memref<20000x64xf32, #tpu.memory_space<hbm>>
      tpu.enqueue_indirect_dma source(%dma_start3A_477 : memref<20000x64xf32, #tpu.memory_space<hbm>>) target(%arg9 : memref<80x64xf32, #tpu.memory_space<vmem>>) offsets(%dma_start3A_474 : memref<80xi32, #tpu.memory_space<vmem>>) semaphore(%arg13 : memref<!tpu.dma_semaphore, #tpu.memory_space<semaphore_mem>>)
      %dma_wait3A_478 = arith.constant 16 : i32
      %dma_wait3A_479 = arith.constant 0 : i32
      %dma_wait3A_480 = tpu.memref_slice %arg6[%dma_wait3A_478, %dma_wait3A_479] : memref<25x80xi32, #tpu.memory_space<vmem>> -> memref<1x80xi32, #tpu.memory_space<vmem>>
      %dma_wait3A_481 = tpu.memref_squeeze %dma_wait3A_480 : memref<1x80xi32, #tpu.memory_space<vmem>> -> memref<80xi32, #tpu.memory_space<vmem>>
      %dma_wait3A_482 = arith.constant 0 : i32
      %dma_wait3A_483 = arith.constant 0 : i32
      %dma_wait3A_484 = tpu.memref_slice %arg4[%dma_wait3A_482, %dma_wait3A_483] : memref<20000x64xf32, #tpu.memory_space<hbm>> -> memref<20000x64xf32, #tpu.memory_space<hbm>>
      tpu.wait_indirect_dma semaphore(%arg12 : memref<!tpu.dma_semaphore, #tpu.memory_space<semaphore_mem>>) src(%dma_wait3A_484 : memref<20000x64xf32, #tpu.memory_space<hbm>>) dst(%arg8 : memref<80x64xf32, #tpu.memory_space<vmem>>)
      %dma_start3A_485 = arith.constant 16 : i32
      %dma_start3A_486 = arith.constant 0 : i32
      %dma_start3A_487 = tpu.memref_slice %arg7[%dma_start3A_485, %dma_start3A_486] : memref<25x80xi32, #tpu.memory_space<vmem>> -> memref<1x80xi32, #tpu.memory_space<vmem>>
      %dma_start3A_488 = tpu.memref_squeeze %dma_start3A_487 : memref<1x80xi32, #tpu.memory_space<vmem>> -> memref<80xi32, #tpu.memory_space<vmem>>
      %dma_start3A_489 = arith.constant 0 : i32
      %dma_start3A_490 = arith.constant 0 : i32
      %dma_start3A_491 = tpu.memref_slice %arg11[%dma_start3A_489, %dma_start3A_490] : memref<10112x64xf32, #tpu.memory_space<vmem_shared>> -> memref<10112x64xf32, #tpu.memory_space<vmem_shared>>
      tpu.enqueue_indirect_dma source(%arg8 : memref<80x64xf32, #tpu.memory_space<vmem>>) target(%dma_start3A_491 : memref<10112x64xf32, #tpu.memory_space<vmem_shared>>) offsets(%dma_start3A_488 : memref<80xi32, #tpu.memory_space<vmem>>) semaphore(%arg14 : memref<!tpu.dma_semaphore, #tpu.memory_space<semaphore_mem>>) {add = true}
      %dma_wait3A_492 = arith.constant 16 : i32
      %dma_wait3A_493 = arith.constant 0 : i32
      %dma_wait3A_494 = tpu.memref_slice %arg7[%dma_wait3A_492, %dma_wait3A_493] : memref<25x80xi32, #tpu.memory_space<vmem>> -> memref<1x80xi32, #tpu.memory_space<vmem>>
      %dma_wait3A_495 = tpu.memref_squeeze %dma_wait3A_494 : memref<1x80xi32, #tpu.memory_space<vmem>> -> memref<80xi32, #tpu.memory_space<vmem>>
      %dma_wait3A_496 = arith.constant 0 : i32
      %dma_wait3A_497 = arith.constant 0 : i32
      %dma_wait3A_498 = tpu.memref_slice %arg11[%dma_wait3A_496, %dma_wait3A_497] : memref<10112x64xf32, #tpu.memory_space<vmem_shared>> -> memref<10112x64xf32, #tpu.memory_space<vmem_shared>>
      tpu.wait_indirect_dma semaphore(%arg14 : memref<!tpu.dma_semaphore, #tpu.memory_space<semaphore_mem>>) src(%arg8 : memref<80x64xf32, #tpu.memory_space<vmem>>) dst(%dma_wait3A_498 : memref<10112x64xf32, #tpu.memory_space<vmem_shared>>)
      %dma_start3A_499 = arith.constant 18 : i32
      %dma_start3A_500 = arith.constant 0 : i32
      %dma_start3A_501 = tpu.memref_slice %arg6[%dma_start3A_499, %dma_start3A_500] : memref<25x80xi32, #tpu.memory_space<vmem>> -> memref<1x80xi32, #tpu.memory_space<vmem>>
      %dma_start3A_502 = tpu.memref_squeeze %dma_start3A_501 : memref<1x80xi32, #tpu.memory_space<vmem>> -> memref<80xi32, #tpu.memory_space<vmem>>
      %dma_start3A_503 = arith.constant 0 : i32
      %dma_start3A_504 = arith.constant 0 : i32
      %dma_start3A_505 = tpu.memref_slice %arg4[%dma_start3A_503, %dma_start3A_504] : memref<20000x64xf32, #tpu.memory_space<hbm>> -> memref<20000x64xf32, #tpu.memory_space<hbm>>
      tpu.enqueue_indirect_dma source(%dma_start3A_505 : memref<20000x64xf32, #tpu.memory_space<hbm>>) target(%arg8 : memref<80x64xf32, #tpu.memory_space<vmem>>) offsets(%dma_start3A_502 : memref<80xi32, #tpu.memory_space<vmem>>) semaphore(%arg12 : memref<!tpu.dma_semaphore, #tpu.memory_space<semaphore_mem>>)
      %dma_wait3A_506 = arith.constant 17 : i32
      %dma_wait3A_507 = arith.constant 0 : i32
      %dma_wait3A_508 = tpu.memref_slice %arg6[%dma_wait3A_506, %dma_wait3A_507] : memref<25x80xi32, #tpu.memory_space<vmem>> -> memref<1x80xi32, #tpu.memory_space<vmem>>
      %dma_wait3A_509 = tpu.memref_squeeze %dma_wait3A_508 : memref<1x80xi32, #tpu.memory_space<vmem>> -> memref<80xi32, #tpu.memory_space<vmem>>
      %dma_wait3A_510 = arith.constant 0 : i32
      %dma_wait3A_511 = arith.constant 0 : i32
      %dma_wait3A_512 = tpu.memref_slice %arg4[%dma_wait3A_510, %dma_wait3A_511] : memref<20000x64xf32, #tpu.memory_space<hbm>> -> memref<20000x64xf32, #tpu.memory_space<hbm>>
      tpu.wait_indirect_dma semaphore(%arg13 : memref<!tpu.dma_semaphore, #tpu.memory_space<semaphore_mem>>) src(%dma_wait3A_512 : memref<20000x64xf32, #tpu.memory_space<hbm>>) dst(%arg9 : memref<80x64xf32, #tpu.memory_space<vmem>>)
      %dma_start3A_513 = arith.constant 17 : i32
      %dma_start3A_514 = arith.constant 0 : i32
      %dma_start3A_515 = tpu.memref_slice %arg7[%dma_start3A_513, %dma_start3A_514] : memref<25x80xi32, #tpu.memory_space<vmem>> -> memref<1x80xi32, #tpu.memory_space<vmem>>
      %dma_start3A_516 = tpu.memref_squeeze %dma_start3A_515 : memref<1x80xi32, #tpu.memory_space<vmem>> -> memref<80xi32, #tpu.memory_space<vmem>>
      %dma_start3A_517 = arith.constant 0 : i32
      %dma_start3A_518 = arith.constant 0 : i32
      %dma_start3A_519 = tpu.memref_slice %arg11[%dma_start3A_517, %dma_start3A_518] : memref<10112x64xf32, #tpu.memory_space<vmem_shared>> -> memref<10112x64xf32, #tpu.memory_space<vmem_shared>>
      tpu.enqueue_indirect_dma source(%arg9 : memref<80x64xf32, #tpu.memory_space<vmem>>) target(%dma_start3A_519 : memref<10112x64xf32, #tpu.memory_space<vmem_shared>>) offsets(%dma_start3A_516 : memref<80xi32, #tpu.memory_space<vmem>>) semaphore(%arg15 : memref<!tpu.dma_semaphore, #tpu.memory_space<semaphore_mem>>) {add = true}
      %dma_wait3A_520 = arith.constant 17 : i32
      %dma_wait3A_521 = arith.constant 0 : i32
      %dma_wait3A_522 = tpu.memref_slice %arg7[%dma_wait3A_520, %dma_wait3A_521] : memref<25x80xi32, #tpu.memory_space<vmem>> -> memref<1x80xi32, #tpu.memory_space<vmem>>
      %dma_wait3A_523 = tpu.memref_squeeze %dma_wait3A_522 : memref<1x80xi32, #tpu.memory_space<vmem>> -> memref<80xi32, #tpu.memory_space<vmem>>
      %dma_wait3A_524 = arith.constant 0 : i32
      %dma_wait3A_525 = arith.constant 0 : i32
      %dma_wait3A_526 = tpu.memref_slice %arg11[%dma_wait3A_524, %dma_wait3A_525] : memref<10112x64xf32, #tpu.memory_space<vmem_shared>> -> memref<10112x64xf32, #tpu.memory_space<vmem_shared>>
      tpu.wait_indirect_dma semaphore(%arg15 : memref<!tpu.dma_semaphore, #tpu.memory_space<semaphore_mem>>) src(%arg9 : memref<80x64xf32, #tpu.memory_space<vmem>>) dst(%dma_wait3A_526 : memref<10112x64xf32, #tpu.memory_space<vmem_shared>>)
      %dma_start3A_527 = arith.constant 19 : i32
      %dma_start3A_528 = arith.constant 0 : i32
      %dma_start3A_529 = tpu.memref_slice %arg6[%dma_start3A_527, %dma_start3A_528] : memref<25x80xi32, #tpu.memory_space<vmem>> -> memref<1x80xi32, #tpu.memory_space<vmem>>
      %dma_start3A_530 = tpu.memref_squeeze %dma_start3A_529 : memref<1x80xi32, #tpu.memory_space<vmem>> -> memref<80xi32, #tpu.memory_space<vmem>>
      %dma_start3A_531 = arith.constant 0 : i32
      %dma_start3A_532 = arith.constant 0 : i32
      %dma_start3A_533 = tpu.memref_slice %arg4[%dma_start3A_531, %dma_start3A_532] : memref<20000x64xf32, #tpu.memory_space<hbm>> -> memref<20000x64xf32, #tpu.memory_space<hbm>>
      tpu.enqueue_indirect_dma source(%dma_start3A_533 : memref<20000x64xf32, #tpu.memory_space<hbm>>) target(%arg9 : memref<80x64xf32, #tpu.memory_space<vmem>>) offsets(%dma_start3A_530 : memref<80xi32, #tpu.memory_space<vmem>>) semaphore(%arg13 : memref<!tpu.dma_semaphore, #tpu.memory_space<semaphore_mem>>)
      %dma_wait3A_534 = arith.constant 18 : i32
      %dma_wait3A_535 = arith.constant 0 : i32
      %dma_wait3A_536 = tpu.memref_slice %arg6[%dma_wait3A_534, %dma_wait3A_535] : memref<25x80xi32, #tpu.memory_space<vmem>> -> memref<1x80xi32, #tpu.memory_space<vmem>>
      %dma_wait3A_537 = tpu.memref_squeeze %dma_wait3A_536 : memref<1x80xi32, #tpu.memory_space<vmem>> -> memref<80xi32, #tpu.memory_space<vmem>>
      %dma_wait3A_538 = arith.constant 0 : i32
      %dma_wait3A_539 = arith.constant 0 : i32
      %dma_wait3A_540 = tpu.memref_slice %arg4[%dma_wait3A_538, %dma_wait3A_539] : memref<20000x64xf32, #tpu.memory_space<hbm>> -> memref<20000x64xf32, #tpu.memory_space<hbm>>
      tpu.wait_indirect_dma semaphore(%arg12 : memref<!tpu.dma_semaphore, #tpu.memory_space<semaphore_mem>>) src(%dma_wait3A_540 : memref<20000x64xf32, #tpu.memory_space<hbm>>) dst(%arg8 : memref<80x64xf32, #tpu.memory_space<vmem>>)
      %dma_start3A_541 = arith.constant 18 : i32
      %dma_start3A_542 = arith.constant 0 : i32
      %dma_start3A_543 = tpu.memref_slice %arg7[%dma_start3A_541, %dma_start3A_542] : memref<25x80xi32, #tpu.memory_space<vmem>> -> memref<1x80xi32, #tpu.memory_space<vmem>>
      %dma_start3A_544 = tpu.memref_squeeze %dma_start3A_543 : memref<1x80xi32, #tpu.memory_space<vmem>> -> memref<80xi32, #tpu.memory_space<vmem>>
      %dma_start3A_545 = arith.constant 0 : i32
      %dma_start3A_546 = arith.constant 0 : i32
      %dma_start3A_547 = tpu.memref_slice %arg11[%dma_start3A_545, %dma_start3A_546] : memref<10112x64xf32, #tpu.memory_space<vmem_shared>> -> memref<10112x64xf32, #tpu.memory_space<vmem_shared>>
      tpu.enqueue_indirect_dma source(%arg8 : memref<80x64xf32, #tpu.memory_space<vmem>>) target(%dma_start3A_547 : memref<10112x64xf32, #tpu.memory_space<vmem_shared>>) offsets(%dma_start3A_544 : memref<80xi32, #tpu.memory_space<vmem>>) semaphore(%arg14 : memref<!tpu.dma_semaphore, #tpu.memory_space<semaphore_mem>>) {add = true}
      %dma_wait3A_548 = arith.constant 18 : i32
      %dma_wait3A_549 = arith.constant 0 : i32
      %dma_wait3A_550 = tpu.memref_slice %arg7[%dma_wait3A_548, %dma_wait3A_549] : memref<25x80xi32, #tpu.memory_space<vmem>> -> memref<1x80xi32, #tpu.memory_space<vmem>>
      %dma_wait3A_551 = tpu.memref_squeeze %dma_wait3A_550 : memref<1x80xi32, #tpu.memory_space<vmem>> -> memref<80xi32, #tpu.memory_space<vmem>>
      %dma_wait3A_552 = arith.constant 0 : i32
      %dma_wait3A_553 = arith.constant 0 : i32
      %dma_wait3A_554 = tpu.memref_slice %arg11[%dma_wait3A_552, %dma_wait3A_553] : memref<10112x64xf32, #tpu.memory_space<vmem_shared>> -> memref<10112x64xf32, #tpu.memory_space<vmem_shared>>
      tpu.wait_indirect_dma semaphore(%arg14 : memref<!tpu.dma_semaphore, #tpu.memory_space<semaphore_mem>>) src(%arg8 : memref<80x64xf32, #tpu.memory_space<vmem>>) dst(%dma_wait3A_554 : memref<10112x64xf32, #tpu.memory_space<vmem_shared>>)
      %dma_start3A_555 = arith.constant 20 : i32
      %dma_start3A_556 = arith.constant 0 : i32
      %dma_start3A_557 = tpu.memref_slice %arg6[%dma_start3A_555, %dma_start3A_556] : memref<25x80xi32, #tpu.memory_space<vmem>> -> memref<1x80xi32, #tpu.memory_space<vmem>>
      %dma_start3A_558 = tpu.memref_squeeze %dma_start3A_557 : memref<1x80xi32, #tpu.memory_space<vmem>> -> memref<80xi32, #tpu.memory_space<vmem>>
      %dma_start3A_559 = arith.constant 0 : i32
      %dma_start3A_560 = arith.constant 0 : i32
      %dma_start3A_561 = tpu.memref_slice %arg4[%dma_start3A_559, %dma_start3A_560] : memref<20000x64xf32, #tpu.memory_space<hbm>> -> memref<20000x64xf32, #tpu.memory_space<hbm>>
      tpu.enqueue_indirect_dma source(%dma_start3A_561 : memref<20000x64xf32, #tpu.memory_space<hbm>>) target(%arg8 : memref<80x64xf32, #tpu.memory_space<vmem>>) offsets(%dma_start3A_558 : memref<80xi32, #tpu.memory_space<vmem>>) semaphore(%arg12 : memref<!tpu.dma_semaphore, #tpu.memory_space<semaphore_mem>>)
      %dma_wait3A_562 = arith.constant 19 : i32
      %dma_wait3A_563 = arith.constant 0 : i32
      %dma_wait3A_564 = tpu.memref_slice %arg6[%dma_wait3A_562, %dma_wait3A_563] : memref<25x80xi32, #tpu.memory_space<vmem>> -> memref<1x80xi32, #tpu.memory_space<vmem>>
      %dma_wait3A_565 = tpu.memref_squeeze %dma_wait3A_564 : memref<1x80xi32, #tpu.memory_space<vmem>> -> memref<80xi32, #tpu.memory_space<vmem>>
      %dma_wait3A_566 = arith.constant 0 : i32
      %dma_wait3A_567 = arith.constant 0 : i32
      %dma_wait3A_568 = tpu.memref_slice %arg4[%dma_wait3A_566, %dma_wait3A_567] : memref<20000x64xf32, #tpu.memory_space<hbm>> -> memref<20000x64xf32, #tpu.memory_space<hbm>>
      tpu.wait_indirect_dma semaphore(%arg13 : memref<!tpu.dma_semaphore, #tpu.memory_space<semaphore_mem>>) src(%dma_wait3A_568 : memref<20000x64xf32, #tpu.memory_space<hbm>>) dst(%arg9 : memref<80x64xf32, #tpu.memory_space<vmem>>)
      %dma_start3A_569 = arith.constant 19 : i32
      %dma_start3A_570 = arith.constant 0 : i32
      %dma_start3A_571 = tpu.memref_slice %arg7[%dma_start3A_569, %dma_start3A_570] : memref<25x80xi32, #tpu.memory_space<vmem>> -> memref<1x80xi32, #tpu.memory_space<vmem>>
      %dma_start3A_572 = tpu.memref_squeeze %dma_start3A_571 : memref<1x80xi32, #tpu.memory_space<vmem>> -> memref<80xi32, #tpu.memory_space<vmem>>
      %dma_start3A_573 = arith.constant 0 : i32
      %dma_start3A_574 = arith.constant 0 : i32
      %dma_start3A_575 = tpu.memref_slice %arg11[%dma_start3A_573, %dma_start3A_574] : memref<10112x64xf32, #tpu.memory_space<vmem_shared>> -> memref<10112x64xf32, #tpu.memory_space<vmem_shared>>
      tpu.enqueue_indirect_dma source(%arg9 : memref<80x64xf32, #tpu.memory_space<vmem>>) target(%dma_start3A_575 : memref<10112x64xf32, #tpu.memory_space<vmem_shared>>) offsets(%dma_start3A_572 : memref<80xi32, #tpu.memory_space<vmem>>) semaphore(%arg15 : memref<!tpu.dma_semaphore, #tpu.memory_space<semaphore_mem>>) {add = true}
      %dma_wait3A_576 = arith.constant 19 : i32
      %dma_wait3A_577 = arith.constant 0 : i32
      %dma_wait3A_578 = tpu.memref_slice %arg7[%dma_wait3A_576, %dma_wait3A_577] : memref<25x80xi32, #tpu.memory_space<vmem>> -> memref<1x80xi32, #tpu.memory_space<vmem>>
      %dma_wait3A_579 = tpu.memref_squeeze %dma_wait3A_578 : memref<1x80xi32, #tpu.memory_space<vmem>> -> memref<80xi32, #tpu.memory_space<vmem>>
      %dma_wait3A_580 = arith.constant 0 : i32
      %dma_wait3A_581 = arith.constant 0 : i32
      %dma_wait3A_582 = tpu.memref_slice %arg11[%dma_wait3A_580, %dma_wait3A_581] : memref<10112x64xf32, #tpu.memory_space<vmem_shared>> -> memref<10112x64xf32, #tpu.memory_space<vmem_shared>>
      tpu.wait_indirect_dma semaphore(%arg15 : memref<!tpu.dma_semaphore, #tpu.memory_space<semaphore_mem>>) src(%arg9 : memref<80x64xf32, #tpu.memory_space<vmem>>) dst(%dma_wait3A_582 : memref<10112x64xf32, #tpu.memory_space<vmem_shared>>)
      %dma_start3A_583 = arith.constant 21 : i32
      %dma_start3A_584 = arith.constant 0 : i32
      %dma_start3A_585 = tpu.memref_slice %arg6[%dma_start3A_583, %dma_start3A_584] : memref<25x80xi32, #tpu.memory_space<vmem>> -> memref<1x80xi32, #tpu.memory_space<vmem>>
      %dma_start3A_586 = tpu.memref_squeeze %dma_start3A_585 : memref<1x80xi32, #tpu.memory_space<vmem>> -> memref<80xi32, #tpu.memory_space<vmem>>
      %dma_start3A_587 = arith.constant 0 : i32
      %dma_start3A_588 = arith.constant 0 : i32
      %dma_start3A_589 = tpu.memref_slice %arg4[%dma_start3A_587, %dma_start3A_588] : memref<20000x64xf32, #tpu.memory_space<hbm>> -> memref<20000x64xf32, #tpu.memory_space<hbm>>
      tpu.enqueue_indirect_dma source(%dma_start3A_589 : memref<20000x64xf32, #tpu.memory_space<hbm>>) target(%arg9 : memref<80x64xf32, #tpu.memory_space<vmem>>) offsets(%dma_start3A_586 : memref<80xi32, #tpu.memory_space<vmem>>) semaphore(%arg13 : memref<!tpu.dma_semaphore, #tpu.memory_space<semaphore_mem>>)
      %dma_wait3A_590 = arith.constant 20 : i32
      %dma_wait3A_591 = arith.constant 0 : i32
      %dma_wait3A_592 = tpu.memref_slice %arg6[%dma_wait3A_590, %dma_wait3A_591] : memref<25x80xi32, #tpu.memory_space<vmem>> -> memref<1x80xi32, #tpu.memory_space<vmem>>
      %dma_wait3A_593 = tpu.memref_squeeze %dma_wait3A_592 : memref<1x80xi32, #tpu.memory_space<vmem>> -> memref<80xi32, #tpu.memory_space<vmem>>
      %dma_wait3A_594 = arith.constant 0 : i32
      %dma_wait3A_595 = arith.constant 0 : i32
      %dma_wait3A_596 = tpu.memref_slice %arg4[%dma_wait3A_594, %dma_wait3A_595] : memref<20000x64xf32, #tpu.memory_space<hbm>> -> memref<20000x64xf32, #tpu.memory_space<hbm>>
      tpu.wait_indirect_dma semaphore(%arg12 : memref<!tpu.dma_semaphore, #tpu.memory_space<semaphore_mem>>) src(%dma_wait3A_596 : memref<20000x64xf32, #tpu.memory_space<hbm>>) dst(%arg8 : memref<80x64xf32, #tpu.memory_space<vmem>>)
      %dma_start3A_597 = arith.constant 20 : i32
      %dma_start3A_598 = arith.constant 0 : i32
      %dma_start3A_599 = tpu.memref_slice %arg7[%dma_start3A_597, %dma_start3A_598] : memref<25x80xi32, #tpu.memory_space<vmem>> -> memref<1x80xi32, #tpu.memory_space<vmem>>
      %dma_start3A_600 = tpu.memref_squeeze %dma_start3A_599 : memref<1x80xi32, #tpu.memory_space<vmem>> -> memref<80xi32, #tpu.memory_space<vmem>>
      %dma_start3A_601 = arith.constant 0 : i32
      %dma_start3A_602 = arith.constant 0 : i32
      %dma_start3A_603 = tpu.memref_slice %arg11[%dma_start3A_601, %dma_start3A_602] : memref<10112x64xf32, #tpu.memory_space<vmem_shared>> -> memref<10112x64xf32, #tpu.memory_space<vmem_shared>>
      tpu.enqueue_indirect_dma source(%arg8 : memref<80x64xf32, #tpu.memory_space<vmem>>) target(%dma_start3A_603 : memref<10112x64xf32, #tpu.memory_space<vmem_shared>>) offsets(%dma_start3A_600 : memref<80xi32, #tpu.memory_space<vmem>>) semaphore(%arg14 : memref<!tpu.dma_semaphore, #tpu.memory_space<semaphore_mem>>) {add = true}
      %dma_wait3A_604 = arith.constant 20 : i32
      %dma_wait3A_605 = arith.constant 0 : i32
      %dma_wait3A_606 = tpu.memref_slice %arg7[%dma_wait3A_604, %dma_wait3A_605] : memref<25x80xi32, #tpu.memory_space<vmem>> -> memref<1x80xi32, #tpu.memory_space<vmem>>
      %dma_wait3A_607 = tpu.memref_squeeze %dma_wait3A_606 : memref<1x80xi32, #tpu.memory_space<vmem>> -> memref<80xi32, #tpu.memory_space<vmem>>
      %dma_wait3A_608 = arith.constant 0 : i32
      %dma_wait3A_609 = arith.constant 0 : i32
      %dma_wait3A_610 = tpu.memref_slice %arg11[%dma_wait3A_608, %dma_wait3A_609] : memref<10112x64xf32, #tpu.memory_space<vmem_shared>> -> memref<10112x64xf32, #tpu.memory_space<vmem_shared>>
      tpu.wait_indirect_dma semaphore(%arg14 : memref<!tpu.dma_semaphore, #tpu.memory_space<semaphore_mem>>) src(%arg8 : memref<80x64xf32, #tpu.memory_space<vmem>>) dst(%dma_wait3A_610 : memref<10112x64xf32, #tpu.memory_space<vmem_shared>>)
      %dma_start3A_611 = arith.constant 22 : i32
      %dma_start3A_612 = arith.constant 0 : i32
      %dma_start3A_613 = tpu.memref_slice %arg6[%dma_start3A_611, %dma_start3A_612] : memref<25x80xi32, #tpu.memory_space<vmem>> -> memref<1x80xi32, #tpu.memory_space<vmem>>
      %dma_start3A_614 = tpu.memref_squeeze %dma_start3A_613 : memref<1x80xi32, #tpu.memory_space<vmem>> -> memref<80xi32, #tpu.memory_space<vmem>>
      %dma_start3A_615 = arith.constant 0 : i32
      %dma_start3A_616 = arith.constant 0 : i32
      %dma_start3A_617 = tpu.memref_slice %arg4[%dma_start3A_615, %dma_start3A_616] : memref<20000x64xf32, #tpu.memory_space<hbm>> -> memref<20000x64xf32, #tpu.memory_space<hbm>>
      tpu.enqueue_indirect_dma source(%dma_start3A_617 : memref<20000x64xf32, #tpu.memory_space<hbm>>) target(%arg8 : memref<80x64xf32, #tpu.memory_space<vmem>>) offsets(%dma_start3A_614 : memref<80xi32, #tpu.memory_space<vmem>>) semaphore(%arg12 : memref<!tpu.dma_semaphore, #tpu.memory_space<semaphore_mem>>)
      %dma_wait3A_618 = arith.constant 21 : i32
      %dma_wait3A_619 = arith.constant 0 : i32
      %dma_wait3A_620 = tpu.memref_slice %arg6[%dma_wait3A_618, %dma_wait3A_619] : memref<25x80xi32, #tpu.memory_space<vmem>> -> memref<1x80xi32, #tpu.memory_space<vmem>>
      %dma_wait3A_621 = tpu.memref_squeeze %dma_wait3A_620 : memref<1x80xi32, #tpu.memory_space<vmem>> -> memref<80xi32, #tpu.memory_space<vmem>>
      %dma_wait3A_622 = arith.constant 0 : i32
      %dma_wait3A_623 = arith.constant 0 : i32
      %dma_wait3A_624 = tpu.memref_slice %arg4[%dma_wait3A_622, %dma_wait3A_623] : memref<20000x64xf32, #tpu.memory_space<hbm>> -> memref<20000x64xf32, #tpu.memory_space<hbm>>
      tpu.wait_indirect_dma semaphore(%arg13 : memref<!tpu.dma_semaphore, #tpu.memory_space<semaphore_mem>>) src(%dma_wait3A_624 : memref<20000x64xf32, #tpu.memory_space<hbm>>) dst(%arg9 : memref<80x64xf32, #tpu.memory_space<vmem>>)
      %dma_start3A_625 = arith.constant 21 : i32
      %dma_start3A_626 = arith.constant 0 : i32
      %dma_start3A_627 = tpu.memref_slice %arg7[%dma_start3A_625, %dma_start3A_626] : memref<25x80xi32, #tpu.memory_space<vmem>> -> memref<1x80xi32, #tpu.memory_space<vmem>>
      %dma_start3A_628 = tpu.memref_squeeze %dma_start3A_627 : memref<1x80xi32, #tpu.memory_space<vmem>> -> memref<80xi32, #tpu.memory_space<vmem>>
      %dma_start3A_629 = arith.constant 0 : i32
      %dma_start3A_630 = arith.constant 0 : i32
      %dma_start3A_631 = tpu.memref_slice %arg11[%dma_start3A_629, %dma_start3A_630] : memref<10112x64xf32, #tpu.memory_space<vmem_shared>> -> memref<10112x64xf32, #tpu.memory_space<vmem_shared>>
      tpu.enqueue_indirect_dma source(%arg9 : memref<80x64xf32, #tpu.memory_space<vmem>>) target(%dma_start3A_631 : memref<10112x64xf32, #tpu.memory_space<vmem_shared>>) offsets(%dma_start3A_628 : memref<80xi32, #tpu.memory_space<vmem>>) semaphore(%arg15 : memref<!tpu.dma_semaphore, #tpu.memory_space<semaphore_mem>>) {add = true}
      %dma_wait3A_632 = arith.constant 21 : i32
      %dma_wait3A_633 = arith.constant 0 : i32
      %dma_wait3A_634 = tpu.memref_slice %arg7[%dma_wait3A_632, %dma_wait3A_633] : memref<25x80xi32, #tpu.memory_space<vmem>> -> memref<1x80xi32, #tpu.memory_space<vmem>>
      %dma_wait3A_635 = tpu.memref_squeeze %dma_wait3A_634 : memref<1x80xi32, #tpu.memory_space<vmem>> -> memref<80xi32, #tpu.memory_space<vmem>>
      %dma_wait3A_636 = arith.constant 0 : i32
      %dma_wait3A_637 = arith.constant 0 : i32
      %dma_wait3A_638 = tpu.memref_slice %arg11[%dma_wait3A_636, %dma_wait3A_637] : memref<10112x64xf32, #tpu.memory_space<vmem_shared>> -> memref<10112x64xf32, #tpu.memory_space<vmem_shared>>
      tpu.wait_indirect_dma semaphore(%arg15 : memref<!tpu.dma_semaphore, #tpu.memory_space<semaphore_mem>>) src(%arg9 : memref<80x64xf32, #tpu.memory_space<vmem>>) dst(%dma_wait3A_638 : memref<10112x64xf32, #tpu.memory_space<vmem_shared>>)
      %dma_start3A_639 = arith.constant 23 : i32
      %dma_start3A_640 = arith.constant 0 : i32
      %dma_start3A_641 = tpu.memref_slice %arg6[%dma_start3A_639, %dma_start3A_640] : memref<25x80xi32, #tpu.memory_space<vmem>> -> memref<1x80xi32, #tpu.memory_space<vmem>>
      %dma_start3A_642 = tpu.memref_squeeze %dma_start3A_641 : memref<1x80xi32, #tpu.memory_space<vmem>> -> memref<80xi32, #tpu.memory_space<vmem>>
      %dma_start3A_643 = arith.constant 0 : i32
      %dma_start3A_644 = arith.constant 0 : i32
      %dma_start3A_645 = tpu.memref_slice %arg4[%dma_start3A_643, %dma_start3A_644] : memref<20000x64xf32, #tpu.memory_space<hbm>> -> memref<20000x64xf32, #tpu.memory_space<hbm>>
      tpu.enqueue_indirect_dma source(%dma_start3A_645 : memref<20000x64xf32, #tpu.memory_space<hbm>>) target(%arg9 : memref<80x64xf32, #tpu.memory_space<vmem>>) offsets(%dma_start3A_642 : memref<80xi32, #tpu.memory_space<vmem>>) semaphore(%arg13 : memref<!tpu.dma_semaphore, #tpu.memory_space<semaphore_mem>>)
      %dma_wait3A_646 = arith.constant 22 : i32
      %dma_wait3A_647 = arith.constant 0 : i32
      %dma_wait3A_648 = tpu.memref_slice %arg6[%dma_wait3A_646, %dma_wait3A_647] : memref<25x80xi32, #tpu.memory_space<vmem>> -> memref<1x80xi32, #tpu.memory_space<vmem>>
      %dma_wait3A_649 = tpu.memref_squeeze %dma_wait3A_648 : memref<1x80xi32, #tpu.memory_space<vmem>> -> memref<80xi32, #tpu.memory_space<vmem>>
      %dma_wait3A_650 = arith.constant 0 : i32
      %dma_wait3A_651 = arith.constant 0 : i32
      %dma_wait3A_652 = tpu.memref_slice %arg4[%dma_wait3A_650, %dma_wait3A_651] : memref<20000x64xf32, #tpu.memory_space<hbm>> -> memref<20000x64xf32, #tpu.memory_space<hbm>>
      tpu.wait_indirect_dma semaphore(%arg12 : memref<!tpu.dma_semaphore, #tpu.memory_space<semaphore_mem>>) src(%dma_wait3A_652 : memref<20000x64xf32, #tpu.memory_space<hbm>>) dst(%arg8 : memref<80x64xf32, #tpu.memory_space<vmem>>)
      %dma_start3A_653 = arith.constant 22 : i32
      %dma_start3A_654 = arith.constant 0 : i32
      %dma_start3A_655 = tpu.memref_slice %arg7[%dma_start3A_653, %dma_start3A_654] : memref<25x80xi32, #tpu.memory_space<vmem>> -> memref<1x80xi32, #tpu.memory_space<vmem>>
      %dma_start3A_656 = tpu.memref_squeeze %dma_start3A_655 : memref<1x80xi32, #tpu.memory_space<vmem>> -> memref<80xi32, #tpu.memory_space<vmem>>
      %dma_start3A_657 = arith.constant 0 : i32
      %dma_start3A_658 = arith.constant 0 : i32
      %dma_start3A_659 = tpu.memref_slice %arg11[%dma_start3A_657, %dma_start3A_658] : memref<10112x64xf32, #tpu.memory_space<vmem_shared>> -> memref<10112x64xf32, #tpu.memory_space<vmem_shared>>
      tpu.enqueue_indirect_dma source(%arg8 : memref<80x64xf32, #tpu.memory_space<vmem>>) target(%dma_start3A_659 : memref<10112x64xf32, #tpu.memory_space<vmem_shared>>) offsets(%dma_start3A_656 : memref<80xi32, #tpu.memory_space<vmem>>) semaphore(%arg14 : memref<!tpu.dma_semaphore, #tpu.memory_space<semaphore_mem>>) {add = true}
      %dma_wait3A_660 = arith.constant 22 : i32
      %dma_wait3A_661 = arith.constant 0 : i32
      %dma_wait3A_662 = tpu.memref_slice %arg7[%dma_wait3A_660, %dma_wait3A_661] : memref<25x80xi32, #tpu.memory_space<vmem>> -> memref<1x80xi32, #tpu.memory_space<vmem>>
      %dma_wait3A_663 = tpu.memref_squeeze %dma_wait3A_662 : memref<1x80xi32, #tpu.memory_space<vmem>> -> memref<80xi32, #tpu.memory_space<vmem>>
      %dma_wait3A_664 = arith.constant 0 : i32
      %dma_wait3A_665 = arith.constant 0 : i32
      %dma_wait3A_666 = tpu.memref_slice %arg11[%dma_wait3A_664, %dma_wait3A_665] : memref<10112x64xf32, #tpu.memory_space<vmem_shared>> -> memref<10112x64xf32, #tpu.memory_space<vmem_shared>>
      tpu.wait_indirect_dma semaphore(%arg14 : memref<!tpu.dma_semaphore, #tpu.memory_space<semaphore_mem>>) src(%arg8 : memref<80x64xf32, #tpu.memory_space<vmem>>) dst(%dma_wait3A_666 : memref<10112x64xf32, #tpu.memory_space<vmem_shared>>)
      %dma_start3A_667 = arith.constant 24 : i32
      %dma_start3A_668 = arith.constant 0 : i32
      %dma_start3A_669 = tpu.memref_slice %arg6[%dma_start3A_667, %dma_start3A_668] : memref<25x80xi32, #tpu.memory_space<vmem>> -> memref<1x80xi32, #tpu.memory_space<vmem>>
      %dma_start3A_670 = tpu.memref_squeeze %dma_start3A_669 : memref<1x80xi32, #tpu.memory_space<vmem>> -> memref<80xi32, #tpu.memory_space<vmem>>
      %dma_start3A_671 = arith.constant 0 : i32
      %dma_start3A_672 = arith.constant 0 : i32
      %dma_start3A_673 = tpu.memref_slice %arg4[%dma_start3A_671, %dma_start3A_672] : memref<20000x64xf32, #tpu.memory_space<hbm>> -> memref<20000x64xf32, #tpu.memory_space<hbm>>
      tpu.enqueue_indirect_dma source(%dma_start3A_673 : memref<20000x64xf32, #tpu.memory_space<hbm>>) target(%arg8 : memref<80x64xf32, #tpu.memory_space<vmem>>) offsets(%dma_start3A_670 : memref<80xi32, #tpu.memory_space<vmem>>) semaphore(%arg12 : memref<!tpu.dma_semaphore, #tpu.memory_space<semaphore_mem>>)
      %dma_wait3A_674 = arith.constant 23 : i32
      %dma_wait3A_675 = arith.constant 0 : i32
      %dma_wait3A_676 = tpu.memref_slice %arg6[%dma_wait3A_674, %dma_wait3A_675] : memref<25x80xi32, #tpu.memory_space<vmem>> -> memref<1x80xi32, #tpu.memory_space<vmem>>
      %dma_wait3A_677 = tpu.memref_squeeze %dma_wait3A_676 : memref<1x80xi32, #tpu.memory_space<vmem>> -> memref<80xi32, #tpu.memory_space<vmem>>
      %dma_wait3A_678 = arith.constant 0 : i32
      %dma_wait3A_679 = arith.constant 0 : i32
      %dma_wait3A_680 = tpu.memref_slice %arg4[%dma_wait3A_678, %dma_wait3A_679] : memref<20000x64xf32, #tpu.memory_space<hbm>> -> memref<20000x64xf32, #tpu.memory_space<hbm>>
      tpu.wait_indirect_dma semaphore(%arg13 : memref<!tpu.dma_semaphore, #tpu.memory_space<semaphore_mem>>) src(%dma_wait3A_680 : memref<20000x64xf32, #tpu.memory_space<hbm>>) dst(%arg9 : memref<80x64xf32, #tpu.memory_space<vmem>>)
      %dma_start3A_681 = arith.constant 23 : i32
      %dma_start3A_682 = arith.constant 0 : i32
      %dma_start3A_683 = tpu.memref_slice %arg7[%dma_start3A_681, %dma_start3A_682] : memref<25x80xi32, #tpu.memory_space<vmem>> -> memref<1x80xi32, #tpu.memory_space<vmem>>
      %dma_start3A_684 = tpu.memref_squeeze %dma_start3A_683 : memref<1x80xi32, #tpu.memory_space<vmem>> -> memref<80xi32, #tpu.memory_space<vmem>>
      %dma_start3A_685 = arith.constant 0 : i32
      %dma_start3A_686 = arith.constant 0 : i32
      %dma_start3A_687 = tpu.memref_slice %arg11[%dma_start3A_685, %dma_start3A_686] : memref<10112x64xf32, #tpu.memory_space<vmem_shared>> -> memref<10112x64xf32, #tpu.memory_space<vmem_shared>>
      tpu.enqueue_indirect_dma source(%arg9 : memref<80x64xf32, #tpu.memory_space<vmem>>) target(%dma_start3A_687 : memref<10112x64xf32, #tpu.memory_space<vmem_shared>>) offsets(%dma_start3A_684 : memref<80xi32, #tpu.memory_space<vmem>>) semaphore(%arg15 : memref<!tpu.dma_semaphore, #tpu.memory_space<semaphore_mem>>) {add = true}
      %dma_wait3A_688 = arith.constant 23 : i32
      %dma_wait3A_689 = arith.constant 0 : i32
      %dma_wait3A_690 = tpu.memref_slice %arg7[%dma_wait3A_688, %dma_wait3A_689] : memref<25x80xi32, #tpu.memory_space<vmem>> -> memref<1x80xi32, #tpu.memory_space<vmem>>
      %dma_wait3A_691 = tpu.memref_squeeze %dma_wait3A_690 : memref<1x80xi32, #tpu.memory_space<vmem>> -> memref<80xi32, #tpu.memory_space<vmem>>
      %dma_wait3A_692 = arith.constant 0 : i32
      %dma_wait3A_693 = arith.constant 0 : i32
      %dma_wait3A_694 = tpu.memref_slice %arg11[%dma_wait3A_692, %dma_wait3A_693] : memref<10112x64xf32, #tpu.memory_space<vmem_shared>> -> memref<10112x64xf32, #tpu.memory_space<vmem_shared>>
      tpu.wait_indirect_dma semaphore(%arg15 : memref<!tpu.dma_semaphore, #tpu.memory_space<semaphore_mem>>) src(%arg9 : memref<80x64xf32, #tpu.memory_space<vmem>>) dst(%dma_wait3A_694 : memref<10112x64xf32, #tpu.memory_space<vmem_shared>>)
      %dma_wait3A_695 = arith.constant 24 : i32
      %dma_wait3A_696 = arith.constant 0 : i32
      %dma_wait3A_697 = tpu.memref_slice %arg6[%dma_wait3A_695, %dma_wait3A_696] : memref<25x80xi32, #tpu.memory_space<vmem>> -> memref<1x80xi32, #tpu.memory_space<vmem>>
      %dma_wait3A_698 = tpu.memref_squeeze %dma_wait3A_697 : memref<1x80xi32, #tpu.memory_space<vmem>> -> memref<80xi32, #tpu.memory_space<vmem>>
      %dma_wait3A_699 = arith.constant 0 : i32
      %dma_wait3A_700 = arith.constant 0 : i32
      %dma_wait3A_701 = tpu.memref_slice %arg4[%dma_wait3A_699, %dma_wait3A_700] : memref<20000x64xf32, #tpu.memory_space<hbm>> -> memref<20000x64xf32, #tpu.memory_space<hbm>>
      tpu.wait_indirect_dma semaphore(%arg12 : memref<!tpu.dma_semaphore, #tpu.memory_space<semaphore_mem>>) src(%dma_wait3A_701 : memref<20000x64xf32, #tpu.memory_space<hbm>>) dst(%arg8 : memref<80x64xf32, #tpu.memory_space<vmem>>)
      %dma_start3A_702 = arith.constant 24 : i32
      %dma_start3A_703 = arith.constant 0 : i32
      %dma_start3A_704 = tpu.memref_slice %arg7[%dma_start3A_702, %dma_start3A_703] : memref<25x80xi32, #tpu.memory_space<vmem>> -> memref<1x80xi32, #tpu.memory_space<vmem>>
      %dma_start3A_705 = tpu.memref_squeeze %dma_start3A_704 : memref<1x80xi32, #tpu.memory_space<vmem>> -> memref<80xi32, #tpu.memory_space<vmem>>
      %dma_start3A_706 = arith.constant 0 : i32
      %dma_start3A_707 = arith.constant 0 : i32
      %dma_start3A_708 = tpu.memref_slice %arg11[%dma_start3A_706, %dma_start3A_707] : memref<10112x64xf32, #tpu.memory_space<vmem_shared>> -> memref<10112x64xf32, #tpu.memory_space<vmem_shared>>
      tpu.enqueue_indirect_dma source(%arg8 : memref<80x64xf32, #tpu.memory_space<vmem>>) target(%dma_start3A_708 : memref<10112x64xf32, #tpu.memory_space<vmem_shared>>) offsets(%dma_start3A_705 : memref<80xi32, #tpu.memory_space<vmem>>) semaphore(%arg14 : memref<!tpu.dma_semaphore, #tpu.memory_space<semaphore_mem>>) {add = true}
      %dma_wait3A_709 = arith.constant 24 : i32
      %dma_wait3A_710 = arith.constant 0 : i32
      %dma_wait3A_711 = tpu.memref_slice %arg7[%dma_wait3A_709, %dma_wait3A_710] : memref<25x80xi32, #tpu.memory_space<vmem>> -> memref<1x80xi32, #tpu.memory_space<vmem>>
      %dma_wait3A_712 = tpu.memref_squeeze %dma_wait3A_711 : memref<1x80xi32, #tpu.memory_space<vmem>> -> memref<80xi32, #tpu.memory_space<vmem>>
      %dma_wait3A_713 = arith.constant 0 : i32
      %dma_wait3A_714 = arith.constant 0 : i32
      %dma_wait3A_715 = tpu.memref_slice %arg11[%dma_wait3A_713, %dma_wait3A_714] : memref<10112x64xf32, #tpu.memory_space<vmem_shared>> -> memref<10112x64xf32, #tpu.memory_space<vmem_shared>>
      tpu.wait_indirect_dma semaphore(%arg14 : memref<!tpu.dma_semaphore, #tpu.memory_space<semaphore_mem>>) src(%arg8 : memref<80x64xf32, #tpu.memory_space<vmem>>) dst(%dma_wait3A_715 : memref<10112x64xf32, #tpu.memory_space<vmem_shared>>)
    }
    %scan3A_11 = arith.constant 10 : i32
    %barrier3A_12 = arith.constant 0 : index
    tpu.barrier barrier_id(%barrier3A_12)
    %mul3A_13 = arith.constant 632 : i32
    %mul3A_14 = arith.muli %arg1, %mul3A_13 : i32
    %mul3A_15 = arith.constant 632 : i32
    %mul3A_16 = arith.muli %arg1, %mul3A_15 : i32
    "tpu.region"() ({
      %run_scoped3A = tpu.sem_alloc : memref<!tpu.dma_semaphore, #tpu.memory_space<semaphore_mem>>
      %dma_start3A = arith.constant 0 : i32
      %dma_start3A_17 = tpu.memref_slice %arg5[%arg0, %mul3A_16, %dma_start3A] : memref<2x10112x64xf32, #tpu.memory_space<hbm>> -> memref<1x632x64xf32, #tpu.memory_space<hbm>>
      %dma_start3A_18 = tpu.memref_squeeze %dma_start3A_17 : memref<1x632x64xf32, #tpu.memory_space<hbm>> -> memref<632x64xf32, #tpu.memory_space<hbm>>
      %dma_start3A_19 = arith.constant 0 : i32
      %dma_start3A_20 = tpu.memref_slice %arg11[%mul3A_14, %dma_start3A_19] : memref<10112x64xf32, #tpu.memory_space<vmem_shared>> -> memref<632x64xf32, #tpu.memory_space<vmem_shared>>
      tpu.enqueue_dma source(%dma_start3A_20 : memref<632x64xf32, #tpu.memory_space<vmem_shared>>) target(%dma_start3A_18 : memref<632x64xf32, #tpu.memory_space<hbm>>) target_semaphore(%run_scoped3A : memref<!tpu.dma_semaphore, #tpu.memory_space<semaphore_mem>>)
      %dma_wait3A = arith.constant 0 : i32
      %dma_wait3A_21 = tpu.memref_slice %arg5[%arg0, %mul3A_16, %dma_wait3A] : memref<2x10112x64xf32, #tpu.memory_space<hbm>> -> memref<1x632x64xf32, #tpu.memory_space<hbm>>
      %dma_wait3A_22 = tpu.memref_squeeze %dma_wait3A_21 : memref<1x632x64xf32, #tpu.memory_space<hbm>> -> memref<632x64xf32, #tpu.memory_space<hbm>>
      %dma_wait3A_23 = arith.constant 0 : i32
      %dma_wait3A_24 = tpu.memref_slice %arg11[%mul3A_14, %dma_wait3A_23] : memref<10112x64xf32, #tpu.memory_space<vmem_shared>> -> memref<632x64xf32, #tpu.memory_space<vmem_shared>>
      tpu.wait_dma2 semaphore(%run_scoped3A : memref<!tpu.dma_semaphore, #tpu.memory_space<semaphore_mem>>) src(%dma_wait3A_24 : memref<632x64xf32, #tpu.memory_space<vmem_shared>>) dst(%dma_wait3A_22 : memref<632x64xf32, #tpu.memory_space<hbm>>)
      tpu.yield
    }) : () -> ()
    return
  }
}

#map = affine_map<(d0, d1) -> (0, 0, 0, 0, 0)>
#map1 = affine_map<(d0, d1) -> (0, 0, 0, 0)>
#map2 = affine_map<(d0, d1) -> (0, 0)>
#map3 = affine_map<(d0, d1) -> (0, 0, 0)>
module attributes {stable_mosaic.version = 14 : i64} {
  func.func @scatter_kernel(%arg0: i32, %arg1: i32, %arg2: memref<2x16x10x25x80xi32, #tpu.memory_space<hbm>>, %arg3: memref<16x10x25x80xi32, #tpu.memory_space<hbm>>, %arg4: memref<20000x64xf32, #tpu.memory_space<hbm>>, %arg5: memref<2x10112x64xf32, #tpu.memory_space<hbm>>, %arg6: memref<25x80xi32, #tpu.memory_space<vmem>>, %arg7: memref<25x80xi32, #tpu.memory_space<vmem>>, %arg8: memref<80x64xf32, #tpu.memory_space<vmem>>, %arg9: memref<80x64xf32, #tpu.memory_space<vmem>>, %arg10: memref<632x64xf32, #tpu.memory_space<vmem>>, %arg11: memref<10112x64xf32, #tpu.memory_space<vmem_shared>>, %arg12: memref<!tpu.dma_semaphore, #tpu.memory_space<semaphore_mem>>, %arg13: memref<!tpu.dma_semaphore, #tpu.memory_space<semaphore_mem>>, %arg14: memref<!tpu.dma_semaphore, #tpu.memory_space<semaphore_mem>>, %arg15: memref<!tpu.dma_semaphore, #tpu.memory_space<semaphore_mem>>) attributes {dimension_semantics = [#tpu.dimension_semantics<core_parallel>, #tpu.dimension_semantics<subcore_parallel>], iteration_bounds = array<i64: 2, 16>, scalar_prefetch = 0 : i64, scratch_operands = 10 : i64, tpu.core_type = #tpu.core_type<sc_vector_subcore>, window_params = [{transform_indices = #map}, {transform_indices = #map1}, {transform_indices = #map2}, {transform_indices = #map3}]} {
    %scan3A = arith.constant 0 : i32
    %scan3A_0 = arith.constant 0 : i32
    %scan3A_1 = arith.constant 632 : i32
    %scan3A_2 = arith.addi %scan3A_0, %scan3A_1 : i32
    %scan3A_3 = arith.constant 1 : i32
    scf.for %scan3A_17 = %scan3A_0 to %scan3A_2 step %scan3A_3  : i32 {
      %broadcast_in_dim3A = arith.constant 0.000000e+00 : f32
      %broadcast_in_dim3A_18 = vector.broadcast %broadcast_in_dim3A : f32 to vector<16xf32>
      %swap3A = arith.index_cast %scan3A_17 : i32 to index
      %swap3A_19 = arith.constant 0 : index
      %swap3A_20 = tpu.vector_load %arg10[%swap3A, %swap3A_19] {strides = array<i32>} : memref<632x64xf32, #tpu.memory_space<vmem>>, vector<1x16xf32>,
      %swap3A_21 = vector.shape_cast %swap3A_20 : vector<1x16xf32> to vector<16xf32>
      %swap3A_22 = vector.shape_cast %broadcast_in_dim3A_18 : vector<16xf32> to vector<1x16xf32>
      tpu.vector_store %arg10[%swap3A, %swap3A_19], %swap3A_22 {strides = array<i32>} : memref<632x64xf32, #tpu.memory_space<vmem>>, vector<1x16xf32>,
      %broadcast_in_dim3A_23 = arith.constant 0.000000e+00 : f32
      %broadcast_in_dim3A_24 = vector.broadcast %broadcast_in_dim3A_23 : f32 to vector<16xf32>
      %swap3A_25 = arith.index_cast %scan3A_17 : i32 to index
      %swap3A_26 = arith.constant 16 : index
      %swap3A_27 = tpu.vector_load %arg10[%swap3A_25, %swap3A_26] {strides = array<i32>} : memref<632x64xf32, #tpu.memory_space<vmem>>, vector<1x16xf32>,
      %swap3A_28 = vector.shape_cast %swap3A_27 : vector<1x16xf32> to vector<16xf32>
      %swap3A_29 = vector.shape_cast %broadcast_in_dim3A_24 : vector<16xf32> to vector<1x16xf32>
      tpu.vector_store %arg10[%swap3A_25, %swap3A_26], %swap3A_29 {strides = array<i32>} : memref<632x64xf32, #tpu.memory_space<vmem>>, vector<1x16xf32>,
      %broadcast_in_dim3A_30 = arith.constant 0.000000e+00 : f32
      %broadcast_in_dim3A_31 = vector.broadcast %broadcast_in_dim3A_30 : f32 to vector<16xf32>
      %swap3A_32 = arith.index_cast %scan3A_17 : i32 to index
      %swap3A_33 = arith.constant 32 : index
      %swap3A_34 = tpu.vector_load %arg10[%swap3A_32, %swap3A_33] {strides = array<i32>} : memref<632x64xf32, #tpu.memory_space<vmem>>, vector<1x16xf32>,
      %swap3A_35 = vector.shape_cast %swap3A_34 : vector<1x16xf32> to vector<16xf32>
      %swap3A_36 = vector.shape_cast %broadcast_in_dim3A_31 : vector<16xf32> to vector<1x16xf32>
      tpu.vector_store %arg10[%swap3A_32, %swap3A_33], %swap3A_36 {strides = array<i32>} : memref<632x64xf32, #tpu.memory_space<vmem>>, vector<1x16xf32>,
      %broadcast_in_dim3A_37 = arith.constant 0.000000e+00 : f32
      %broadcast_in_dim3A_38 = vector.broadcast %broadcast_in_dim3A_37 : f32 to vector<16xf32>
      %swap3A_39 = arith.index_cast %scan3A_17 : i32 to index
      %swap3A_40 = arith.constant 48 : index
      %swap3A_41 = tpu.vector_load %arg10[%swap3A_39, %swap3A_40] {strides = array<i32>} : memref<632x64xf32, #tpu.memory_space<vmem>>, vector<1x16xf32>,
      %swap3A_42 = vector.shape_cast %swap3A_41 : vector<1x16xf32> to vector<16xf32>
      %swap3A_43 = vector.shape_cast %broadcast_in_dim3A_38 : vector<16xf32> to vector<1x16xf32>
      tpu.vector_store %arg10[%swap3A_39, %swap3A_40], %swap3A_43 {strides = array<i32>} : memref<632x64xf32, #tpu.memory_space<vmem>>, vector<1x16xf32>,
    }
    %scan3A_4 = arith.constant 632 : i32
    %mul3A = arith.constant 632 : i32
    %mul3A_5 = arith.muli %arg1, %mul3A : i32
    "tpu.region"() ({
      %run_scoped3A = tpu.sem_alloc : memref<!tpu.dma_semaphore, #tpu.memory_space<semaphore_mem>>
      %dma_start3A = arith.constant 0 : i32
      %dma_start3A_17 = tpu.memref_slice %arg11[%mul3A_5, %dma_start3A] : memref<10112x64xf32, #tpu.memory_space<vmem_shared>> -> memref<632x64xf32, #tpu.memory_space<vmem_shared>>
      %dma_start3A_18 = arith.constant 0 : i32
      %dma_start3A_19 = tpu.memref_slice %arg11[%mul3A_5, %dma_start3A_18] : memref<10112x64xf32, #tpu.memory_space<vmem_shared>> -> memref<632x64xf32, #tpu.memory_space<vmem_shared>>
      tpu.enqueue_dma source(%arg10 : memref<632x64xf32, #tpu.memory_space<vmem>>) target(%dma_start3A_19 : memref<632x64xf32, #tpu.memory_space<vmem_shared>>) target_semaphore(%run_scoped3A : memref<!tpu.dma_semaphore, #tpu.memory_space<semaphore_mem>>)
      %dma_wait3A = arith.constant 0 : i32
      %dma_wait3A_20 = tpu.memref_slice %arg11[%mul3A_5, %dma_wait3A] : memref<10112x64xf32, #tpu.memory_space<vmem_shared>> -> memref<632x64xf32, #tpu.memory_space<vmem_shared>>
      %dma_wait3A_21 = arith.constant 0 : i32
      %dma_wait3A_22 = tpu.memref_slice %arg11[%mul3A_5, %dma_wait3A_21] : memref<10112x64xf32, #tpu.memory_space<vmem_shared>> -> memref<632x64xf32, #tpu.memory_space<vmem_shared>>
      tpu.wait_dma2 semaphore(%run_scoped3A : memref<!tpu.dma_semaphore, #tpu.memory_space<semaphore_mem>>) src(%arg10 : memref<632x64xf32, #tpu.memory_space<vmem>>) dst(%dma_wait3A_22 : memref<632x64xf32, #tpu.memory_space<vmem_shared>>)
      tpu.yield
    }) : () -> ()
    %barrier3A = arith.constant 0 : index
    tpu.barrier barrier_id(%barrier3A)
    %scan3A_6 = arith.constant 0 : i32
    %scan3A_7 = arith.constant 0 : i32
    %scan3A_8 = arith.constant 10 : i32
    %scan3A_9 = arith.addi %scan3A_7, %scan3A_8 : i32
    %scan3A_10 = arith.constant 1 : i32
    scf.for %scan3A_17 = %scan3A_7 to %scan3A_9 step %scan3A_10  : i32 {
      "tpu.region"() ({
        %run_scoped3A = tpu.sem_alloc : memref<!tpu.dma_semaphore, #tpu.memory_space<semaphore_mem>>
        %dma_start3A_716 = arith.constant 0 : i32
        %dma_start3A_717 = arith.constant 0 : i32
        %dma_start3A_718 = tpu.memref_slice %arg2[%arg0, %arg1, %scan3A_17, %dma_start3A_716, %dma_start3A_717] : memref<2x16x10x25x80xi32, #tpu.memory_space<hbm>> -> memref<1x1x1x25x80xi32, #tpu.memory_space<hbm>>
        %dma_start3A_719 = tpu.memref_squeeze %dma_start3A_718 : memref<1x1x1x25x80xi32, #tpu.memory_space<hbm>> -> memref<25x80xi32, #tpu.memory_space<hbm>>
        %dma_start3A_720 = arith.constant 0 : i32
        %dma_start3A_721 = arith.constant 0 : i32
        %dma_start3A_722 = tpu.memref_slice %arg2[%arg0, %arg1, %scan3A_17, %dma_start3A_720, %dma_start3A_721] : memref<2x16x10x25x80xi32, #tpu.memory_space<hbm>> -> memref<1x1x1x25x80xi32, #tpu.memory_space<hbm>>
        %dma_start3A_723 = tpu.memref_squeeze %dma_start3A_722 : memref<1x1x1x25x80xi32, #tpu.memory_space<hbm>> -> memref<25x80xi32, #tpu.memory_space<hbm>>
        tpu.enqueue_dma source(%dma_start3A_723 : memref<25x80xi32, #tpu.memory_space<hbm>>) target(%arg6 : memref<25x80xi32, #tpu.memory_space<vmem>>) target_semaphore(%run_scoped3A : memref<!tpu.dma_semaphore, #tpu.memory_space<semaphore_mem>>)
        %dma_wait3A_724 = arith.constant 0 : i32
        %dma_wait3A_725 = arith.constant 0 : i32
        %dma_wait3A_726 = tpu.memref_slice %arg2[%arg0, %arg1, %scan3A_17, %dma_wait3A_724, %dma_wait3A_725] : memref<2x16x10x25x80xi32, #tpu.memory_space<hbm>> -> memref<1x1x1x25x80xi32, #tpu.memory_space<hbm>>
        %dma_wait3A_727 = tpu.memref_squeeze %dma_wait3A_726 : memref<1x1x1x25x80xi32, #tpu.memory_space<hbm>> -> memref<25x80xi32, #tpu.memory_space<hbm>>
        %dma_wait3A_728 = arith.constant 0 : i32
        %dma_wait3A_729 = arith.constant 0 : i32
        %dma_wait3A_730 = tpu.memref_slice %arg2[%arg0, %arg1, %scan3A_17, %dma_wait3A_728, %dma_wait3A_729] : memref<2x16x10x25x80xi32, #tpu.memory_space<hbm>> -> memref<1x1x1x25x80xi32, #tpu.memory_space<hbm>>
        %dma_wait3A_731 = tpu.memref_squeeze %dma_wait3A_730 : memref<1x1x1x25x80xi32, #tpu.memory_space<hbm>> -> memref<25x80xi32, #tpu.memory_space<hbm>>
        tpu.wait_dma2 semaphore(%run_scoped3A : memref<!tpu.dma_semaphore, #tpu.memory_space<semaphore_mem>>) src(%dma_wait3A_731 : memref<25x80xi32, #tpu.memory_space<hbm>>) dst(%arg6 : memref<25x80xi32, #tpu.memory_space<vmem>>)
        tpu.yield
      }) : () -> ()
      "tpu.region"() ({
        %run_scoped3A = tpu.sem_alloc : memref<!tpu.dma_semaphore, #tpu.memory_space<semaphore_mem>>
        %dma_start3A_716 = arith.constant 0 : i32
        %dma_start3A_717 = arith.constant 0 : i32
        %dma_start3A_718 = tpu.memref_slice %arg3[%arg1, %scan3A_17, %dma_start3A_716, %dma_start3A_717] : memref<16x10x25x80xi32, #tpu.memory_space<hbm>> -> memref<1x1x25x80xi32, #tpu.memory_space<hbm>>
        %dma_start3A_719 = tpu.memref_squeeze %dma_start3A_718 : memref<1x1x25x80xi32, #tpu.memory_space<hbm>> -> memref<25x80xi32, #tpu.memory_space<hbm>>
        %dma_start3A_720 = arith.constant 0 : i32
        %dma_start3A_721 = arith.constant 0 : i32
        %dma_start3A_722 = tpu.memref_slice %arg3[%arg1, %scan3A_17, %dma_start3A_720, %dma_start3A_721] : memref<16x10x25x80xi32, #tpu.memory_space<hbm>> -> memref<1x1x25x80xi32, #tpu.memory_space<hbm>>
        %dma_start3A_723 = tpu.memref_squeeze %dma_start3A_722 : memref<1x1x25x80xi32, #tpu.memory_space<hbm>> -> memref<25x80xi32, #tpu.memory_space<hbm>>
        tpu.enqueue_dma source(%dma_start3A_723 : memref<25x80xi32, #tpu.memory_space<hbm>>) target(%arg7 : memref<25x80xi32, #tpu.memory_space<vmem>>) target_semaphore(%run_scoped3A : memref<!tpu.dma_semaphore, #tpu.memory_space<semaphore_mem>>)
        %dma_wait3A_724 = arith.constant 0 : i32
        %dma_wait3A_725 = arith.constant 0 : i32
        %dma_wait3A_726 = tpu.memref_slice %arg3[%arg1, %scan3A_17, %dma_wait3A_724, %dma_wait3A_725] : memref<16x10x25x80xi32, #tpu.memory_space<hbm>> -> memref<1x1x25x80xi32, #tpu.memory_space<hbm>>
        %dma_wait3A_727 = tpu.memref_squeeze %dma_wait3A_726 : memref<1x1x25x80xi32, #tpu.memory_space<hbm>> -> memref<25x80xi32, #tpu.memory_space<hbm>>
        %dma_wait3A_728 = arith.constant 0 : i32
        %dma_wait3A_729 = arith.constant 0 : i32
        %dma_wait3A_730 = tpu.memref_slice %arg3[%arg1, %scan3A_17, %dma_wait3A_728, %dma_wait3A_729] : memref<16x10x25x80xi32, #tpu.memory_space<hbm>> -> memref<1x1x25x80xi32, #tpu.memory_space<hbm>>
        %dma_wait3A_731 = tpu.memref_squeeze %dma_wait3A_730 : memref<1x1x25x80xi32, #tpu.memory_space<hbm>> -> memref<25x80xi32, #tpu.memory_space<hbm>>
        tpu.wait_dma2 semaphore(%run_scoped3A : memref<!tpu.dma_semaphore, #tpu.memory_space<semaphore_mem>>) src(%dma_wait3A_731 : memref<25x80xi32, #tpu.memory_space<hbm>>) dst(%arg7 : memref<25x80xi32, #tpu.memory_space<vmem>>)
        tpu.yield
      }) : () -> ()
      %dma_start3A = arith.constant 0 : i32
      %dma_start3A_18 = arith.constant 0 : i32
      %dma_start3A_19 = tpu.memref_slice %arg6[%dma_start3A, %dma_start3A_18] : memref<25x80xi32, #tpu.memory_space<vmem>> -> memref<1x80xi32, #tpu.memory_space<vmem>>
      %dma_start3A_20 = tpu.memref_squeeze %dma_start3A_19 : memref<1x80xi32, #tpu.memory_space<vmem>> -> memref<80xi32, #tpu.memory_space<vmem>>
      %dma_start3A_21 = arith.constant 0 : i32
      %dma_start3A_22 = arith.constant 0 : i32
      %dma_start3A_23 = tpu.memref_slice %arg4[%dma_start3A_21, %dma_start3A_22] : memref<20000x64xf32, #tpu.memory_space<hbm>> -> memref<20000x64xf32, #tpu.memory_space<hbm>>
      tpu.enqueue_indirect_dma source(%dma_start3A_23 : memref<20000x64xf32, #tpu.memory_space<hbm>>) target(%arg8 : memref<80x64xf32, #tpu.memory_space<vmem>>) offsets(%dma_start3A_20 : memref<80xi32, #tpu.memory_space<vmem>>) semaphore(%arg12 : memref<!tpu.dma_semaphore, #tpu.memory_space<semaphore_mem>>)
      %dma_start3A_24 = arith.constant 1 : i32
      %dma_start3A_25 = arith.constant 0 : i32
      %dma_start3A_26 = tpu.memref_slice %arg6[%dma_start3A_24, %dma_start3A_25] : memref<25x80xi32, #tpu.memory_space<vmem>> -> memref<1x80xi32, #tpu.memory_space<vmem>>
      %dma_start3A_27 = tpu.memref_squeeze %dma_start3A_26 : memref<1x80xi32, #tpu.memory_space<vmem>> -> memref<80xi32, #tpu.memory_space<vmem>>
      %dma_start3A_28 = arith.constant 0 : i32
      %dma_start3A_29 = arith.constant 0 : i32
      %dma_start3A_30 = tpu.memref_slice %arg4[%dma_start3A_28, %dma_start3A_29] : memref<20000x64xf32, #tpu.memory_space<hbm>> -> memref<20000x64xf32, #tpu.memory_space<hbm>>
      tpu.enqueue_indirect_dma source(%dma_start3A_30 : memref<20000x64xf32, #tpu.memory_space<hbm>>) target(%arg9 : memref<80x64xf32, #tpu.memory_space<vmem>>) offsets(%dma_start3A_27 : memref<80xi32, #tpu.memory_space<vmem>>) semaphore(%arg13 : memref<!tpu.dma_semaphore, #tpu.memory_space<semaphore_mem>>)
      %dma_wait3A = arith.constant 0 : i32
      %dma_wait3A_31 = arith.constant 0 : i32
      %dma_wait3A_32 = tpu.memref_slice %arg6[%dma_wait3A, %dma_wait3A_31] : memref<25x80xi32, #tpu.memory_space<vmem>> -> memref<1x80xi32, #tpu.memory_space<vmem>>
      %dma_wait3A_33 = tpu.memref_squeeze %dma_wait3A_32 : memref<1x80xi32, #tpu.memory_space<vmem>> -> memref<80xi32, #tpu.memory_space<vmem>>
      %dma_wait3A_34 = arith.constant 0 : i32
      %dma_wait3A_35 = arith.constant 0 : i32
      %dma_wait3A_36 = tpu.memref_slice %arg4[%dma_wait3A_34, %dma_wait3A_35] : memref<20000x64xf32, #tpu.memory_space<hbm>> -> memref<20000x64xf32, #tpu.memory_space<hbm>>
      tpu.wait_indirect_dma semaphore(%arg12 : memref<!tpu.dma_semaphore, #tpu.memory_space<semaphore_mem>>) src(%dma_wait3A_36 : memref<20000x64xf32, #tpu.memory_space<hbm>>) dst(%arg8 : memref<80x64xf32, #tpu.memory_space<vmem>>)
      %dma_start3A_37 = arith.constant 0 : i32
      %dma_start3A_38 = arith.constant 0 : i32
      %dma_start3A_39 = tpu.memref_slice %arg7[%dma_start3A_37, %dma_start3A_38] : memref<25x80xi32, #tpu.memory_space<vmem>> -> memref<1x80xi32, #tpu.memory_space<vmem>>
      %dma_start3A_40 = tpu.memref_squeeze %dma_start3A_39 : memref<1x80xi32, #tpu.memory_space<vmem>> -> memref<80xi32, #tpu.memory_space<vmem>>
      %dma_start3A_41 = arith.constant 0 : i32
      %dma_start3A_42 = arith.constant 0 : i32
      %dma_start3A_43 = tpu.memref_slice %arg11[%dma_start3A_41, %dma_start3A_42] : memref<10112x64xf32, #tpu.memory_space<vmem_shared>> -> memref<10112x64xf32, #tpu.memory_space<vmem_shared>>
      tpu.enqueue_indirect_dma source(%arg8 : memref<80x64xf32, #tpu.memory_space<vmem>>) target(%dma_start3A_43 : memref<10112x64xf32, #tpu.memory_space<vmem_shared>>) offsets(%dma_start3A_40 : memref<80xi32, #tpu.memory_space<vmem>>) semaphore(%arg14 : memref<!tpu.dma_semaphore, #tpu.memory_space<semaphore_mem>>) {add = true}
      %dma_wait3A_44 = arith.constant 0 : i32
      %dma_wait3A_45 = arith.constant 0 : i32
      %dma_wait3A_46 = tpu.memref_slice %arg7[%dma_wait3A_44, %dma_wait3A_45] : memref<25x80xi32, #tpu.memory_space<vmem>> -> memref<1x80xi32, #tpu.memory_space<vmem>>
      %dma_wait3A_47 = tpu.memref_squeeze %dma_wait3A_46 : memref<1x80xi32, #tpu.memory_space<vmem>> -> memref<80xi32, #tpu.memory_space<vmem>>
      %dma_wait3A_48 = arith.constant 0 : i32
      %dma_wait3A_49 = arith.constant 0 : i32
      %dma_wait3A_50 = tpu.memref_slice %arg11[%dma_wait3A_48, %dma_wait3A_49] : memref<10112x64xf32, #tpu.memory_space<vmem_shared>> -> memref<10112x64xf32, #tpu.memory_space<vmem_shared>>
      tpu.wait_indirect_dma semaphore(%arg14 : memref<!tpu.dma_semaphore, #tpu.memory_space<semaphore_mem>>) src(%arg8 : memref<80x64xf32, #tpu.memory_space<vmem>>) dst(%dma_wait3A_50 : memref<10112x64xf32, #tpu.memory_space<vmem_shared>>)
      %dma_start3A_51 = arith.constant 2 : i32
      %dma_start3A_52 = arith.constant 0 : i32
      %dma_start3A_53 = tpu.memref_slice %arg6[%dma_start3A_51, %dma_start3A_52] : memref<25x80xi32, #tpu.memory_space<vmem>> -> memref<1x80xi32, #tpu.memory_space<vmem>>
      %dma_start3A_54 = tpu.memref_squeeze %dma_start3A_53 : memref<1x80xi32, #tpu.memory_space<vmem>> -> memref<80xi32, #tpu.memory_space<vmem>>
      %dma_start3A_55 = arith.constant 0 : i32
      %dma_start3A_56 = arith.constant 0 : i32
      %dma_start3A_57 = tpu.memref_slice %arg4[%dma_start3A_55, %dma_start3A_56] : memref<20000x64xf32, #tpu.memory_space<hbm>> -> memref<20000x64xf32, #tpu.memory_space<hbm>>
      tpu.enqueue_indirect_dma source(%dma_start3A_57 : memref<20000x64xf32, #tpu.memory_space<hbm>>) target(%arg8 : memref<80x64xf32, #tpu.memory_space<vmem>>) offsets(%dma_start3A_54 : memref<80xi32, #tpu.memory_space<vmem>>) semaphore(%arg12 : memref<!tpu.dma_semaphore, #tpu.memory_space<semaphore_mem>>)
      %dma_wait3A_58 = arith.constant 1 : i32
      %dma_wait3A_59 = arith.constant 0 : i32
      %dma_wait3A_60 = tpu.memref_slice %arg6[%dma_wait3A_58, %dma_wait3A_59] : memref<25x80xi32, #tpu.memory_space<vmem>> -> memref<1x80xi32, #tpu.memory_space<vmem>>
      %dma_wait3A_61 = tpu.memref_squeeze %dma_wait3A_60 : memref<1x80xi32, #tpu.memory_space<vmem>> -> memref<80xi32, #tpu.memory_space<vmem>>
      %dma_wait3A_62 = arith.constant 0 : i32
      %dma_wait3A_63 = arith.constant 0 : i32
      %dma_wait3A_64 = tpu.memref_slice %arg4[%dma_wait3A_62, %dma_wait3A_63] : memref<20000x64xf32, #tpu.memory_space<hbm>> -> memref<20000x64xf32, #tpu.memory_space<hbm>>
      tpu.wait_indirect_dma semaphore(%arg13 : memref<!tpu.dma_semaphore, #tpu.memory_space<semaphore_mem>>) src(%dma_wait3A_64 : memref<20000x64xf32, #tpu.memory_space<hbm>>) dst(%arg9 : memref<80x64xf32, #tpu.memory_space<vmem>>)
      %dma_start3A_65 = arith.constant 1 : i32
      %dma_start3A_66 = arith.constant 0 : i32
      %dma_start3A_67 = tpu.memref_slice %arg7[%dma_start3A_65, %dma_start3A_66] : memref<25x80xi32, #tpu.memory_space<vmem>> -> memref<1x80xi32, #tpu.memory_space<vmem>>
      %dma_start3A_68 = tpu.memref_squeeze %dma_start3A_67 : memref<1x80xi32, #tpu.memory_space<vmem>> -> memref<80xi32, #tpu.memory_space<vmem>>
      %dma_start3A_69 = arith.constant 0 : i32
      %dma_start3A_70 = arith.constant 0 : i32
      %dma_start3A_71 = tpu.memref_slice %arg11[%dma_start3A_69, %dma_start3A_70] : memref<10112x64xf32, #tpu.memory_space<vmem_shared>> -> memref<10112x64xf32, #tpu.memory_space<vmem_shared>>
      tpu.enqueue_indirect_dma source(%arg9 : memref<80x64xf32, #tpu.memory_space<vmem>>) target(%dma_start3A_71 : memref<10112x64xf32, #tpu.memory_space<vmem_shared>>) offsets(%dma_start3A_68 : memref<80xi32, #tpu.memory_space<vmem>>) semaphore(%arg15 : memref<!tpu.dma_semaphore, #tpu.memory_space<semaphore_mem>>) {add = true}
      %dma_wait3A_72 = arith.constant 1 : i32
      %dma_wait3A_73 = arith.constant 0 : i32
      %dma_wait3A_74 = tpu.memref_slice %arg7[%dma_wait3A_72, %dma_wait3A_73] : memref<25x80xi32, #tpu.memory_space<vmem>> -> memref<1x80xi32, #tpu.memory_space<vmem>>
      %dma_wait3A_75 = tpu.memref_squeeze %dma_wait3A_74 : memref<1x80xi32, #tpu.memory_space<vmem>> -> memref<80xi32, #tpu.memory_space<vmem>>
      %dma_wait3A_76 = arith.constant 0 : i32
      %dma_wait3A_77 = arith.constant 0 : i32
      %dma_wait3A_78 = tpu.memref_slice %arg11[%dma_wait3A_76, %dma_wait3A_77] : memref<10112x64xf32, #tpu.memory_space<vmem_shared>> -> memref<10112x64xf32, #tpu.memory_space<vmem_shared>>
      tpu.wait_indirect_dma semaphore(%arg15 : memref<!tpu.dma_semaphore, #tpu.memory_space<semaphore_mem>>) src(%arg9 : memref<80x64xf32, #tpu.memory_space<vmem>>) dst(%dma_wait3A_78 : memref<10112x64xf32, #tpu.memory_space<vmem_shared>>)
      %dma_start3A_79 = arith.constant 3 : i32
      %dma_start3A_80 = arith.constant 0 : i32
      %dma_start3A_81 = tpu.memref_slice %arg6[%dma_start3A_79, %dma_start3A_80] : memref<25x80xi32, #tpu.memory_space<vmem>> -> memref<1x80xi32, #tpu.memory_space<vmem>>
      %dma_start3A_82 = tpu.memref_squeeze %dma_start3A_81 : memref<1x80xi32, #tpu.memory_space<vmem>> -> memref<80xi32, #tpu.memory_space<vmem>>
      %dma_start3A_83 = arith.constant 0 : i32
      %dma_start3A_84 = arith.constant 0 : i32
      %dma_start3A_85 = tpu.memref_slice %arg4[%dma_start3A_83, %dma_start3A_84] : memref<20000x64xf32, #tpu.memory_space<hbm>> -> memref<20000x64xf32, #tpu.memory_space<hbm>>
      tpu.enqueue_indirect_dma source(%dma_start3A_85 : memref<20000x64xf32, #tpu.memory_space<hbm>>) target(%arg9 : memref<80x64xf32, #tpu.memory_space<vmem>>) offsets(%dma_start3A_82 : memref<80xi32, #tpu.memory_space<vmem>>) semaphore(%arg13 : memref<!tpu.dma_semaphore, #tpu.memory_space<semaphore_mem>>)
      %dma_wait3A_86 = arith.constant 2 : i32
      %dma_wait3A_87 = arith.constant 0 : i32
      %dma_wait3A_88 = tpu.memref_slice %arg6[%dma_wait3A_86, %dma_wait3A_87] : memref<25x80xi32, #tpu.memory_space<vmem>> -> memref<1x80xi32, #tpu.memory_space<vmem>>
      %dma_wait3A_89 = tpu.memref_squeeze %dma_wait3A_88 : memref<1x80xi32, #tpu.memory_space<vmem>> -> memref<80xi32, #tpu.memory_space<vmem>>
      %dma_wait3A_90 = arith.constant 0 : i32
      %dma_wait3A_91 = arith.constant 0 : i32
      %dma_wait3A_92 = tpu.memref_slice %arg4[%dma_wait3A_90, %dma_wait3A_91] : memref<20000x64xf32, #tpu.memory_space<hbm>> -> memref<20000x64xf32, #tpu.memory_space<hbm>>
      tpu.wait_indirect_dma semaphore(%arg12 : memref<!tpu.dma_semaphore, #tpu.memory_space<semaphore_mem>>) src(%dma_wait3A_92 : memref<20000x64xf32, #tpu.memory_space<hbm>>) dst(%arg8 : memref<80x64xf32, #tpu.memory_space<vmem>>)
      %dma_start3A_93 = arith.constant 2 : i32
      %dma_start3A_94 = arith.constant 0 : i32
      %dma_start3A_95 = tpu.memref_slice %arg7[%dma_start3A_93, %dma_start3A_94] : memref<25x80xi32, #tpu.memory_space<vmem>> -> memref<1x80xi32, #tpu.memory_space<vmem>>
      %dma_start3A_96 = tpu.memref_squeeze %dma_start3A_95 : memref<1x80xi32, #tpu.memory_space<vmem>> -> memref<80xi32, #tpu.memory_space<vmem>>
      %dma_start3A_97 = arith.constant 0 : i32
      %dma_start3A_98 = arith.constant 0 : i32
      %dma_start3A_99 = tpu.memref_slice %arg11[%dma_start3A_97, %dma_start3A_98] : memref<10112x64xf32, #tpu.memory_space<vmem_shared>> -> memref<10112x64xf32, #tpu.memory_space<vmem_shared>>
      tpu.enqueue_indirect_dma source(%arg8 : memref<80x64xf32, #tpu.memory_space<vmem>>) target(%dma_start3A_99 : memref<10112x64xf32, #tpu.memory_space<vmem_shared>>) offsets(%dma_start3A_96 : memref<80xi32, #tpu.memory_space<vmem>>) semaphore(%arg14 : memref<!tpu.dma_semaphore, #tpu.memory_space<semaphore_mem>>) {add = true}
      %dma_wait3A_100 = arith.constant 2 : i32
      %dma_wait3A_101 = arith.constant 0 : i32
      %dma_wait3A_102 = tpu.memref_slice %arg7[%dma_wait3A_100, %dma_wait3A_101] : memref<25x80xi32, #tpu.memory_space<vmem>> -> memref<1x80xi32, #tpu.memory_space<vmem>>
      %dma_wait3A_103 = tpu.memref_squeeze %dma_wait3A_102 : memref<1x80xi32, #tpu.memory_space<vmem>> -> memref<80xi32, #tpu.memory_space<vmem>>
      %dma_wait3A_104 = arith.constant 0 : i32
      %dma_wait3A_105 = arith.constant 0 : i32
      %dma_wait3A_106 = tpu.memref_slice %arg11[%dma_wait3A_104, %dma_wait3A_105] : memref<10112x64xf32, #tpu.memory_space<vmem_shared>> -> memref<10112x64xf32, #tpu.memory_space<vmem_shared>>
      tpu.wait_indirect_dma semaphore(%arg14 : memref<!tpu.dma_semaphore, #tpu.memory_space<semaphore_mem>>) src(%arg8 : memref<80x64xf32, #tpu.memory_space<vmem>>) dst(%dma_wait3A_106 : memref<10112x64xf32, #tpu.memory_space<vmem_shared>>)
      %dma_start3A_107 = arith.constant 4 : i32
      %dma_start3A_108 = arith.constant 0 : i32
      %dma_start3A_109 = tpu.memref_slice %arg6[%dma_start3A_107, %dma_start3A_108] : memref<25x80xi32, #tpu.memory_space<vmem>> -> memref<1x80xi32, #tpu.memory_space<vmem>>
      %dma_start3A_110 = tpu.memref_squeeze %dma_start3A_109 : memref<1x80xi32, #tpu.memory_space<vmem>> -> memref<80xi32, #tpu.memory_space<vmem>>
      %dma_start3A_111 = arith.constant 0 : i32
      %dma_start3A_112 = arith.constant 0 : i32
      %dma_start3A_113 = tpu.memref_slice %arg4[%dma_start3A_111, %dma_start3A_112] : memref<20000x64xf32, #tpu.memory_space<hbm>> -> memref<20000x64xf32, #tpu.memory_space<hbm>>
      tpu.enqueue_indirect_dma source(%dma_start3A_113 : memref<20000x64xf32, #tpu.memory_space<hbm>>) target(%arg8 : memref<80x64xf32, #tpu.memory_space<vmem>>) offsets(%dma_start3A_110 : memref<80xi32, #tpu.memory_space<vmem>>) semaphore(%arg12 : memref<!tpu.dma_semaphore, #tpu.memory_space<semaphore_mem>>)
      %dma_wait3A_114 = arith.constant 3 : i32
      %dma_wait3A_115 = arith.constant 0 : i32
      %dma_wait3A_116 = tpu.memref_slice %arg6[%dma_wait3A_114, %dma_wait3A_115] : memref<25x80xi32, #tpu.memory_space<vmem>> -> memref<1x80xi32, #tpu.memory_space<vmem>>
      %dma_wait3A_117 = tpu.memref_squeeze %dma_wait3A_116 : memref<1x80xi32, #tpu.memory_space<vmem>> -> memref<80xi32, #tpu.memory_space<vmem>>
      %dma_wait3A_118 = arith.constant 0 : i32
      %dma_wait3A_119 = arith.constant 0 : i32
      %dma_wait3A_120 = tpu.memref_slice %arg4[%dma_wait3A_118, %dma_wait3A_119] : memref<20000x64xf32, #tpu.memory_space<hbm>> -> memref<20000x64xf32, #tpu.memory_space<hbm>>
      tpu.wait_indirect_dma semaphore(%arg13 : memref<!tpu.dma_semaphore, #tpu.memory_space<semaphore_mem>>) src(%dma_wait3A_120 : memref<20000x64xf32, #tpu.memory_space<hbm>>) dst(%arg9 : memref<80x64xf32, #tpu.memory_space<vmem>>)
      %dma_start3A_121 = arith.constant 3 : i32
      %dma_start3A_122 = arith.constant 0 : i32
      %dma_start3A_123 = tpu.memref_slice %arg7[%dma_start3A_121, %dma_start3A_122] : memref<25x80xi32, #tpu.memory_space<vmem>> -> memref<1x80xi32, #tpu.memory_space<vmem>>
      %dma_start3A_124 = tpu.memref_squeeze %dma_start3A_123 : memref<1x80xi32, #tpu.memory_space<vmem>> -> memref<80xi32, #tpu.memory_space<vmem>>
      %dma_start3A_125 = arith.constant 0 : i32
      %dma_start3A_126 = arith.constant 0 : i32
      %dma_start3A_127 = tpu.memref_slice %arg11[%dma_start3A_125, %dma_start3A_126] : memref<10112x64xf32, #tpu.memory_space<vmem_shared>> -> memref<10112x64xf32, #tpu.memory_space<vmem_shared>>
      tpu.enqueue_indirect_dma source(%arg9 : memref<80x64xf32, #tpu.memory_space<vmem>>) target(%dma_start3A_127 : memref<10112x64xf32, #tpu.memory_space<vmem_shared>>) offsets(%dma_start3A_124 : memref<80xi32, #tpu.memory_space<vmem>>) semaphore(%arg15 : memref<!tpu.dma_semaphore, #tpu.memory_space<semaphore_mem>>) {add = true}
      %dma_wait3A_128 = arith.constant 3 : i32
      %dma_wait3A_129 = arith.constant 0 : i32
      %dma_wait3A_130 = tpu.memref_slice %arg7[%dma_wait3A_128, %dma_wait3A_129] : memref<25x80xi32, #tpu.memory_space<vmem>> -> memref<1x80xi32, #tpu.memory_space<vmem>>
      %dma_wait3A_131 = tpu.memref_squeeze %dma_wait3A_130 : memref<1x80xi32, #tpu.memory_space<vmem>> -> memref<80xi32, #tpu.memory_space<vmem>>
      %dma_wait3A_132 = arith.constant 0 : i32
      %dma_wait3A_133 = arith.constant 0 : i32
      %dma_wait3A_134 = tpu.memref_slice %arg11[%dma_wait3A_132, %dma_wait3A_133] : memref<10112x64xf32, #tpu.memory_space<vmem_shared>> -> memref<10112x64xf32, #tpu.memory_space<vmem_shared>>
      tpu.wait_indirect_dma semaphore(%arg15 : memref<!tpu.dma_semaphore, #tpu.memory_space<semaphore_mem>>) src(%arg9 : memref<80x64xf32, #tpu.memory_space<vmem>>) dst(%dma_wait3A_134 : memref<10112x64xf32, #tpu.memory_space<vmem_shared>>)
      %dma_start3A_135 = arith.constant 5 : i32
      %dma_start3A_136 = arith.constant 0 : i32
      %dma_start3A_137 = tpu.memref_slice %arg6[%dma_start3A_135, %dma_start3A_136] : memref<25x80xi32, #tpu.memory_space<vmem>> -> memref<1x80xi32, #tpu.memory_space<vmem>>
      %dma_start3A_138 = tpu.memref_squeeze %dma_start3A_137 : memref<1x80xi32, #tpu.memory_space<vmem>> -> memref<80xi32, #tpu.memory_space<vmem>>
      %dma_start3A_139 = arith.constant 0 : i32
      %dma_start3A_140 = arith.constant 0 : i32
      %dma_start3A_141 = tpu.memref_slice %arg4[%dma_start3A_139, %dma_start3A_140] : memref<20000x64xf32, #tpu.memory_space<hbm>> -> memref<20000x64xf32, #tpu.memory_space<hbm>>
      tpu.enqueue_indirect_dma source(%dma_start3A_141 : memref<20000x64xf32, #tpu.memory_space<hbm>>) target(%arg9 : memref<80x64xf32, #tpu.memory_space<vmem>>) offsets(%dma_start3A_138 : memref<80xi32, #tpu.memory_space<vmem>>) semaphore(%arg13 : memref<!tpu.dma_semaphore, #tpu.memory_space<semaphore_mem>>)
      %dma_wait3A_142 = arith.constant 4 : i32
      %dma_wait3A_143 = arith.constant 0 : i32
      %dma_wait3A_144 = tpu.memref_slice %arg6[%dma_wait3A_142, %dma_wait3A_143] : memref<25x80xi32, #tpu.memory_space<vmem>> -> memref<1x80xi32, #tpu.memory_space<vmem>>
      %dma_wait3A_145 = tpu.memref_squeeze %dma_wait3A_144 : memref<1x80xi32, #tpu.memory_space<vmem>> -> memref<80xi32, #tpu.memory_space<vmem>>
      %dma_wait3A_146 = arith.constant 0 : i32
      %dma_wait3A_147 = arith.constant 0 : i32
      %dma_wait3A_148 = tpu.memref_slice %arg4[%dma_wait3A_146, %dma_wait3A_147] : memref<20000x64xf32, #tpu.memory_space<hbm>> -> memref<20000x64xf32, #tpu.memory_space<hbm>>
      tpu.wait_indirect_dma semaphore(%arg12 : memref<!tpu.dma_semaphore, #tpu.memory_space<semaphore_mem>>) src(%dma_wait3A_148 : memref<20000x64xf32, #tpu.memory_space<hbm>>) dst(%arg8 : memref<80x64xf32, #tpu.memory_space<vmem>>)
      %dma_start3A_149 = arith.constant 4 : i32
      %dma_start3A_150 = arith.constant 0 : i32
      %dma_start3A_151 = tpu.memref_slice %arg7[%dma_start3A_149, %dma_start3A_150] : memref<25x80xi32, #tpu.memory_space<vmem>> -> memref<1x80xi32, #tpu.memory_space<vmem>>
      %dma_start3A_152 = tpu.memref_squeeze %dma_start3A_151 : memref<1x80xi32, #tpu.memory_space<vmem>> -> memref<80xi32, #tpu.memory_space<vmem>>
      %dma_start3A_153 = arith.constant 0 : i32
      %dma_start3A_154 = arith.constant 0 : i32
      %dma_start3A_155 = tpu.memref_slice %arg11[%dma_start3A_153, %dma_start3A_154] : memref<10112x64xf32, #tpu.memory_space<vmem_shared>> -> memref<10112x64xf32, #tpu.memory_space<vmem_shared>>
      tpu.enqueue_indirect_dma source(%arg8 : memref<80x64xf32, #tpu.memory_space<vmem>>) target(%dma_start3A_155 : memref<10112x64xf32, #tpu.memory_space<vmem_shared>>) offsets(%dma_start3A_152 : memref<80xi32, #tpu.memory_space<vmem>>) semaphore(%arg14 : memref<!tpu.dma_semaphore, #tpu.memory_space<semaphore_mem>>) {add = true}
      %dma_wait3A_156 = arith.constant 4 : i32
      %dma_wait3A_157 = arith.constant 0 : i32
      %dma_wait3A_158 = tpu.memref_slice %arg7[%dma_wait3A_156, %dma_wait3A_157] : memref<25x80xi32, #tpu.memory_space<vmem>> -> memref<1x80xi32, #tpu.memory_space<vmem>>
      %dma_wait3A_159 = tpu.memref_squeeze %dma_wait3A_158 : memref<1x80xi32, #tpu.memory_space<vmem>> -> memref<80xi32, #tpu.memory_space<vmem>>
      %dma_wait3A_160 = arith.constant 0 : i32
      %dma_wait3A_161 = arith.constant 0 : i32
      %dma_wait3A_162 = tpu.memref_slice %arg11[%dma_wait3A_160, %dma_wait3A_161] : memref<10112x64xf32, #tpu.memory_space<vmem_shared>> -> memref<10112x64xf32, #tpu.memory_space<vmem_shared>>
      tpu.wait_indirect_dma semaphore(%arg14 : memref<!tpu.dma_semaphore, #tpu.memory_space<semaphore_mem>>) src(%arg8 : memref<80x64xf32, #tpu.memory_space<vmem>>) dst(%dma_wait3A_162 : memref<10112x64xf32, #tpu.memory_space<vmem_shared>>)
      %dma_start3A_163 = arith.constant 6 : i32
      %dma_start3A_164 = arith.constant 0 : i32
      %dma_start3A_165 = tpu.memref_slice %arg6[%dma_start3A_163, %dma_start3A_164] : memref<25x80xi32, #tpu.memory_space<vmem>> -> memref<1x80xi32, #tpu.memory_space<vmem>>
      %dma_start3A_166 = tpu.memref_squeeze %dma_start3A_165 : memref<1x80xi32, #tpu.memory_space<vmem>> -> memref<80xi32, #tpu.memory_space<vmem>>
      %dma_start3A_167 = arith.constant 0 : i32
      %dma_start3A_168 = arith.constant 0 : i32
      %dma_start3A_169 = tpu.memref_slice %arg4[%dma_start3A_167, %dma_start3A_168] : memref<20000x64xf32, #tpu.memory_space<hbm>> -> memref<20000x64xf32, #tpu.memory_space<hbm>>
      tpu.enqueue_indirect_dma source(%dma_start3A_169 : memref<20000x64xf32, #tpu.memory_space<hbm>>) target(%arg8 : memref<80x64xf32, #tpu.memory_space<vmem>>) offsets(%dma_start3A_166 : memref<80xi32, #tpu.memory_space<vmem>>) semaphore(%arg12 : memref<!tpu.dma_semaphore, #tpu.memory_space<semaphore_mem>>)
      %dma_wait3A_170 = arith.constant 5 : i32
      %dma_wait3A_171 = arith.constant 0 : i32
      %dma_wait3A_172 = tpu.memref_slice %arg6[%dma_wait3A_170, %dma_wait3A_171] : memref<25x80xi32, #tpu.memory_space<vmem>> -> memref<1x80xi32, #tpu.memory_space<vmem>>
      %dma_wait3A_173 = tpu.memref_squeeze %dma_wait3A_172 : memref<1x80xi32, #tpu.memory_space<vmem>> -> memref<80xi32, #tpu.memory_space<vmem>>
      %dma_wait3A_174 = arith.constant 0 : i32
      %dma_wait3A_175 = arith.constant 0 : i32
      %dma_wait3A_176 = tpu.memref_slice %arg4[%dma_wait3A_174, %dma_wait3A_175] : memref<20000x64xf32, #tpu.memory_space<hbm>> -> memref<20000x64xf32, #tpu.memory_space<hbm>>
      tpu.wait_indirect_dma semaphore(%arg13 : memref<!tpu.dma_semaphore, #tpu.memory_space<semaphore_mem>>) src(%dma_wait3A_176 : memref<20000x64xf32, #tpu.memory_space<hbm>>) dst(%arg9 : memref<80x64xf32, #tpu.memory_space<vmem>>)
      %dma_start3A_177 = arith.constant 5 : i32
      %dma_start3A_178 = arith.constant 0 : i32
      %dma_start3A_179 = tpu.memref_slice %arg7[%dma_start3A_177, %dma_start3A_178] : memref<25x80xi32, #tpu.memory_space<vmem>> -> memref<1x80xi32, #tpu.memory_space<vmem>>
      %dma_start3A_180 = tpu.memref_squeeze %dma_start3A_179 : memref<1x80xi32, #tpu.memory_space<vmem>> -> memref<80xi32, #tpu.memory_space<vmem>>
      %dma_start3A_181 = arith.constant 0 : i32
      %dma_start3A_182 = arith.constant 0 : i32
      %dma_start3A_183 = tpu.memref_slice %arg11[%dma_start3A_181, %dma_start3A_182] : memref<10112x64xf32, #tpu.memory_space<vmem_shared>> -> memref<10112x64xf32, #tpu.memory_space<vmem_shared>>
      tpu.enqueue_indirect_dma source(%arg9 : memref<80x64xf32, #tpu.memory_space<vmem>>) target(%dma_start3A_183 : memref<10112x64xf32, #tpu.memory_space<vmem_shared>>) offsets(%dma_start3A_180 : memref<80xi32, #tpu.memory_space<vmem>>) semaphore(%arg15 : memref<!tpu.dma_semaphore, #tpu.memory_space<semaphore_mem>>) {add = true}
      %dma_wait3A_184 = arith.constant 5 : i32
      %dma_wait3A_185 = arith.constant 0 : i32
      %dma_wait3A_186 = tpu.memref_slice %arg7[%dma_wait3A_184, %dma_wait3A_185] : memref<25x80xi32, #tpu.memory_space<vmem>> -> memref<1x80xi32, #tpu.memory_space<vmem>>
      %dma_wait3A_187 = tpu.memref_squeeze %dma_wait3A_186 : memref<1x80xi32, #tpu.memory_space<vmem>> -> memref<80xi32, #tpu.memory_space<vmem>>
      %dma_wait3A_188 = arith.constant 0 : i32
      %dma_wait3A_189 = arith.constant 0 : i32
      %dma_wait3A_190 = tpu.memref_slice %arg11[%dma_wait3A_188, %dma_wait3A_189] : memref<10112x64xf32, #tpu.memory_space<vmem_shared>> -> memref<10112x64xf32, #tpu.memory_space<vmem_shared>>
      tpu.wait_indirect_dma semaphore(%arg15 : memref<!tpu.dma_semaphore, #tpu.memory_space<semaphore_mem>>) src(%arg9 : memref<80x64xf32, #tpu.memory_space<vmem>>) dst(%dma_wait3A_190 : memref<10112x64xf32, #tpu.memory_space<vmem_shared>>)
      %dma_start3A_191 = arith.constant 7 : i32
      %dma_start3A_192 = arith.constant 0 : i32
      %dma_start3A_193 = tpu.memref_slice %arg6[%dma_start3A_191, %dma_start3A_192] : memref<25x80xi32, #tpu.memory_space<vmem>> -> memref<1x80xi32, #tpu.memory_space<vmem>>
      %dma_start3A_194 = tpu.memref_squeeze %dma_start3A_193 : memref<1x80xi32, #tpu.memory_space<vmem>> -> memref<80xi32, #tpu.memory_space<vmem>>
      %dma_start3A_195 = arith.constant 0 : i32
      %dma_start3A_196 = arith.constant 0 : i32
      %dma_start3A_197 = tpu.memref_slice %arg4[%dma_start3A_195, %dma_start3A_196] : memref<20000x64xf32, #tpu.memory_space<hbm>> -> memref<20000x64xf32, #tpu.memory_space<hbm>>
      tpu.enqueue_indirect_dma source(%dma_start3A_197 : memref<20000x64xf32, #tpu.memory_space<hbm>>) target(%arg9 : memref<80x64xf32, #tpu.memory_space<vmem>>) offsets(%dma_start3A_194 : memref<80xi32, #tpu.memory_space<vmem>>) semaphore(%arg13 : memref<!tpu.dma_semaphore, #tpu.memory_space<semaphore_mem>>)
      %dma_wait3A_198 = arith.constant 6 : i32
      %dma_wait3A_199 = arith.constant 0 : i32
      %dma_wait3A_200 = tpu.memref_slice %arg6[%dma_wait3A_198, %dma_wait3A_199] : memref<25x80xi32, #tpu.memory_space<vmem>> -> memref<1x80xi32, #tpu.memory_space<vmem>>
      %dma_wait3A_201 = tpu.memref_squeeze %dma_wait3A_200 : memref<1x80xi32, #tpu.memory_space<vmem>> -> memref<80xi32, #tpu.memory_space<vmem>>
      %dma_wait3A_202 = arith.constant 0 : i32
      %dma_wait3A_203 = arith.constant 0 : i32
      %dma_wait3A_204 = tpu.memref_slice %arg4[%dma_wait3A_202, %dma_wait3A_203] : memref<20000x64xf32, #tpu.memory_space<hbm>> -> memref<20000x64xf32, #tpu.memory_space<hbm>>
      tpu.wait_indirect_dma semaphore(%arg12 : memref<!tpu.dma_semaphore, #tpu.memory_space<semaphore_mem>>) src(%dma_wait3A_204 : memref<20000x64xf32, #tpu.memory_space<hbm>>) dst(%arg8 : memref<80x64xf32, #tpu.memory_space<vmem>>)
      %dma_start3A_205 = arith.constant 6 : i32
      %dma_start3A_206 = arith.constant 0 : i32
      %dma_start3A_207 = tpu.memref_slice %arg7[%dma_start3A_205, %dma_start3A_206] : memref<25x80xi32, #tpu.memory_space<vmem>> -> memref<1x80xi32, #tpu.memory_space<vmem>>
      %dma_start3A_208 = tpu.memref_squeeze %dma_start3A_207 : memref<1x80xi32, #tpu.memory_space<vmem>> -> memref<80xi32, #tpu.memory_space<vmem>>
      %dma_start3A_209 = arith.constant 0 : i32
      %dma_start3A_210 = arith.constant 0 : i32
      %dma_start3A_211 = tpu.memref_slice %arg11[%dma_start3A_209, %dma_start3A_210] : memref<10112x64xf32, #tpu.memory_space<vmem_shared>> -> memref<10112x64xf32, #tpu.memory_space<vmem_shared>>
      tpu.enqueue_indirect_dma source(%arg8 : memref<80x64xf32, #tpu.memory_space<vmem>>) target(%dma_start3A_211 : memref<10112x64xf32, #tpu.memory_space<vmem_shared>>) offsets(%dma_start3A_208 : memref<80xi32, #tpu.memory_space<vmem>>) semaphore(%arg14 : memref<!tpu.dma_semaphore, #tpu.memory_space<semaphore_mem>>) {add = true}
      %dma_wait3A_212 = arith.constant 6 : i32
      %dma_wait3A_213 = arith.constant 0 : i32
      %dma_wait3A_214 = tpu.memref_slice %arg7[%dma_wait3A_212, %dma_wait3A_213] : memref<25x80xi32, #tpu.memory_space<vmem>> -> memref<1x80xi32, #tpu.memory_space<vmem>>
      %dma_wait3A_215 = tpu.memref_squeeze %dma_wait3A_214 : memref<1x80xi32, #tpu.memory_space<vmem>> -> memref<80xi32, #tpu.memory_space<vmem>>
      %dma_wait3A_216 = arith.constant 0 : i32
      %dma_wait3A_217 = arith.constant 0 : i32
      %dma_wait3A_218 = tpu.memref_slice %arg11[%dma_wait3A_216, %dma_wait3A_217] : memref<10112x64xf32, #tpu.memory_space<vmem_shared>> -> memref<10112x64xf32, #tpu.memory_space<vmem_shared>>
      tpu.wait_indirect_dma semaphore(%arg14 : memref<!tpu.dma_semaphore, #tpu.memory_space<semaphore_mem>>) src(%arg8 : memref<80x64xf32, #tpu.memory_space<vmem>>) dst(%dma_wait3A_218 : memref<10112x64xf32, #tpu.memory_space<vmem_shared>>)
      %dma_start3A_219 = arith.constant 8 : i32
      %dma_start3A_220 = arith.constant 0 : i32
      %dma_start3A_221 = tpu.memref_slice %arg6[%dma_start3A_219, %dma_start3A_220] : memref<25x80xi32, #tpu.memory_space<vmem>> -> memref<1x80xi32, #tpu.memory_space<vmem>>
      %dma_start3A_222 = tpu.memref_squeeze %dma_start3A_221 : memref<1x80xi32, #tpu.memory_space<vmem>> -> memref<80xi32, #tpu.memory_space<vmem>>
      %dma_start3A_223 = arith.constant 0 : i32
      %dma_start3A_224 = arith.constant 0 : i32
      %dma_start3A_225 = tpu.memref_slice %arg4[%dma_start3A_223, %dma_start3A_224] : memref<20000x64xf32, #tpu.memory_space<hbm>> -> memref<20000x64xf32, #tpu.memory_space<hbm>>
      tpu.enqueue_indirect_dma source(%dma_start3A_225 : memref<20000x64xf32, #tpu.memory_space<hbm>>) target(%arg8 : memref<80x64xf32, #tpu.memory_space<vmem>>) offsets(%dma_start3A_222 : memref<80xi32, #tpu.memory_space<vmem>>) semaphore(%arg12 : memref<!tpu.dma_semaphore, #tpu.memory_space<semaphore_mem>>)
      %dma_wait3A_226 = arith.constant 7 : i32
      %dma_wait3A_227 = arith.constant 0 : i32
      %dma_wait3A_228 = tpu.memref_slice %arg6[%dma_wait3A_226, %dma_wait3A_227] : memref<25x80xi32, #tpu.memory_space<vmem>> -> memref<1x80xi32, #tpu.memory_space<vmem>>
      %dma_wait3A_229 = tpu.memref_squeeze %dma_wait3A_228 : memref<1x80xi32, #tpu.memory_space<vmem>> -> memref<80xi32, #tpu.memory_space<vmem>>
      %dma_wait3A_230 = arith.constant 0 : i32
      %dma_wait3A_231 = arith.constant 0 : i32
      %dma_wait3A_232 = tpu.memref_slice %arg4[%dma_wait3A_230, %dma_wait3A_231] : memref<20000x64xf32, #tpu.memory_space<hbm>> -> memref<20000x64xf32, #tpu.memory_space<hbm>>
      tpu.wait_indirect_dma semaphore(%arg13 : memref<!tpu.dma_semaphore, #tpu.memory_space<semaphore_mem>>) src(%dma_wait3A_232 : memref<20000x64xf32, #tpu.memory_space<hbm>>) dst(%arg9 : memref<80x64xf32, #tpu.memory_space<vmem>>)
      %dma_start3A_233 = arith.constant 7 : i32
      %dma_start3A_234 = arith.constant 0 : i32
      %dma_start3A_235 = tpu.memref_slice %arg7[%dma_start3A_233, %dma_start3A_234] : memref<25x80xi32, #tpu.memory_space<vmem>> -> memref<1x80xi32, #tpu.memory_space<vmem>>
      %dma_start3A_236 = tpu.memref_squeeze %dma_start3A_235 : memref<1x80xi32, #tpu.memory_space<vmem>> -> memref<80xi32, #tpu.memory_space<vmem>>
      %dma_start3A_237 = arith.constant 0 : i32
      %dma_start3A_238 = arith.constant 0 : i32
      %dma_start3A_239 = tpu.memref_slice %arg11[%dma_start3A_237, %dma_start3A_238] : memref<10112x64xf32, #tpu.memory_space<vmem_shared>> -> memref<10112x64xf32, #tpu.memory_space<vmem_shared>>
      tpu.enqueue_indirect_dma source(%arg9 : memref<80x64xf32, #tpu.memory_space<vmem>>) target(%dma_start3A_239 : memref<10112x64xf32, #tpu.memory_space<vmem_shared>>) offsets(%dma_start3A_236 : memref<80xi32, #tpu.memory_space<vmem>>) semaphore(%arg15 : memref<!tpu.dma_semaphore, #tpu.memory_space<semaphore_mem>>) {add = true}
      %dma_wait3A_240 = arith.constant 7 : i32
      %dma_wait3A_241 = arith.constant 0 : i32
      %dma_wait3A_242 = tpu.memref_slice %arg7[%dma_wait3A_240, %dma_wait3A_241] : memref<25x80xi32, #tpu.memory_space<vmem>> -> memref<1x80xi32, #tpu.memory_space<vmem>>
      %dma_wait3A_243 = tpu.memref_squeeze %dma_wait3A_242 : memref<1x80xi32, #tpu.memory_space<vmem>> -> memref<80xi32, #tpu.memory_space<vmem>>
      %dma_wait3A_244 = arith.constant 0 : i32
      %dma_wait3A_245 = arith.constant 0 : i32
      %dma_wait3A_246 = tpu.memref_slice %arg11[%dma_wait3A_244, %dma_wait3A_245] : memref<10112x64xf32, #tpu.memory_space<vmem_shared>> -> memref<10112x64xf32, #tpu.memory_space<vmem_shared>>
      tpu.wait_indirect_dma semaphore(%arg15 : memref<!tpu.dma_semaphore, #tpu.memory_space<semaphore_mem>>) src(%arg9 : memref<80x64xf32, #tpu.memory_space<vmem>>) dst(%dma_wait3A_246 : memref<10112x64xf32, #tpu.memory_space<vmem_shared>>)
      %dma_start3A_247 = arith.constant 9 : i32
      %dma_start3A_248 = arith.constant 0 : i32
      %dma_start3A_249 = tpu.memref_slice %arg6[%dma_start3A_247, %dma_start3A_248] : memref<25x80xi32, #tpu.memory_space<vmem>> -> memref<1x80xi32, #tpu.memory_space<vmem>>
      %dma_start3A_250 = tpu.memref_squeeze %dma_start3A_249 : memref<1x80xi32, #tpu.memory_space<vmem>> -> memref<80xi32, #tpu.memory_space<vmem>>
      %dma_start3A_251 = arith.constant 0 : i32
      %dma_start3A_252 = arith.constant 0 : i32
      %dma_start3A_253 = tpu.memref_slice %arg4[%dma_start3A_251, %dma_start3A_252] : memref<20000x64xf32, #tpu.memory_space<hbm>> -> memref<20000x64xf32, #tpu.memory_space<hbm>>
      tpu.enqueue_indirect_dma source(%dma_start3A_253 : memref<20000x64xf32, #tpu.memory_space<hbm>>) target(%arg9 : memref<80x64xf32, #tpu.memory_space<vmem>>) offsets(%dma_start3A_250 : memref<80xi32, #tpu.memory_space<vmem>>) semaphore(%arg13 : memref<!tpu.dma_semaphore, #tpu.memory_space<semaphore_mem>>)
      %dma_wait3A_254 = arith.constant 8 : i32
      %dma_wait3A_255 = arith.constant 0 : i32
      %dma_wait3A_256 = tpu.memref_slice %arg6[%dma_wait3A_254, %dma_wait3A_255] : memref<25x80xi32, #tpu.memory_space<vmem>> -> memref<1x80xi32, #tpu.memory_space<vmem>>
      %dma_wait3A_257 = tpu.memref_squeeze %dma_wait3A_256 : memref<1x80xi32, #tpu.memory_space<vmem>> -> memref<80xi32, #tpu.memory_space<vmem>>
      %dma_wait3A_258 = arith.constant 0 : i32
      %dma_wait3A_259 = arith.constant 0 : i32
      %dma_wait3A_260 = tpu.memref_slice %arg4[%dma_wait3A_258, %dma_wait3A_259] : memref<20000x64xf32, #tpu.memory_space<hbm>> -> memref<20000x64xf32, #tpu.memory_space<hbm>>
      tpu.wait_indirect_dma semaphore(%arg12 : memref<!tpu.dma_semaphore, #tpu.memory_space<semaphore_mem>>) src(%dma_wait3A_260 : memref<20000x64xf32, #tpu.memory_space<hbm>>) dst(%arg8 : memref<80x64xf32, #tpu.memory_space<vmem>>)
      %dma_start3A_261 = arith.constant 8 : i32
      %dma_start3A_262 = arith.constant 0 : i32
      %dma_start3A_263 = tpu.memref_slice %arg7[%dma_start3A_261, %dma_start3A_262] : memref<25x80xi32, #tpu.memory_space<vmem>> -> memref<1x80xi32, #tpu.memory_space<vmem>>
      %dma_start3A_264 = tpu.memref_squeeze %dma_start3A_263 : memref<1x80xi32, #tpu.memory_space<vmem>> -> memref<80xi32, #tpu.memory_space<vmem>>
      %dma_start3A_265 = arith.constant 0 : i32
      %dma_start3A_266 = arith.constant 0 : i32
      %dma_start3A_267 = tpu.memref_slice %arg11[%dma_start3A_265, %dma_start3A_266] : memref<10112x64xf32, #tpu.memory_space<vmem_shared>> -> memref<10112x64xf32, #tpu.memory_space<vmem_shared>>
      tpu.enqueue_indirect_dma source(%arg8 : memref<80x64xf32, #tpu.memory_space<vmem>>) target(%dma_start3A_267 : memref<10112x64xf32, #tpu.memory_space<vmem_shared>>) offsets(%dma_start3A_264 : memref<80xi32, #tpu.memory_space<vmem>>) semaphore(%arg14 : memref<!tpu.dma_semaphore, #tpu.memory_space<semaphore_mem>>) {add = true}
      %dma_wait3A_268 = arith.constant 8 : i32
      %dma_wait3A_269 = arith.constant 0 : i32
      %dma_wait3A_270 = tpu.memref_slice %arg7[%dma_wait3A_268, %dma_wait3A_269] : memref<25x80xi32, #tpu.memory_space<vmem>> -> memref<1x80xi32, #tpu.memory_space<vmem>>
      %dma_wait3A_271 = tpu.memref_squeeze %dma_wait3A_270 : memref<1x80xi32, #tpu.memory_space<vmem>> -> memref<80xi32, #tpu.memory_space<vmem>>
      %dma_wait3A_272 = arith.constant 0 : i32
      %dma_wait3A_273 = arith.constant 0 : i32
      %dma_wait3A_274 = tpu.memref_slice %arg11[%dma_wait3A_272, %dma_wait3A_273] : memref<10112x64xf32, #tpu.memory_space<vmem_shared>> -> memref<10112x64xf32, #tpu.memory_space<vmem_shared>>
      tpu.wait_indirect_dma semaphore(%arg14 : memref<!tpu.dma_semaphore, #tpu.memory_space<semaphore_mem>>) src(%arg8 : memref<80x64xf32, #tpu.memory_space<vmem>>) dst(%dma_wait3A_274 : memref<10112x64xf32, #tpu.memory_space<vmem_shared>>)
      %dma_start3A_275 = arith.constant 10 : i32
      %dma_start3A_276 = arith.constant 0 : i32
      %dma_start3A_277 = tpu.memref_slice %arg6[%dma_start3A_275, %dma_start3A_276] : memref<25x80xi32, #tpu.memory_space<vmem>> -> memref<1x80xi32, #tpu.memory_space<vmem>>
      %dma_start3A_278 = tpu.memref_squeeze %dma_start3A_277 : memref<1x80xi32, #tpu.memory_space<vmem>> -> memref<80xi32, #tpu.memory_space<vmem>>
      %dma_start3A_279 = arith.constant 0 : i32
      %dma_start3A_280 = arith.constant 0 : i32
      %dma_start3A_281 = tpu.memref_slice %arg4[%dma_start3A_279, %dma_start3A_280] : memref<20000x64xf32, #tpu.memory_space<hbm>> -> memref<20000x64xf32, #tpu.memory_space<hbm>>
      tpu.enqueue_indirect_dma source(%dma_start3A_281 : memref<20000x64xf32, #tpu.memory_space<hbm>>) target(%arg8 : memref<80x64xf32, #tpu.memory_space<vmem>>) offsets(%dma_start3A_278 : memref<80xi32, #tpu.memory_space<vmem>>) semaphore(%arg12 : memref<!tpu.dma_semaphore, #tpu.memory_space<semaphore_mem>>)
      %dma_wait3A_282 = arith.constant 9 : i32
      %dma_wait3A_283 = arith.constant 0 : i32
      %dma_wait3A_284 = tpu.memref_slice %arg6[%dma_wait3A_282, %dma_wait3A_283] : memref<25x80xi32, #tpu.memory_space<vmem>> -> memref<1x80xi32, #tpu.memory_space<vmem>>
      %dma_wait3A_285 = tpu.memref_squeeze %dma_wait3A_284 : memref<1x80xi32, #tpu.memory_space<vmem>> -> memref<80xi32, #tpu.memory_space<vmem>>
      %dma_wait3A_286 = arith.constant 0 : i32
      %dma_wait3A_287 = arith.constant 0 : i32
      %dma_wait3A_288 = tpu.memref_slice %arg4[%dma_wait3A_286, %dma_wait3A_287] : memref<20000x64xf32, #tpu.memory_space<hbm>> -> memref<20000x64xf32, #tpu.memory_space<hbm>>
      tpu.wait_indirect_dma semaphore(%arg13 : memref<!tpu.dma_semaphore, #tpu.memory_space<semaphore_mem>>) src(%dma_wait3A_288 : memref<20000x64xf32, #tpu.memory_space<hbm>>) dst(%arg9 : memref<80x64xf32, #tpu.memory_space<vmem>>)
      %dma_start3A_289 = arith.constant 9 : i32
      %dma_start3A_290 = arith.constant 0 : i32
      %dma_start3A_291 = tpu.memref_slice %arg7[%dma_start3A_289, %dma_start3A_290] : memref<25x80xi32, #tpu.memory_space<vmem>> -> memref<1x80xi32, #tpu.memory_space<vmem>>
      %dma_start3A_292 = tpu.memref_squeeze %dma_start3A_291 : memref<1x80xi32, #tpu.memory_space<vmem>> -> memref<80xi32, #tpu.memory_space<vmem>>
      %dma_start3A_293 = arith.constant 0 : i32
      %dma_start3A_294 = arith.constant 0 : i32
      %dma_start3A_295 = tpu.memref_slice %arg11[%dma_start3A_293, %dma_start3A_294] : memref<10112x64xf32, #tpu.memory_space<vmem_shared>> -> memref<10112x64xf32, #tpu.memory_space<vmem_shared>>
      tpu.enqueue_indirect_dma source(%arg9 : memref<80x64xf32, #tpu.memory_space<vmem>>) target(%dma_start3A_295 : memref<10112x64xf32, #tpu.memory_space<vmem_shared>>) offsets(%dma_start3A_292 : memref<80xi32, #tpu.memory_space<vmem>>) semaphore(%arg15 : memref<!tpu.dma_semaphore, #tpu.memory_space<semaphore_mem>>) {add = true}
      %dma_wait3A_296 = arith.constant 9 : i32
      %dma_wait3A_297 = arith.constant 0 : i32
      %dma_wait3A_298 = tpu.memref_slice %arg7[%dma_wait3A_296, %dma_wait3A_297] : memref<25x80xi32, #tpu.memory_space<vmem>> -> memref<1x80xi32, #tpu.memory_space<vmem>>
      %dma_wait3A_299 = tpu.memref_squeeze %dma_wait3A_298 : memref<1x80xi32, #tpu.memory_space<vmem>> -> memref<80xi32, #tpu.memory_space<vmem>>
      %dma_wait3A_300 = arith.constant 0 : i32
      %dma_wait3A_301 = arith.constant 0 : i32
      %dma_wait3A_302 = tpu.memref_slice %arg11[%dma_wait3A_300, %dma_wait3A_301] : memref<10112x64xf32, #tpu.memory_space<vmem_shared>> -> memref<10112x64xf32, #tpu.memory_space<vmem_shared>>
      tpu.wait_indirect_dma semaphore(%arg15 : memref<!tpu.dma_semaphore, #tpu.memory_space<semaphore_mem>>) src(%arg9 : memref<80x64xf32, #tpu.memory_space<vmem>>) dst(%dma_wait3A_302 : memref<10112x64xf32, #tpu.memory_space<vmem_shared>>)
      %dma_start3A_303 = arith.constant 11 : i32
      %dma_start3A_304 = arith.constant 0 : i32
      %dma_start3A_305 = tpu.memref_slice %arg6[%dma_start3A_303, %dma_start3A_304] : memref<25x80xi32, #tpu.memory_space<vmem>> -> memref<1x80xi32, #tpu.memory_space<vmem>>
      %dma_start3A_306 = tpu.memref_squeeze %dma_start3A_305 : memref<1x80xi32, #tpu.memory_space<vmem>> -> memref<80xi32, #tpu.memory_space<vmem>>
      %dma_start3A_307 = arith.constant 0 : i32
      %dma_start3A_308 = arith.constant 0 : i32
      %dma_start3A_309 = tpu.memref_slice %arg4[%dma_start3A_307, %dma_start3A_308] : memref<20000x64xf32, #tpu.memory_space<hbm>> -> memref<20000x64xf32, #tpu.memory_space<hbm>>
      tpu.enqueue_indirect_dma source(%dma_start3A_309 : memref<20000x64xf32, #tpu.memory_space<hbm>>) target(%arg9 : memref<80x64xf32, #tpu.memory_space<vmem>>) offsets(%dma_start3A_306 : memref<80xi32, #tpu.memory_space<vmem>>) semaphore(%arg13 : memref<!tpu.dma_semaphore, #tpu.memory_space<semaphore_mem>>)
      %dma_wait3A_310 = arith.constant 10 : i32
      %dma_wait3A_311 = arith.constant 0 : i32
      %dma_wait3A_312 = tpu.memref_slice %arg6[%dma_wait3A_310, %dma_wait3A_311] : memref<25x80xi32, #tpu.memory_space<vmem>> -> memref<1x80xi32, #tpu.memory_space<vmem>>
      %dma_wait3A_313 = tpu.memref_squeeze %dma_wait3A_312 : memref<1x80xi32, #tpu.memory_space<vmem>> -> memref<80xi32, #tpu.memory_space<vmem>>
      %dma_wait3A_314 = arith.constant 0 : i32
      %dma_wait3A_315 = arith.constant 0 : i32
      %dma_wait3A_316 = tpu.memref_slice %arg4[%dma_wait3A_314, %dma_wait3A_315] : memref<20000x64xf32, #tpu.memory_space<hbm>> -> memref<20000x64xf32, #tpu.memory_space<hbm>>
      tpu.wait_indirect_dma semaphore(%arg12 : memref<!tpu.dma_semaphore, #tpu.memory_space<semaphore_mem>>) src(%dma_wait3A_316 : memref<20000x64xf32, #tpu.memory_space<hbm>>) dst(%arg8 : memref<80x64xf32, #tpu.memory_space<vmem>>)
      %dma_start3A_317 = arith.constant 10 : i32
      %dma_start3A_318 = arith.constant 0 : i32
      %dma_start3A_319 = tpu.memref_slice %arg7[%dma_start3A_317, %dma_start3A_318] : memref<25x80xi32, #tpu.memory_space<vmem>> -> memref<1x80xi32, #tpu.memory_space<vmem>>
      %dma_start3A_320 = tpu.memref_squeeze %dma_start3A_319 : memref<1x80xi32, #tpu.memory_space<vmem>> -> memref<80xi32, #tpu.memory_space<vmem>>
      %dma_start3A_321 = arith.constant 0 : i32
      %dma_start3A_322 = arith.constant 0 : i32
      %dma_start3A_323 = tpu.memref_slice %arg11[%dma_start3A_321, %dma_start3A_322] : memref<10112x64xf32, #tpu.memory_space<vmem_shared>> -> memref<10112x64xf32, #tpu.memory_space<vmem_shared>>
      tpu.enqueue_indirect_dma source(%arg8 : memref<80x64xf32, #tpu.memory_space<vmem>>) target(%dma_start3A_323 : memref<10112x64xf32, #tpu.memory_space<vmem_shared>>) offsets(%dma_start3A_320 : memref<80xi32, #tpu.memory_space<vmem>>) semaphore(%arg14 : memref<!tpu.dma_semaphore, #tpu.memory_space<semaphore_mem>>) {add = true}
      %dma_wait3A_324 = arith.constant 10 : i32
      %dma_wait3A_325 = arith.constant 0 : i32
      %dma_wait3A_326 = tpu.memref_slice %arg7[%dma_wait3A_324, %dma_wait3A_325] : memref<25x80xi32, #tpu.memory_space<vmem>> -> memref<1x80xi32, #tpu.memory_space<vmem>>
      %dma_wait3A_327 = tpu.memref_squeeze %dma_wait3A_326 : memref<1x80xi32, #tpu.memory_space<vmem>> -> memref<80xi32, #tpu.memory_space<vmem>>
      %dma_wait3A_328 = arith.constant 0 : i32
      %dma_wait3A_329 = arith.constant 0 : i32
      %dma_wait3A_330 = tpu.memref_slice %arg11[%dma_wait3A_328, %dma_wait3A_329] : memref<10112x64xf32, #tpu.memory_space<vmem_shared>> -> memref<10112x64xf32, #tpu.memory_space<vmem_shared>>
      tpu.wait_indirect_dma semaphore(%arg14 : memref<!tpu.dma_semaphore, #tpu.memory_space<semaphore_mem>>) src(%arg8 : memref<80x64xf32, #tpu.memory_space<vmem>>) dst(%dma_wait3A_330 : memref<10112x64xf32, #tpu.memory_space<vmem_shared>>)
      %dma_start3A_331 = arith.constant 12 : i32
      %dma_start3A_332 = arith.constant 0 : i32
      %dma_start3A_333 = tpu.memref_slice %arg6[%dma_start3A_331, %dma_start3A_332] : memref<25x80xi32, #tpu.memory_space<vmem>> -> memref<1x80xi32, #tpu.memory_space<vmem>>
      %dma_start3A_334 = tpu.memref_squeeze %dma_start3A_333 : memref<1x80xi32, #tpu.memory_space<vmem>> -> memref<80xi32, #tpu.memory_space<vmem>>
      %dma_start3A_335 = arith.constant 0 : i32
      %dma_start3A_336 = arith.constant 0 : i32
      %dma_start3A_337 = tpu.memref_slice %arg4[%dma_start3A_335, %dma_start3A_336] : memref<20000x64xf32, #tpu.memory_space<hbm>> -> memref<20000x64xf32, #tpu.memory_space<hbm>>
      tpu.enqueue_indirect_dma source(%dma_start3A_337 : memref<20000x64xf32, #tpu.memory_space<hbm>>) target(%arg8 : memref<80x64xf32, #tpu.memory_space<vmem>>) offsets(%dma_start3A_334 : memref<80xi32, #tpu.memory_space<vmem>>) semaphore(%arg12 : memref<!tpu.dma_semaphore, #tpu.memory_space<semaphore_mem>>)
      %dma_wait3A_338 = arith.constant 11 : i32
      %dma_wait3A_339 = arith.constant 0 : i32
      %dma_wait3A_340 = tpu.memref_slice %arg6[%dma_wait3A_338, %dma_wait3A_339] : memref<25x80xi32, #tpu.memory_space<vmem>> -> memref<1x80xi32, #tpu.memory_space<vmem>>
      %dma_wait3A_341 = tpu.memref_squeeze %dma_wait3A_340 : memref<1x80xi32, #tpu.memory_space<vmem>> -> memref<80xi32, #tpu.memory_space<vmem>>
      %dma_wait3A_342 = arith.constant 0 : i32
      %dma_wait3A_343 = arith.constant 0 : i32
      %dma_wait3A_344 = tpu.memref_slice %arg4[%dma_wait3A_342, %dma_wait3A_343] : memref<20000x64xf32, #tpu.memory_space<hbm>> -> memref<20000x64xf32, #tpu.memory_space<hbm>>
      tpu.wait_indirect_dma semaphore(%arg13 : memref<!tpu.dma_semaphore, #tpu.memory_space<semaphore_mem>>) src(%dma_wait3A_344 : memref<20000x64xf32, #tpu.memory_space<hbm>>) dst(%arg9 : memref<80x64xf32, #tpu.memory_space<vmem>>)
      %dma_start3A_345 = arith.constant 11 : i32
      %dma_start3A_346 = arith.constant 0 : i32
      %dma_start3A_347 = tpu.memref_slice %arg7[%dma_start3A_345, %dma_start3A_346] : memref<25x80xi32, #tpu.memory_space<vmem>> -> memref<1x80xi32, #tpu.memory_space<vmem>>
      %dma_start3A_348 = tpu.memref_squeeze %dma_start3A_347 : memref<1x80xi32, #tpu.memory_space<vmem>> -> memref<80xi32, #tpu.memory_space<vmem>>
      %dma_start3A_349 = arith.constant 0 : i32
      %dma_start3A_350 = arith.constant 0 : i32
      %dma_start3A_351 = tpu.memref_slice %arg11[%dma_start3A_349, %dma_start3A_350] : memref<10112x64xf32, #tpu.memory_space<vmem_shared>> -> memref<10112x64xf32, #tpu.memory_space<vmem_shared>>
      tpu.enqueue_indirect_dma source(%arg9 : memref<80x64xf32, #tpu.memory_space<vmem>>) target(%dma_start3A_351 : memref<10112x64xf32, #tpu.memory_space<vmem_shared>>) offsets(%dma_start3A_348 : memref<80xi32, #tpu.memory_space<vmem>>) semaphore(%arg15 : memref<!tpu.dma_semaphore, #tpu.memory_space<semaphore_mem>>) {add = true}
      %dma_wait3A_352 = arith.constant 11 : i32
      %dma_wait3A_353 = arith.constant 0 : i32
      %dma_wait3A_354 = tpu.memref_slice %arg7[%dma_wait3A_352, %dma_wait3A_353] : memref<25x80xi32, #tpu.memory_space<vmem>> -> memref<1x80xi32, #tpu.memory_space<vmem>>
      %dma_wait3A_355 = tpu.memref_squeeze %dma_wait3A_354 : memref<1x80xi32, #tpu.memory_space<vmem>> -> memref<80xi32, #tpu.memory_space<vmem>>
      %dma_wait3A_356 = arith.constant 0 : i32
      %dma_wait3A_357 = arith.constant 0 : i32
      %dma_wait3A_358 = tpu.memref_slice %arg11[%dma_wait3A_356, %dma_wait3A_357] : memref<10112x64xf32, #tpu.memory_space<vmem_shared>> -> memref<10112x64xf32, #tpu.memory_space<vmem_shared>>
      tpu.wait_indirect_dma semaphore(%arg15 : memref<!tpu.dma_semaphore, #tpu.memory_space<semaphore_mem>>) src(%arg9 : memref<80x64xf32, #tpu.memory_space<vmem>>) dst(%dma_wait3A_358 : memref<10112x64xf32, #tpu.memory_space<vmem_shared>>)
      %dma_start3A_359 = arith.constant 13 : i32
      %dma_start3A_360 = arith.constant 0 : i32
      %dma_start3A_361 = tpu.memref_slice %arg6[%dma_start3A_359, %dma_start3A_360] : memref<25x80xi32, #tpu.memory_space<vmem>> -> memref<1x80xi32, #tpu.memory_space<vmem>>
      %dma_start3A_362 = tpu.memref_squeeze %dma_start3A_361 : memref<1x80xi32, #tpu.memory_space<vmem>> -> memref<80xi32, #tpu.memory_space<vmem>>
      %dma_start3A_363 = arith.constant 0 : i32
      %dma_start3A_364 = arith.constant 0 : i32
      %dma_start3A_365 = tpu.memref_slice %arg4[%dma_start3A_363, %dma_start3A_364] : memref<20000x64xf32, #tpu.memory_space<hbm>> -> memref<20000x64xf32, #tpu.memory_space<hbm>>
      tpu.enqueue_indirect_dma source(%dma_start3A_365 : memref<20000x64xf32, #tpu.memory_space<hbm>>) target(%arg9 : memref<80x64xf32, #tpu.memory_space<vmem>>) offsets(%dma_start3A_362 : memref<80xi32, #tpu.memory_space<vmem>>) semaphore(%arg13 : memref<!tpu.dma_semaphore, #tpu.memory_space<semaphore_mem>>)
      %dma_wait3A_366 = arith.constant 12 : i32
      %dma_wait3A_367 = arith.constant 0 : i32
      %dma_wait3A_368 = tpu.memref_slice %arg6[%dma_wait3A_366, %dma_wait3A_367] : memref<25x80xi32, #tpu.memory_space<vmem>> -> memref<1x80xi32, #tpu.memory_space<vmem>>
      %dma_wait3A_369 = tpu.memref_squeeze %dma_wait3A_368 : memref<1x80xi32, #tpu.memory_space<vmem>> -> memref<80xi32, #tpu.memory_space<vmem>>
      %dma_wait3A_370 = arith.constant 0 : i32
      %dma_wait3A_371 = arith.constant 0 : i32
      %dma_wait3A_372 = tpu.memref_slice %arg4[%dma_wait3A_370, %dma_wait3A_371] : memref<20000x64xf32, #tpu.memory_space<hbm>> -> memref<20000x64xf32, #tpu.memory_space<hbm>>
      tpu.wait_indirect_dma semaphore(%arg12 : memref<!tpu.dma_semaphore, #tpu.memory_space<semaphore_mem>>) src(%dma_wait3A_372 : memref<20000x64xf32, #tpu.memory_space<hbm>>) dst(%arg8 : memref<80x64xf32, #tpu.memory_space<vmem>>)
      %dma_start3A_373 = arith.constant 12 : i32
      %dma_start3A_374 = arith.constant 0 : i32
      %dma_start3A_375 = tpu.memref_slice %arg7[%dma_start3A_373, %dma_start3A_374] : memref<25x80xi32, #tpu.memory_space<vmem>> -> memref<1x80xi32, #tpu.memory_space<vmem>>
      %dma_start3A_376 = tpu.memref_squeeze %dma_start3A_375 : memref<1x80xi32, #tpu.memory_space<vmem>> -> memref<80xi32, #tpu.memory_space<vmem>>
      %dma_start3A_377 = arith.constant 0 : i32
      %dma_start3A_378 = arith.constant 0 : i32
      %dma_start3A_379 = tpu.memref_slice %arg11[%dma_start3A_377, %dma_start3A_378] : memref<10112x64xf32, #tpu.memory_space<vmem_shared>> -> memref<10112x64xf32, #tpu.memory_space<vmem_shared>>
      tpu.enqueue_indirect_dma source(%arg8 : memref<80x64xf32, #tpu.memory_space<vmem>>) target(%dma_start3A_379 : memref<10112x64xf32, #tpu.memory_space<vmem_shared>>) offsets(%dma_start3A_376 : memref<80xi32, #tpu.memory_space<vmem>>) semaphore(%arg14 : memref<!tpu.dma_semaphore, #tpu.memory_space<semaphore_mem>>) {add = true}
      %dma_wait3A_380 = arith.constant 12 : i32
      %dma_wait3A_381 = arith.constant 0 : i32
      %dma_wait3A_382 = tpu.memref_slice %arg7[%dma_wait3A_380, %dma_wait3A_381] : memref<25x80xi32, #tpu.memory_space<vmem>> -> memref<1x80xi32, #tpu.memory_space<vmem>>
      %dma_wait3A_383 = tpu.memref_squeeze %dma_wait3A_382 : memref<1x80xi32, #tpu.memory_space<vmem>> -> memref<80xi32, #tpu.memory_space<vmem>>
      %dma_wait3A_384 = arith.constant 0 : i32
      %dma_wait3A_385 = arith.constant 0 : i32
      %dma_wait3A_386 = tpu.memref_slice %arg11[%dma_wait3A_384, %dma_wait3A_385] : memref<10112x64xf32, #tpu.memory_space<vmem_shared>> -> memref<10112x64xf32, #tpu.memory_space<vmem_shared>>
      tpu.wait_indirect_dma semaphore(%arg14 : memref<!tpu.dma_semaphore, #tpu.memory_space<semaphore_mem>>) src(%arg8 : memref<80x64xf32, #tpu.memory_space<vmem>>) dst(%dma_wait3A_386 : memref<10112x64xf32, #tpu.memory_space<vmem_shared>>)
      %dma_start3A_387 = arith.constant 14 : i32
      %dma_start3A_388 = arith.constant 0 : i32
      %dma_start3A_389 = tpu.memref_slice %arg6[%dma_start3A_387, %dma_start3A_388] : memref<25x80xi32, #tpu.memory_space<vmem>> -> memref<1x80xi32, #tpu.memory_space<vmem>>
      %dma_start3A_390 = tpu.memref_squeeze %dma_start3A_389 : memref<1x80xi32, #tpu.memory_space<vmem>> -> memref<80xi32, #tpu.memory_space<vmem>>
      %dma_start3A_391 = arith.constant 0 : i32
      %dma_start3A_392 = arith.constant 0 : i32
      %dma_start3A_393 = tpu.memref_slice %arg4[%dma_start3A_391, %dma_start3A_392] : memref<20000x64xf32, #tpu.memory_space<hbm>> -> memref<20000x64xf32, #tpu.memory_space<hbm>>
      tpu.enqueue_indirect_dma source(%dma_start3A_393 : memref<20000x64xf32, #tpu.memory_space<hbm>>) target(%arg8 : memref<80x64xf32, #tpu.memory_space<vmem>>) offsets(%dma_start3A_390 : memref<80xi32, #tpu.memory_space<vmem>>) semaphore(%arg12 : memref<!tpu.dma_semaphore, #tpu.memory_space<semaphore_mem>>)
      %dma_wait3A_394 = arith.constant 13 : i32
      %dma_wait3A_395 = arith.constant 0 : i32
      %dma_wait3A_396 = tpu.memref_slice %arg6[%dma_wait3A_394, %dma_wait3A_395] : memref<25x80xi32, #tpu.memory_space<vmem>> -> memref<1x80xi32, #tpu.memory_space<vmem>>
      %dma_wait3A_397 = tpu.memref_squeeze %dma_wait3A_396 : memref<1x80xi32, #tpu.memory_space<vmem>> -> memref<80xi32, #tpu.memory_space<vmem>>
      %dma_wait3A_398 = arith.constant 0 : i32
      %dma_wait3A_399 = arith.constant 0 : i32
      %dma_wait3A_400 = tpu.memref_slice %arg4[%dma_wait3A_398, %dma_wait3A_399] : memref<20000x64xf32, #tpu.memory_space<hbm>> -> memref<20000x64xf32, #tpu.memory_space<hbm>>
      tpu.wait_indirect_dma semaphore(%arg13 : memref<!tpu.dma_semaphore, #tpu.memory_space<semaphore_mem>>) src(%dma_wait3A_400 : memref<20000x64xf32, #tpu.memory_space<hbm>>) dst(%arg9 : memref<80x64xf32, #tpu.memory_space<vmem>>)
      %dma_start3A_401 = arith.constant 13 : i32
      %dma_start3A_402 = arith.constant 0 : i32
      %dma_start3A_403 = tpu.memref_slice %arg7[%dma_start3A_401, %dma_start3A_402] : memref<25x80xi32, #tpu.memory_space<vmem>> -> memref<1x80xi32, #tpu.memory_space<vmem>>
      %dma_start3A_404 = tpu.memref_squeeze %dma_start3A_403 : memref<1x80xi32, #tpu.memory_space<vmem>> -> memref<80xi32, #tpu.memory_space<vmem>>
      %dma_start3A_405 = arith.constant 0 : i32
      %dma_start3A_406 = arith.constant 0 : i32
      %dma_start3A_407 = tpu.memref_slice %arg11[%dma_start3A_405, %dma_start3A_406] : memref<10112x64xf32, #tpu.memory_space<vmem_shared>> -> memref<10112x64xf32, #tpu.memory_space<vmem_shared>>
      tpu.enqueue_indirect_dma source(%arg9 : memref<80x64xf32, #tpu.memory_space<vmem>>) target(%dma_start3A_407 : memref<10112x64xf32, #tpu.memory_space<vmem_shared>>) offsets(%dma_start3A_404 : memref<80xi32, #tpu.memory_space<vmem>>) semaphore(%arg15 : memref<!tpu.dma_semaphore, #tpu.memory_space<semaphore_mem>>) {add = true}
      %dma_wait3A_408 = arith.constant 13 : i32
      %dma_wait3A_409 = arith.constant 0 : i32
      %dma_wait3A_410 = tpu.memref_slice %arg7[%dma_wait3A_408, %dma_wait3A_409] : memref<25x80xi32, #tpu.memory_space<vmem>> -> memref<1x80xi32, #tpu.memory_space<vmem>>
      %dma_wait3A_411 = tpu.memref_squeeze %dma_wait3A_410 : memref<1x80xi32, #tpu.memory_space<vmem>> -> memref<80xi32, #tpu.memory_space<vmem>>
      %dma_wait3A_412 = arith.constant 0 : i32
      %dma_wait3A_413 = arith.constant 0 : i32
      %dma_wait3A_414 = tpu.memref_slice %arg11[%dma_wait3A_412, %dma_wait3A_413] : memref<10112x64xf32, #tpu.memory_space<vmem_shared>> -> memref<10112x64xf32, #tpu.memory_space<vmem_shared>>
      tpu.wait_indirect_dma semaphore(%arg15 : memref<!tpu.dma_semaphore, #tpu.memory_space<semaphore_mem>>) src(%arg9 : memref<80x64xf32, #tpu.memory_space<vmem>>) dst(%dma_wait3A_414 : memref<10112x64xf32, #tpu.memory_space<vmem_shared>>)
      %dma_start3A_415 = arith.constant 15 : i32
      %dma_start3A_416 = arith.constant 0 : i32
      %dma_start3A_417 = tpu.memref_slice %arg6[%dma_start3A_415, %dma_start3A_416] : memref<25x80xi32, #tpu.memory_space<vmem>> -> memref<1x80xi32, #tpu.memory_space<vmem>>
      %dma_start3A_418 = tpu.memref_squeeze %dma_start3A_417 : memref<1x80xi32, #tpu.memory_space<vmem>> -> memref<80xi32, #tpu.memory_space<vmem>>
      %dma_start3A_419 = arith.constant 0 : i32
      %dma_start3A_420 = arith.constant 0 : i32
      %dma_start3A_421 = tpu.memref_slice %arg4[%dma_start3A_419, %dma_start3A_420] : memref<20000x64xf32, #tpu.memory_space<hbm>> -> memref<20000x64xf32, #tpu.memory_space<hbm>>
      tpu.enqueue_indirect_dma source(%dma_start3A_421 : memref<20000x64xf32, #tpu.memory_space<hbm>>) target(%arg9 : memref<80x64xf32, #tpu.memory_space<vmem>>) offsets(%dma_start3A_418 : memref<80xi32, #tpu.memory_space<vmem>>) semaphore(%arg13 : memref<!tpu.dma_semaphore, #tpu.memory_space<semaphore_mem>>)
      %dma_wait3A_422 = arith.constant 14 : i32
      %dma_wait3A_423 = arith.constant 0 : i32
      %dma_wait3A_424 = tpu.memref_slice %arg6[%dma_wait3A_422, %dma_wait3A_423] : memref<25x80xi32, #tpu.memory_space<vmem>> -> memref<1x80xi32, #tpu.memory_space<vmem>>
      %dma_wait3A_425 = tpu.memref_squeeze %dma_wait3A_424 : memref<1x80xi32, #tpu.memory_space<vmem>> -> memref<80xi32, #tpu.memory_space<vmem>>
      %dma_wait3A_426 = arith.constant 0 : i32
      %dma_wait3A_427 = arith.constant 0 : i32
      %dma_wait3A_428 = tpu.memref_slice %arg4[%dma_wait3A_426, %dma_wait3A_427] : memref<20000x64xf32, #tpu.memory_space<hbm>> -> memref<20000x64xf32, #tpu.memory_space<hbm>>
      tpu.wait_indirect_dma semaphore(%arg12 : memref<!tpu.dma_semaphore, #tpu.memory_space<semaphore_mem>>) src(%dma_wait3A_428 : memref<20000x64xf32, #tpu.memory_space<hbm>>) dst(%arg8 : memref<80x64xf32, #tpu.memory_space<vmem>>)
      %dma_start3A_429 = arith.constant 14 : i32
      %dma_start3A_430 = arith.constant 0 : i32
      %dma_start3A_431 = tpu.memref_slice %arg7[%dma_start3A_429, %dma_start3A_430] : memref<25x80xi32, #tpu.memory_space<vmem>> -> memref<1x80xi32, #tpu.memory_space<vmem>>
      %dma_start3A_432 = tpu.memref_squeeze %dma_start3A_431 : memref<1x80xi32, #tpu.memory_space<vmem>> -> memref<80xi32, #tpu.memory_space<vmem>>
      %dma_start3A_433 = arith.constant 0 : i32
      %dma_start3A_434 = arith.constant 0 : i32
      %dma_start3A_435 = tpu.memref_slice %arg11[%dma_start3A_433, %dma_start3A_434] : memref<10112x64xf32, #tpu.memory_space<vmem_shared>> -> memref<10112x64xf32, #tpu.memory_space<vmem_shared>>
      tpu.enqueue_indirect_dma source(%arg8 : memref<80x64xf32, #tpu.memory_space<vmem>>) target(%dma_start3A_435 : memref<10112x64xf32, #tpu.memory_space<vmem_shared>>) offsets(%dma_start3A_432 : memref<80xi32, #tpu.memory_space<vmem>>) semaphore(%arg14 : memref<!tpu.dma_semaphore, #tpu.memory_space<semaphore_mem>>) {add = true}
      %dma_wait3A_436 = arith.constant 14 : i32
      %dma_wait3A_437 = arith.constant 0 : i32
      %dma_wait3A_438 = tpu.memref_slice %arg7[%dma_wait3A_436, %dma_wait3A_437] : memref<25x80xi32, #tpu.memory_space<vmem>> -> memref<1x80xi32, #tpu.memory_space<vmem>>
      %dma_wait3A_439 = tpu.memref_squeeze %dma_wait3A_438 : memref<1x80xi32, #tpu.memory_space<vmem>> -> memref<80xi32, #tpu.memory_space<vmem>>
      %dma_wait3A_440 = arith.constant 0 : i32
      %dma_wait3A_441 = arith.constant 0 : i32
      %dma_wait3A_442 = tpu.memref_slice %arg11[%dma_wait3A_440, %dma_wait3A_441] : memref<10112x64xf32, #tpu.memory_space<vmem_shared>> -> memref<10112x64xf32, #tpu.memory_space<vmem_shared>>
      tpu.wait_indirect_dma semaphore(%arg14 : memref<!tpu.dma_semaphore, #tpu.memory_space<semaphore_mem>>) src(%arg8 : memref<80x64xf32, #tpu.memory_space<vmem>>) dst(%dma_wait3A_442 : memref<10112x64xf32, #tpu.memory_space<vmem_shared>>)
      %dma_start3A_443 = arith.constant 16 : i32
      %dma_start3A_444 = arith.constant 0 : i32
      %dma_start3A_445 = tpu.memref_slice %arg6[%dma_start3A_443, %dma_start3A_444] : memref<25x80xi32, #tpu.memory_space<vmem>> -> memref<1x80xi32, #tpu.memory_space<vmem>>
      %dma_start3A_446 = tpu.memref_squeeze %dma_start3A_445 : memref<1x80xi32, #tpu.memory_space<vmem>> -> memref<80xi32, #tpu.memory_space<vmem>>
      %dma_start3A_447 = arith.constant 0 : i32
      %dma_start3A_448 = arith.constant 0 : i32
      %dma_start3A_449 = tpu.memref_slice %arg4[%dma_start3A_447, %dma_start3A_448] : memref<20000x64xf32, #tpu.memory_space<hbm>> -> memref<20000x64xf32, #tpu.memory_space<hbm>>
      tpu.enqueue_indirect_dma source(%dma_start3A_449 : memref<20000x64xf32, #tpu.memory_space<hbm>>) target(%arg8 : memref<80x64xf32, #tpu.memory_space<vmem>>) offsets(%dma_start3A_446 : memref<80xi32, #tpu.memory_space<vmem>>) semaphore(%arg12 : memref<!tpu.dma_semaphore, #tpu.memory_space<semaphore_mem>>)
      %dma_wait3A_450 = arith.constant 15 : i32
      %dma_wait3A_451 = arith.constant 0 : i32
      %dma_wait3A_452 = tpu.memref_slice %arg6[%dma_wait3A_450, %dma_wait3A_451] : memref<25x80xi32, #tpu.memory_space<vmem>> -> memref<1x80xi32, #tpu.memory_space<vmem>>
      %dma_wait3A_453 = tpu.memref_squeeze %dma_wait3A_452 : memref<1x80xi32, #tpu.memory_space<vmem>> -> memref<80xi32, #tpu.memory_space<vmem>>
      %dma_wait3A_454 = arith.constant 0 : i32
      %dma_wait3A_455 = arith.constant 0 : i32
      %dma_wait3A_456 = tpu.memref_slice %arg4[%dma_wait3A_454, %dma_wait3A_455] : memref<20000x64xf32, #tpu.memory_space<hbm>> -> memref<20000x64xf32, #tpu.memory_space<hbm>>
      tpu.wait_indirect_dma semaphore(%arg13 : memref<!tpu.dma_semaphore, #tpu.memory_space<semaphore_mem>>) src(%dma_wait3A_456 : memref<20000x64xf32, #tpu.memory_space<hbm>>) dst(%arg9 : memref<80x64xf32, #tpu.memory_space<vmem>>)
      %dma_start3A_457 = arith.constant 15 : i32
      %dma_start3A_458 = arith.constant 0 : i32
      %dma_start3A_459 = tpu.memref_slice %arg7[%dma_start3A_457, %dma_start3A_458] : memref<25x80xi32, #tpu.memory_space<vmem>> -> memref<1x80xi32, #tpu.memory_space<vmem>>
      %dma_start3A_460 = tpu.memref_squeeze %dma_start3A_459 : memref<1x80xi32, #tpu.memory_space<vmem>> -> memref<80xi32, #tpu.memory_space<vmem>>
      %dma_start3A_461 = arith.constant 0 : i32
      %dma_start3A_462 = arith.constant 0 : i32
      %dma_start3A_463 = tpu.memref_slice %arg11[%dma_start3A_461, %dma_start3A_462] : memref<10112x64xf32, #tpu.memory_space<vmem_shared>> -> memref<10112x64xf32, #tpu.memory_space<vmem_shared>>
      tpu.enqueue_indirect_dma source(%arg9 : memref<80x64xf32, #tpu.memory_space<vmem>>) target(%dma_start3A_463 : memref<10112x64xf32, #tpu.memory_space<vmem_shared>>) offsets(%dma_start3A_460 : memref<80xi32, #tpu.memory_space<vmem>>) semaphore(%arg15 : memref<!tpu.dma_semaphore, #tpu.memory_space<semaphore_mem>>) {add = true}
      %dma_wait3A_464 = arith.constant 15 : i32
      %dma_wait3A_465 = arith.constant 0 : i32
      %dma_wait3A_466 = tpu.memref_slice %arg7[%dma_wait3A_464, %dma_wait3A_465] : memref<25x80xi32, #tpu.memory_space<vmem>> -> memref<1x80xi32, #tpu.memory_space<vmem>>
      %dma_wait3A_467 = tpu.memref_squeeze %dma_wait3A_466 : memref<1x80xi32, #tpu.memory_space<vmem>> -> memref<80xi32, #tpu.memory_space<vmem>>
      %dma_wait3A_468 = arith.constant 0 : i32
      %dma_wait3A_469 = arith.constant 0 : i32
      %dma_wait3A_470 = tpu.memref_slice %arg11[%dma_wait3A_468, %dma_wait3A_469] : memref<10112x64xf32, #tpu.memory_space<vmem_shared>> -> memref<10112x64xf32, #tpu.memory_space<vmem_shared>>
      tpu.wait_indirect_dma semaphore(%arg15 : memref<!tpu.dma_semaphore, #tpu.memory_space<semaphore_mem>>) src(%arg9 : memref<80x64xf32, #tpu.memory_space<vmem>>) dst(%dma_wait3A_470 : memref<10112x64xf32, #tpu.memory_space<vmem_shared>>)
      %dma_start3A_471 = arith.constant 17 : i32
      %dma_start3A_472 = arith.constant 0 : i32
      %dma_start3A_473 = tpu.memref_slice %arg6[%dma_start3A_471, %dma_start3A_472] : memref<25x80xi32, #tpu.memory_space<vmem>> -> memref<1x80xi32, #tpu.memory_space<vmem>>
      %dma_start3A_474 = tpu.memref_squeeze %dma_start3A_473 : memref<1x80xi32, #tpu.memory_space<vmem>> -> memref<80xi32, #tpu.memory_space<vmem>>
      %dma_start3A_475 = arith.constant 0 : i32
      %dma_start3A_476 = arith.constant 0 : i32
      %dma_start3A_477 = tpu.memref_slice %arg4[%dma_start3A_475, %dma_start3A_476] : memref<20000x64xf32, #tpu.memory_space<hbm>> -> memref<20000x64xf32, #tpu.memory_space<hbm>>
      tpu.enqueue_indirect_dma source(%dma_start3A_477 : memref<20000x64xf32, #tpu.memory_space<hbm>>) target(%arg9 : memref<80x64xf32, #tpu.memory_space<vmem>>) offsets(%dma_start3A_474 : memref<80xi32, #tpu.memory_space<vmem>>) semaphore(%arg13 : memref<!tpu.dma_semaphore, #tpu.memory_space<semaphore_mem>>)
      %dma_wait3A_478 = arith.constant 16 : i32
      %dma_wait3A_479 = arith.constant 0 : i32
      %dma_wait3A_480 = tpu.memref_slice %arg6[%dma_wait3A_478, %dma_wait3A_479] : memref<25x80xi32, #tpu.memory_space<vmem>> -> memref<1x80xi32, #tpu.memory_space<vmem>>
      %dma_wait3A_481 = tpu.memref_squeeze %dma_wait3A_480 : memref<1x80xi32, #tpu.memory_space<vmem>> -> memref<80xi32, #tpu.memory_space<vmem>>
      %dma_wait3A_482 = arith.constant 0 : i32
      %dma_wait3A_483 = arith.constant 0 : i32
      %dma_wait3A_484 = tpu.memref_slice %arg4[%dma_wait3A_482, %dma_wait3A_483] : memref<20000x64xf32, #tpu.memory_space<hbm>> -> memref<20000x64xf32, #tpu.memory_space<hbm>>
      tpu.wait_indirect_dma semaphore(%arg12 : memref<!tpu.dma_semaphore, #tpu.memory_space<semaphore_mem>>) src(%dma_wait3A_484 : memref<20000x64xf32, #tpu.memory_space<hbm>>) dst(%arg8 : memref<80x64xf32, #tpu.memory_space<vmem>>)
      %dma_start3A_485 = arith.constant 16 : i32
      %dma_start3A_486 = arith.constant 0 : i32
      %dma_start3A_487 = tpu.memref_slice %arg7[%dma_start3A_485, %dma_start3A_486] : memref<25x80xi32, #tpu.memory_space<vmem>> -> memref<1x80xi32, #tpu.memory_space<vmem>>
      %dma_start3A_488 = tpu.memref_squeeze %dma_start3A_487 : memref<1x80xi32, #tpu.memory_space<vmem>> -> memref<80xi32, #tpu.memory_space<vmem>>
      %dma_start3A_489 = arith.constant 0 : i32
      %dma_start3A_490 = arith.constant 0 : i32
      %dma_start3A_491 = tpu.memref_slice %arg11[%dma_start3A_489, %dma_start3A_490] : memref<10112x64xf32, #tpu.memory_space<vmem_shared>> -> memref<10112x64xf32, #tpu.memory_space<vmem_shared>>
      tpu.enqueue_indirect_dma source(%arg8 : memref<80x64xf32, #tpu.memory_space<vmem>>) target(%dma_start3A_491 : memref<10112x64xf32, #tpu.memory_space<vmem_shared>>) offsets(%dma_start3A_488 : memref<80xi32, #tpu.memory_space<vmem>>) semaphore(%arg14 : memref<!tpu.dma_semaphore, #tpu.memory_space<semaphore_mem>>) {add = true}
      %dma_wait3A_492 = arith.constant 16 : i32
      %dma_wait3A_493 = arith.constant 0 : i32
      %dma_wait3A_494 = tpu.memref_slice %arg7[%dma_wait3A_492, %dma_wait3A_493] : memref<25x80xi32, #tpu.memory_space<vmem>> -> memref<1x80xi32, #tpu.memory_space<vmem>>
      %dma_wait3A_495 = tpu.memref_squeeze %dma_wait3A_494 : memref<1x80xi32, #tpu.memory_space<vmem>> -> memref<80xi32, #tpu.memory_space<vmem>>
      %dma_wait3A_496 = arith.constant 0 : i32
      %dma_wait3A_497 = arith.constant 0 : i32
      %dma_wait3A_498 = tpu.memref_slice %arg11[%dma_wait3A_496, %dma_wait3A_497] : memref<10112x64xf32, #tpu.memory_space<vmem_shared>> -> memref<10112x64xf32, #tpu.memory_space<vmem_shared>>
      tpu.wait_indirect_dma semaphore(%arg14 : memref<!tpu.dma_semaphore, #tpu.memory_space<semaphore_mem>>) src(%arg8 : memref<80x64xf32, #tpu.memory_space<vmem>>) dst(%dma_wait3A_498 : memref<10112x64xf32, #tpu.memory_space<vmem_shared>>)
      %dma_start3A_499 = arith.constant 18 : i32
      %dma_start3A_500 = arith.constant 0 : i32
      %dma_start3A_501 = tpu.memref_slice %arg6[%dma_start3A_499, %dma_start3A_500] : memref<25x80xi32, #tpu.memory_space<vmem>> -> memref<1x80xi32, #tpu.memory_space<vmem>>
      %dma_start3A_502 = tpu.memref_squeeze %dma_start3A_501 : memref<1x80xi32, #tpu.memory_space<vmem>> -> memref<80xi32, #tpu.memory_space<vmem>>
      %dma_start3A_503 = arith.constant 0 : i32
      %dma_start3A_504 = arith.constant 0 : i32
      %dma_start3A_505 = tpu.memref_slice %arg4[%dma_start3A_503, %dma_start3A_504] : memref<20000x64xf32, #tpu.memory_space<hbm>> -> memref<20000x64xf32, #tpu.memory_space<hbm>>
      tpu.enqueue_indirect_dma source(%dma_start3A_505 : memref<20000x64xf32, #tpu.memory_space<hbm>>) target(%arg8 : memref<80x64xf32, #tpu.memory_space<vmem>>) offsets(%dma_start3A_502 : memref<80xi32, #tpu.memory_space<vmem>>) semaphore(%arg12 : memref<!tpu.dma_semaphore, #tpu.memory_space<semaphore_mem>>)
      %dma_wait3A_506 = arith.constant 17 : i32
      %dma_wait3A_507 = arith.constant 0 : i32
      %dma_wait3A_508 = tpu.memref_slice %arg6[%dma_wait3A_506, %dma_wait3A_507] : memref<25x80xi32, #tpu.memory_space<vmem>> -> memref<1x80xi32, #tpu.memory_space<vmem>>
      %dma_wait3A_509 = tpu.memref_squeeze %dma_wait3A_508 : memref<1x80xi32, #tpu.memory_space<vmem>> -> memref<80xi32, #tpu.memory_space<vmem>>
      %dma_wait3A_510 = arith.constant 0 : i32
      %dma_wait3A_511 = arith.constant 0 : i32
      %dma_wait3A_512 = tpu.memref_slice %arg4[%dma_wait3A_510, %dma_wait3A_511] : memref<20000x64xf32, #tpu.memory_space<hbm>> -> memref<20000x64xf32, #tpu.memory_space<hbm>>
      tpu.wait_indirect_dma semaphore(%arg13 : memref<!tpu.dma_semaphore, #tpu.memory_space<semaphore_mem>>) src(%dma_wait3A_512 : memref<20000x64xf32, #tpu.memory_space<hbm>>) dst(%arg9 : memref<80x64xf32, #tpu.memory_space<vmem>>)
      %dma_start3A_513 = arith.constant 17 : i32
      %dma_start3A_514 = arith.constant 0 : i32
      %dma_start3A_515 = tpu.memref_slice %arg7[%dma_start3A_513, %dma_start3A_514] : memref<25x80xi32, #tpu.memory_space<vmem>> -> memref<1x80xi32, #tpu.memory_space<vmem>>
      %dma_start3A_516 = tpu.memref_squeeze %dma_start3A_515 : memref<1x80xi32, #tpu.memory_space<vmem>> -> memref<80xi32, #tpu.memory_space<vmem>>
      %dma_start3A_517 = arith.constant 0 : i32
      %dma_start3A_518 = arith.constant 0 : i32
      %dma_start3A_519 = tpu.memref_slice %arg11[%dma_start3A_517, %dma_start3A_518] : memref<10112x64xf32, #tpu.memory_space<vmem_shared>> -> memref<10112x64xf32, #tpu.memory_space<vmem_shared>>
      tpu.enqueue_indirect_dma source(%arg9 : memref<80x64xf32, #tpu.memory_space<vmem>>) target(%dma_start3A_519 : memref<10112x64xf32, #tpu.memory_space<vmem_shared>>) offsets(%dma_start3A_516 : memref<80xi32, #tpu.memory_space<vmem>>) semaphore(%arg15 : memref<!tpu.dma_semaphore, #tpu.memory_space<semaphore_mem>>) {add = true}
      %dma_wait3A_520 = arith.constant 17 : i32
      %dma_wait3A_521 = arith.constant 0 : i32
      %dma_wait3A_522 = tpu.memref_slice %arg7[%dma_wait3A_520, %dma_wait3A_521] : memref<25x80xi32, #tpu.memory_space<vmem>> -> memref<1x80xi32, #tpu.memory_space<vmem>>
      %dma_wait3A_523 = tpu.memref_squeeze %dma_wait3A_522 : memref<1x80xi32, #tpu.memory_space<vmem>> -> memref<80xi32, #tpu.memory_space<vmem>>
      %dma_wait3A_524 = arith.constant 0 : i32
      %dma_wait3A_525 = arith.constant 0 : i32
      %dma_wait3A_526 = tpu.memref_slice %arg11[%dma_wait3A_524, %dma_wait3A_525] : memref<10112x64xf32, #tpu.memory_space<vmem_shared>> -> memref<10112x64xf32, #tpu.memory_space<vmem_shared>>
      tpu.wait_indirect_dma semaphore(%arg15 : memref<!tpu.dma_semaphore, #tpu.memory_space<semaphore_mem>>) src(%arg9 : memref<80x64xf32, #tpu.memory_space<vmem>>) dst(%dma_wait3A_526 : memref<10112x64xf32, #tpu.memory_space<vmem_shared>>)
      %dma_start3A_527 = arith.constant 19 : i32
      %dma_start3A_528 = arith.constant 0 : i32
      %dma_start3A_529 = tpu.memref_slice %arg6[%dma_start3A_527, %dma_start3A_528] : memref<25x80xi32, #tpu.memory_space<vmem>> -> memref<1x80xi32, #tpu.memory_space<vmem>>
      %dma_start3A_530 = tpu.memref_squeeze %dma_start3A_529 : memref<1x80xi32, #tpu.memory_space<vmem>> -> memref<80xi32, #tpu.memory_space<vmem>>
      %dma_start3A_531 = arith.constant 0 : i32
      %dma_start3A_532 = arith.constant 0 : i32
      %dma_start3A_533 = tpu.memref_slice %arg4[%dma_start3A_531, %dma_start3A_532] : memref<20000x64xf32, #tpu.memory_space<hbm>> -> memref<20000x64xf32, #tpu.memory_space<hbm>>
      tpu.enqueue_indirect_dma source(%dma_start3A_533 : memref<20000x64xf32, #tpu.memory_space<hbm>>) target(%arg9 : memref<80x64xf32, #tpu.memory_space<vmem>>) offsets(%dma_start3A_530 : memref<80xi32, #tpu.memory_space<vmem>>) semaphore(%arg13 : memref<!tpu.dma_semaphore, #tpu.memory_space<semaphore_mem>>)
      %dma_wait3A_534 = arith.constant 18 : i32
      %dma_wait3A_535 = arith.constant 0 : i32
      %dma_wait3A_536 = tpu.memref_slice %arg6[%dma_wait3A_534, %dma_wait3A_535] : memref<25x80xi32, #tpu.memory_space<vmem>> -> memref<1x80xi32, #tpu.memory_space<vmem>>
      %dma_wait3A_537 = tpu.memref_squeeze %dma_wait3A_536 : memref<1x80xi32, #tpu.memory_space<vmem>> -> memref<80xi32, #tpu.memory_space<vmem>>
      %dma_wait3A_538 = arith.constant 0 : i32
      %dma_wait3A_539 = arith.constant 0 : i32
      %dma_wait3A_540 = tpu.memref_slice %arg4[%dma_wait3A_538, %dma_wait3A_539] : memref<20000x64xf32, #tpu.memory_space<hbm>> -> memref<20000x64xf32, #tpu.memory_space<hbm>>
      tpu.wait_indirect_dma semaphore(%arg12 : memref<!tpu.dma_semaphore, #tpu.memory_space<semaphore_mem>>) src(%dma_wait3A_540 : memref<20000x64xf32, #tpu.memory_space<hbm>>) dst(%arg8 : memref<80x64xf32, #tpu.memory_space<vmem>>)
      %dma_start3A_541 = arith.constant 18 : i32
      %dma_start3A_542 = arith.constant 0 : i32
      %dma_start3A_543 = tpu.memref_slice %arg7[%dma_start3A_541, %dma_start3A_542] : memref<25x80xi32, #tpu.memory_space<vmem>> -> memref<1x80xi32, #tpu.memory_space<vmem>>
      %dma_start3A_544 = tpu.memref_squeeze %dma_start3A_543 : memref<1x80xi32, #tpu.memory_space<vmem>> -> memref<80xi32, #tpu.memory_space<vmem>>
      %dma_start3A_545 = arith.constant 0 : i32
      %dma_start3A_546 = arith.constant 0 : i32
      %dma_start3A_547 = tpu.memref_slice %arg11[%dma_start3A_545, %dma_start3A_546] : memref<10112x64xf32, #tpu.memory_space<vmem_shared>> -> memref<10112x64xf32, #tpu.memory_space<vmem_shared>>
      tpu.enqueue_indirect_dma source(%arg8 : memref<80x64xf32, #tpu.memory_space<vmem>>) target(%dma_start3A_547 : memref<10112x64xf32, #tpu.memory_space<vmem_shared>>) offsets(%dma_start3A_544 : memref<80xi32, #tpu.memory_space<vmem>>) semaphore(%arg14 : memref<!tpu.dma_semaphore, #tpu.memory_space<semaphore_mem>>) {add = true}
      %dma_wait3A_548 = arith.constant 18 : i32
      %dma_wait3A_549 = arith.constant 0 : i32
      %dma_wait3A_550 = tpu.memref_slice %arg7[%dma_wait3A_548, %dma_wait3A_549] : memref<25x80xi32, #tpu.memory_space<vmem>> -> memref<1x80xi32, #tpu.memory_space<vmem>>
      %dma_wait3A_551 = tpu.memref_squeeze %dma_wait3A_550 : memref<1x80xi32, #tpu.memory_space<vmem>> -> memref<80xi32, #tpu.memory_space<vmem>>
      %dma_wait3A_552 = arith.constant 0 : i32
      %dma_wait3A_553 = arith.constant 0 : i32
      %dma_wait3A_554 = tpu.memref_slice %arg11[%dma_wait3A_552, %dma_wait3A_553] : memref<10112x64xf32, #tpu.memory_space<vmem_shared>> -> memref<10112x64xf32, #tpu.memory_space<vmem_shared>>
      tpu.wait_indirect_dma semaphore(%arg14 : memref<!tpu.dma_semaphore, #tpu.memory_space<semaphore_mem>>) src(%arg8 : memref<80x64xf32, #tpu.memory_space<vmem>>) dst(%dma_wait3A_554 : memref<10112x64xf32, #tpu.memory_space<vmem_shared>>)
      %dma_start3A_555 = arith.constant 20 : i32
      %dma_start3A_556 = arith.constant 0 : i32
      %dma_start3A_557 = tpu.memref_slice %arg6[%dma_start3A_555, %dma_start3A_556] : memref<25x80xi32, #tpu.memory_space<vmem>> -> memref<1x80xi32, #tpu.memory_space<vmem>>
      %dma_start3A_558 = tpu.memref_squeeze %dma_start3A_557 : memref<1x80xi32, #tpu.memory_space<vmem>> -> memref<80xi32, #tpu.memory_space<vmem>>
      %dma_start3A_559 = arith.constant 0 : i32
      %dma_start3A_560 = arith.constant 0 : i32
      %dma_start3A_561 = tpu.memref_slice %arg4[%dma_start3A_559, %dma_start3A_560] : memref<20000x64xf32, #tpu.memory_space<hbm>> -> memref<20000x64xf32, #tpu.memory_space<hbm>>
      tpu.enqueue_indirect_dma source(%dma_start3A_561 : memref<20000x64xf32, #tpu.memory_space<hbm>>) target(%arg8 : memref<80x64xf32, #tpu.memory_space<vmem>>) offsets(%dma_start3A_558 : memref<80xi32, #tpu.memory_space<vmem>>) semaphore(%arg12 : memref<!tpu.dma_semaphore, #tpu.memory_space<semaphore_mem>>)
      %dma_wait3A_562 = arith.constant 19 : i32
      %dma_wait3A_563 = arith.constant 0 : i32
      %dma_wait3A_564 = tpu.memref_slice %arg6[%dma_wait3A_562, %dma_wait3A_563] : memref<25x80xi32, #tpu.memory_space<vmem>> -> memref<1x80xi32, #tpu.memory_space<vmem>>
      %dma_wait3A_565 = tpu.memref_squeeze %dma_wait3A_564 : memref<1x80xi32, #tpu.memory_space<vmem>> -> memref<80xi32, #tpu.memory_space<vmem>>
      %dma_wait3A_566 = arith.constant 0 : i32
      %dma_wait3A_567 = arith.constant 0 : i32
      %dma_wait3A_568 = tpu.memref_slice %arg4[%dma_wait3A_566, %dma_wait3A_567] : memref<20000x64xf32, #tpu.memory_space<hbm>> -> memref<20000x64xf32, #tpu.memory_space<hbm>>
      tpu.wait_indirect_dma semaphore(%arg13 : memref<!tpu.dma_semaphore, #tpu.memory_space<semaphore_mem>>) src(%dma_wait3A_568 : memref<20000x64xf32, #tpu.memory_space<hbm>>) dst(%arg9 : memref<80x64xf32, #tpu.memory_space<vmem>>)
      %dma_start3A_569 = arith.constant 19 : i32
      %dma_start3A_570 = arith.constant 0 : i32
      %dma_start3A_571 = tpu.memref_slice %arg7[%dma_start3A_569, %dma_start3A_570] : memref<25x80xi32, #tpu.memory_space<vmem>> -> memref<1x80xi32, #tpu.memory_space<vmem>>
      %dma_start3A_572 = tpu.memref_squeeze %dma_start3A_571 : memref<1x80xi32, #tpu.memory_space<vmem>> -> memref<80xi32, #tpu.memory_space<vmem>>
      %dma_start3A_573 = arith.constant 0 : i32
      %dma_start3A_574 = arith.constant 0 : i32
      %dma_start3A_575 = tpu.memref_slice %arg11[%dma_start3A_573, %dma_start3A_574] : memref<10112x64xf32, #tpu.memory_space<vmem_shared>> -> memref<10112x64xf32, #tpu.memory_space<vmem_shared>>
      tpu.enqueue_indirect_dma source(%arg9 : memref<80x64xf32, #tpu.memory_space<vmem>>) target(%dma_start3A_575 : memref<10112x64xf32, #tpu.memory_space<vmem_shared>>) offsets(%dma_start3A_572 : memref<80xi32, #tpu.memory_space<vmem>>) semaphore(%arg15 : memref<!tpu.dma_semaphore, #tpu.memory_space<semaphore_mem>>) {add = true}
      %dma_wait3A_576 = arith.constant 19 : i32
      %dma_wait3A_577 = arith.constant 0 : i32
      %dma_wait3A_578 = tpu.memref_slice %arg7[%dma_wait3A_576, %dma_wait3A_577] : memref<25x80xi32, #tpu.memory_space<vmem>> -> memref<1x80xi32, #tpu.memory_space<vmem>>
      %dma_wait3A_579 = tpu.memref_squeeze %dma_wait3A_578 : memref<1x80xi32, #tpu.memory_space<vmem>> -> memref<80xi32, #tpu.memory_space<vmem>>
      %dma_wait3A_580 = arith.constant 0 : i32
      %dma_wait3A_581 = arith.constant 0 : i32
      %dma_wait3A_582 = tpu.memref_slice %arg11[%dma_wait3A_580, %dma_wait3A_581] : memref<10112x64xf32, #tpu.memory_space<vmem_shared>> -> memref<10112x64xf32, #tpu.memory_space<vmem_shared>>
      tpu.wait_indirect_dma semaphore(%arg15 : memref<!tpu.dma_semaphore, #tpu.memory_space<semaphore_mem>>) src(%arg9 : memref<80x64xf32, #tpu.memory_space<vmem>>) dst(%dma_wait3A_582 : memref<10112x64xf32, #tpu.memory_space<vmem_shared>>)
      %dma_start3A_583 = arith.constant 21 : i32
      %dma_start3A_584 = arith.constant 0 : i32
      %dma_start3A_585 = tpu.memref_slice %arg6[%dma_start3A_583, %dma_start3A_584] : memref<25x80xi32, #tpu.memory_space<vmem>> -> memref<1x80xi32, #tpu.memory_space<vmem>>
      %dma_start3A_586 = tpu.memref_squeeze %dma_start3A_585 : memref<1x80xi32, #tpu.memory_space<vmem>> -> memref<80xi32, #tpu.memory_space<vmem>>
      %dma_start3A_587 = arith.constant 0 : i32
      %dma_start3A_588 = arith.constant 0 : i32
      %dma_start3A_589 = tpu.memref_slice %arg4[%dma_start3A_587, %dma_start3A_588] : memref<20000x64xf32, #tpu.memory_space<hbm>> -> memref<20000x64xf32, #tpu.memory_space<hbm>>
      tpu.enqueue_indirect_dma source(%dma_start3A_589 : memref<20000x64xf32, #tpu.memory_space<hbm>>) target(%arg9 : memref<80x64xf32, #tpu.memory_space<vmem>>) offsets(%dma_start3A_586 : memref<80xi32, #tpu.memory_space<vmem>>) semaphore(%arg13 : memref<!tpu.dma_semaphore, #tpu.memory_space<semaphore_mem>>)
      %dma_wait3A_590 = arith.constant 20 : i32
      %dma_wait3A_591 = arith.constant 0 : i32
      %dma_wait3A_592 = tpu.memref_slice %arg6[%dma_wait3A_590, %dma_wait3A_591] : memref<25x80xi32, #tpu.memory_space<vmem>> -> memref<1x80xi32, #tpu.memory_space<vmem>>
      %dma_wait3A_593 = tpu.memref_squeeze %dma_wait3A_592 : memref<1x80xi32, #tpu.memory_space<vmem>> -> memref<80xi32, #tpu.memory_space<vmem>>
      %dma_wait3A_594 = arith.constant 0 : i32
      %dma_wait3A_595 = arith.constant 0 : i32
      %dma_wait3A_596 = tpu.memref_slice %arg4[%dma_wait3A_594, %dma_wait3A_595] : memref<20000x64xf32, #tpu.memory_space<hbm>> -> memref<20000x64xf32, #tpu.memory_space<hbm>>
      tpu.wait_indirect_dma semaphore(%arg12 : memref<!tpu.dma_semaphore, #tpu.memory_space<semaphore_mem>>) src(%dma_wait3A_596 : memref<20000x64xf32, #tpu.memory_space<hbm>>) dst(%arg8 : memref<80x64xf32, #tpu.memory_space<vmem>>)
      %dma_start3A_597 = arith.constant 20 : i32
      %dma_start3A_598 = arith.constant 0 : i32
      %dma_start3A_599 = tpu.memref_slice %arg7[%dma_start3A_597, %dma_start3A_598] : memref<25x80xi32, #tpu.memory_space<vmem>> -> memref<1x80xi32, #tpu.memory_space<vmem>>
      %dma_start3A_600 = tpu.memref_squeeze %dma_start3A_599 : memref<1x80xi32, #tpu.memory_space<vmem>> -> memref<80xi32, #tpu.memory_space<vmem>>
      %dma_start3A_601 = arith.constant 0 : i32
      %dma_start3A_602 = arith.constant 0 : i32
      %dma_start3A_603 = tpu.memref_slice %arg11[%dma_start3A_601, %dma_start3A_602] : memref<10112x64xf32, #tpu.memory_space<vmem_shared>> -> memref<10112x64xf32, #tpu.memory_space<vmem_shared>>
      tpu.enqueue_indirect_dma source(%arg8 : memref<80x64xf32, #tpu.memory_space<vmem>>) target(%dma_start3A_603 : memref<10112x64xf32, #tpu.memory_space<vmem_shared>>) offsets(%dma_start3A_600 : memref<80xi32, #tpu.memory_space<vmem>>) semaphore(%arg14 : memref<!tpu.dma_semaphore, #tpu.memory_space<semaphore_mem>>) {add = true}
      %dma_wait3A_604 = arith.constant 20 : i32
      %dma_wait3A_605 = arith.constant 0 : i32
      %dma_wait3A_606 = tpu.memref_slice %arg7[%dma_wait3A_604, %dma_wait3A_605] : memref<25x80xi32, #tpu.memory_space<vmem>> -> memref<1x80xi32, #tpu.memory_space<vmem>>
      %dma_wait3A_607 = tpu.memref_squeeze %dma_wait3A_606 : memref<1x80xi32, #tpu.memory_space<vmem>> -> memref<80xi32, #tpu.memory_space<vmem>>
      %dma_wait3A_608 = arith.constant 0 : i32
      %dma_wait3A_609 = arith.constant 0 : i32
      %dma_wait3A_610 = tpu.memref_slice %arg11[%dma_wait3A_608, %dma_wait3A_609] : memref<10112x64xf32, #tpu.memory_space<vmem_shared>> -> memref<10112x64xf32, #tpu.memory_space<vmem_shared>>
      tpu.wait_indirect_dma semaphore(%arg14 : memref<!tpu.dma_semaphore, #tpu.memory_space<semaphore_mem>>) src(%arg8 : memref<80x64xf32, #tpu.memory_space<vmem>>) dst(%dma_wait3A_610 : memref<10112x64xf32, #tpu.memory_space<vmem_shared>>)
      %dma_start3A_611 = arith.constant 22 : i32
      %dma_start3A_612 = arith.constant 0 : i32
      %dma_start3A_613 = tpu.memref_slice %arg6[%dma_start3A_611, %dma_start3A_612] : memref<25x80xi32, #tpu.memory_space<vmem>> -> memref<1x80xi32, #tpu.memory_space<vmem>>
      %dma_start3A_614 = tpu.memref_squeeze %dma_start3A_613 : memref<1x80xi32, #tpu.memory_space<vmem>> -> memref<80xi32, #tpu.memory_space<vmem>>
      %dma_start3A_615 = arith.constant 0 : i32
      %dma_start3A_616 = arith.constant 0 : i32
      %dma_start3A_617 = tpu.memref_slice %arg4[%dma_start3A_615, %dma_start3A_616] : memref<20000x64xf32, #tpu.memory_space<hbm>> -> memref<20000x64xf32, #tpu.memory_space<hbm>>
      tpu.enqueue_indirect_dma source(%dma_start3A_617 : memref<20000x64xf32, #tpu.memory_space<hbm>>) target(%arg8 : memref<80x64xf32, #tpu.memory_space<vmem>>) offsets(%dma_start3A_614 : memref<80xi32, #tpu.memory_space<vmem>>) semaphore(%arg12 : memref<!tpu.dma_semaphore, #tpu.memory_space<semaphore_mem>>)
      %dma_wait3A_618 = arith.constant 21 : i32
      %dma_wait3A_619 = arith.constant 0 : i32
      %dma_wait3A_620 = tpu.memref_slice %arg6[%dma_wait3A_618, %dma_wait3A_619] : memref<25x80xi32, #tpu.memory_space<vmem>> -> memref<1x80xi32, #tpu.memory_space<vmem>>
      %dma_wait3A_621 = tpu.memref_squeeze %dma_wait3A_620 : memref<1x80xi32, #tpu.memory_space<vmem>> -> memref<80xi32, #tpu.memory_space<vmem>>
      %dma_wait3A_622 = arith.constant 0 : i32
      %dma_wait3A_623 = arith.constant 0 : i32
      %dma_wait3A_624 = tpu.memref_slice %arg4[%dma_wait3A_622, %dma_wait3A_623] : memref<20000x64xf32, #tpu.memory_space<hbm>> -> memref<20000x64xf32, #tpu.memory_space<hbm>>
      tpu.wait_indirect_dma semaphore(%arg13 : memref<!tpu.dma_semaphore, #tpu.memory_space<semaphore_mem>>) src(%dma_wait3A_624 : memref<20000x64xf32, #tpu.memory_space<hbm>>) dst(%arg9 : memref<80x64xf32, #tpu.memory_space<vmem>>)
      %dma_start3A_625 = arith.constant 21 : i32
      %dma_start3A_626 = arith.constant 0 : i32
      %dma_start3A_627 = tpu.memref_slice %arg7[%dma_start3A_625, %dma_start3A_626] : memref<25x80xi32, #tpu.memory_space<vmem>> -> memref<1x80xi32, #tpu.memory_space<vmem>>
      %dma_start3A_628 = tpu.memref_squeeze %dma_start3A_627 : memref<1x80xi32, #tpu.memory_space<vmem>> -> memref<80xi32, #tpu.memory_space<vmem>>
      %dma_start3A_629 = arith.constant 0 : i32
      %dma_start3A_630 = arith.constant 0 : i32
      %dma_start3A_631 = tpu.memref_slice %arg11[%dma_start3A_629, %dma_start3A_630] : memref<10112x64xf32, #tpu.memory_space<vmem_shared>> -> memref<10112x64xf32, #tpu.memory_space<vmem_shared>>
      tpu.enqueue_indirect_dma source(%arg9 : memref<80x64xf32, #tpu.memory_space<vmem>>) target(%dma_start3A_631 : memref<10112x64xf32, #tpu.memory_space<vmem_shared>>) offsets(%dma_start3A_628 : memref<80xi32, #tpu.memory_space<vmem>>) semaphore(%arg15 : memref<!tpu.dma_semaphore, #tpu.memory_space<semaphore_mem>>) {add = true}
      %dma_wait3A_632 = arith.constant 21 : i32
      %dma_wait3A_633 = arith.constant 0 : i32
      %dma_wait3A_634 = tpu.memref_slice %arg7[%dma_wait3A_632, %dma_wait3A_633] : memref<25x80xi32, #tpu.memory_space<vmem>> -> memref<1x80xi32, #tpu.memory_space<vmem>>
      %dma_wait3A_635 = tpu.memref_squeeze %dma_wait3A_634 : memref<1x80xi32, #tpu.memory_space<vmem>> -> memref<80xi32, #tpu.memory_space<vmem>>
      %dma_wait3A_636 = arith.constant 0 : i32
      %dma_wait3A_637 = arith.constant 0 : i32
      %dma_wait3A_638 = tpu.memref_slice %arg11[%dma_wait3A_636, %dma_wait3A_637] : memref<10112x64xf32, #tpu.memory_space<vmem_shared>> -> memref<10112x64xf32, #tpu.memory_space<vmem_shared>>
      tpu.wait_indirect_dma semaphore(%arg15 : memref<!tpu.dma_semaphore, #tpu.memory_space<semaphore_mem>>) src(%arg9 : memref<80x64xf32, #tpu.memory_space<vmem>>) dst(%dma_wait3A_638 : memref<10112x64xf32, #tpu.memory_space<vmem_shared>>)
      %dma_start3A_639 = arith.constant 23 : i32
      %dma_start3A_640 = arith.constant 0 : i32
      %dma_start3A_641 = tpu.memref_slice %arg6[%dma_start3A_639, %dma_start3A_640] : memref<25x80xi32, #tpu.memory_space<vmem>> -> memref<1x80xi32, #tpu.memory_space<vmem>>
      %dma_start3A_642 = tpu.memref_squeeze %dma_start3A_641 : memref<1x80xi32, #tpu.memory_space<vmem>> -> memref<80xi32, #tpu.memory_space<vmem>>
      %dma_start3A_643 = arith.constant 0 : i32
      %dma_start3A_644 = arith.constant 0 : i32
      %dma_start3A_645 = tpu.memref_slice %arg4[%dma_start3A_643, %dma_start3A_644] : memref<20000x64xf32, #tpu.memory_space<hbm>> -> memref<20000x64xf32, #tpu.memory_space<hbm>>
      tpu.enqueue_indirect_dma source(%dma_start3A_645 : memref<20000x64xf32, #tpu.memory_space<hbm>>) target(%arg9 : memref<80x64xf32, #tpu.memory_space<vmem>>) offsets(%dma_start3A_642 : memref<80xi32, #tpu.memory_space<vmem>>) semaphore(%arg13 : memref<!tpu.dma_semaphore, #tpu.memory_space<semaphore_mem>>)
      %dma_wait3A_646 = arith.constant 22 : i32
      %dma_wait3A_647 = arith.constant 0 : i32
      %dma_wait3A_648 = tpu.memref_slice %arg6[%dma_wait3A_646, %dma_wait3A_647] : memref<25x80xi32, #tpu.memory_space<vmem>> -> memref<1x80xi32, #tpu.memory_space<vmem>>
      %dma_wait3A_649 = tpu.memref_squeeze %dma_wait3A_648 : memref<1x80xi32, #tpu.memory_space<vmem>> -> memref<80xi32, #tpu.memory_space<vmem>>
      %dma_wait3A_650 = arith.constant 0 : i32
      %dma_wait3A_651 = arith.constant 0 : i32
      %dma_wait3A_652 = tpu.memref_slice %arg4[%dma_wait3A_650, %dma_wait3A_651] : memref<20000x64xf32, #tpu.memory_space<hbm>> -> memref<20000x64xf32, #tpu.memory_space<hbm>>
      tpu.wait_indirect_dma semaphore(%arg12 : memref<!tpu.dma_semaphore, #tpu.memory_space<semaphore_mem>>) src(%dma_wait3A_652 : memref<20000x64xf32, #tpu.memory_space<hbm>>) dst(%arg8 : memref<80x64xf32, #tpu.memory_space<vmem>>)
      %dma_start3A_653 = arith.constant 22 : i32
      %dma_start3A_654 = arith.constant 0 : i32
      %dma_start3A_655 = tpu.memref_slice %arg7[%dma_start3A_653, %dma_start3A_654] : memref<25x80xi32, #tpu.memory_space<vmem>> -> memref<1x80xi32, #tpu.memory_space<vmem>>
      %dma_start3A_656 = tpu.memref_squeeze %dma_start3A_655 : memref<1x80xi32, #tpu.memory_space<vmem>> -> memref<80xi32, #tpu.memory_space<vmem>>
      %dma_start3A_657 = arith.constant 0 : i32
      %dma_start3A_658 = arith.constant 0 : i32
      %dma_start3A_659 = tpu.memref_slice %arg11[%dma_start3A_657, %dma_start3A_658] : memref<10112x64xf32, #tpu.memory_space<vmem_shared>> -> memref<10112x64xf32, #tpu.memory_space<vmem_shared>>
      tpu.enqueue_indirect_dma source(%arg8 : memref<80x64xf32, #tpu.memory_space<vmem>>) target(%dma_start3A_659 : memref<10112x64xf32, #tpu.memory_space<vmem_shared>>) offsets(%dma_start3A_656 : memref<80xi32, #tpu.memory_space<vmem>>) semaphore(%arg14 : memref<!tpu.dma_semaphore, #tpu.memory_space<semaphore_mem>>) {add = true}
      %dma_wait3A_660 = arith.constant 22 : i32
      %dma_wait3A_661 = arith.constant 0 : i32
      %dma_wait3A_662 = tpu.memref_slice %arg7[%dma_wait3A_660, %dma_wait3A_661] : memref<25x80xi32, #tpu.memory_space<vmem>> -> memref<1x80xi32, #tpu.memory_space<vmem>>
      %dma_wait3A_663 = tpu.memref_squeeze %dma_wait3A_662 : memref<1x80xi32, #tpu.memory_space<vmem>> -> memref<80xi32, #tpu.memory_space<vmem>>
      %dma_wait3A_664 = arith.constant 0 : i32
      %dma_wait3A_665 = arith.constant 0 : i32
      %dma_wait3A_666 = tpu.memref_slice %arg11[%dma_wait3A_664, %dma_wait3A_665] : memref<10112x64xf32, #tpu.memory_space<vmem_shared>> -> memref<10112x64xf32, #tpu.memory_space<vmem_shared>>
      tpu.wait_indirect_dma semaphore(%arg14 : memref<!tpu.dma_semaphore, #tpu.memory_space<semaphore_mem>>) src(%arg8 : memref<80x64xf32, #tpu.memory_space<vmem>>) dst(%dma_wait3A_666 : memref<10112x64xf32, #tpu.memory_space<vmem_shared>>)
      %dma_start3A_667 = arith.constant 24 : i32
      %dma_start3A_668 = arith.constant 0 : i32
      %dma_start3A_669 = tpu.memref_slice %arg6[%dma_start3A_667, %dma_start3A_668] : memref<25x80xi32, #tpu.memory_space<vmem>> -> memref<1x80xi32, #tpu.memory_space<vmem>>
      %dma_start3A_670 = tpu.memref_squeeze %dma_start3A_669 : memref<1x80xi32, #tpu.memory_space<vmem>> -> memref<80xi32, #tpu.memory_space<vmem>>
      %dma_start3A_671 = arith.constant 0 : i32
      %dma_start3A_672 = arith.constant 0 : i32
      %dma_start3A_673 = tpu.memref_slice %arg4[%dma_start3A_671, %dma_start3A_672] : memref<20000x64xf32, #tpu.memory_space<hbm>> -> memref<20000x64xf32, #tpu.memory_space<hbm>>
      tpu.enqueue_indirect_dma source(%dma_start3A_673 : memref<20000x64xf32, #tpu.memory_space<hbm>>) target(%arg8 : memref<80x64xf32, #tpu.memory_space<vmem>>) offsets(%dma_start3A_670 : memref<80xi32, #tpu.memory_space<vmem>>) semaphore(%arg12 : memref<!tpu.dma_semaphore, #tpu.memory_space<semaphore_mem>>)
      %dma_wait3A_674 = arith.constant 23 : i32
      %dma_wait3A_675 = arith.constant 0 : i32
      %dma_wait3A_676 = tpu.memref_slice %arg6[%dma_wait3A_674, %dma_wait3A_675] : memref<25x80xi32, #tpu.memory_space<vmem>> -> memref<1x80xi32, #tpu.memory_space<vmem>>
      %dma_wait3A_677 = tpu.memref_squeeze %dma_wait3A_676 : memref<1x80xi32, #tpu.memory_space<vmem>> -> memref<80xi32, #tpu.memory_space<vmem>>
      %dma_wait3A_678 = arith.constant 0 : i32
      %dma_wait3A_679 = arith.constant 0 : i32
      %dma_wait3A_680 = tpu.memref_slice %arg4[%dma_wait3A_678, %dma_wait3A_679] : memref<20000x64xf32, #tpu.memory_space<hbm>> -> memref<20000x64xf32, #tpu.memory_space<hbm>>
      tpu.wait_indirect_dma semaphore(%arg13 : memref<!tpu.dma_semaphore, #tpu.memory_space<semaphore_mem>>) src(%dma_wait3A_680 : memref<20000x64xf32, #tpu.memory_space<hbm>>) dst(%arg9 : memref<80x64xf32, #tpu.memory_space<vmem>>)
      %dma_start3A_681 = arith.constant 23 : i32
      %dma_start3A_682 = arith.constant 0 : i32
      %dma_start3A_683 = tpu.memref_slice %arg7[%dma_start3A_681, %dma_start3A_682] : memref<25x80xi32, #tpu.memory_space<vmem>> -> memref<1x80xi32, #tpu.memory_space<vmem>>
      %dma_start3A_684 = tpu.memref_squeeze %dma_start3A_683 : memref<1x80xi32, #tpu.memory_space<vmem>> -> memref<80xi32, #tpu.memory_space<vmem>>
      %dma_start3A_685 = arith.constant 0 : i32
      %dma_start3A_686 = arith.constant 0 : i32
      %dma_start3A_687 = tpu.memref_slice %arg11[%dma_start3A_685, %dma_start3A_686] : memref<10112x64xf32, #tpu.memory_space<vmem_shared>> -> memref<10112x64xf32, #tpu.memory_space<vmem_shared>>
      tpu.enqueue_indirect_dma source(%arg9 : memref<80x64xf32, #tpu.memory_space<vmem>>) target(%dma_start3A_687 : memref<10112x64xf32, #tpu.memory_space<vmem_shared>>) offsets(%dma_start3A_684 : memref<80xi32, #tpu.memory_space<vmem>>) semaphore(%arg15 : memref<!tpu.dma_semaphore, #tpu.memory_space<semaphore_mem>>) {add = true}
      %dma_wait3A_688 = arith.constant 23 : i32
      %dma_wait3A_689 = arith.constant 0 : i32
      %dma_wait3A_690 = tpu.memref_slice %arg7[%dma_wait3A_688, %dma_wait3A_689] : memref<25x80xi32, #tpu.memory_space<vmem>> -> memref<1x80xi32, #tpu.memory_space<vmem>>
      %dma_wait3A_691 = tpu.memref_squeeze %dma_wait3A_690 : memref<1x80xi32, #tpu.memory_space<vmem>> -> memref<80xi32, #tpu.memory_space<vmem>>
      %dma_wait3A_692 = arith.constant 0 : i32
      %dma_wait3A_693 = arith.constant 0 : i32
      %dma_wait3A_694 = tpu.memref_slice %arg11[%dma_wait3A_692, %dma_wait3A_693] : memref<10112x64xf32, #tpu.memory_space<vmem_shared>> -> memref<10112x64xf32, #tpu.memory_space<vmem_shared>>
      tpu.wait_indirect_dma semaphore(%arg15 : memref<!tpu.dma_semaphore, #tpu.memory_space<semaphore_mem>>) src(%arg9 : memref<80x64xf32, #tpu.memory_space<vmem>>) dst(%dma_wait3A_694 : memref<10112x64xf32, #tpu.memory_space<vmem_shared>>)
      %dma_wait3A_695 = arith.constant 24 : i32
      %dma_wait3A_696 = arith.constant 0 : i32
      %dma_wait3A_697 = tpu.memref_slice %arg6[%dma_wait3A_695, %dma_wait3A_696] : memref<25x80xi32, #tpu.memory_space<vmem>> -> memref<1x80xi32, #tpu.memory_space<vmem>>
      %dma_wait3A_698 = tpu.memref_squeeze %dma_wait3A_697 : memref<1x80xi32, #tpu.memory_space<vmem>> -> memref<80xi32, #tpu.memory_space<vmem>>
      %dma_wait3A_699 = arith.constant 0 : i32
      %dma_wait3A_700 = arith.constant 0 : i32
      %dma_wait3A_701 = tpu.memref_slice %arg4[%dma_wait3A_699, %dma_wait3A_700] : memref<20000x64xf32, #tpu.memory_space<hbm>> -> memref<20000x64xf32, #tpu.memory_space<hbm>>
      tpu.wait_indirect_dma semaphore(%arg12 : memref<!tpu.dma_semaphore, #tpu.memory_space<semaphore_mem>>) src(%dma_wait3A_701 : memref<20000x64xf32, #tpu.memory_space<hbm>>) dst(%arg8 : memref<80x64xf32, #tpu.memory_space<vmem>>)
      %dma_start3A_702 = arith.constant 24 : i32
      %dma_start3A_703 = arith.constant 0 : i32
      %dma_start3A_704 = tpu.memref_slice %arg7[%dma_start3A_702, %dma_start3A_703] : memref<25x80xi32, #tpu.memory_space<vmem>> -> memref<1x80xi32, #tpu.memory_space<vmem>>
      %dma_start3A_705 = tpu.memref_squeeze %dma_start3A_704 : memref<1x80xi32, #tpu.memory_space<vmem>> -> memref<80xi32, #tpu.memory_space<vmem>>
      %dma_start3A_706 = arith.constant 0 : i32
      %dma_start3A_707 = arith.constant 0 : i32
      %dma_start3A_708 = tpu.memref_slice %arg11[%dma_start3A_706, %dma_start3A_707] : memref<10112x64xf32, #tpu.memory_space<vmem_shared>> -> memref<10112x64xf32, #tpu.memory_space<vmem_shared>>
      tpu.enqueue_indirect_dma source(%arg8 : memref<80x64xf32, #tpu.memory_space<vmem>>) target(%dma_start3A_708 : memref<10112x64xf32, #tpu.memory_space<vmem_shared>>) offsets(%dma_start3A_705 : memref<80xi32, #tpu.memory_space<vmem>>) semaphore(%arg14 : memref<!tpu.dma_semaphore, #tpu.memory_space<semaphore_mem>>) {add = true}
      %dma_wait3A_709 = arith.constant 24 : i32
      %dma_wait3A_710 = arith.constant 0 : i32
      %dma_wait3A_711 = tpu.memref_slice %arg7[%dma_wait3A_709, %dma_wait3A_710] : memref<25x80xi32, #tpu.memory_space<vmem>> -> memref<1x80xi32, #tpu.memory_space<vmem>>
      %dma_wait3A_712 = tpu.memref_squeeze %dma_wait3A_711 : memref<1x80xi32, #tpu.memory_space<vmem>> -> memref<80xi32, #tpu.memory_space<vmem>>
      %dma_wait3A_713 = arith.constant 0 : i32
      %dma_wait3A_714 = arith.constant 0 : i32
      %dma_wait3A_715 = tpu.memref_slice %arg11[%dma_wait3A_713, %dma_wait3A_714] : memref<10112x64xf32, #tpu.memory_space<vmem_shared>> -> memref<10112x64xf32, #tpu.memory_space<vmem_shared>>
      tpu.wait_indirect_dma semaphore(%arg14 : memref<!tpu.dma_semaphore, #tpu.memory_space<semaphore_mem>>) src(%arg8 : memref<80x64xf32, #tpu.memory_space<vmem>>) dst(%dma_wait3A_715 : memref<10112x64xf32, #tpu.memory_space<vmem_shared>>)
    }
    %scan3A_11 = arith.constant 10 : i32
    %barrier3A_12 = arith.constant 0 : index
    tpu.barrier barrier_id(%barrier3A_12)
    %mul3A_13 = arith.constant 632 : i32
    %mul3A_14 = arith.muli %arg1, %mul3A_13 : i32
    %mul3A_15 = arith.constant 632 : i32
    %mul3A_16 = arith.muli %arg1, %mul3A_15 : i32
    "tpu.region"() ({
      %run_scoped3A = tpu.sem_alloc : memref<!tpu.dma_semaphore, #tpu.memory_space<semaphore_mem>>
      %dma_start3A = arith.constant 0 : i32
      %dma_start3A_17 = tpu.memref_slice %arg5[%arg0, %mul3A_16, %dma_start3A] : memref<2x10112x64xf32, #tpu.memory_space<hbm>> -> memref<1x632x64xf32, #tpu.memory_space<hbm>>
      %dma_start3A_18 = tpu.memref_squeeze %dma_start3A_17 : memref<1x632x64xf32, #tpu.memory_space<hbm>> -> memref<632x64xf32, #tpu.memory_space<hbm>>
      %dma_start3A_19 = arith.constant 0 : i32
      %dma_start3A_20 = tpu.memref_slice %arg11[%mul3A_14, %dma_start3A_19] : memref<10112x64xf32, #tpu.memory_space<vmem_shared>> -> memref<632x64xf32, #tpu.memory_space<vmem_shared>>
      tpu.enqueue_dma source(%dma_start3A_20 : memref<632x64xf32, #tpu.memory_space<vmem_shared>>) target(%dma_start3A_18 : memref<632x64xf32, #tpu.memory_space<hbm>>) target_semaphore(%run_scoped3A : memref<!tpu.dma_semaphore, #tpu.memory_space<semaphore_mem>>)
      %dma_wait3A = arith.constant 0 : i32
      %dma_wait3A_21 = tpu.memref_slice %arg5[%arg0, %mul3A_16, %dma_wait3A] : memref<2x10112x64xf32, #tpu.memory_space<hbm>> -> memref<1x632x64xf32, #tpu.memory_space<hbm>>
      %dma_wait3A_22 = tpu.memref_squeeze %dma_wait3A_21 : memref<1x632x64xf32, #tpu.memory_space<hbm>> -> memref<632x64xf32, #tpu.memory_space<hbm>>
      %dma_wait3A_23 = arith.constant 0 : i32
      %dma_wait3A_24 = tpu.memref_slice %arg11[%mul3A_14, %dma_wait3A_23] : memref<10112x64xf32, #tpu.memory_space<vmem_shared>> -> memref<632x64xf32, #tpu.memory_space<vmem_shared>>
      tpu.wait_dma2 semaphore(%run_scoped3A : memref<!tpu.dma_semaphore, #tpu.memory_space<semaphore_mem>>) src(%dma_wait3A_24 : memref<632x64xf32, #tpu.memory_space<vmem_shared>>) dst(%dma_wait3A_22 : memref<632x64xf32, #tpu.memory_space<hbm>>)
      tpu.yield
    }) : () -> ()
    return
  }
}

module attributes {stable_mosaic.version = 14 : i64} {
  func.func @_tc1_body(%arg0: memref<10000x128xf32, #tpu.memory_space<vmem>>, %arg1: memref<128x128xf32, #tpu.memory_space<vmem>>, %arg2: memref<10000x16xf32, #tpu.memory_space<vmem>>, %arg3: memref<10000x128xf32, #tpu.memory_space<vmem>>, %arg4: memref<10000x128xf32, #tpu.memory_space<vmem>>, %arg5: memref<10000x128xf32, #tpu.memory_space<vmem>>) attributes {dimension_semantics = [], scalar_prefetch = 0 : i64, scratch_operands = 0 : i64, tpu.core_type = #tpu.core_type<tc>} {
    %get3A = arith.constant 0 : index
    %get3A_0 = arith.constant 0 : index
    %get3A_1 = vector.load %arg2[%get3A, %get3A_0] : memref<10000x16xf32, #tpu.memory_space<vmem>>, vector<10000x1xf32>
    %add3A = arith.constant 1.000000e+00 : f32
    %add3A_2 = vector.broadcast %add3A : f32 to vector<10000x1xf32>
    %add3A_3 = arith.addf %get3A_1, %add3A_2 : vector<10000x1xf32>
    %rsqrt3A = math.rsqrt %add3A_3 : vector<10000x1xf32>
    %get3A_4 = arith.constant 0 : index
    %get3A_5 = arith.constant 0 : index
    %get3A_6 = vector.load %arg0[%get3A_4, %get3A_5] : memref<10000x128xf32, #tpu.memory_space<vmem>>, vector<10000x128xf32>
    %get3A_7 = arith.constant 0 : index
    %get3A_8 = arith.constant 0 : index
    %get3A_9 = vector.load %arg1[%get3A_7, %get3A_8] : memref<128x128xf32, #tpu.memory_space<vmem>>, vector<128x128xf32>
    %dot_general3A = arith.constant dense<0.000000e+00> : vector<10000x128xf32>
    %dot_general3A_10 = tpu.matmul %get3A_6, %get3A_9, %dot_general3A {dimension_numbers = #tpu.dot_dimension_numbers<[1], [0], [0], [1], [0, 0, 1, 1], [], []>, transpose_lhs_hint = false} : vector<10000x128xf32>, vector<128x128xf32>, vector<10000x128xf32> -> vector<10000x128xf32>
    %swap3A = arith.constant 0 : index
    %swap3A_11 = arith.constant 0 : index
    %swap3A_12 = vector.load %arg3[%swap3A, %swap3A_11] : memref<10000x128xf32, #tpu.memory_space<vmem>>, vector<10000x128xf32>
    tpu.vector_store %arg3[%swap3A, %swap3A_11], %dot_general3A_10 {strides = array<i32>} : memref<10000x128xf32, #tpu.memory_space<vmem>>, vector<10000x128xf32>,
    %mul3A = vector.broadcast %rsqrt3A : vector<10000x1xf32> to vector<10000x128xf32>
    %mul3A_13 = arith.mulf %dot_general3A_10, %mul3A : vector<10000x128xf32>
    %swap3A_14 = arith.constant 0 : index
    %swap3A_15 = arith.constant 0 : index
    %swap3A_16 = vector.load %arg4[%swap3A_14, %swap3A_15] : memref<10000x128xf32, #tpu.memory_space<vmem>>, vector<10000x128xf32>
    tpu.vector_store %arg4[%swap3A_14, %swap3A_15], %mul3A_13 {strides = array<i32>} : memref<10000x128xf32, #tpu.memory_space<vmem>>, vector<10000x128xf32>,
    %broadcast_in_dim3A = vector.shape_cast %rsqrt3A : vector<10000x1xf32> to vector<10000x1xf32>
    %broadcast_in_dim3A_17 = vector.broadcast %broadcast_in_dim3A : vector<10000x1xf32> to vector<10000x128xf32>
    %swap3A_18 = arith.constant 0 : index
    %swap3A_19 = arith.constant 0 : index
    %swap3A_20 = vector.load %arg5[%swap3A_18, %swap3A_19] : memref<10000x128xf32, #tpu.memory_space<vmem>>, vector<10000x128xf32>
    tpu.vector_store %arg5[%swap3A_18, %swap3A_19], %broadcast_in_dim3A_17 {strides = array<i32>} : memref<10000x128xf32, #tpu.memory_space<vmem>>, vector<10000x128xf32>,
    return
  }
}

module attributes {stable_mosaic.version = 14 : i64} {
  func.func @_tc2_body(%arg0: memref<10000x128xf32, #tpu.memory_space<vmem>>, %arg1: memref<10000x128xf32, #tpu.memory_space<vmem>>, %arg2: memref<10000x128xf32, #tpu.memory_space<vmem>>, %arg3: memref<1x128xf32, #tpu.memory_space<vmem>>, %arg4: memref<128x128xf32, #tpu.memory_space<vmem>>, %arg5: memref<10000x128xf32, #tpu.memory_space<vmem>>, %arg6: memref<10000x128xf32, #tpu.memory_space<vmem>>) attributes {dimension_semantics = [], scalar_prefetch = 0 : i64, scratch_operands = 0 : i64, tpu.core_type = #tpu.core_type<tc>} {
    %get3A = arith.constant 0 : index
    %get3A_0 = arith.constant 0 : index
    %get3A_1 = vector.load %arg2[%get3A, %get3A_0] : memref<10000x128xf32, #tpu.memory_space<vmem>>, vector<10000x128xf32>
    %get3A_2 = arith.constant 0 : index
    %get3A_3 = arith.constant 0 : index
    %get3A_4 = vector.load %arg0[%get3A_2, %get3A_3] : memref<10000x128xf32, #tpu.memory_space<vmem>>, vector<10000x128xf32>
    %mul3A = arith.mulf %get3A_1, %get3A_4 : vector<10000x128xf32>
    %mul3A_5 = arith.mulf %get3A_1, %get3A_1 : vector<10000x128xf32>
    %get3A_6 = arith.constant 0 : index
    %get3A_7 = arith.constant 0 : index
    %get3A_8 = vector.load %arg1[%get3A_6, %get3A_7] : memref<10000x128xf32, #tpu.memory_space<vmem>>, vector<10000x128xf32>
    %mul3A_9 = arith.mulf %mul3A_5, %get3A_8 : vector<10000x128xf32>
    %add3A = arith.addf %mul3A, %mul3A_9 : vector<10000x128xf32>
    %get3A_10 = arith.constant 0 : index
    %get3A_11 = arith.constant 0 : index
    %get3A_12 = vector.load %arg3[%get3A_10, %get3A_11] : memref<1x128xf32, #tpu.memory_space<vmem>>, vector<1x128xf32>
    %add3A_13 = vector.broadcast %get3A_12 : vector<1x128xf32> to vector<10000x128xf32>
    %add3A_14 = arith.addf %add3A, %add3A_13 : vector<10000x128xf32>
    %max3A = arith.constant 0.000000e+00 : f32
    %max3A_15 = vector.broadcast %max3A : f32 to vector<10000x128xf32>
    %max3A_16 = arith.maximumf %add3A_14, %max3A_15 : vector<10000x128xf32>
    %get3A_17 = arith.constant 0 : index
    %get3A_18 = arith.constant 0 : index
    %get3A_19 = vector.load %arg4[%get3A_17, %get3A_18] : memref<128x128xf32, #tpu.memory_space<vmem>>, vector<128x128xf32>
    %dot_general3A = arith.constant dense<0.000000e+00> : vector<10000x128xf32>
    %dot_general3A_20 = tpu.matmul %max3A_16, %get3A_19, %dot_general3A {dimension_numbers = #tpu.dot_dimension_numbers<[1], [0], [0], [1], [0, 0, 1, 1], [], []>, transpose_lhs_hint = false} : vector<10000x128xf32>, vector<128x128xf32>, vector<10000x128xf32> -> vector<10000x128xf32>
    %swap3A = arith.constant 0 : index
    %swap3A_21 = arith.constant 0 : index
    %swap3A_22 = vector.load %arg5[%swap3A, %swap3A_21] : memref<10000x128xf32, #tpu.memory_space<vmem>>, vector<10000x128xf32>
    tpu.vector_store %arg5[%swap3A, %swap3A_21], %dot_general3A_20 {strides = array<i32>} : memref<10000x128xf32, #tpu.memory_space<vmem>>, vector<10000x128xf32>,
    %mul3A_23 = arith.mulf %dot_general3A_20, %get3A_1 : vector<10000x128xf32>
    %swap3A_24 = arith.constant 0 : index
    %swap3A_25 = arith.constant 0 : index
    %swap3A_26 = vector.load %arg6[%swap3A_24, %swap3A_25] : memref<10000x128xf32, #tpu.memory_space<vmem>>, vector<10000x128xf32>
    tpu.vector_store %arg6[%swap3A_24, %swap3A_25], %mul3A_23 {strides = array<i32>} : memref<10000x128xf32, #tpu.memory_space<vmem>>, vector<10000x128xf32>,
    return
  }
}

module attributes {stable_mosaic.version = 14 : i64} {
  func.func @_tc3_body(%arg0: memref<10000x128xf32, #tpu.memory_space<vmem>>, %arg1: memref<10000x128xf32, #tpu.memory_space<vmem>>, %arg2: memref<10000x128xf32, #tpu.memory_space<vmem>>, %arg3: memref<1x128xf32, #tpu.memory_space<vmem>>, %arg4: memref<10000x128xf32, #tpu.memory_space<vmem>>) attributes {dimension_semantics = [], scalar_prefetch = 0 : i64, scratch_operands = 0 : i64, tpu.core_type = #tpu.core_type<tc>} {
    %get3A = arith.constant 0 : index
    %get3A_0 = arith.constant 0 : index
    %get3A_1 = vector.load %arg2[%get3A, %get3A_0] : memref<10000x128xf32, #tpu.memory_space<vmem>>, vector<10000x128xf32>
    %get3A_2 = arith.constant 0 : index
    %get3A_3 = arith.constant 0 : index
    %get3A_4 = vector.load %arg0[%get3A_2, %get3A_3] : memref<10000x128xf32, #tpu.memory_space<vmem>>, vector<10000x128xf32>
    %mul3A = arith.mulf %get3A_1, %get3A_4 : vector<10000x128xf32>
    %mul3A_5 = arith.mulf %get3A_1, %get3A_1 : vector<10000x128xf32>
    %get3A_6 = arith.constant 0 : index
    %get3A_7 = arith.constant 0 : index
    %get3A_8 = vector.load %arg1[%get3A_6, %get3A_7] : memref<10000x128xf32, #tpu.memory_space<vmem>>, vector<10000x128xf32>
    %mul3A_9 = arith.mulf %mul3A_5, %get3A_8 : vector<10000x128xf32>
    %add3A = arith.addf %mul3A, %mul3A_9 : vector<10000x128xf32>
    %get3A_10 = arith.constant 0 : index
    %get3A_11 = arith.constant 0 : index
    %get3A_12 = vector.load %arg3[%get3A_10, %get3A_11] : memref<1x128xf32, #tpu.memory_space<vmem>>, vector<1x128xf32>
    %add3A_13 = vector.broadcast %get3A_12 : vector<1x128xf32> to vector<10000x128xf32>
    %add3A_14 = arith.addf %add3A, %add3A_13 : vector<10000x128xf32>
    %swap3A = arith.constant 0 : index
    %swap3A_15 = arith.constant 0 : index
    %swap3A_16 = vector.load %arg4[%swap3A, %swap3A_15] : memref<10000x128xf32, #tpu.memory_space<vmem>>, vector<10000x128xf32>
    tpu.vector_store %arg4[%swap3A, %swap3A_15], %add3A_14 {strides = array<i32>} : memref<10000x128xf32, #tpu.memory_space<vmem>>, vector<10000x128xf32>,
    return
  }
}

</mosaic_0001>

<sc_bundles>
// kernel: kernel.11.cloned.1.call-start
scs
__scs_entry_jumppad:
0x0: {  	(pc) =	sbr.rel $0x88, $3  }
0x1: {  	(tag) =	ssettag $0x0;
	lr =	simm.s32 $0x1  }
0x2: {  	[smem:$0x3F9B] =	sst lr;
	_ =	strace $0xD0000000  }
0x3: {  	_ = 	snop  }
0x4: {  	_ = 	snop  }
0x5: {  	_ = 	snop  }
0x6: {  	_ = 	snop  }
0x7: {  	_ = 	snop  }
__scs_overlays_trampoline_lowered:
0x8: {  	[smem:$0x3FAA] =	sst s0  }
0x9: {  	[smem:$0x3FAB] =	sst s1  }
0xa: {  	[smem:$0x3FAC] =	sst s2  }
0xb: {  	[smem:$0x3FAD] =	sst s3  }
0xc: {  	[smem:$0x3FAE] =	sst s4  }
0xd: {  	[smem:$0x3FAF] =	sst s5  }
0xe: {  	[smem:$0x3FB0] =	sst s6  }
0xf: {  	[smem:$0x3FB1] =	sst s7  }
0x10: {  	[smem:$0x3FB2] =	sst s8  }
0x11: {  	[smem:$0x3FB3] =	sst s9;
	s0 =	simm.s32 @!p0 $0x0  }
0x12: {  	s1 =	sld [smem:$0x3F99];
	s0 =	simm.s32 @p0 $0x1  }
0x13: {  	[smem:$0x3FB4] =	sst s0;
	s0 =	simm.s32 @!p1 $0x0  }
0x14: {  	s2 =	sld [smem:$0x3F98];
	s0 =	simm.s32 @p1 $0x1  }
0x15: {  	[smem:$0x3FB5] =	sst s0;
	s0 =	simm.s32 @!p2 $0x0  }
0x16: {  	s3 =	sld [smem:$0x3FDB];
	s0 =	simm.s32 @p2 $0x1  }
0x17: {  	s4 =	simm.s32 $0x1BF5;
	[smem:$0x3FB7] =	sst s0  }
0x18: {  	s0 =	sld [smem:$0x3F9A];
	_ =	swait.ge [sflag:s4], $0x0  }
0x19: {  	s7 =	sld [smem:$0x3F9B]  }
0x1a: {  	s8 =	sadd.s32 $0xFFFFE003, lr  }
0x1b: {  	s9 =	sadd.s32 $0xFFFFFEF7, lr;
	s5 =	simm.s32 $0xFFFFFFFF;
	p2 =	slt.u32 s8, $0xFFFFF086  }
0x1c: {  	p1 =	slt.u32 s9, $0xF7A;
	s5 =	simm.s32 @!p2 $0x0  }
0x1d: {  	s5 =	simm.s32 @p1 $0x1;
	p0 =	seq.s32 s7, s2  }
0x1e: {  	s7 =	smul.u32 @!p0 $0xF7A, s2;
	p2 =	seq.s32 @!p0 s5, $0x0  }
0x1f: {  	s9 =	smul.u32 $0xF7A, s1;
	s8 =	simm.s32 @!p0 $0x1BF5;
	p2 =	por !p2, p0  }
0x20: {  	[sflag:s8] =	ssyncset.s32 @!p0 $0xFFFFF086;
	s6 =	sadd.s32 @!p0 s3, s7;
	s7 =	simm.s32 @!p0 $0x108  }
0x21: {  	s3 =	sadd.s32 s3, s9;
	s6 =	sadd.s32 @!p0 $0x88, s6;
	s7 =	simm.s32 @p2 $0x1082  }
0x22: {  	[simem:s7], [sflag:s8] =	dma.local @!p0 [hbm:s6], $0xF7A  }
0x23: {  	s9 =	sor.u32 $0xD0000000, s2;
	s6 =	simm.s32 $0x108;
	_ =	swait.ge @!p0 [sflag:s8], $0x0  }
0x24: {  	s3 =	sadd.s32 $0x88, s3;
	s6 =	simm.s32 @!p1 $0x1082;
	[sflag:s4] =	ssyncset.s32 $0xFFFFF086  }
0x25: {  	[simem:s6], [sflag:s4] =	dma.local [hbm:s3], $0xF7A  }
0x26: {  	[smem:$0x3F9B] =	sst s1;
	(tag) =	ssettag s2;
	_ =	strace s9  }
0x27: {  	s1 =	sld [smem:$0x3FAB]  }
0x28: {  	s2 =	sld [smem:$0x3FAC]  }
0x29: {  	s4 =	sld [smem:$0x3FAE]  }
0x2a: {  	p0 =	seq.s32 s5, $0x0;
	s5 =	sld [smem:$0x3FAF]  }
0x2b: {  	s6 =	sld [smem:$0x3FB0]  }
0x2c: {  	s7 =	sld [smem:$0x3FB1]  }
0x2d: {  	s3 =	simm.s32 $0x108;
	s8 =	sld [smem:$0x3FB2]  }
0x2e: {  	s3 =	simm.s32 @!p0 $0x1082;
	s9 =	sld [smem:$0x3FB3]  }
0x2f: {  	lr =	sadd.s32 s0, s3;
	s0 =	sld [smem:$0x3FAA]  }
0x30: {  	s3 =	sld [smem:$0x3FAD]  }
0x31: {  	[smem:$0x3FB6] =	sst s10  }
0x32: {  	s10 =	sld [smem:$0x3FB4];
	_ =	sdelay $0x3  }
0x33: {  	p0 =	seq.s32 s10, $0x1;
	s10 =	sld [smem:$0x3FB6];
	_ =	sdelay $0x3  }
0x34: {  	[smem:$0x3FB6] =	sst s10  }
0x35: {  	s10 =	sld [smem:$0x3FB5];
	_ =	sdelay $0x3  }
0x36: {  	p1 =	seq.s32 s10, $0x1;
	s10 =	sld [smem:$0x3FB6];
	_ =	sdelay $0x3  }
0x37: {  	[smem:$0x3FB6] =	sst s10  }
0x38: {  	s10 =	sld [smem:$0x3FB7]  }
0x39: {  	_ = 	snop;
	(pc) =	sbr.ind lr, $3  }
0x3a: {  	_ = 	snop  }
0x3b: {  	_ = 	snop  }
0x3c: {  	p2 =	seq.s32 s10, $0x1;
	s10 =	sld [smem:$0x3FB6]  }
0x3d: {  	_ =	shalt  }
0x3e: {  	_ =	shalt  }
0x3f: {  	_ =	shalt  }
0x40: {  	_ =	shalt  }
0x41: {  	_ =	shalt  }
0x42: {  	_ =	shalt  }
0x43: {  	_ =	shalt  }
0x44: {  	_ =	shalt  }
0x45: {  	_ =	shalt  }
0x46: {  	_ =	shalt  }
0x47: {  	_ =	shalt  }
0x48: {  	_ =	shalt  }
0x49: {  	_ =	shalt  }
0x4a: {  	_ =	shalt  }
0x4b: {  	_ =	shalt  }
0x4c: {  	_ =	shalt  }
0x4d: {  	_ =	shalt  }
0x4e: {  	_ =	shalt  }
0x4f: {  	_ =	shalt  }
0x50: {  	_ =	shalt  }
0x51: {  	_ =	shalt  }
0x52: {  	_ =	shalt  }
0x53: {  	_ =	shalt  }
0x54: {  	_ =	shalt  }
0x55: {  	_ =	shalt  }
0x56: {  	_ =	shalt  }
0x57: {  	_ =	shalt  }
0x58: {  	_ =	shalt  }
0x59: {  	_ =	shalt  }
0x5a: {  	_ =	shalt  }
0x5b: {  	_ =	shalt  }
0x5c: {  	_ =	shalt  }
0x5d: {  	_ =	shalt  }
0x5e: {  	_ =	shalt  }
0x5f: {  	_ =	shalt  }
0x60: {  	_ =	shalt  }
0x61: {  	_ =	shalt  }
0x62: {  	_ =	shalt  }
0x63: {  	_ =	shalt  }
0x64: {  	_ =	shalt  }
0x65: {  	_ =	shalt  }
0x66: {  	_ =	shalt  }
0x67: {  	_ =	shalt  }
0x68: {  	_ =	shalt  }
0x69: {  	_ =	shalt  }
0x6a: {  	_ =	shalt  }
0x6b: {  	_ =	shalt  }
0x6c: {  	_ =	shalt  }
0x6d: {  	_ =	shalt  }
0x6e: {  	_ =	shalt  }
0x6f: {  	_ =	shalt  }
0x70: {  	_ =	shalt  }
0x71: {  	_ =	shalt  }
0x72: {  	_ =	shalt  }
0x73: {  	_ =	shalt  }
0x74: {  	_ =	shalt  }
0x75: {  	_ =	shalt  }
0x76: {  	_ =	shalt  }
0x77: {  	_ =	shalt  }
0x78: {  	_ =	shalt  }
0x79: {  	_ =	shalt  }
0x7a: {  	_ =	shalt  }
0x7b: {  	_ =	shalt  }
0x7c: {  	_ =	shalt  }
0x7d: {  	_ =	shalt  }
0x7e: {  	_ =	shalt  }
0x7f: {  	_ =	shalt  }
0x80: {  	_ =	shalt  }
0x81: {  	_ =	shalt  }
0x82: {  	_ =	shalt  }
0x83: {  	_ =	shalt  }
0x84: {  	_ =	shalt  }
0x85: {  	_ =	shalt  }
0x86: {  	_ =	shalt  }
0x87: {  	_ =	shalt  }
.Lfunc_end0:
.L_simem_size_0:
called_computation.1_lowered:
.L_overlay_start_0:
0x88: {  	s2 =	sld [smem:$0x3FD9]  }
0x89: {  	s3 =	sld [smem:$0x3FFE];
	_ =	sdelay $0x1  }
0x8a: {  	s1 =	srdreg.scid  }
0x8b: {  	s0 =	sand.u32 $0x1, s1  }
0x8c: {  	s17 =	sshll.u32 s0, $0xA;
	s2 =	sadd.s32 s3, s2  }
0x8d: {  	s2 =	sadd.s32 s2, s17  }
0x8e: {  	[smem:$0x3FC2] =	sst s2  }
0x8f: {  	_ = 	snop  }
0x90: {  	s2 =	sld [smem:$0x3FD0];
	(tm) =	ssettm $0x1  }
0x91: {  	s18 =	sld [smem:$0x3FFB];
	_ =	sdelay $0x3  }
0x92: {  	_ =	strace s18  }
0x93: {  	s3 =	sld [smem:$0x3FFC];
	_ =	sdelay $0x3  }
0x94: {  	_ =	strace s3  }
0x95: {  	s3 =	sld [smem:$0x3FFD];
	_ =	sdelay $0x3  }
0x96: {  	_ =	strace s3  }
0x97: {  	_ =	strace $0x8FFFFFFF  }
0x98: {  	s19 =	sld [smem:$0x3FDB];
	_ =	sdelay $0x1  }
0x99: {  	s4 =	simm.s32 $_scs_section_size  }
0x9a: {  	s5 =	simm.s32 $_size__tile_overlayer_lowered;
	s6 =	simm.s32 $_tile_overlayer_lowered  }
0x9b: {  	s22 =	simm.s32 $0x1BFF;
	s21 =	sshll.u32 s6, $0x1;
	s3 =	sadd.s32 s4, s19  }
0x9c: {  	s7 =	simm.s32 $0x0;
	s20 =	sshll.u32 s5, $0x1;
	s5 =	sadd.s32 s21, s3  }
0x9d: {  	[timem:s7], [sflag:s22] =	dma.local [hbm:s5], s20  }
0x9e: {  	_ =	swait.ge [sflag:s22], s20  }
0x9f: {  	s4 =	ssub.s32 $0x0, s20;
	[sflag:s22] =	ssyncset.done $0x0  }
0xa0: {  	[sflag:s22] =	ssyncadd.s32 s4;
	_ =	sdelay $0x1  }
0xa1: {  	s23 =	simm.s32 $0x1B8B  }
0xa2: {  	_ =	swait.ge [sflag:s23], $0x1  }
0xa3: {  	[sflag:s23] =	ssyncset.done $0x0  }
0xa4: {  	s25 =	simm.s32 $0x1B8E;
	s24 =	sld [smem:$0x3FFE];
	[sflag:s23] =	ssyncadd.s32 $0xFFFFFFFF  }
0xa5: {  	s26 =	simm.s32 $execute0_lowered;
	[smem:$0x3FD2] =	sst s25  }
0xa6: {  	s5 =	sshll.u32 s26, $0x1;
	_ =	strace $0x80000049;
	[dreg:$0x1] =	wrdreg $0xFFFFFFFF  }
0xa7: {  	s28 =	simm.s32 $_size_execute0_lowered;
	s3 =	sadd.s32 s3, s5;
	[dreg:$0x0] =	wrdreg $0x0  }
0xa8: {  	s5 =	sshll.u32 s28, $0x1;
	[dreg:$0x2] =	wrdreg s3  }
0xa9: {  	[dreg:$0x3] =	wrdreg s5  }
0xaa: {  	[dreg:$0x4] =	wrdreg $0xC0  }
0xab: {  	_ =	task [dreg:s7], $0x5FFFF  }
0xac: {  	[dreg:$0x1] =	wrdreg $0xFFFFFFFF  }
0xad: {  	[dreg:$0x0] =	wrdreg $0x60  }
0xae: {  	[dreg:$0x2] =	wrdreg s24  }
0xaf: {  	[dreg:$0x3] =	wrdreg s2  }
0xb0: {  	[dreg:$0x4] =	wrdreg $0xD5A00  }
0xb1: {  	[dreg:$0x5] =	wrdreg $0x9  }
0xb2: {  	_ =	task.clear_ibuf [dreg:s7], $0x6FFFF;
	_ =	strace $0x90000049  }
0xb3: {  	s29 =	simm.s32 $0x9;
	_ =	strace $0x8000004B  }
0xb4: {  	_ =	swait.ge [sflag:s29], $0x1  }
0xb5: {  	[sflag:s29] =	ssyncadd.s32 $0xFFFFFFFF  }
0xb6: {  	_ =	strace $0x9000004B  }
0xb7: {  	_ =	sfence  }
0xb8: {  	s30 =	sld [smem:$0x0];
	_ =	sdelay $0x2  }
0xb9: {  	s31 =	sshll.u32 s1, $0xD;
	s1 =	sshrl.u32 s1, $0x2  }
0xba: {  	s3 =	sand.u32 $0x4000, s31;
	s1 =	sadd.s32 s1, s30  }
0xbb: {  	s0 =	sor.u32 s3, s0;
	s1 =	sshll.u32 s1, $0x11  }
0xbc: {  	s0 =	sor.u32 s1, s0  }
0xbd: {  	s0 =	sadd.s32 $0x8F2B, s0  }
0xbe: {  	[sflag:s0] =	ssyncadd.remote.s32 $0x1  }
0xbf: {  	_ =	sfence.sel $0xFFFF  }
0xc0: {  	[dreg:$0x0] =	wrdreg $0xFFFFFFFF;
	(pc) =	sbr.abs _section_cstart, $3  }
0xc1: {  	[dreg:$0x1] =	wrdreg $0xFFFFFFFF  }
0xc2: {  	_ =	task.clear_ibuf [dreg:s7], $0x2FFFF;
	_ =	strace $0x9FFFFFFF  }
0xc3: {  	(tm) =	ssettm $0x7FFFFFFF  }
tec
execute0_lowered:
.L_overlay_start_1:
0x0: {  	(tag) =	ssettag $0x1  }
0x1: {  	s7 =	stileid.u32  }
0x2: {  	s0 =	srdreg.scid;
	s5 =	smul.u32 $0x4E20, s7  }
0x3: {  	s1 =	rddreg [dreg:$0x0];
	s0 =	sand.u32 $0x1, s0;
	s6 =	smul.u32 $0x9C4, s7  }
0x4: {  	s2 =	rddreg [dreg:$0x1];
	s4 =	smul.u32 $0x4E200, s0  }
0x5: {  	s3 =	rddreg [dreg:$0x2]  }
0x6: {  	s6 =	sadd.s32 s6, s1;
	s5 =	sadd.s32 s4, s5;
	s4 =	simm.s32 $0x0  }
0x7: {  	s10 =	sadd.s32 $0x2A00, s6;
	[smem:$0x7FF] =	sst s4  }
0x8: {  	s11 =	simm.s32 $0xA0;
	_ =	strace $0x8000004A;
	[dreg:$0x5] =	wrdreg s10  }
0x9: {  	s12 =	simm.s32 $0x820;
	[dreg:$0x6] =	wrdreg s11  }
0xa: {  	s13 =	simm.s32 $0xF0;
	[dreg:$0x7] =	wrdreg s12  }
0xb: {  	s14 =	simm.s32 $0x870;
	[dreg:$0x8] =	wrdreg s13  }
0xc: {  	s15 =	simm.s32 $0x140;
	[dreg:$0x9] =	wrdreg s14  }
0xd: {  	s16 =	simm.s32 $0x8C0;
	[dreg:$0xa] =	wrdreg s15  }
0xe: {  	s17 =	simm.s32 $0x190;
	s18 =	simm.s32 $0x910;
	[dreg:$0xb] =	wrdreg s16  }
0xf: {  	s19 =	simm.s32 $0x1E0;
	s20 =	simm.s32 $0x960;
	[dreg:$0xc] =	wrdreg s17  }
0x10: {  	s21 =	simm.s32 $0x230;
	s23 =	simm.s32 $0x9B0;
	[dreg:$0xd] =	wrdreg s18  }
0x11: {  	s25 =	simm.s32 $0x280;
	s26 =	simm.s32 $0xA00;
	[dreg:$0xe] =	wrdreg s19  }
0x12: {  	s8 =	simm.s32 $0x2D0;
	s9 =	simm.s32 $0xA50;
	[dreg:$0xf] =	wrdreg s20  }
0x13: {  	s28 =	simm.s32 $0xE60;
	s22 =	smul.u32 $0x9E00, s7;
	[dreg:$0x10] =	wrdreg s21  }
0x14: {  	s29 =	simm.s32 $0x730;
	s24 =	smul.u32 $0x9E000, s0;
	[dreg:$0x11] =	wrdreg s23  }
0x15: {  	s30 =	simm.s32 $0xEB0;
	s31 =	simm.s32 $0x780;
	[dreg:$0x12] =	wrdreg s25  }
0x16: {  	s0 =	ssub.s32 $0x2, s0;
	s7 =	sadd.s32 s22, s24;
	[dreg:$0x13] =	wrdreg s26  }
0x17: {  	s6 =	sadd.s32 s22, s3;
	s22 =	simm.s32 $0xC30;
	[dreg:$0x14] =	wrdreg s8  }
0x18: {  	s24 =	simm.s32 $0xC80;
	s5 =	sshrl.u32 s5, $0x3;
	[dreg:$0x15] =	wrdreg s9  }
0x19: {  	s7 =	sshrl.u32 s7, $0x3;
	s5 =	sadd.s32 s5, s1;
	[smem:$0x7F5] =	sst s6  }
0x1a: {  	s1 =	sadd.s32 s7, s1;
	s10 =	simm.s32 $0x320;
	[smem:$0x7F9] =	sst s22  }
0x1b: {  	s11 =	simm.s32 $0xAA0;
	s12 =	sshrl.u32 s0, $0x1;
	[smem:$0x7FB] =	sst s24  }
0x1c: {  	s13 =	simm.s32 $0x370;
	s14 =	simm.s32 $0xAF0;
	[dreg:$0x16] =	wrdreg s10  }
0x1d: {  	s15 =	simm.s32 $0x3C0;
	s16 =	simm.s32 $0xB40;
	[dreg:$0x17] =	wrdreg s11  }
0x1e: {  	s17 =	simm.s32 $0x410;
	s18 =	simm.s32 $0xB90;
	[dreg:$0x18] =	wrdreg s13  }
0x1f: {  	s9 =	simm.s32 $0x5;
	s19 =	simm.s32 $0x460;
	[dreg:$0x19] =	wrdreg s14  }
0x20: {  	s20 =	simm.s32 $0xBE0;
	s21 =	simm.s32 $0x4B0;
	[dreg:$0x1a] =	wrdreg s15  }
0x21: {  	s23 =	simm.s32 $0x500;
	s25 =	simm.s32 $0x550;
	[dreg:$0x1b] =	wrdreg s16  }
0x22: {  	s26 =	simm.s32 $0xCD0;
	s22 =	simm.s32 $0x640;
	[dreg:$0x1c] =	wrdreg s17  }
0x23: {  	s24 =	simm.s32 $0x690;
	s8 =	simm.s32 $0xF50;
	[dreg:$0x1d] =	wrdreg s18  }
0x24: {  	s5 =	sadd.s32 $0xC800, s5;
	s0 =	ssub.s32 s0, s12;
	[dreg:$0x1e] =	wrdreg s19  }
0x25: {  	s1 =	sadd.s32 $0x47400, s1;
	s10 =	simm.s32 $0x7D0;
	[dreg:$0x1f] =	wrdreg s20  }
0x26: {  	s11 =	simm.s32 $0x50;
	s12 =	simm.s32 $0xFA0;
	[smem:$0x7F8] =	sst s21  }
0x27: {  	s13 =	simm.s32 $0x23A0;
	s14 =	simm.s32 $0x1;
	[smem:$0x7FA] =	sst s23  }
0x28: {  	s15 =	simm.s32 $0x3;
	s16 =	simm.s32 $0x2;
	[smem:$0x7FC] =	sst s25  }
0x29: {  	s17 =	simm.s32 $0x4;
	[smem:$0x7FD] =	sst s26;
	s18 =	simm.s32 $0x5A0  }
0x2a: {  	s19 =	simm.s32 $0xD20;
	s20 =	simm.s32 $0x5F0;
	s21 =	simm.s32 $0xD70  }
0x2b: {  	s23 =	simm.s32 $0xDC0;
	s25 =	simm.s32 $0xE10;
	[dreg:$0x4] =	wrdreg s5  }
0x2c: {  	s26 =	simm.s32 $0x6E0;
	[smem:$0x7F6] =	sst s1;
	s0 =	smax.u32 s0, $0x1  }
0x2d: {  	v0 =	vimm.f32 $0.0e+00;
	s1 =	simm.s32 $0xF00;
	s5 =	simm.s32 $0x0;
	[smem:$0x7F7] =	sst s0  }
.LBB2_1:
0x2e: {  	[smem:$0x7F4] =	sst s5;
	s7 =	simm.s32 $0x100;
	s6 =	simm.s32 $0x0  }
.LBB2_2:
0x2f: {  	p0 =	sne.s32 s7, $0x27700;
	[tilespmem:s6+$0x37D0] =	vst v0;
	s5 =	smov.u32 s7;
	s7 =	sadd.s32 $0x100, s7  }
.Ltmp0:
0x30: {  	[tilespmem:s6+$0x37C0] =	vst v0;
	(pc) =	sbr.rel @p0 .LBB2_2-.Ltmp0, $3  }
0x31: {  	[tilespmem:s6+$0x37A0] =	vst v0  }
0x32: {  	[tilespmem:s6+$0x37B0] =	vst v0;
	_ =	sdelay $0x1  }
0x33: {  	s6 =	sshra.s32 s5, $0x2  }
0x34: {  	[tilespmem:s6+$0x37D0] =	vst v0  }
0x35: {  	[tilespmem:s6+$0x37C0] =	vst v0;
	s0 =	sld [smem:$0x7F5]  }
0x36: {  	[tilespmem:s6+$0x37A0] =	vst v0  }
0x37: {  	[tilespmem:s6+$0x37B0] =	vst v0;
	s5 =	simm.s32 $0x37A0  }
0x38: {  	[spmem:s0] =	stream.linear.scatter [tilespmem:s5], [sflag:$0x5], $0x9E00, $0x38;
	[tilespmem:$0x173A0] =	vst v63  }
0x39: {  	_ =	swait.ge [sflag:s9], $0x9E00  }
0x3a: {  	[sflag:s9] =	ssyncset.done $0x0  }
0x3b: {  	[sflag:s9] =	ssyncadd.s32 $0xFFFF6200  }
0x3c: {  	[bflag:$0x0] =	sbarrier.arrive $0xFFFF  }
0x3d: {  	s7 =	rddreg [dreg:$0x4]  }
0x3e: {  	s5 =	sadd.s32 $0x0, s7  }
0x3f: {  	[tilespmem:s4], [sflag:$0x5] =	stream.linear.gather [hbm4b:s5+s4], $0x7D0, $0x38;
	[tilespmem:$0x173A0] =	vst v63  }
0x40: {  	_ =	swait.ge [sflag:s9], $0x7D0  }
0x41: {  	s0 =	rddreg [dreg:$0x5];
	[sflag:s9] =	ssyncset.done $0x0  }
0x42: {  	[sflag:s9] =	ssyncadd.s32 $0xFFFFF830;
	s5 =	sadd.s32 $0x0, s0  }
0x43: {  	[tilespmem:s10], [sflag:$0x5] =	stream.linear.gather [hbm4b:s5+s4], $0x7D0, $0x38;
	[tilespmem:$0x173A0] =	vst v63  }
0x44: {  	_ =	swait.ge [sflag:s9], $0x7D0  }
0x45: {  	[sflag:s9] =	ssyncset.done $0x0  }
0x46: {  	[sflag:s9] =	ssyncadd.s32 $0xFFFFF830  }
0x47: {  	[tilespmem:s12], [sflag:$0x1] =	stream.indirect.gather [hbm4b:s2+s11], $0x40, s4, s11, $0xb8;
	[tilespmem:$0x173A0] =	vst v63  }
0x48: {  	_ = 	snop  }
0x49: {  	[tilespmem:s13], [sflag:$0x2] =	stream.indirect.gather [hbm4b:s2+s11], $0x40, s11, s11, $0xb8;
	[tilespmem:$0x173A0] =	vst v63  }
0x4a: {  	_ =	swait.ge [sflag:s14], $0x1400  }
0x4b: {  	[sflag:s14] =	ssyncset.done $0x0  }
0x4c: {  	[sflag:s14] =	ssyncadd.s32 $0xFFFFEC00  }
0x4d: {  	[spmem:s3] =	stream.indirect.scatter.add.f32 [tilespmem:s12], [sflag:$0x3], $0x40, s10, s11, $0xb8;
	[tilespmem:$0x173A0] =	vst v63  }
0x4e: {  	_ =	swait.ge [sflag:s15], $0x1400  }
0x4f: {  	[sflag:s15] =	ssyncset.done $0x0  }
0x50: {  	s6 =	rddreg [dreg:$0x6];
	[sflag:s15] =	ssyncadd.s32 $0xFFFFEC00  }
0x51: {  	[tilespmem:s12], [sflag:$0x1] =	stream.indirect.gather [hbm4b:s2+s11], $0x40, s6, s11, $0xb8;
	[tilespmem:$0x173A0] =	vst v63  }
0x52: {  	_ =	swait.ge [sflag:s16], $0x1400  }
0x53: {  	[sflag:s16] =	ssyncset.done $0x0  }
0x54: {  	s7 =	rddreg [dreg:$0x7];
	[sflag:s16] =	ssyncadd.s32 $0xFFFFEC00  }
0x55: {  	[spmem:s3] =	stream.indirect.scatter.add.f32 [tilespmem:s13], [sflag:$0x4], $0x40, s7, s11, $0xb8;
	[tilespmem:$0x173A0] =	vst v63  }
0x56: {  	_ =	swait.ge [sflag:s17], $0x1400  }
0x57: {  	[sflag:s17] =	ssyncset.done $0x0  }
0x58: {  	s0 =	rddreg [dreg:$0x8];
	[sflag:s17] =	ssyncadd.s32 $0xFFFFEC00  }
0x59: {  	[tilespmem:s13], [sflag:$0x2] =	stream.indirect.gather [hbm4b:s2+s11], $0x40, s0, s11, $0xb8;
	[tilespmem:$0x173A0] =	vst v63  }
0x5a: {  	_ =	swait.ge [sflag:s14], $0x1400  }
0x5b: {  	[sflag:s14] =	ssyncset.done $0x0  }
0x5c: {  	s6 =	rddreg [dreg:$0x9];
	[sflag:s14] =	ssyncadd.s32 $0xFFFFEC00  }
0x5d: {  	[spmem:s3] =	stream.indirect.scatter.add.f32 [tilespmem:s12], [sflag:$0x3], $0x40, s6, s11, $0xb8;
	[tilespmem:$0x173A0] =	vst v63  }
0x5e: {  	_ =	swait.ge [sflag:s15], $0x1400  }
0x5f: {  	[sflag:s15] =	ssyncset.done $0x0  }
0x60: {  	s7 =	rddreg [dreg:$0xa];
	[sflag:s15] =	ssyncadd.s32 $0xFFFFEC00  }
0x61: {  	[tilespmem:s12], [sflag:$0x1] =	stream.indirect.gather [hbm4b:s2+s11], $0x40, s7, s11, $0xb8;
	[tilespmem:$0x173A0] =	vst v63  }
0x62: {  	_ =	swait.ge [sflag:s16], $0x1400  }
0x63: {  	[sflag:s16] =	ssyncset.done $0x0  }
0x64: {  	s0 =	rddreg [dreg:$0xb];
	[sflag:s16] =	ssyncadd.s32 $0xFFFFEC00  }
0x65: {  	[spmem:s3] =	stream.indirect.scatter.add.f32 [tilespmem:s13], [sflag:$0x4], $0x40, s0, s11, $0xb8;
	[tilespmem:$0x173A0] =	vst v63  }
0x66: {  	_ =	swait.ge [sflag:s17], $0x1400  }
0x67: {  	[sflag:s17] =	ssyncset.done $0x0  }
0x68: {  	s6 =	rddreg [dreg:$0xc];
	[sflag:s17] =	ssyncadd.s32 $0xFFFFEC00  }
0x69: {  	[tilespmem:s13], [sflag:$0x2] =	stream.indirect.gather [hbm4b:s2+s11], $0x40, s6, s11, $0xb8;
	[tilespmem:$0x173A0] =	vst v63  }
0x6a: {  	_ =	swait.ge [sflag:s14], $0x1400  }
0x6b: {  	[sflag:s14] =	ssyncset.done $0x0  }
0x6c: {  	s7 =	rddreg [dreg:$0xd];
	[sflag:s14] =	ssyncadd.s32 $0xFFFFEC00  }
0x6d: {  	[spmem:s3] =	stream.indirect.scatter.add.f32 [tilespmem:s12], [sflag:$0x3], $0x40, s7, s11, $0xb8;
	[tilespmem:$0x173A0] =	vst v63  }
0x6e: {  	_ =	swait.ge [sflag:s15], $0x1400  }
0x6f: {  	[sflag:s15] =	ssyncset.done $0x0  }
0x70: {  	s0 =	rddreg [dreg:$0xe];
	[sflag:s15] =	ssyncadd.s32 $0xFFFFEC00  }
0x71: {  	[tilespmem:s12], [sflag:$0x1] =	stream.indirect.gather [hbm4b:s2+s11], $0x40, s0, s11, $0xb8;
	[tilespmem:$0x173A0] =	vst v63  }
0x72: {  	_ =	swait.ge [sflag:s16], $0x1400  }
0x73: {  	[sflag:s16] =	ssyncset.done $0x0  }
0x74: {  	s6 =	rddreg [dreg:$0xf];
	[sflag:s16] =	ssyncadd.s32 $0xFFFFEC00  }
0x75: {  	[spmem:s3] =	stream.indirect.scatter.add.f32 [tilespmem:s13], [sflag:$0x4], $0x40, s6, s11, $0xb8;
	[tilespmem:$0x173A0] =	vst v63  }
0x76: {  	_ =	swait.ge [sflag:s17], $0x1400  }
0x77: {  	[sflag:s17] =	ssyncset.done $0x0  }
0x78: {  	s7 =	rddreg [dreg:$0x10];
	[sflag:s17] =	ssyncadd.s32 $0xFFFFEC00  }
0x79: {  	[tilespmem:s13], [sflag:$0x2] =	stream.indirect.gather [hbm4b:s2+s11], $0x40, s7, s11, $0xb8;
	[tilespmem:$0x173A0] =	vst v63  }
0x7a: {  	_ =	swait.ge [sflag:s14], $0x1400  }
0x7b: {  	[sflag:s14] =	ssyncset.done $0x0  }
0x7c: {  	s0 =	rddreg [dreg:$0x11];
	[sflag:s14] =	ssyncadd.s32 $0xFFFFEC00  }
0x7d: {  	[spmem:s3] =	stream.indirect.scatter.add.f32 [tilespmem:s12], [sflag:$0x3], $0x40, s0, s11, $0xb8;
	[tilespmem:$0x173A0] =	vst v63  }
0x7e: {  	_ =	swait.ge [sflag:s15], $0x1400  }
0x7f: {  	[sflag:s15] =	ssyncset.done $0x0  }
0x80: {  	s6 =	rddreg [dreg:$0x12];
	[sflag:s15] =	ssyncadd.s32 $0xFFFFEC00  }
0x81: {  	[tilespmem:s12], [sflag:$0x1] =	stream.indirect.gather [hbm4b:s2+s11], $0x40, s6, s11, $0xb8;
	[tilespmem:$0x173A0] =	vst v63  }
0x82: {  	_ =	swait.ge [sflag:s16], $0x1400  }
0x83: {  	[sflag:s16] =	ssyncset.done $0x0  }
0x84: {  	s7 =	rddreg [dreg:$0x13];
	[sflag:s16] =	ssyncadd.s32 $0xFFFFEC00  }
0x85: {  	[spmem:s3] =	stream.indirect.scatter.add.f32 [tilespmem:s13], [sflag:$0x4], $0x40, s7, s11, $0xb8;
	[tilespmem:$0x173A0] =	vst v63  }
0x86: {  	_ =	swait.ge [sflag:s17], $0x1400  }
0x87: {  	[sflag:s17] =	ssyncset.done $0x0  }
0x88: {  	s0 =	rddreg [dreg:$0x14];
	[sflag:s17] =	ssyncadd.s32 $0xFFFFEC00  }
0x89: {  	[tilespmem:s13], [sflag:$0x2] =	stream.indirect.gather [hbm4b:s2+s11], $0x40, s0, s11, $0xb8;
	[tilespmem:$0x173A0] =	vst v63  }
0x8a: {  	_ =	swait.ge [sflag:s14], $0x1400  }
0x8b: {  	[sflag:s14] =	ssyncset.done $0x0  }
0x8c: {  	s6 =	rddreg [dreg:$0x15];
	[sflag:s14] =	ssyncadd.s32 $0xFFFFEC00  }
0x8d: {  	[spmem:s3] =	stream.indirect.scatter.add.f32 [tilespmem:s12], [sflag:$0x3], $0x40, s6, s11, $0xb8;
	[tilespmem:$0x173A0] =	vst v63  }
0x8e: {  	_ =	swait.ge [sflag:s15], $0x1400  }
0x8f: {  	[sflag:s15] =	ssyncset.done $0x0  }
0x90: {  	s7 =	rddreg [dreg:$0x16];
	[sflag:s15] =	ssyncadd.s32 $0xFFFFEC00  }
0x91: {  	[tilespmem:s12], [sflag:$0x1] =	stream.indirect.gather [hbm4b:s2+s11], $0x40, s7, s11, $0xb8;
	[tilespmem:$0x173A0] =	vst v63  }
0x92: {  	_ =	swait.ge [sflag:s16], $0x1400  }
0x93: {  	[sflag:s16] =	ssyncset.done $0x0  }
0x94: {  	s0 =	rddreg [dreg:$0x17];
	[sflag:s16] =	ssyncadd.s32 $0xFFFFEC00  }
0x95: {  	[spmem:s3] =	stream.indirect.scatter.add.f32 [tilespmem:s13], [sflag:$0x4], $0x40, s0, s11, $0xb8;
	[tilespmem:$0x173A0] =	vst v63  }
0x96: {  	_ =	swait.ge [sflag:s17], $0x1400  }
0x97: {  	[sflag:s17] =	ssyncset.done $0x0  }
0x98: {  	s6 =	rddreg [dreg:$0x18];
	[sflag:s17] =	ssyncadd.s32 $0xFFFFEC00  }
0x99: {  	[tilespmem:s13], [sflag:$0x2] =	stream.indirect.gather [hbm4b:s2+s11], $0x40, s6, s11, $0xb8;
	[tilespmem:$0x173A0] =	vst v63  }
0x9a: {  	_ =	swait.ge [sflag:s14], $0x1400  }
0x9b: {  	[sflag:s14] =	ssyncset.done $0x0  }
0x9c: {  	s7 =	rddreg [dreg:$0x19];
	[sflag:s14] =	ssyncadd.s32 $0xFFFFEC00  }
0x9d: {  	[spmem:s3] =	stream.indirect.scatter.add.f32 [tilespmem:s12], [sflag:$0x3], $0x40, s7, s11, $0xb8;
	[tilespmem:$0x173A0] =	vst v63  }
0x9e: {  	_ =	swait.ge [sflag:s15], $0x1400  }
0x9f: {  	[sflag:s15] =	ssyncset.done $0x0  }
0xa0: {  	s0 =	rddreg [dreg:$0x1a];
	[sflag:s15] =	ssyncadd.s32 $0xFFFFEC00  }
0xa1: {  	[tilespmem:s12], [sflag:$0x1] =	stream.indirect.gather [hbm4b:s2+s11], $0x40, s0, s11, $0xb8;
	[tilespmem:$0x173A0] =	vst v63  }
0xa2: {  	_ =	swait.ge [sflag:s16], $0x1400  }
0xa3: {  	[sflag:s16] =	ssyncset.done $0x0  }
0xa4: {  	s6 =	rddreg [dreg:$0x1b];
	[sflag:s16] =	ssyncadd.s32 $0xFFFFEC00  }
0xa5: {  	[spmem:s3] =	stream.indirect.scatter.add.f32 [tilespmem:s13], [sflag:$0x4], $0x40, s6, s11, $0xb8;
	[tilespmem:$0x173A0] =	vst v63  }
0xa6: {  	_ =	swait.ge [sflag:s17], $0x1400  }
0xa7: {  	[sflag:s17] =	ssyncset.done $0x0  }
0xa8: {  	s7 =	rddreg [dreg:$0x1c];
	[sflag:s17] =	ssyncadd.s32 $0xFFFFEC00  }
0xa9: {  	[tilespmem:s13], [sflag:$0x2] =	stream.indirect.gather [hbm4b:s2+s11], $0x40, s7, s11, $0xb8;
	[tilespmem:$0x173A0] =	vst v63  }
0xaa: {  	_ =	swait.ge [sflag:s14], $0x1400  }
0xab: {  	[sflag:s14] =	ssyncset.done $0x0  }
0xac: {  	s0 =	rddreg [dreg:$0x1d];
	[sflag:s14] =	ssyncadd.s32 $0xFFFFEC00  }
0xad: {  	[spmem:s3] =	stream.indirect.scatter.add.f32 [tilespmem:s12], [sflag:$0x3], $0x40, s0, s11, $0xb8;
	[tilespmem:$0x173A0] =	vst v63  }
0xae: {  	_ =	swait.ge [sflag:s15], $0x1400  }
0xaf: {  	[sflag:s15] =	ssyncset.done $0x0  }
0xb0: {  	s6 =	rddreg [dreg:$0x1e];
	[sflag:s15] =	ssyncadd.s32 $0xFFFFEC00  }
0xb1: {  	[tilespmem:s12], [sflag:$0x1] =	stream.indirect.gather [hbm4b:s2+s11], $0x40, s6, s11, $0xb8;
	[tilespmem:$0x173A0] =	vst v63  }
0xb2: {  	_ =	swait.ge [sflag:s16], $0x1400  }
0xb3: {  	[sflag:s16] =	ssyncset.done $0x0  }
0xb4: {  	s7 =	rddreg [dreg:$0x1f];
	[sflag:s16] =	ssyncadd.s32 $0xFFFFEC00  }
0xb5: {  	[spmem:s3] =	stream.indirect.scatter.add.f32 [tilespmem:s13], [sflag:$0x4], $0x40, s7, s11, $0xb8;
	[tilespmem:$0x173A0] =	vst v63  }
0xb6: {  	_ =	swait.ge [sflag:s17], $0x1400  }
0xb7: {  	s0 =	sld [smem:$0x7F8]  }
0xb8: {  	[sflag:s17] =	ssyncset.done $0x0  }
0xb9: {  	[sflag:s17] =	ssyncadd.s32 $0xFFFFEC00  }
0xba: {  	[tilespmem:s13], [sflag:$0x2] =	stream.indirect.gather [hbm4b:s2+s11], $0x40, s0, s11, $0xb8;
	[tilespmem:$0x173A0] =	vst v63  }
0xbb: {  	_ =	swait.ge [sflag:s14], $0x1400  }
0xbc: {  	s6 =	sld [smem:$0x7F9]  }
0xbd: {  	[sflag:s14] =	ssyncset.done $0x0  }
0xbe: {  	[sflag:s14] =	ssyncadd.s32 $0xFFFFEC00  }
0xbf: {  	[spmem:s3] =	stream.indirect.scatter.add.f32 [tilespmem:s12], [sflag:$0x3], $0x40, s6, s11, $0xb8;
	[tilespmem:$0x173A0] =	vst v63  }
0xc0: {  	_ =	swait.ge [sflag:s15], $0x1400  }
0xc1: {  	s7 =	sld [smem:$0x7FA]  }
0xc2: {  	[sflag:s15] =	ssyncset.done $0x0  }
0xc3: {  	[sflag:s15] =	ssyncadd.s32 $0xFFFFEC00  }
0xc4: {  	[tilespmem:s12], [sflag:$0x1] =	stream.indirect.gather [hbm4b:s2+s11], $0x40, s7, s11, $0xb8;
	[tilespmem:$0x173A0] =	vst v63  }
0xc5: {  	_ =	swait.ge [sflag:s16], $0x1400  }
0xc6: {  	s0 =	sld [smem:$0x7FB]  }
0xc7: {  	[sflag:s16] =	ssyncset.done $0x0  }
0xc8: {  	[sflag:s16] =	ssyncadd.s32 $0xFFFFEC00  }
0xc9: {  	[spmem:s3] =	stream.indirect.scatter.add.f32 [tilespmem:s13], [sflag:$0x4], $0x40, s0, s11, $0xb8;
	[tilespmem:$0x173A0] =	vst v63  }
0xca: {  	_ =	swait.ge [sflag:s17], $0x1400  }
0xcb: {  	s6 =	sld [smem:$0x7FC]  }
0xcc: {  	[sflag:s17] =	ssyncset.done $0x0  }
0xcd: {  	[sflag:s17] =	ssyncadd.s32 $0xFFFFEC00  }
0xce: {  	[tilespmem:s13], [sflag:$0x2] =	stream.indirect.gather [hbm4b:s2+s11], $0x40, s6, s11, $0xb8;
	[tilespmem:$0x173A0] =	vst v63  }
0xcf: {  	_ =	swait.ge [sflag:s14], $0x1400  }
0xd0: {  	s7 =	sld [smem:$0x7FD]  }
0xd1: {  	[sflag:s14] =	ssyncset.done $0x0  }
0xd2: {  	[sflag:s14] =	ssyncadd.s32 $0xFFFFEC00  }
0xd3: {  	[spmem:s3] =	stream.indirect.scatter.add.f32 [tilespmem:s12], [sflag:$0x3], $0x40, s7, s11, $0xb8;
	[tilespmem:$0x173A0] =	vst v63  }
0xd4: {  	_ =	swait.ge [sflag:s15], $0x1400  }
0xd5: {  	[sflag:s15] =	ssyncset.done $0x0  }
0xd6: {  	[sflag:s15] =	ssyncadd.s32 $0xFFFFEC00  }
0xd7: {  	[tilespmem:s12], [sflag:$0x1] =	stream.indirect.gather [hbm4b:s2+s11], $0x40, s18, s11, $0xb8;
	[tilespmem:$0x173A0] =	vst v63  }
0xd8: {  	_ =	swait.ge [sflag:s16], $0x1400  }
0xd9: {  	[sflag:s16] =	ssyncset.done $0x0  }
0xda: {  	[sflag:s16] =	ssyncadd.s32 $0xFFFFEC00  }
0xdb: {  	[spmem:s3] =	stream.indirect.scatter.add.f32 [tilespmem:s13], [sflag:$0x4], $0x40, s19, s11, $0xb8;
	[tilespmem:$0x173A0] =	vst v63  }
0xdc: {  	_ =	swait.ge [sflag:s17], $0x1400  }
0xdd: {  	[sflag:s17] =	ssyncset.done $0x0  }
0xde: {  	[sflag:s17] =	ssyncadd.s32 $0xFFFFEC00  }
0xdf: {  	[tilespmem:s13], [sflag:$0x2] =	stream.indirect.gather [hbm4b:s2+s11], $0x40, s20, s11, $0xb8;
	[tilespmem:$0x173A0] =	vst v63  }
0xe0: {  	_ =	swait.ge [sflag:s14], $0x1400  }
0xe1: {  	[sflag:s14] =	ssyncset.done $0x0  }
0xe2: {  	[sflag:s14] =	ssyncadd.s32 $0xFFFFEC00  }
0xe3: {  	[spmem:s3] =	stream.indirect.scatter.add.f32 [tilespmem:s12], [sflag:$0x3], $0x40, s21, s11, $0xb8;
	[tilespmem:$0x173A0] =	vst v63  }
0xe4: {  	_ =	swait.ge [sflag:s15], $0x1400  }
0xe5: {  	[sflag:s15] =	ssyncset.done $0x0  }
0xe6: {  	[sflag:s15] =	ssyncadd.s32 $0xFFFFEC00  }
0xe7: {  	[tilespmem:s12], [sflag:$0x1] =	stream.indirect.gather [hbm4b:s2+s11], $0x40, s22, s11, $0xb8;
	[tilespmem:$0x173A0] =	vst v63  }
0xe8: {  	_ =	swait.ge [sflag:s16], $0x1400  }
0xe9: {  	[sflag:s16] =	ssyncset.done $0x0  }
0xea: {  	[sflag:s16] =	ssyncadd.s32 $0xFFFFEC00  }
0xeb: {  	[spmem:s3] =	stream.indirect.scatter.add.f32 [tilespmem:s13], [sflag:$0x4], $0x40, s23, s11, $0xb8;
	[tilespmem:$0x173A0] =	vst v63  }
0xec: {  	_ =	swait.ge [sflag:s17], $0x1400  }
0xed: {  	[sflag:s17] =	ssyncset.done $0x0  }
0xee: {  	[sflag:s17] =	ssyncadd.s32 $0xFFFFEC00  }
0xef: {  	[tilespmem:s13], [sflag:$0x2] =	stream.indirect.gather [hbm4b:s2+s11], $0x40, s24, s11, $0xb8;
	[tilespmem:$0x173A0] =	vst v63  }
0xf0: {  	_ =	swait.ge [sflag:s14], $0x1400  }
0xf1: {  	[sflag:s14] =	ssyncset.done $0x0  }
0xf2: {  	[sflag:s14] =	ssyncadd.s32 $0xFFFFEC00  }
0xf3: {  	[spmem:s3] =	stream.indirect.scatter.add.f32 [tilespmem:s12], [sflag:$0x3], $0x40, s25, s11, $0xb8;
	[tilespmem:$0x173A0] =	vst v63  }
0xf4: {  	_ =	swait.ge [sflag:s15], $0x1400  }
0xf5: {  	[sflag:s15] =	ssyncset.done $0x0  }
0xf6: {  	[sflag:s15] =	ssyncadd.s32 $0xFFFFEC00  }
0xf7: {  	[tilespmem:s12], [sflag:$0x1] =	stream.indirect.gather [hbm4b:s2+s11], $0x40, s26, s11, $0xb8;
	[tilespmem:$0x173A0] =	vst v63  }
0xf8: {  	_ =	swait.ge [sflag:s16], $0x1400  }
0xf9: {  	[sflag:s16] =	ssyncset.done $0x0  }
0xfa: {  	[sflag:s16] =	ssyncadd.s32 $0xFFFFEC00  }
0xfb: {  	[spmem:s3] =	stream.indirect.scatter.add.f32 [tilespmem:s13], [sflag:$0x4], $0x40, s28, s11, $0xb8;
	[tilespmem:$0x173A0] =	vst v63  }
0xfc: {  	_ =	swait.ge [sflag:s17], $0x1400  }
0xfd: {  	[sflag:s17] =	ssyncset.done $0x0  }
0xfe: {  	[sflag:s17] =	ssyncadd.s32 $0xFFFFEC00  }
0xff: {  	[tilespmem:s13], [sflag:$0x2] =	stream.indirect.gather [hbm4b:s2+s11], $0x40, s29, s11, $0xb8;
	[tilespmem:$0x173A0] =	vst v63  }
0x100: {  	_ =	swait.ge [sflag:s14], $0x1400  }
0x101: {  	[sflag:s14] =	ssyncset.done $0x0  }
0x102: {  	[sflag:s14] =	ssyncadd.s32 $0xFFFFEC00  }
0x103: {  	[spmem:s3] =	stream.indirect.scatter.add.f32 [tilespmem:s12], [sflag:$0x3], $0x40, s30, s11, $0xb8;
	[tilespmem:$0x173A0] =	vst v63  }
0x104: {  	_ =	swait.ge [sflag:s15], $0x1400  }
0x105: {  	[sflag:s15] =	ssyncset.done $0x0  }
0x106: {  	[sflag:s15] =	ssyncadd.s32 $0xFFFFEC00  }
0x107: {  	[tilespmem:s12], [sflag:$0x1] =	stream.indirect.gather [hbm4b:s2+s11], $0x40, s31, s11, $0xb8;
	[tilespmem:$0x173A0] =	vst v63  }
0x108: {  	_ =	swait.ge [sflag:s16], $0x1400  }
0x109: {  	[sflag:s16] =	ssyncset.done $0x0  }
0x10a: {  	[sflag:s16] =	ssyncadd.s32 $0xFFFFEC00  }
0x10b: {  	[spmem:s3] =	stream.indirect.scatter.add.f32 [tilespmem:s13], [sflag:$0x4], $0x40, s1, s11, $0xb8;
	[tilespmem:$0x173A0] =	vst v63  }
0x10c: {  	_ =	swait.ge [sflag:s17], $0x1400  }
0x10d: {  	[sflag:s17] =	ssyncset.done $0x0  }
0x10e: {  	[sflag:s17] =	ssyncadd.s32 $0xFFFFEC00  }
0x10f: {  	_ =	swait.ge [sflag:s14], $0x1400  }
0x110: {  	[sflag:s14] =	ssyncset.done $0x0  }
0x111: {  	[sflag:s14] =	ssyncadd.s32 $0xFFFFEC00  }
0x112: {  	[spmem:s3] =	stream.indirect.scatter.add.f32 [tilespmem:s12], [sflag:$0x3], $0x40, s8, s11, $0xb8;
	[tilespmem:$0x173A0] =	vst v63  }
0x113: {  	s6 =	simm.s32 $0xFA;
	_ =	swait.ge [sflag:s15], $0x1400  }
0x114: {  	s7 =	simm.s32 $0x1F4;
	s5 =	rddreg [dreg:$0x4];
	[sflag:s15] =	ssyncset.done $0x0  }
.LBB2_4:
0x115: {  	[sflag:s15] =	ssyncadd.s32 $0xFFFFEC00;
	s5 =	sadd.s32 s6, s5  }
0x116: {  	[tilespmem:s4], [sflag:$0x5] =	stream.linear.gather [hbm4b:s5+s4], $0x7D0, $0x38;
	[tilespmem:$0x173A0] =	vst v63  }
0x117: {  	_ =	swait.ge [sflag:s9], $0x7D0  }
0x118: {  	s5 =	rddreg [dreg:$0x5];
	[sflag:s9] =	ssyncset.done $0x0  }
0x119: {  	[sflag:s9] =	ssyncadd.s32 $0xFFFFF830;
	s5 =	sadd.s32 s6, s5  }
0x11a: {  	[tilespmem:s10], [sflag:$0x5] =	stream.linear.gather [hbm4b:s5+s4], $0x7D0, $0x38;
	[tilespmem:$0x173A0] =	vst v63  }
0x11b: {  	_ =	swait.ge [sflag:s9], $0x7D0  }
0x11c: {  	[sflag:s9] =	ssyncset.done $0x0  }
0x11d: {  	[sflag:s9] =	ssyncadd.s32 $0xFFFFF830  }
0x11e: {  	[tilespmem:s12], [sflag:$0x1] =	stream.indirect.gather [hbm4b:s2+s11], $0x40, s4, s11, $0xb8;
	[tilespmem:$0x173A0] =	vst v63  }
0x11f: {  	_ = 	snop  }
0x120: {  	[tilespmem:s13], [sflag:$0x2] =	stream.indirect.gather [hbm4b:s2+s11], $0x40, s11, s11, $0xb8;
	[tilespmem:$0x173A0] =	vst v63  }
0x121: {  	_ =	swait.ge [sflag:s14], $0x1400  }
0x122: {  	[sflag:s14] =	ssyncset.done $0x0  }
0x123: {  	[sflag:s14] =	ssyncadd.s32 $0xFFFFEC00  }
0x124: {  	[spmem:s3] =	stream.indirect.scatter.add.f32 [tilespmem:s12], [sflag:$0x3], $0x40, s10, s11, $0xb8;
	[tilespmem:$0x173A0] =	vst v63  }
0x125: {  	_ =	swait.ge [sflag:s15], $0x1400  }
0x126: {  	[sflag:s15] =	ssyncset.done $0x0  }
0x127: {  	s5 =	rddreg [dreg:$0x6];
	[sflag:s15] =	ssyncadd.s32 $0xFFFFEC00  }
0x128: {  	[tilespmem:s12], [sflag:$0x1] =	stream.indirect.gather [hbm4b:s2+s11], $0x40, s5, s11, $0xb8;
	[tilespmem:$0x173A0] =	vst v63  }
0x129: {  	_ =	swait.ge [sflag:s16], $0x1400  }
0x12a: {  	[sflag:s16] =	ssyncset.done $0x0  }
0x12b: {  	s5 =	rddreg [dreg:$0x7];
	[sflag:s16] =	ssyncadd.s32 $0xFFFFEC00  }
0x12c: {  	[spmem:s3] =	stream.indirect.scatter.add.f32 [tilespmem:s13], [sflag:$0x4], $0x40, s5, s11, $0xb8;
	[tilespmem:$0x173A0] =	vst v63  }
0x12d: {  	_ =	swait.ge [sflag:s17], $0x1400  }
0x12e: {  	[sflag:s17] =	ssyncset.done $0x0  }
0x12f: {  	s5 =	rddreg [dreg:$0x8];
	[sflag:s17] =	ssyncadd.s32 $0xFFFFEC00  }
0x130: {  	[tilespmem:s13], [sflag:$0x2] =	stream.indirect.gather [hbm4b:s2+s11], $0x40, s5, s11, $0xb8;
	[tilespmem:$0x173A0] =	vst v63  }
0x131: {  	_ =	swait.ge [sflag:s14], $0x1400  }
0x132: {  	[sflag:s14] =	ssyncset.done $0x0  }
0x133: {  	s5 =	rddreg [dreg:$0x9];
	[sflag:s14] =	ssyncadd.s32 $0xFFFFEC00  }
0x134: {  	[spmem:s3] =	stream.indirect.scatter.add.f32 [tilespmem:s12], [sflag:$0x3], $0x40, s5, s11, $0xb8;
	[tilespmem:$0x173A0] =	vst v63  }
0x135: {  	_ =	swait.ge [sflag:s15], $0x1400  }
0x136: {  	[sflag:s15] =	ssyncset.done $0x0  }
0x137: {  	s5 =	rddreg [dreg:$0xa];
	[sflag:s15] =	ssyncadd.s32 $0xFFFFEC00  }
0x138: {  	[tilespmem:s12], [sflag:$0x1] =	stream.indirect.gather [hbm4b:s2+s11], $0x40, s5, s11, $0xb8;
	[tilespmem:$0x173A0] =	vst v63  }
0x139: {  	_ =	swait.ge [sflag:s16], $0x1400  }
0x13a: {  	[sflag:s16] =	ssyncset.done $0x0  }
0x13b: {  	s5 =	rddreg [dreg:$0xb];
	[sflag:s16] =	ssyncadd.s32 $0xFFFFEC00  }
0x13c: {  	[spmem:s3] =	stream.indirect.scatter.add.f32 [tilespmem:s13], [sflag:$0x4], $0x40, s5, s11, $0xb8;
	[tilespmem:$0x173A0] =	vst v63  }
0x13d: {  	_ =	swait.ge [sflag:s17], $0x1400  }
0x13e: {  	[sflag:s17] =	ssyncset.done $0x0  }
0x13f: {  	s5 =	rddreg [dreg:$0xc];
	[sflag:s17] =	ssyncadd.s32 $0xFFFFEC00  }
0x140: {  	[tilespmem:s13], [sflag:$0x2] =	stream.indirect.gather [hbm4b:s2+s11], $0x40, s5, s11, $0xb8;
	[tilespmem:$0x173A0] =	vst v63  }
0x141: {  	_ =	swait.ge [sflag:s14], $0x1400  }
0x142: {  	[sflag:s14] =	ssyncset.done $0x0  }
0x143: {  	s5 =	rddreg [dreg:$0xd];
	[sflag:s14] =	ssyncadd.s32 $0xFFFFEC00  }
0x144: {  	[spmem:s3] =	stream.indirect.scatter.add.f32 [tilespmem:s12], [sflag:$0x3], $0x40, s5, s11, $0xb8;
	[tilespmem:$0x173A0] =	vst v63  }
0x145: {  	_ =	swait.ge [sflag:s15], $0x1400  }
0x146: {  	[sflag:s15] =	ssyncset.done $0x0  }
0x147: {  	s5 =	rddreg [dreg:$0xe];
	[sflag:s15] =	ssyncadd.s32 $0xFFFFEC00  }
0x148: {  	[tilespmem:s12], [sflag:$0x1] =	stream.indirect.gather [hbm4b:s2+s11], $0x40, s5, s11, $0xb8;
	[tilespmem:$0x173A0] =	vst v63  }
0x149: {  	_ =	swait.ge [sflag:s16], $0x1400  }
0x14a: {  	[sflag:s16] =	ssyncset.done $0x0  }
0x14b: {  	s5 =	rddreg [dreg:$0xf];
	[sflag:s16] =	ssyncadd.s32 $0xFFFFEC00  }
0x14c: {  	[spmem:s3] =	stream.indirect.scatter.add.f32 [tilespmem:s13], [sflag:$0x4], $0x40, s5, s11, $0xb8;
	[tilespmem:$0x173A0] =	vst v63  }
0x14d: {  	_ =	swait.ge [sflag:s17], $0x1400  }
0x14e: {  	[sflag:s17] =	ssyncset.done $0x0  }
0x14f: {  	s5 =	rddreg [dreg:$0x10];
	[sflag:s17] =	ssyncadd.s32 $0xFFFFEC00  }
0x150: {  	[tilespmem:s13], [sflag:$0x2] =	stream.indirect.gather [hbm4b:s2+s11], $0x40, s5, s11, $0xb8;
	[tilespmem:$0x173A0] =	vst v63  }
0x151: {  	_ =	swait.ge [sflag:s14], $0x1400  }
0x152: {  	[sflag:s14] =	ssyncset.done $0x0  }
0x153: {  	s5 =	rddreg [dreg:$0x11];
	[sflag:s14] =	ssyncadd.s32 $0xFFFFEC00  }
0x154: {  	[spmem:s3] =	stream.indirect.scatter.add.f32 [tilespmem:s12], [sflag:$0x3], $0x40, s5, s11, $0xb8;
	[tilespmem:$0x173A0] =	vst v63  }
0x155: {  	_ =	swait.ge [sflag:s15], $0x1400  }
0x156: {  	[sflag:s15] =	ssyncset.done $0x0  }
0x157: {  	s5 =	rddreg [dreg:$0x12];
	[sflag:s15] =	ssyncadd.s32 $0xFFFFEC00  }
0x158: {  	[tilespmem:s12], [sflag:$0x1] =	stream.indirect.gather [hbm4b:s2+s11], $0x40, s5, s11, $0xb8;
	[tilespmem:$0x173A0] =	vst v63  }
0x159: {  	_ =	swait.ge [sflag:s16], $0x1400  }
0x15a: {  	[sflag:s16] =	ssyncset.done $0x0  }
0x15b: {  	s5 =	rddreg [dreg:$0x13];
	[sflag:s16] =	ssyncadd.s32 $0xFFFFEC00  }
0x15c: {  	[spmem:s3] =	stream.indirect.scatter.add.f32 [tilespmem:s13], [sflag:$0x4], $0x40, s5, s11, $0xb8;
	[tilespmem:$0x173A0] =	vst v63  }
0x15d: {  	_ =	swait.ge [sflag:s17], $0x1400  }
0x15e: {  	[sflag:s17] =	ssyncset.done $0x0  }
0x15f: {  	s5 =	rddreg [dreg:$0x14];
	[sflag:s17] =	ssyncadd.s32 $0xFFFFEC00  }
0x160: {  	[tilespmem:s13], [sflag:$0x2] =	stream.indirect.gather [hbm4b:s2+s11], $0x40, s5, s11, $0xb8;
	[tilespmem:$0x173A0] =	vst v63  }
0x161: {  	_ =	swait.ge [sflag:s14], $0x1400  }
0x162: {  	[sflag:s14] =	ssyncset.done $0x0  }
0x163: {  	s5 =	rddreg [dreg:$0x15];
	[sflag:s14] =	ssyncadd.s32 $0xFFFFEC00  }
0x164: {  	[spmem:s3] =	stream.indirect.scatter.add.f32 [tilespmem:s12], [sflag:$0x3], $0x40, s5, s11, $0xb8;
	[tilespmem:$0x173A0] =	vst v63  }
0x165: {  	_ =	swait.ge [sflag:s15], $0x1400  }
0x166: {  	[sflag:s15] =	ssyncset.done $0x0  }
0x167: {  	s5 =	rddreg [dreg:$0x16];
	[sflag:s15] =	ssyncadd.s32 $0xFFFFEC00  }
0x168: {  	[tilespmem:s12], [sflag:$0x1] =	stream.indirect.gather [hbm4b:s2+s11], $0x40, s5, s11, $0xb8;
	[tilespmem:$0x173A0] =	vst v63  }
0x169: {  	_ =	swait.ge [sflag:s16], $0x1400  }
0x16a: {  	[sflag:s16] =	ssyncset.done $0x0  }
0x16b: {  	s5 =	rddreg [dreg:$0x17];
	[sflag:s16] =	ssyncadd.s32 $0xFFFFEC00  }
0x16c: {  	[spmem:s3] =	stream.indirect.scatter.add.f32 [tilespmem:s13], [sflag:$0x4], $0x40, s5, s11, $0xb8;
	[tilespmem:$0x173A0] =	vst v63  }
0x16d: {  	_ =	swait.ge [sflag:s17], $0x1400  }
0x16e: {  	[sflag:s17] =	ssyncset.done $0x0  }
0x16f: {  	s5 =	rddreg [dreg:$0x18];
	[sflag:s17] =	ssyncadd.s32 $0xFFFFEC00  }
0x170: {  	[tilespmem:s13], [sflag:$0x2] =	stream.indirect.gather [hbm4b:s2+s11], $0x40, s5, s11, $0xb8;
	[tilespmem:$0x173A0] =	vst v63  }
0x171: {  	_ =	swait.ge [sflag:s14], $0x1400  }
0x172: {  	[sflag:s14] =	ssyncset.done $0x0  }
0x173: {  	s5 =	rddreg [dreg:$0x19];
	[sflag:s14] =	ssyncadd.s32 $0xFFFFEC00  }
0x174: {  	[spmem:s3] =	stream.indirect.scatter.add.f32 [tilespmem:s12], [sflag:$0x3], $0x40, s5, s11, $0xb8;
	[tilespmem:$0x173A0] =	vst v63  }
0x175: {  	_ =	swait.ge [sflag:s15], $0x1400  }
0x176: {  	[sflag:s15] =	ssyncset.done $0x0  }
0x177: {  	s5 =	rddreg [dreg:$0x1a];
	[sflag:s15] =	ssyncadd.s32 $0xFFFFEC00  }
0x178: {  	[tilespmem:s12], [sflag:$0x1] =	stream.indirect.gather [hbm4b:s2+s11], $0x40, s5, s11, $0xb8;
	[tilespmem:$0x173A0] =	vst v63  }
0x179: {  	_ =	swait.ge [sflag:s16], $0x1400  }
0x17a: {  	[sflag:s16] =	ssyncset.done $0x0  }
0x17b: {  	s5 =	rddreg [dreg:$0x1b];
	[sflag:s16] =	ssyncadd.s32 $0xFFFFEC00  }
0x17c: {  	[spmem:s3] =	stream.indirect.scatter.add.f32 [tilespmem:s13], [sflag:$0x4], $0x40, s5, s11, $0xb8;
	[tilespmem:$0x173A0] =	vst v63  }
0x17d: {  	_ =	swait.ge [sflag:s17], $0x1400  }
0x17e: {  	[sflag:s17] =	ssyncset.done $0x0  }
0x17f: {  	s5 =	rddreg [dreg:$0x1c];
	[sflag:s17] =	ssyncadd.s32 $0xFFFFEC00  }
0x180: {  	[tilespmem:s13], [sflag:$0x2] =	stream.indirect.gather [hbm4b:s2+s11], $0x40, s5, s11, $0xb8;
	[tilespmem:$0x173A0] =	vst v63  }
0x181: {  	_ =	swait.ge [sflag:s14], $0x1400  }
0x182: {  	[sflag:s14] =	ssyncset.done $0x0  }
0x183: {  	s5 =	rddreg [dreg:$0x1d];
	[sflag:s14] =	ssyncadd.s32 $0xFFFFEC00  }
0x184: {  	[spmem:s3] =	stream.indirect.scatter.add.f32 [tilespmem:s12], [sflag:$0x3], $0x40, s5, s11, $0xb8;
	[tilespmem:$0x173A0] =	vst v63  }
0x185: {  	_ =	swait.ge [sflag:s15], $0x1400  }
0x186: {  	[sflag:s15] =	ssyncset.done $0x0  }
0x187: {  	s5 =	rddreg [dreg:$0x1e];
	[sflag:s15] =	ssyncadd.s32 $0xFFFFEC00  }
0x188: {  	[tilespmem:s12], [sflag:$0x1] =	stream.indirect.gather [hbm4b:s2+s11], $0x40, s5, s11, $0xb8;
	[tilespmem:$0x173A0] =	vst v63  }
0x189: {  	_ =	swait.ge [sflag:s16], $0x1400  }
0x18a: {  	[sflag:s16] =	ssyncset.done $0x0  }
0x18b: {  	s5 =	rddreg [dreg:$0x1f];
	[sflag:s16] =	ssyncadd.s32 $0xFFFFEC00  }
0x18c: {  	[spmem:s3] =	stream.indirect.scatter.add.f32 [tilespmem:s13], [sflag:$0x4], $0x40, s5, s11, $0xb8;
	[tilespmem:$0x173A0] =	vst v63  }
0x18d: {  	_ =	swait.ge [sflag:s17], $0x1400  }
0x18e: {  	s5 =	sld [smem:$0x7F8]  }
0x18f: {  	[sflag:s17] =	ssyncset.done $0x0  }
0x190: {  	[sflag:s17] =	ssyncadd.s32 $0xFFFFEC00  }
0x191: {  	[tilespmem:s13], [sflag:$0x2] =	stream.indirect.gather [hbm4b:s2+s11], $0x40, s5, s11, $0xb8;
	[tilespmem:$0x173A0] =	vst v63  }
0x192: {  	_ =	swait.ge [sflag:s14], $0x1400  }
0x193: {  	s5 =	sld [smem:$0x7F9]  }
0x194: {  	[sflag:s14] =	ssyncset.done $0x0  }
0x195: {  	[sflag:s14] =	ssyncadd.s32 $0xFFFFEC00  }
0x196: {  	[spmem:s3] =	stream.indirect.scatter.add.f32 [tilespmem:s12], [sflag:$0x3], $0x40, s5, s11, $0xb8;
	[tilespmem:$0x173A0] =	vst v63  }
0x197: {  	_ =	swait.ge [sflag:s15], $0x1400  }
0x198: {  	s5 =	sld [smem:$0x7FA]  }
0x199: {  	[sflag:s15] =	ssyncset.done $0x0  }
0x19a: {  	[sflag:s15] =	ssyncadd.s32 $0xFFFFEC00  }
0x19b: {  	[tilespmem:s12], [sflag:$0x1] =	stream.indirect.gather [hbm4b:s2+s11], $0x40, s5, s11, $0xb8;
	[tilespmem:$0x173A0] =	vst v63  }
0x19c: {  	_ =	swait.ge [sflag:s16], $0x1400  }
0x19d: {  	s5 =	sld [smem:$0x7FB]  }
0x19e: {  	[sflag:s16] =	ssyncset.done $0x0  }
0x19f: {  	[sflag:s16] =	ssyncadd.s32 $0xFFFFEC00  }
0x1a0: {  	[spmem:s3] =	stream.indirect.scatter.add.f32 [tilespmem:s13], [sflag:$0x4], $0x40, s5, s11, $0xb8;
	[tilespmem:$0x173A0] =	vst v63  }
0x1a1: {  	_ =	swait.ge [sflag:s17], $0x1400  }
0x1a2: {  	s5 =	sld [smem:$0x7FC]  }
0x1a3: {  	[sflag:s17] =	ssyncset.done $0x0  }
0x1a4: {  	[sflag:s17] =	ssyncadd.s32 $0xFFFFEC00  }
0x1a5: {  	[tilespmem:s13], [sflag:$0x2] =	stream.indirect.gather [hbm4b:s2+s11], $0x40, s5, s11, $0xb8;
	[tilespmem:$0x173A0] =	vst v63  }
0x1a6: {  	_ =	swait.ge [sflag:s14], $0x1400  }
0x1a7: {  	s5 =	sld [smem:$0x7FD]  }
0x1a8: {  	[sflag:s14] =	ssyncset.done $0x0  }
0x1a9: {  	[sflag:s14] =	ssyncadd.s32 $0xFFFFEC00  }
0x1aa: {  	[spmem:s3] =	stream.indirect.scatter.add.f32 [tilespmem:s12], [sflag:$0x3], $0x40, s5, s11, $0xb8;
	[tilespmem:$0x173A0] =	vst v63  }
0x1ab: {  	_ =	swait.ge [sflag:s15], $0x1400  }
0x1ac: {  	[sflag:s15] =	ssyncset.done $0x0  }
0x1ad: {  	[sflag:s15] =	ssyncadd.s32 $0xFFFFEC00  }
0x1ae: {  	[tilespmem:s12], [sflag:$0x1] =	stream.indirect.gather [hbm4b:s2+s11], $0x40, s18, s11, $0xb8;
	[tilespmem:$0x173A0] =	vst v63  }
0x1af: {  	_ =	swait.ge [sflag:s16], $0x1400  }
0x1b0: {  	[sflag:s16] =	ssyncset.done $0x0  }
0x1b1: {  	[sflag:s16] =	ssyncadd.s32 $0xFFFFEC00  }
0x1b2: {  	[spmem:s3] =	stream.indirect.scatter.add.f32 [tilespmem:s13], [sflag:$0x4], $0x40, s19, s11, $0xb8;
	[tilespmem:$0x173A0] =	vst v63  }
0x1b3: {  	_ =	swait.ge [sflag:s17], $0x1400  }
0x1b4: {  	[sflag:s17] =	ssyncset.done $0x0  }
0x1b5: {  	[sflag:s17] =	ssyncadd.s32 $0xFFFFEC00  }
0x1b6: {  	[tilespmem:s13], [sflag:$0x2] =	stream.indirect.gather [hbm4b:s2+s11], $0x40, s20, s11, $0xb8;
	[tilespmem:$0x173A0] =	vst v63  }
0x1b7: {  	_ =	swait.ge [sflag:s14], $0x1400  }
0x1b8: {  	[sflag:s14] =	ssyncset.done $0x0  }
0x1b9: {  	[sflag:s14] =	ssyncadd.s32 $0xFFFFEC00  }
0x1ba: {  	[spmem:s3] =	stream.indirect.scatter.add.f32 [tilespmem:s12], [sflag:$0x3], $0x40, s21, s11, $0xb8;
	[tilespmem:$0x173A0] =	vst v63  }
0x1bb: {  	_ =	swait.ge [sflag:s15], $0x1400  }
0x1bc: {  	[sflag:s15] =	ssyncset.done $0x0  }
0x1bd: {  	[sflag:s15] =	ssyncadd.s32 $0xFFFFEC00  }
0x1be: {  	[tilespmem:s12], [sflag:$0x1] =	stream.indirect.gather [hbm4b:s2+s11], $0x40, s22, s11, $0xb8;
	[tilespmem:$0x173A0] =	vst v63  }
0x1bf: {  	_ =	swait.ge [sflag:s16], $0x1400  }
0x1c0: {  	[sflag:s16] =	ssyncset.done $0x0  }
0x1c1: {  	[sflag:s16] =	ssyncadd.s32 $0xFFFFEC00  }
0x1c2: {  	[spmem:s3] =	stream.indirect.scatter.add.f32 [tilespmem:s13], [sflag:$0x4], $0x40, s23, s11, $0xb8;
	[tilespmem:$0x173A0] =	vst v63  }
0x1c3: {  	_ =	swait.ge [sflag:s17], $0x1400  }
0x1c4: {  	[sflag:s17] =	ssyncset.done $0x0  }
0x1c5: {  	[sflag:s17] =	ssyncadd.s32 $0xFFFFEC00  }
0x1c6: {  	[tilespmem:s13], [sflag:$0x2] =	stream.indirect.gather [hbm4b:s2+s11], $0x40, s24, s11, $0xb8;
	[tilespmem:$0x173A0] =	vst v63  }
0x1c7: {  	_ =	swait.ge [sflag:s14], $0x1400  }
0x1c8: {  	[sflag:s14] =	ssyncset.done $0x0  }
0x1c9: {  	[sflag:s14] =	ssyncadd.s32 $0xFFFFEC00  }
0x1ca: {  	[spmem:s3] =	stream.indirect.scatter.add.f32 [tilespmem:s12], [sflag:$0x3], $0x40, s25, s11, $0xb8;
	[tilespmem:$0x173A0] =	vst v63  }
0x1cb: {  	_ =	swait.ge [sflag:s15], $0x1400  }
0x1cc: {  	[sflag:s15] =	ssyncset.done $0x0  }
0x1cd: {  	[sflag:s15] =	ssyncadd.s32 $0xFFFFEC00  }
0x1ce: {  	[tilespmem:s12], [sflag:$0x1] =	stream.indirect.gather [hbm4b:s2+s11], $0x40, s26, s11, $0xb8;
	[tilespmem:$0x173A0] =	vst v63  }
0x1cf: {  	_ =	swait.ge [sflag:s16], $0x1400  }
0x1d0: {  	[sflag:s16] =	ssyncset.done $0x0  }
0x1d1: {  	[sflag:s16] =	ssyncadd.s32 $0xFFFFEC00  }
0x1d2: {  	[spmem:s3] =	stream.indirect.scatter.add.f32 [tilespmem:s13], [sflag:$0x4], $0x40, s28, s11, $0xb8;
	[tilespmem:$0x173A0] =	vst v63  }
0x1d3: {  	_ =	swait.ge [sflag:s17], $0x1400  }
0x1d4: {  	[sflag:s17] =	ssyncset.done $0x0  }
0x1d5: {  	[sflag:s17] =	ssyncadd.s32 $0xFFFFEC00  }
0x1d6: {  	[tilespmem:s13], [sflag:$0x2] =	stream.indirect.gather [hbm4b:s2+s11], $0x40, s29, s11, $0xb8;
	[tilespmem:$0x173A0] =	vst v63  }
0x1d7: {  	_ =	swait.ge [sflag:s14], $0x1400  }
0x1d8: {  	[sflag:s14] =	ssyncset.done $0x0  }
0x1d9: {  	[sflag:s14] =	ssyncadd.s32 $0xFFFFEC00  }
0x1da: {  	[spmem:s3] =	stream.indirect.scatter.add.f32 [tilespmem:s12], [sflag:$0x3], $0x40, s30, s11, $0xb8;
	[tilespmem:$0x173A0] =	vst v63  }
0x1db: {  	_ =	swait.ge [sflag:s15], $0x1400  }
0x1dc: {  	[sflag:s15] =	ssyncset.done $0x0  }
0x1dd: {  	[sflag:s15] =	ssyncadd.s32 $0xFFFFEC00  }
0x1de: {  	[tilespmem:s12], [sflag:$0x1] =	stream.indirect.gather [hbm4b:s2+s11], $0x40, s31, s11, $0xb8;
	[tilespmem:$0x173A0] =	vst v63  }
0x1df: {  	_ =	swait.ge [sflag:s16], $0x1400  }
0x1e0: {  	[sflag:s16] =	ssyncset.done $0x0  }
0x1e1: {  	[sflag:s16] =	ssyncadd.s32 $0xFFFFEC00  }
0x1e2: {  	[spmem:s3] =	stream.indirect.scatter.add.f32 [tilespmem:s13], [sflag:$0x4], $0x40, s1, s11, $0xb8;
	[tilespmem:$0x173A0] =	vst v63  }
0x1e3: {  	_ =	swait.ge [sflag:s17], $0x1400  }
0x1e4: {  	[sflag:s17] =	ssyncset.done $0x0  }
0x1e5: {  	[sflag:s17] =	ssyncadd.s32 $0xFFFFEC00  }
0x1e6: {  	p0 =	sne.s32 s7, $0x8CA;
	_ =	swait.ge [sflag:s14], $0x1400  }
.Ltmp1:
0x1e7: {  	[sflag:s14] =	ssyncset.done $0x0;
	(pc) =	sbr.rel @p0 .LBB2_4-.Ltmp1, $4  }
0x1e8: {  	[sflag:s14] =	ssyncadd.s32 $0xFFFFEC00  }
0x1e9: {  	[spmem:s3] =	stream.indirect.scatter.add.f32 [tilespmem:s12], [sflag:$0x3], $0x40, s8, s11, $0xb8;
	[tilespmem:$0x173A0] =	vst v63  }
0x1ea: {  	s0 =	smov.u32 s7;
	s7 =	sadd.s32 $0xFA, s7;
	_ =	swait.ge [sflag:s15], $0x1400  }
0x1eb: {  	s6 =	smov.u32 s0;
	s5 =	rddreg [dreg:$0x4];
	[sflag:s15] =	ssyncset.done $0x0  }
0x1ec: {  	[sflag:s15] =	ssyncadd.s32 $0xFFFFEC00;
	s0 =	sadd.s32 s6, s5  }
0x1ed: {  	[tilespmem:s4], [sflag:$0x5] =	stream.linear.gather [hbm4b:s0+s4], $0x7D0, $0x38;
	[tilespmem:$0x173A0] =	vst v63  }
0x1ee: {  	_ =	swait.ge [sflag:s9], $0x7D0  }
0x1ef: {  	s5 =	rddreg [dreg:$0x5];
	[sflag:s9] =	ssyncset.done $0x0  }
0x1f0: {  	[sflag:s9] =	ssyncadd.s32 $0xFFFFF830;
	s0 =	sadd.s32 s6, s5  }
0x1f1: {  	[tilespmem:s10], [sflag:$0x5] =	stream.linear.gather [hbm4b:s0+s4], $0x7D0, $0x38;
	[tilespmem:$0x173A0] =	vst v63  }
0x1f2: {  	_ =	swait.ge [sflag:s9], $0x7D0  }
0x1f3: {  	[sflag:s9] =	ssyncset.done $0x0  }
0x1f4: {  	[sflag:s9] =	ssyncadd.s32 $0xFFFFF830  }
0x1f5: {  	[tilespmem:s12], [sflag:$0x1] =	stream.indirect.gather [hbm4b:s2+s11], $0x40, s4, s11, $0xb8;
	[tilespmem:$0x173A0] =	vst v63  }
0x1f6: {  	_ = 	snop  }
0x1f7: {  	[tilespmem:s13], [sflag:$0x2] =	stream.indirect.gather [hbm4b:s2+s11], $0x40, s11, s11, $0xb8;
	[tilespmem:$0x173A0] =	vst v63  }
0x1f8: {  	_ =	swait.ge [sflag:s14], $0x1400  }
0x1f9: {  	[sflag:s14] =	ssyncset.done $0x0  }
0x1fa: {  	[sflag:s14] =	ssyncadd.s32 $0xFFFFEC00  }
0x1fb: {  	[spmem:s3] =	stream.indirect.scatter.add.f32 [tilespmem:s12], [sflag:$0x3], $0x40, s10, s11, $0xb8;
	[tilespmem:$0x173A0] =	vst v63  }
0x1fc: {  	_ =	swait.ge [sflag:s15], $0x1400  }
0x1fd: {  	[sflag:s15] =	ssyncset.done $0x0  }
0x1fe: {  	s6 =	rddreg [dreg:$0x6];
	[sflag:s15] =	ssyncadd.s32 $0xFFFFEC00  }
0x1ff: {  	[tilespmem:s12], [sflag:$0x1] =	stream.indirect.gather [hbm4b:s2+s11], $0x40, s6, s11, $0xb8;
	[tilespmem:$0x173A0] =	vst v63  }
0x200: {  	_ =	swait.ge [sflag:s16], $0x1400  }
0x201: {  	[sflag:s16] =	ssyncset.done $0x0  }
0x202: {  	s7 =	rddreg [dreg:$0x7];
	[sflag:s16] =	ssyncadd.s32 $0xFFFFEC00  }
0x203: {  	[spmem:s3] =	stream.indirect.scatter.add.f32 [tilespmem:s13], [sflag:$0x4], $0x40, s7, s11, $0xb8;
	[tilespmem:$0x173A0] =	vst v63  }
0x204: {  	_ =	swait.ge [sflag:s17], $0x1400  }
0x205: {  	[sflag:s17] =	ssyncset.done $0x0  }
0x206: {  	s5 =	rddreg [dreg:$0x8];
	[sflag:s17] =	ssyncadd.s32 $0xFFFFEC00  }
0x207: {  	[tilespmem:s13], [sflag:$0x2] =	stream.indirect.gather [hbm4b:s2+s11], $0x40, s5, s11, $0xb8;
	[tilespmem:$0x173A0] =	vst v63  }
0x208: {  	_ =	swait.ge [sflag:s14], $0x1400  }
0x209: {  	[sflag:s14] =	ssyncset.done $0x0  }
0x20a: {  	s6 =	rddreg [dreg:$0x9];
	[sflag:s14] =	ssyncadd.s32 $0xFFFFEC00  }
0x20b: {  	[spmem:s3] =	stream.indirect.scatter.add.f32 [tilespmem:s12], [sflag:$0x3], $0x40, s6, s11, $0xb8;
	[tilespmem:$0x173A0] =	vst v63  }
0x20c: {  	_ =	swait.ge [sflag:s15], $0x1400  }
0x20d: {  	[sflag:s15] =	ssyncset.done $0x0  }
0x20e: {  	s7 =	rddreg [dreg:$0xa];
	[sflag:s15] =	ssyncadd.s32 $0xFFFFEC00  }
0x20f: {  	[tilespmem:s12], [sflag:$0x1] =	stream.indirect.gather [hbm4b:s2+s11], $0x40, s7, s11, $0xb8;
	[tilespmem:$0x173A0] =	vst v63  }
0x210: {  	_ =	swait.ge [sflag:s16], $0x1400  }
0x211: {  	[sflag:s16] =	ssyncset.done $0x0  }
0x212: {  	s5 =	rddreg [dreg:$0xb];
	[sflag:s16] =	ssyncadd.s32 $0xFFFFEC00  }
0x213: {  	[spmem:s3] =	stream.indirect.scatter.add.f32 [tilespmem:s13], [sflag:$0x4], $0x40, s5, s11, $0xb8;
	[tilespmem:$0x173A0] =	vst v63  }
0x214: {  	_ =	swait.ge [sflag:s17], $0x1400  }
0x215: {  	[sflag:s17] =	ssyncset.done $0x0  }
0x216: {  	s6 =	rddreg [dreg:$0xc];
	[sflag:s17] =	ssyncadd.s32 $0xFFFFEC00  }
0x217: {  	[tilespmem:s13], [sflag:$0x2] =	stream.indirect.gather [hbm4b:s2+s11], $0x40, s6, s11, $0xb8;
	[tilespmem:$0x173A0] =	vst v63  }
0x218: {  	_ =	swait.ge [sflag:s14], $0x1400  }
0x219: {  	[sflag:s14] =	ssyncset.done $0x0  }
0x21a: {  	s7 =	rddreg [dreg:$0xd];
	[sflag:s14] =	ssyncadd.s32 $0xFFFFEC00  }
0x21b: {  	[spmem:s3] =	stream.indirect.scatter.add.f32 [tilespmem:s12], [sflag:$0x3], $0x40, s7, s11, $0xb8;
	[tilespmem:$0x173A0] =	vst v63  }
0x21c: {  	_ =	swait.ge [sflag:s15], $0x1400  }
0x21d: {  	[sflag:s15] =	ssyncset.done $0x0  }
0x21e: {  	s5 =	rddreg [dreg:$0xe];
	[sflag:s15] =	ssyncadd.s32 $0xFFFFEC00  }
0x21f: {  	[tilespmem:s12], [sflag:$0x1] =	stream.indirect.gather [hbm4b:s2+s11], $0x40, s5, s11, $0xb8;
	[tilespmem:$0x173A0] =	vst v63  }
0x220: {  	_ =	swait.ge [sflag:s16], $0x1400  }
0x221: {  	[sflag:s16] =	ssyncset.done $0x0  }
0x222: {  	s6 =	rddreg [dreg:$0xf];
	[sflag:s16] =	ssyncadd.s32 $0xFFFFEC00  }
0x223: {  	[spmem:s3] =	stream.indirect.scatter.add.f32 [tilespmem:s13], [sflag:$0x4], $0x40, s6, s11, $0xb8;
	[tilespmem:$0x173A0] =	vst v63  }
0x224: {  	_ =	swait.ge [sflag:s17], $0x1400  }
0x225: {  	[sflag:s17] =	ssyncset.done $0x0  }
0x226: {  	s7 =	rddreg [dreg:$0x10];
	[sflag:s17] =	ssyncadd.s32 $0xFFFFEC00  }
0x227: {  	[tilespmem:s13], [sflag:$0x2] =	stream.indirect.gather [hbm4b:s2+s11], $0x40, s7, s11, $0xb8;
	[tilespmem:$0x173A0] =	vst v63  }
0x228: {  	_ =	swait.ge [sflag:s14], $0x1400  }
0x229: {  	[sflag:s14] =	ssyncset.done $0x0  }
0x22a: {  	s5 =	rddreg [dreg:$0x11];
	[sflag:s14] =	ssyncadd.s32 $0xFFFFEC00  }
0x22b: {  	[spmem:s3] =	stream.indirect.scatter.add.f32 [tilespmem:s12], [sflag:$0x3], $0x40, s5, s11, $0xb8;
	[tilespmem:$0x173A0] =	vst v63  }
0x22c: {  	_ =	swait.ge [sflag:s15], $0x1400  }
0x22d: {  	[sflag:s15] =	ssyncset.done $0x0  }
0x22e: {  	s6 =	rddreg [dreg:$0x12];
	[sflag:s15] =	ssyncadd.s32 $0xFFFFEC00  }
0x22f: {  	[tilespmem:s12], [sflag:$0x1] =	stream.indirect.gather [hbm4b:s2+s11], $0x40, s6, s11, $0xb8;
	[tilespmem:$0x173A0] =	vst v63  }
0x230: {  	_ =	swait.ge [sflag:s16], $0x1400  }
0x231: {  	[sflag:s16] =	ssyncset.done $0x0  }
0x232: {  	s7 =	rddreg [dreg:$0x13];
	[sflag:s16] =	ssyncadd.s32 $0xFFFFEC00  }
0x233: {  	[spmem:s3] =	stream.indirect.scatter.add.f32 [tilespmem:s13], [sflag:$0x4], $0x40, s7, s11, $0xb8;
	[tilespmem:$0x173A0] =	vst v63  }
0x234: {  	_ =	swait.ge [sflag:s17], $0x1400  }
0x235: {  	[sflag:s17] =	ssyncset.done $0x0  }
0x236: {  	s5 =	rddreg [dreg:$0x14];
	[sflag:s17] =	ssyncadd.s32 $0xFFFFEC00  }
0x237: {  	[tilespmem:s13], [sflag:$0x2] =	stream.indirect.gather [hbm4b:s2+s11], $0x40, s5, s11, $0xb8;
	[tilespmem:$0x173A0] =	vst v63  }
0x238: {  	_ =	swait.ge [sflag:s14], $0x1400  }
0x239: {  	[sflag:s14] =	ssyncset.done $0x0  }
0x23a: {  	s6 =	rddreg [dreg:$0x15];
	[sflag:s14] =	ssyncadd.s32 $0xFFFFEC00  }
0x23b: {  	[spmem:s3] =	stream.indirect.scatter.add.f32 [tilespmem:s12], [sflag:$0x3], $0x40, s6, s11, $0xb8;
	[tilespmem:$0x173A0] =	vst v63  }
0x23c: {  	_ =	swait.ge [sflag:s15], $0x1400  }
0x23d: {  	[sflag:s15] =	ssyncset.done $0x0  }
0x23e: {  	s7 =	rddreg [dreg:$0x16];
	[sflag:s15] =	ssyncadd.s32 $0xFFFFEC00  }
0x23f: {  	[tilespmem:s12], [sflag:$0x1] =	stream.indirect.gather [hbm4b:s2+s11], $0x40, s7, s11, $0xb8;
	[tilespmem:$0x173A0] =	vst v63  }
0x240: {  	_ =	swait.ge [sflag:s16], $0x1400  }
0x241: {  	[sflag:s16] =	ssyncset.done $0x0  }
0x242: {  	s5 =	rddreg [dreg:$0x17];
	[sflag:s16] =	ssyncadd.s32 $0xFFFFEC00  }
0x243: {  	[spmem:s3] =	stream.indirect.scatter.add.f32 [tilespmem:s13], [sflag:$0x4], $0x40, s5, s11, $0xb8;
	[tilespmem:$0x173A0] =	vst v63  }
0x244: {  	_ =	swait.ge [sflag:s17], $0x1400  }
0x245: {  	[sflag:s17] =	ssyncset.done $0x0  }
0x246: {  	s6 =	rddreg [dreg:$0x18];
	[sflag:s17] =	ssyncadd.s32 $0xFFFFEC00  }
0x247: {  	[tilespmem:s13], [sflag:$0x2] =	stream.indirect.gather [hbm4b:s2+s11], $0x40, s6, s11, $0xb8;
	[tilespmem:$0x173A0] =	vst v63  }
0x248: {  	_ =	swait.ge [sflag:s14], $0x1400  }
0x249: {  	[sflag:s14] =	ssyncset.done $0x0  }
0x24a: {  	s7 =	rddreg [dreg:$0x19];
	[sflag:s14] =	ssyncadd.s32 $0xFFFFEC00  }
0x24b: {  	[spmem:s3] =	stream.indirect.scatter.add.f32 [tilespmem:s12], [sflag:$0x3], $0x40, s7, s11, $0xb8;
	[tilespmem:$0x173A0] =	vst v63  }
0x24c: {  	_ =	swait.ge [sflag:s15], $0x1400  }
0x24d: {  	[sflag:s15] =	ssyncset.done $0x0  }
0x24e: {  	s5 =	rddreg [dreg:$0x1a];
	[sflag:s15] =	ssyncadd.s32 $0xFFFFEC00  }
0x24f: {  	[tilespmem:s12], [sflag:$0x1] =	stream.indirect.gather [hbm4b:s2+s11], $0x40, s5, s11, $0xb8;
	[tilespmem:$0x173A0] =	vst v63  }
0x250: {  	_ =	swait.ge [sflag:s16], $0x1400  }
0x251: {  	[sflag:s16] =	ssyncset.done $0x0  }
0x252: {  	s6 =	rddreg [dreg:$0x1b];
	[sflag:s16] =	ssyncadd.s32 $0xFFFFEC00  }
0x253: {  	[spmem:s3] =	stream.indirect.scatter.add.f32 [tilespmem:s13], [sflag:$0x4], $0x40, s6, s11, $0xb8;
	[tilespmem:$0x173A0] =	vst v63  }
0x254: {  	_ =	swait.ge [sflag:s17], $0x1400  }
0x255: {  	[sflag:s17] =	ssyncset.done $0x0  }
0x256: {  	s7 =	rddreg [dreg:$0x1c];
	[sflag:s17] =	ssyncadd.s32 $0xFFFFEC00  }
0x257: {  	[tilespmem:s13], [sflag:$0x2] =	stream.indirect.gather [hbm4b:s2+s11], $0x40, s7, s11, $0xb8;
	[tilespmem:$0x173A0] =	vst v63  }
0x258: {  	_ =	swait.ge [sflag:s14], $0x1400  }
0x259: {  	[sflag:s14] =	ssyncset.done $0x0  }
0x25a: {  	s5 =	rddreg [dreg:$0x1d];
	[sflag:s14] =	ssyncadd.s32 $0xFFFFEC00  }
0x25b: {  	[spmem:s3] =	stream.indirect.scatter.add.f32 [tilespmem:s12], [sflag:$0x3], $0x40, s5, s11, $0xb8;
	[tilespmem:$0x173A0] =	vst v63  }
0x25c: {  	_ =	swait.ge [sflag:s15], $0x1400  }
0x25d: {  	[sflag:s15] =	ssyncset.done $0x0  }
0x25e: {  	s6 =	rddreg [dreg:$0x1e];
	[sflag:s15] =	ssyncadd.s32 $0xFFFFEC00  }
0x25f: {  	[tilespmem:s12], [sflag:$0x1] =	stream.indirect.gather [hbm4b:s2+s11], $0x40, s6, s11, $0xb8;
	[tilespmem:$0x173A0] =	vst v63  }
0x260: {  	_ =	swait.ge [sflag:s16], $0x1400  }
0x261: {  	[sflag:s16] =	ssyncset.done $0x0  }
0x262: {  	s7 =	rddreg [dreg:$0x1f];
	[sflag:s16] =	ssyncadd.s32 $0xFFFFEC00  }
0x263: {  	[spmem:s3] =	stream.indirect.scatter.add.f32 [tilespmem:s13], [sflag:$0x4], $0x40, s7, s11, $0xb8;
	[tilespmem:$0x173A0] =	vst v63  }
0x264: {  	_ =	swait.ge [sflag:s17], $0x1400  }
0x265: {  	s5 =	sld [smem:$0x7F8]  }
0x266: {  	[sflag:s17] =	ssyncset.done $0x0  }
0x267: {  	[sflag:s17] =	ssyncadd.s32 $0xFFFFEC00  }
0x268: {  	[tilespmem:s13], [sflag:$0x2] =	stream.indirect.gather [hbm4b:s2+s11], $0x40, s5, s11, $0xb8;
	[tilespmem:$0x173A0] =	vst v63  }
0x269: {  	_ =	swait.ge [sflag:s14], $0x1400  }
0x26a: {  	s6 =	sld [smem:$0x7F9]  }
0x26b: {  	[sflag:s14] =	ssyncset.done $0x0  }
0x26c: {  	[sflag:s14] =	ssyncadd.s32 $0xFFFFEC00  }
0x26d: {  	[spmem:s3] =	stream.indirect.scatter.add.f32 [tilespmem:s12], [sflag:$0x3], $0x40, s6, s11, $0xb8;
	[tilespmem:$0x173A0] =	vst v63  }
0x26e: {  	_ =	swait.ge [sflag:s15], $0x1400  }
0x26f: {  	s7 =	sld [smem:$0x7FA]  }
0x270: {  	[sflag:s15] =	ssyncset.done $0x0  }
0x271: {  	[sflag:s15] =	ssyncadd.s32 $0xFFFFEC00  }
0x272: {  	[tilespmem:s12], [sflag:$0x1] =	stream.indirect.gather [hbm4b:s2+s11], $0x40, s7, s11, $0xb8;
	[tilespmem:$0x173A0] =	vst v63  }
0x273: {  	_ =	swait.ge [sflag:s16], $0x1400  }
0x274: {  	s5 =	sld [smem:$0x7FB]  }
0x275: {  	[sflag:s16] =	ssyncset.done $0x0  }
0x276: {  	[sflag:s16] =	ssyncadd.s32 $0xFFFFEC00  }
0x277: {  	[spmem:s3] =	stream.indirect.scatter.add.f32 [tilespmem:s13], [sflag:$0x4], $0x40, s5, s11, $0xb8;
	[tilespmem:$0x173A0] =	vst v63  }
0x278: {  	_ =	swait.ge [sflag:s17], $0x1400  }
0x279: {  	s6 =	sld [smem:$0x7FC]  }
0x27a: {  	[sflag:s17] =	ssyncset.done $0x0  }
0x27b: {  	[sflag:s17] =	ssyncadd.s32 $0xFFFFEC00  }
0x27c: {  	[tilespmem:s13], [sflag:$0x2] =	stream.indirect.gather [hbm4b:s2+s11], $0x40, s6, s11, $0xb8;
	[tilespmem:$0x173A0] =	vst v63  }
0x27d: {  	_ =	swait.ge [sflag:s14], $0x1400  }
0x27e: {  	s7 =	sld [smem:$0x7FD]  }
0x27f: {  	[sflag:s14] =	ssyncset.done $0x0  }
0x280: {  	[sflag:s14] =	ssyncadd.s32 $0xFFFFEC00  }
0x281: {  	[spmem:s3] =	stream.indirect.scatter.add.f32 [tilespmem:s12], [sflag:$0x3], $0x40, s7, s11, $0xb8;
	[tilespmem:$0x173A0] =	vst v63  }
0x282: {  	_ =	swait.ge [sflag:s15], $0x1400  }
0x283: {  	[sflag:s15] =	ssyncset.done $0x0  }
0x284: {  	[sflag:s15] =	ssyncadd.s32 $0xFFFFEC00  }
0x285: {  	[tilespmem:s12], [sflag:$0x1] =	stream.indirect.gather [hbm4b:s2+s11], $0x40, s18, s11, $0xb8;
	[tilespmem:$0x173A0] =	vst v63  }
0x286: {  	_ =	swait.ge [sflag:s16], $0x1400  }
0x287: {  	[sflag:s16] =	ssyncset.done $0x0  }
0x288: {  	[sflag:s16] =	ssyncadd.s32 $0xFFFFEC00  }
0x289: {  	[spmem:s3] =	stream.indirect.scatter.add.f32 [tilespmem:s13], [sflag:$0x4], $0x40, s19, s11, $0xb8;
	[tilespmem:$0x173A0] =	vst v63  }
0x28a: {  	_ =	swait.ge [sflag:s17], $0x1400  }
0x28b: {  	[sflag:s17] =	ssyncset.done $0x0  }
0x28c: {  	[sflag:s17] =	ssyncadd.s32 $0xFFFFEC00  }
0x28d: {  	[tilespmem:s13], [sflag:$0x2] =	stream.indirect.gather [hbm4b:s2+s11], $0x40, s20, s11, $0xb8;
	[tilespmem:$0x173A0] =	vst v63  }
0x28e: {  	_ =	swait.ge [sflag:s14], $0x1400  }
0x28f: {  	[sflag:s14] =	ssyncset.done $0x0  }
0x290: {  	[sflag:s14] =	ssyncadd.s32 $0xFFFFEC00  }
0x291: {  	[spmem:s3] =	stream.indirect.scatter.add.f32 [tilespmem:s12], [sflag:$0x3], $0x40, s21, s11, $0xb8;
	[tilespmem:$0x173A0] =	vst v63  }
0x292: {  	_ =	swait.ge [sflag:s15], $0x1400  }
0x293: {  	[sflag:s15] =	ssyncset.done $0x0  }
0x294: {  	[sflag:s15] =	ssyncadd.s32 $0xFFFFEC00  }
0x295: {  	[tilespmem:s12], [sflag:$0x1] =	stream.indirect.gather [hbm4b:s2+s11], $0x40, s22, s11, $0xb8;
	[tilespmem:$0x173A0] =	vst v63  }
0x296: {  	_ =	swait.ge [sflag:s16], $0x1400  }
0x297: {  	[sflag:s16] =	ssyncset.done $0x0  }
0x298: {  	[sflag:s16] =	ssyncadd.s32 $0xFFFFEC00  }
0x299: {  	[spmem:s3] =	stream.indirect.scatter.add.f32 [tilespmem:s13], [sflag:$0x4], $0x40, s23, s11, $0xb8;
	[tilespmem:$0x173A0] =	vst v63  }
0x29a: {  	_ =	swait.ge [sflag:s17], $0x1400  }
0x29b: {  	[sflag:s17] =	ssyncset.done $0x0  }
0x29c: {  	[sflag:s17] =	ssyncadd.s32 $0xFFFFEC00  }
0x29d: {  	[tilespmem:s13], [sflag:$0x2] =	stream.indirect.gather [hbm4b:s2+s11], $0x40, s24, s11, $0xb8;
	[tilespmem:$0x173A0] =	vst v63  }
0x29e: {  	_ =	swait.ge [sflag:s14], $0x1400  }
0x29f: {  	[sflag:s14] =	ssyncset.done $0x0  }
0x2a0: {  	[sflag:s14] =	ssyncadd.s32 $0xFFFFEC00  }
0x2a1: {  	[spmem:s3] =	stream.indirect.scatter.add.f32 [tilespmem:s12], [sflag:$0x3], $0x40, s25, s11, $0xb8;
	[tilespmem:$0x173A0] =	vst v63  }
0x2a2: {  	_ =	swait.ge [sflag:s15], $0x1400  }
0x2a3: {  	[sflag:s15] =	ssyncset.done $0x0  }
0x2a4: {  	[sflag:s15] =	ssyncadd.s32 $0xFFFFEC00  }
0x2a5: {  	[tilespmem:s12], [sflag:$0x1] =	stream.indirect.gather [hbm4b:s2+s11], $0x40, s26, s11, $0xb8;
	[tilespmem:$0x173A0] =	vst v63  }
0x2a6: {  	_ =	swait.ge [sflag:s16], $0x1400  }
0x2a7: {  	[sflag:s16] =	ssyncset.done $0x0  }
0x2a8: {  	[sflag:s16] =	ssyncadd.s32 $0xFFFFEC00  }
0x2a9: {  	[spmem:s3] =	stream.indirect.scatter.add.f32 [tilespmem:s13], [sflag:$0x4], $0x40, s28, s11, $0xb8;
	[tilespmem:$0x173A0] =	vst v63  }
0x2aa: {  	_ =	swait.ge [sflag:s17], $0x1400  }
0x2ab: {  	[sflag:s17] =	ssyncset.done $0x0  }
0x2ac: {  	[sflag:s17] =	ssyncadd.s32 $0xFFFFEC00  }
0x2ad: {  	[tilespmem:s13], [sflag:$0x2] =	stream.indirect.gather [hbm4b:s2+s11], $0x40, s29, s11, $0xb8;
	[tilespmem:$0x173A0] =	vst v63  }
0x2ae: {  	_ =	swait.ge [sflag:s14], $0x1400  }
0x2af: {  	[sflag:s14] =	ssyncset.done $0x0  }
0x2b0: {  	[sflag:s14] =	ssyncadd.s32 $0xFFFFEC00  }
0x2b1: {  	[spmem:s3] =	stream.indirect.scatter.add.f32 [tilespmem:s12], [sflag:$0x3], $0x40, s30, s11, $0xb8;
	[tilespmem:$0x173A0] =	vst v63  }
0x2b2: {  	_ =	swait.ge [sflag:s15], $0x1400  }
0x2b3: {  	[sflag:s15] =	ssyncset.done $0x0  }
0x2b4: {  	[sflag:s15] =	ssyncadd.s32 $0xFFFFEC00  }
0x2b5: {  	[tilespmem:s12], [sflag:$0x1] =	stream.indirect.gather [hbm4b:s2+s11], $0x40, s31, s11, $0xb8;
	[tilespmem:$0x173A0] =	vst v63  }
0x2b6: {  	_ =	swait.ge [sflag:s16], $0x1400  }
0x2b7: {  	[sflag:s16] =	ssyncset.done $0x0  }
0x2b8: {  	[sflag:s16] =	ssyncadd.s32 $0xFFFFEC00  }
0x2b9: {  	[spmem:s3] =	stream.indirect.scatter.add.f32 [tilespmem:s13], [sflag:$0x4], $0x40, s1, s11, $0xb8;
	[tilespmem:$0x173A0] =	vst v63  }
0x2ba: {  	_ =	swait.ge [sflag:s17], $0x1400  }
0x2bb: {  	[sflag:s17] =	ssyncset.done $0x0  }
0x2bc: {  	[sflag:s17] =	ssyncadd.s32 $0xFFFFEC00  }
0x2bd: {  	_ =	swait.ge [sflag:s14], $0x1400  }
0x2be: {  	[sflag:s14] =	ssyncset.done $0x0  }
0x2bf: {  	[sflag:s14] =	ssyncadd.s32 $0xFFFFEC00  }
0x2c0: {  	[spmem:s3] =	stream.indirect.scatter.add.f32 [tilespmem:s12], [sflag:$0x3], $0x40, s8, s11, $0xb8;
	[tilespmem:$0x173A0] =	vst v63  }
0x2c1: {  	_ =	swait.ge [sflag:s15], $0x1400  }
0x2c2: {  	[sflag:s15] =	ssyncset.done $0x0  }
0x2c3: {  	[sflag:s15] =	ssyncadd.s32 $0xFFFFEC00  }
0x2c4: {  	[bflag:$0x0] =	sbarrier.arrive $0xFFFF  }
0x2c5: {  	s6 =	sld [smem:$0x7F5]  }
0x2c6: {  	s5 =	stileid.u32;
	s7 =	sld [smem:$0x7F6]  }
0x2c7: {  	s0 =	sshll.u32 s5, $0x6  }
0x2c8: {  	s0 =	sor.u32 $0x1C05, s0;
	s5 =	sshrl.u32 s6, $0x3  }
0x2c9: {  	[hbm:s7], [sflag:s0] =	dma.local [spmem:s5], $0x13C0  }
0x2ca: {  	_ =	swait.ge [sflag:s9], $0x13C0  }
0x2cb: {  	s6 =	sld [smem:$0x7F4]  }
0x2cc: {  	s7 =	sld [smem:$0x7F7];
	_ =	sdelay $0x1  }
0x2cd: {  	s5 =	sadd.s32 $0x1, s6  }
0x2ce: {  	p0 =	sne.s32 s5, s7  }
.Ltmp2:
0x2cf: {  	_ = 	snop;
	(pc) =	sbr.rel @p0 .LBB2_1-.Ltmp2, $3  }
0x2d0: {  	_ =	sdelay $0x1  }
0x2d1: {  	[sflag:s9] =	ssyncset.done $0x0  }
0x2d2: {  	[sflag:s9] =	ssyncadd.s32 $0xFFFFEC40  }
0x2d3: {  	_ =	sfence.sel $0x180000  }
0x2d4: {  	[bflag:$0x0] =	sbarrier.arrive $0xFFFF  }
0x2d5: {  	_ =	strace $0x9000004A  }
0x2d6: {  	s0 =	stileid.u32;
	[bflag:$0x2] =	sbarrier.arrive $0xFFFF  }
0x2d7: {  	p0 =	sne.s32 s0, $0x0;
	s0 =	rddreg [dreg:$0x3]  }
0x2d8: {  	s0 =	sadd.s32 @!p0 $0x100000, s0  }
0x2d9: {  	[sflag:s0] =	ssyncadd.tile.s32 @!p0 $0x1;
	_ =	shalt  }
.Lfunc_end2:
_tile_overlayer_lowered:
.L_overlay_start_2:
0x2da: {  	(tag) =	ssettag $0x2  }
0x2db: {  	s0 =	rddreg [dreg:$0x0];
	s2 =	stileid.u32  }
0x2dc: {  	s1 =	rddreg [dreg:$0x1];
	p0 =	sne.s32 s2, $0x0  }
0x2dd: {  	s3 =	rddreg [dreg:$0x2];
	[bflag:$0x3] =	sbarrier.arrive $0xFFFF;
	s2 =	simm.s32 @!p0 $0x1C05  }
0x2de: {  	[timem:s3], [sflag:s2] =	dma.local @!p0 [hbm:s0], s1  }
0x2df: {  	s0 =	simm.s32 @!p0 $0x5  }
0x2e0: {  	_ =	swait.ge @!p0 [sflag:s0], s1  }
0x2e1: {  	s1 =	ssub.s32 @!p0 $0x0, s1;
	[sflag:s0] =	ssyncset.done @!p0 $0x0  }
0x2e2: {  	[sflag:s0] =	ssyncadd.s32 @!p0 s1  }
0x2e3: {  	[bflag:$0x3] =	sbarrier.arrive $0xFFFF  }
0x2e4: {  	_ =	shalt  }

// kernel: kernel.14.cloned.1.call-start
scs
__scs_entry_jumppad:
0x0: {  	(pc) =	sbr.rel $0x88, $3  }
0x1: {  	(tag) =	ssettag $0x0;
	lr =	simm.s32 $0x1  }
0x2: {  	[smem:$0x3F9B] =	sst lr;
	_ =	strace $0xD0000000  }
0x3: {  	_ = 	snop  }
0x4: {  	_ = 	snop  }
0x5: {  	_ = 	snop  }
0x6: {  	_ = 	snop  }
0x7: {  	_ = 	snop  }
__scs_overlays_trampoline_lowered:
0x8: {  	[smem:$0x3FAA] =	sst s0  }
0x9: {  	[smem:$0x3FAB] =	sst s1  }
0xa: {  	[smem:$0x3FAC] =	sst s2  }
0xb: {  	[smem:$0x3FAD] =	sst s3  }
0xc: {  	[smem:$0x3FAE] =	sst s4  }
0xd: {  	[smem:$0x3FAF] =	sst s5  }
0xe: {  	[smem:$0x3FB0] =	sst s6  }
0xf: {  	[smem:$0x3FB1] =	sst s7  }
0x10: {  	[smem:$0x3FB2] =	sst s8  }
0x11: {  	[smem:$0x3FB3] =	sst s9;
	s0 =	simm.s32 @!p0 $0x0  }
0x12: {  	s1 =	sld [smem:$0x3F99];
	s0 =	simm.s32 @p0 $0x1  }
0x13: {  	[smem:$0x3FB4] =	sst s0;
	s0 =	simm.s32 @!p1 $0x0  }
0x14: {  	s2 =	sld [smem:$0x3F98];
	s0 =	simm.s32 @p1 $0x1  }
0x15: {  	[smem:$0x3FB5] =	sst s0;
	s0 =	simm.s32 @!p2 $0x0  }
0x16: {  	s3 =	sld [smem:$0x3FDB];
	s0 =	simm.s32 @p2 $0x1  }
0x17: {  	s4 =	simm.s32 $0x1BF5;
	[smem:$0x3FB7] =	sst s0  }
0x18: {  	s0 =	sld [smem:$0x3F9A];
	_ =	swait.ge [sflag:s4], $0x0  }
0x19: {  	s7 =	sld [smem:$0x3F9B]  }
0x1a: {  	s8 =	sadd.s32 $0xFFFFE003, lr  }
0x1b: {  	s9 =	sadd.s32 $0xFFFFFEF7, lr;
	s5 =	simm.s32 $0xFFFFFFFF;
	p2 =	slt.u32 s8, $0xFFFFF086  }
0x1c: {  	p1 =	slt.u32 s9, $0xF7A;
	s5 =	simm.s32 @!p2 $0x0  }
0x1d: {  	s5 =	simm.s32 @p1 $0x1;
	p0 =	seq.s32 s7, s2  }
0x1e: {  	s7 =	smul.u32 @!p0 $0xF7A, s2;
	p2 =	seq.s32 @!p0 s5, $0x0  }
0x1f: {  	s9 =	smul.u32 $0xF7A, s1;
	s8 =	simm.s32 @!p0 $0x1BF5;
	p2 =	por !p2, p0  }
0x20: {  	[sflag:s8] =	ssyncset.s32 @!p0 $0xFFFFF086;
	s6 =	sadd.s32 @!p0 s3, s7;
	s7 =	simm.s32 @!p0 $0x108  }
0x21: {  	s3 =	sadd.s32 s3, s9;
	s6 =	sadd.s32 @!p0 $0x88, s6;
	s7 =	simm.s32 @p2 $0x1082  }
0x22: {  	[simem:s7], [sflag:s8] =	dma.local @!p0 [hbm:s6], $0xF7A  }
0x23: {  	s9 =	sor.u32 $0xD0000000, s2;
	s6 =	simm.s32 $0x108;
	_ =	swait.ge @!p0 [sflag:s8], $0x0  }
0x24: {  	s3 =	sadd.s32 $0x88, s3;
	s6 =	simm.s32 @!p1 $0x1082;
	[sflag:s4] =	ssyncset.s32 $0xFFFFF086  }
0x25: {  	[simem:s6], [sflag:s4] =	dma.local [hbm:s3], $0xF7A  }
0x26: {  	[smem:$0x3F9B] =	sst s1;
	(tag) =	ssettag s2;
	_ =	strace s9  }
0x27: {  	s1 =	sld [smem:$0x3FAB]  }
0x28: {  	s2 =	sld [smem:$0x3FAC]  }
0x29: {  	s4 =	sld [smem:$0x3FAE]  }
0x2a: {  	p0 =	seq.s32 s5, $0x0;
	s5 =	sld [smem:$0x3FAF]  }
0x2b: {  	s6 =	sld [smem:$0x3FB0]  }
0x2c: {  	s7 =	sld [smem:$0x3FB1]  }
0x2d: {  	s3 =	simm.s32 $0x108;
	s8 =	sld [smem:$0x3FB2]  }
0x2e: {  	s3 =	simm.s32 @!p0 $0x1082;
	s9 =	sld [smem:$0x3FB3]  }
0x2f: {  	lr =	sadd.s32 s0, s3;
	s0 =	sld [smem:$0x3FAA]  }
0x30: {  	s3 =	sld [smem:$0x3FAD]  }
0x31: {  	[smem:$0x3FB6] =	sst s10  }
0x32: {  	s10 =	sld [smem:$0x3FB4];
	_ =	sdelay $0x3  }
0x33: {  	p0 =	seq.s32 s10, $0x1;
	s10 =	sld [smem:$0x3FB6];
	_ =	sdelay $0x3  }
0x34: {  	[smem:$0x3FB6] =	sst s10  }
0x35: {  	s10 =	sld [smem:$0x3FB5];
	_ =	sdelay $0x3  }
0x36: {  	p1 =	seq.s32 s10, $0x1;
	s10 =	sld [smem:$0x3FB6];
	_ =	sdelay $0x3  }
0x37: {  	[smem:$0x3FB6] =	sst s10  }
0x38: {  	s10 =	sld [smem:$0x3FB7]  }
0x39: {  	_ = 	snop;
	(pc) =	sbr.ind lr, $3  }
0x3a: {  	_ = 	snop  }
0x3b: {  	_ = 	snop  }
0x3c: {  	p2 =	seq.s32 s10, $0x1;
	s10 =	sld [smem:$0x3FB6]  }
0x3d: {  	_ =	shalt  }
0x3e: {  	_ =	shalt  }
0x3f: {  	_ =	shalt  }
0x40: {  	_ =	shalt  }
0x41: {  	_ =	shalt  }
0x42: {  	_ =	shalt  }
0x43: {  	_ =	shalt  }
0x44: {  	_ =	shalt  }
0x45: {  	_ =	shalt  }
0x46: {  	_ =	shalt  }
0x47: {  	_ =	shalt  }
0x48: {  	_ =	shalt  }
0x49: {  	_ =	shalt  }
0x4a: {  	_ =	shalt  }
0x4b: {  	_ =	shalt  }
0x4c: {  	_ =	shalt  }
0x4d: {  	_ =	shalt  }
0x4e: {  	_ =	shalt  }
0x4f: {  	_ =	shalt  }
0x50: {  	_ =	shalt  }
0x51: {  	_ =	shalt  }
0x52: {  	_ =	shalt  }
0x53: {  	_ =	shalt  }
0x54: {  	_ =	shalt  }
0x55: {  	_ =	shalt  }
0x56: {  	_ =	shalt  }
0x57: {  	_ =	shalt  }
0x58: {  	_ =	shalt  }
0x59: {  	_ =	shalt  }
0x5a: {  	_ =	shalt  }
0x5b: {  	_ =	shalt  }
0x5c: {  	_ =	shalt  }
0x5d: {  	_ =	shalt  }
0x5e: {  	_ =	shalt  }
0x5f: {  	_ =	shalt  }
0x60: {  	_ =	shalt  }
0x61: {  	_ =	shalt  }
0x62: {  	_ =	shalt  }
0x63: {  	_ =	shalt  }
0x64: {  	_ =	shalt  }
0x65: {  	_ =	shalt  }
0x66: {  	_ =	shalt  }
0x67: {  	_ =	shalt  }
0x68: {  	_ =	shalt  }
0x69: {  	_ =	shalt  }
0x6a: {  	_ =	shalt  }
0x6b: {  	_ =	shalt  }
0x6c: {  	_ =	shalt  }
0x6d: {  	_ =	shalt  }
0x6e: {  	_ =	shalt  }
0x6f: {  	_ =	shalt  }
0x70: {  	_ =	shalt  }
0x71: {  	_ =	shalt  }
0x72: {  	_ =	shalt  }
0x73: {  	_ =	shalt  }
0x74: {  	_ =	shalt  }
0x75: {  	_ =	shalt  }
0x76: {  	_ =	shalt  }
0x77: {  	_ =	shalt  }
0x78: {  	_ =	shalt  }
0x79: {  	_ =	shalt  }
0x7a: {  	_ =	shalt  }
0x7b: {  	_ =	shalt  }
0x7c: {  	_ =	shalt  }
0x7d: {  	_ =	shalt  }
0x7e: {  	_ =	shalt  }
0x7f: {  	_ =	shalt  }
0x80: {  	_ =	shalt  }
0x81: {  	_ =	shalt  }
0x82: {  	_ =	shalt  }
0x83: {  	_ =	shalt  }
0x84: {  	_ =	shalt  }
0x85: {  	_ =	shalt  }
0x86: {  	_ =	shalt  }
0x87: {  	_ =	shalt  }
.Lfunc_end0:
.L_simem_size_0:
called_computation.2_lowered:
.L_overlay_start_0:
0x88: {  	s2 =	sld [smem:$0x3FD9]  }
0x89: {  	s3 =	sld [smem:$0x3FFE];
	_ =	sdelay $0x1  }
0x8a: {  	s1 =	srdreg.scid  }
0x8b: {  	s0 =	sand.u32 $0x1, s1  }
0x8c: {  	s17 =	sshll.u32 s0, $0xA;
	s2 =	sadd.s32 s3, s2  }
0x8d: {  	s2 =	sadd.s32 s2, s17  }
0x8e: {  	[smem:$0x3FC2] =	sst s2  }
0x8f: {  	_ = 	snop  }
0x90: {  	s2 =	sld [smem:$0x3FD0];
	(tm) =	ssettm $0x1  }
0x91: {  	s18 =	sld [smem:$0x3FFB];
	_ =	sdelay $0x3  }
0x92: {  	_ =	strace s18  }
0x93: {  	s3 =	sld [smem:$0x3FFC];
	_ =	sdelay $0x3  }
0x94: {  	_ =	strace s3  }
0x95: {  	s3 =	sld [smem:$0x3FFD];
	_ =	sdelay $0x3  }
0x96: {  	_ =	strace s3  }
0x97: {  	_ =	strace $0x8FFFFFFF  }
0x98: {  	s19 =	sld [smem:$0x3FDB];
	_ =	sdelay $0x1  }
0x99: {  	s4 =	simm.s32 $_scs_section_size  }
0x9a: {  	s5 =	simm.s32 $_size__tile_overlayer_lowered;
	s6 =	simm.s32 $_tile_overlayer_lowered  }
0x9b: {  	s22 =	simm.s32 $0x1BFF;
	s21 =	sshll.u32 s6, $0x1;
	s3 =	sadd.s32 s4, s19  }
0x9c: {  	s7 =	simm.s32 $0x0;
	s20 =	sshll.u32 s5, $0x1;
	s5 =	sadd.s32 s21, s3  }
0x9d: {  	[timem:s7], [sflag:s22] =	dma.local [hbm:s5], s20  }
0x9e: {  	_ =	swait.ge [sflag:s22], s20  }
0x9f: {  	s4 =	ssub.s32 $0x0, s20;
	[sflag:s22] =	ssyncset.done $0x0  }
0xa0: {  	[sflag:s22] =	ssyncadd.s32 s4;
	_ =	sdelay $0x1  }
0xa1: {  	s23 =	simm.s32 $0x1B8B  }
0xa2: {  	_ =	swait.ge [sflag:s23], $0x1  }
0xa3: {  	[sflag:s23] =	ssyncset.done $0x0  }
0xa4: {  	s25 =	simm.s32 $0x1B8E;
	s24 =	sld [smem:$0x3FFE];
	[sflag:s23] =	ssyncadd.s32 $0xFFFFFFFF  }
0xa5: {  	s26 =	simm.s32 $execute0_lowered;
	[smem:$0x3FD2] =	sst s25  }
0xa6: {  	s5 =	sshll.u32 s26, $0x1;
	_ =	strace $0x8000004C;
	[dreg:$0x1] =	wrdreg $0xFFFFFFFF  }
0xa7: {  	s28 =	simm.s32 $_size_execute0_lowered;
	s3 =	sadd.s32 s3, s5;
	[dreg:$0x0] =	wrdreg $0x0  }
0xa8: {  	s5 =	sshll.u32 s28, $0x1;
	[dreg:$0x2] =	wrdreg s3  }
0xa9: {  	[dreg:$0x3] =	wrdreg s5  }
0xaa: {  	[dreg:$0x4] =	wrdreg $0xC0  }
0xab: {  	_ =	task [dreg:s7], $0x5FFFF  }
0xac: {  	[dreg:$0x1] =	wrdreg $0xFFFFFFFF  }
0xad: {  	[dreg:$0x0] =	wrdreg $0x60  }
0xae: {  	[dreg:$0x2] =	wrdreg s24  }
0xaf: {  	[dreg:$0x3] =	wrdreg s2  }
0xb0: {  	[dreg:$0x4] =	wrdreg $0xD5A00  }
0xb1: {  	[dreg:$0x5] =	wrdreg $0x9  }
0xb2: {  	_ =	task.clear_ibuf [dreg:s7], $0x6FFFF;
	_ =	strace $0x9000004C  }
0xb3: {  	s29 =	simm.s32 $0x9;
	_ =	strace $0x8000004E  }
0xb4: {  	_ =	swait.ge [sflag:s29], $0x1  }
0xb5: {  	[sflag:s29] =	ssyncadd.s32 $0xFFFFFFFF  }
0xb6: {  	_ =	strace $0x9000004E  }
0xb7: {  	_ =	sfence  }
0xb8: {  	s30 =	sld [smem:$0x0];
	_ =	sdelay $0x2  }
0xb9: {  	s31 =	sshll.u32 s1, $0xD;
	s1 =	sshrl.u32 s1, $0x2  }
0xba: {  	s3 =	sand.u32 $0x4000, s31;
	s1 =	sadd.s32 s1, s30  }
0xbb: {  	s0 =	sor.u32 s3, s0;
	s1 =	sshll.u32 s1, $0x11  }
0xbc: {  	s0 =	sor.u32 s1, s0  }
0xbd: {  	s0 =	sadd.s32 $0x8F2B, s0  }
0xbe: {  	[sflag:s0] =	ssyncadd.remote.s32 $0x1  }
0xbf: {  	_ =	sfence.sel $0xFFFF  }
0xc0: {  	[dreg:$0x0] =	wrdreg $0xFFFFFFFF;
	(pc) =	sbr.abs _section_cstart, $3  }
0xc1: {  	[dreg:$0x1] =	wrdreg $0xFFFFFFFF  }
0xc2: {  	_ =	task.clear_ibuf [dreg:s7], $0x2FFFF;
	_ =	strace $0x9FFFFFFF  }
0xc3: {  	(tm) =	ssettm $0x7FFFFFFF  }
tec
execute0_lowered:
.L_overlay_start_1:
0x0: {  	(tag) =	ssettag $0x1  }
0x1: {  	s7 =	stileid.u32  }
0x2: {  	s0 =	srdreg.scid;
	s5 =	smul.u32 $0x4E20, s7  }
0x3: {  	s1 =	rddreg [dreg:$0x0];
	s0 =	sand.u32 $0x1, s0;
	s6 =	smul.u32 $0x9C4, s7  }
0x4: {  	s2 =	rddreg [dreg:$0x1];
	s4 =	smul.u32 $0x4E200, s0  }
0x5: {  	s3 =	rddreg [dreg:$0x2]  }
0x6: {  	s6 =	sadd.s32 s6, s1;
	s5 =	sadd.s32 s4, s5;
	s4 =	simm.s32 $0x0  }
0x7: {  	s10 =	sadd.s32 $0x2A00, s6;
	[smem:$0x7FF] =	sst s4  }
0x8: {  	s11 =	simm.s32 $0xA0;
	_ =	strace $0x8000004D;
	[dreg:$0x5] =	wrdreg s10  }
0x9: {  	s12 =	simm.s32 $0x820;
	[dreg:$0x6] =	wrdreg s11  }
0xa: {  	s13 =	simm.s32 $0xF0;
	[dreg:$0x7] =	wrdreg s12  }
0xb: {  	s14 =	simm.s32 $0x870;
	[dreg:$0x8] =	wrdreg s13  }
0xc: {  	s15 =	simm.s32 $0x140;
	[dreg:$0x9] =	wrdreg s14  }
0xd: {  	s16 =	simm.s32 $0x8C0;
	[dreg:$0xa] =	wrdreg s15  }
0xe: {  	s17 =	simm.s32 $0x190;
	s18 =	simm.s32 $0x910;
	[dreg:$0xb] =	wrdreg s16  }
0xf: {  	s19 =	simm.s32 $0x1E0;
	s20 =	simm.s32 $0x960;
	[dreg:$0xc] =	wrdreg s17  }
0x10: {  	s21 =	simm.s32 $0x230;
	s23 =	simm.s32 $0x9B0;
	[dreg:$0xd] =	wrdreg s18  }
0x11: {  	s25 =	simm.s32 $0x280;
	s26 =	simm.s32 $0xA00;
	[dreg:$0xe] =	wrdreg s19  }
0x12: {  	s8 =	simm.s32 $0x2D0;
	s9 =	simm.s32 $0xA50;
	[dreg:$0xf] =	wrdreg s20  }
0x13: {  	s28 =	simm.s32 $0xE60;
	s22 =	smul.u32 $0x9E00, s7;
	[dreg:$0x10] =	wrdreg s21  }
0x14: {  	s29 =	simm.s32 $0x730;
	s24 =	smul.u32 $0x9E000, s0;
	[dreg:$0x11] =	wrdreg s23  }
0x15: {  	s30 =	simm.s32 $0xEB0;
	s31 =	simm.s32 $0x780;
	[dreg:$0x12] =	wrdreg s25  }
0x16: {  	s0 =	ssub.s32 $0x2, s0;
	s7 =	sadd.s32 s22, s24;
	[dreg:$0x13] =	wrdreg s26  }
0x17: {  	s6 =	sadd.s32 s22, s3;
	s22 =	simm.s32 $0xC30;
	[dreg:$0x14] =	wrdreg s8  }
0x18: {  	s24 =	simm.s32 $0xC80;
	s5 =	sshrl.u32 s5, $0x3;
	[dreg:$0x15] =	wrdreg s9  }
0x19: {  	s7 =	sshrl.u32 s7, $0x3;
	s5 =	sadd.s32 s5, s1;
	[smem:$0x7F5] =	sst s6  }
0x1a: {  	s1 =	sadd.s32 s7, s1;
	s10 =	simm.s32 $0x320;
	[smem:$0x7F9] =	sst s22  }
0x1b: {  	s11 =	simm.s32 $0xAA0;
	s12 =	sshrl.u32 s0, $0x1;
	[smem:$0x7FB] =	sst s24  }
0x1c: {  	s13 =	simm.s32 $0x370;
	s14 =	simm.s32 $0xAF0;
	[dreg:$0x16] =	wrdreg s10  }
0x1d: {  	s15 =	simm.s32 $0x3C0;
	s16 =	simm.s32 $0xB40;
	[dreg:$0x17] =	wrdreg s11  }
0x1e: {  	s17 =	simm.s32 $0x410;
	s18 =	simm.s32 $0xB90;
	[dreg:$0x18] =	wrdreg s13  }
0x1f: {  	s9 =	simm.s32 $0x5;
	s19 =	simm.s32 $0x460;
	[dreg:$0x19] =	wrdreg s14  }
0x20: {  	s20 =	simm.s32 $0xBE0;
	s21 =	simm.s32 $0x4B0;
	[dreg:$0x1a] =	wrdreg s15  }
0x21: {  	s23 =	simm.s32 $0x500;
	s25 =	simm.s32 $0x550;
	[dreg:$0x1b] =	wrdreg s16  }
0x22: {  	s26 =	simm.s32 $0xCD0;
	s22 =	simm.s32 $0x640;
	[dreg:$0x1c] =	wrdreg s17  }
0x23: {  	s24 =	simm.s32 $0x690;
	s8 =	simm.s32 $0xF50;
	[dreg:$0x1d] =	wrdreg s18  }
0x24: {  	s5 =	sadd.s32 $0xC800, s5;
	s0 =	ssub.s32 s0, s12;
	[dreg:$0x1e] =	wrdreg s19  }
0x25: {  	s1 =	sadd.s32 $0x47400, s1;
	s10 =	simm.s32 $0x7D0;
	[dreg:$0x1f] =	wrdreg s20  }
0x26: {  	s11 =	simm.s32 $0x50;
	s12 =	simm.s32 $0xFA0;
	[smem:$0x7F8] =	sst s21  }
0x27: {  	s13 =	simm.s32 $0x23A0;
	s14 =	simm.s32 $0x1;
	[smem:$0x7FA] =	sst s23  }
0x28: {  	s15 =	simm.s32 $0x3;
	s16 =	simm.s32 $0x2;
	[smem:$0x7FC] =	sst s25  }
0x29: {  	s17 =	simm.s32 $0x4;
	[smem:$0x7FD] =	sst s26;
	s18 =	simm.s32 $0x5A0  }
0x2a: {  	s19 =	simm.s32 $0xD20;
	s20 =	simm.s32 $0x5F0;
	s21 =	simm.s32 $0xD70  }
0x2b: {  	s23 =	simm.s32 $0xDC0;
	s25 =	simm.s32 $0xE10;
	[dreg:$0x4] =	wrdreg s5  }
0x2c: {  	s26 =	simm.s32 $0x6E0;
	[smem:$0x7F6] =	sst s1;
	s0 =	smax.u32 s0, $0x1  }
0x2d: {  	v0 =	vimm.f32 $0.0e+00;
	s1 =	simm.s32 $0xF00;
	s5 =	simm.s32 $0x0;
	[smem:$0x7F7] =	sst s0  }
.LBB2_1:
0x2e: {  	[smem:$0x7F4] =	sst s5;
	s7 =	simm.s32 $0x100;
	s6 =	simm.s32 $0x0  }
.LBB2_2:
0x2f: {  	p0 =	sne.s32 s7, $0x27700;
	[tilespmem:s6+$0x37D0] =	vst v0;
	s5 =	smov.u32 s7;
	s7 =	sadd.s32 $0x100, s7  }
.Ltmp0:
0x30: {  	[tilespmem:s6+$0x37C0] =	vst v0;
	(pc) =	sbr.rel @p0 .LBB2_2-.Ltmp0, $3  }
0x31: {  	[tilespmem:s6+$0x37A0] =	vst v0  }
0x32: {  	[tilespmem:s6+$0x37B0] =	vst v0;
	_ =	sdelay $0x1  }
0x33: {  	s6 =	sshra.s32 s5, $0x2  }
0x34: {  	[tilespmem:s6+$0x37D0] =	vst v0  }
0x35: {  	[tilespmem:s6+$0x37C0] =	vst v0;
	s0 =	sld [smem:$0x7F5]  }
0x36: {  	[tilespmem:s6+$0x37A0] =	vst v0  }
0x37: {  	[tilespmem:s6+$0x37B0] =	vst v0;
	s5 =	simm.s32 $0x37A0  }
0x38: {  	[spmem:s0] =	stream.linear.scatter [tilespmem:s5], [sflag:$0x5], $0x9E00, $0x38;
	[tilespmem:$0x173A0] =	vst v63  }
0x39: {  	_ =	swait.ge [sflag:s9], $0x9E00  }
0x3a: {  	[sflag:s9] =	ssyncset.done $0x0  }
0x3b: {  	[sflag:s9] =	ssyncadd.s32 $0xFFFF6200  }
0x3c: {  	[bflag:$0x0] =	sbarrier.arrive $0xFFFF  }
0x3d: {  	s7 =	rddreg [dreg:$0x4]  }
0x3e: {  	s5 =	sadd.s32 $0x0, s7  }
0x3f: {  	[tilespmem:s4], [sflag:$0x5] =	stream.linear.gather [hbm4b:s5+s4], $0x7D0, $0x38;
	[tilespmem:$0x173A0] =	vst v63  }
0x40: {  	_ =	swait.ge [sflag:s9], $0x7D0  }
0x41: {  	s0 =	rddreg [dreg:$0x5];
	[sflag:s9] =	ssyncset.done $0x0  }
0x42: {  	[sflag:s9] =	ssyncadd.s32 $0xFFFFF830;
	s5 =	sadd.s32 $0x0, s0  }
0x43: {  	[tilespmem:s10], [sflag:$0x5] =	stream.linear.gather [hbm4b:s5+s4], $0x7D0, $0x38;
	[tilespmem:$0x173A0] =	vst v63  }
0x44: {  	_ =	swait.ge [sflag:s9], $0x7D0  }
0x45: {  	[sflag:s9] =	ssyncset.done $0x0  }
0x46: {  	[sflag:s9] =	ssyncadd.s32 $0xFFFFF830  }
0x47: {  	[tilespmem:s12], [sflag:$0x1] =	stream.indirect.gather [hbm4b:s2+s11], $0x40, s4, s11, $0xb8;
	[tilespmem:$0x173A0] =	vst v63  }
0x48: {  	_ = 	snop  }
0x49: {  	[tilespmem:s13], [sflag:$0x2] =	stream.indirect.gather [hbm4b:s2+s11], $0x40, s11, s11, $0xb8;
	[tilespmem:$0x173A0] =	vst v63  }
0x4a: {  	_ =	swait.ge [sflag:s14], $0x1400  }
0x4b: {  	[sflag:s14] =	ssyncset.done $0x0  }
0x4c: {  	[sflag:s14] =	ssyncadd.s32 $0xFFFFEC00  }
0x4d: {  	[spmem:s3] =	stream.indirect.scatter.add.f32 [tilespmem:s12], [sflag:$0x3], $0x40, s10, s11, $0xb8;
	[tilespmem:$0x173A0] =	vst v63  }
0x4e: {  	_ =	swait.ge [sflag:s15], $0x1400  }
0x4f: {  	[sflag:s15] =	ssyncset.done $0x0  }
0x50: {  	s6 =	rddreg [dreg:$0x6];
	[sflag:s15] =	ssyncadd.s32 $0xFFFFEC00  }
0x51: {  	[tilespmem:s12], [sflag:$0x1] =	stream.indirect.gather [hbm4b:s2+s11], $0x40, s6, s11, $0xb8;
	[tilespmem:$0x173A0] =	vst v63  }
0x52: {  	_ =	swait.ge [sflag:s16], $0x1400  }
0x53: {  	[sflag:s16] =	ssyncset.done $0x0  }
0x54: {  	s7 =	rddreg [dreg:$0x7];
	[sflag:s16] =	ssyncadd.s32 $0xFFFFEC00  }
0x55: {  	[spmem:s3] =	stream.indirect.scatter.add.f32 [tilespmem:s13], [sflag:$0x4], $0x40, s7, s11, $0xb8;
	[tilespmem:$0x173A0] =	vst v63  }
0x56: {  	_ =	swait.ge [sflag:s17], $0x1400  }
0x57: {  	[sflag:s17] =	ssyncset.done $0x0  }
0x58: {  	s0 =	rddreg [dreg:$0x8];
	[sflag:s17] =	ssyncadd.s32 $0xFFFFEC00  }
0x59: {  	[tilespmem:s13], [sflag:$0x2] =	stream.indirect.gather [hbm4b:s2+s11], $0x40, s0, s11, $0xb8;
	[tilespmem:$0x173A0] =	vst v63  }
0x5a: {  	_ =	swait.ge [sflag:s14], $0x1400  }
0x5b: {  	[sflag:s14] =	ssyncset.done $0x0  }
0x5c: {  	s6 =	rddreg [dreg:$0x9];
	[sflag:s14] =	ssyncadd.s32 $0xFFFFEC00  }
0x5d: {  	[spmem:s3] =	stream.indirect.scatter.add.f32 [tilespmem:s12], [sflag:$0x3], $0x40, s6, s11, $0xb8;
	[tilespmem:$0x173A0] =	vst v63  }
0x5e: {  	_ =	swait.ge [sflag:s15], $0x1400  }
0x5f: {  	[sflag:s15] =	ssyncset.done $0x0  }
0x60: {  	s7 =	rddreg [dreg:$0xa];
	[sflag:s15] =	ssyncadd.s32 $0xFFFFEC00  }
0x61: {  	[tilespmem:s12], [sflag:$0x1] =	stream.indirect.gather [hbm4b:s2+s11], $0x40, s7, s11, $0xb8;
	[tilespmem:$0x173A0] =	vst v63  }
0x62: {  	_ =	swait.ge [sflag:s16], $0x1400  }
0x63: {  	[sflag:s16] =	ssyncset.done $0x0  }
0x64: {  	s0 =	rddreg [dreg:$0xb];
	[sflag:s16] =	ssyncadd.s32 $0xFFFFEC00  }
0x65: {  	[spmem:s3] =	stream.indirect.scatter.add.f32 [tilespmem:s13], [sflag:$0x4], $0x40, s0, s11, $0xb8;
	[tilespmem:$0x173A0] =	vst v63  }
0x66: {  	_ =	swait.ge [sflag:s17], $0x1400  }
0x67: {  	[sflag:s17] =	ssyncset.done $0x0  }
0x68: {  	s6 =	rddreg [dreg:$0xc];
	[sflag:s17] =	ssyncadd.s32 $0xFFFFEC00  }
0x69: {  	[tilespmem:s13], [sflag:$0x2] =	stream.indirect.gather [hbm4b:s2+s11], $0x40, s6, s11, $0xb8;
	[tilespmem:$0x173A0] =	vst v63  }
0x6a: {  	_ =	swait.ge [sflag:s14], $0x1400  }
0x6b: {  	[sflag:s14] =	ssyncset.done $0x0  }
0x6c: {  	s7 =	rddreg [dreg:$0xd];
	[sflag:s14] =	ssyncadd.s32 $0xFFFFEC00  }
0x6d: {  	[spmem:s3] =	stream.indirect.scatter.add.f32 [tilespmem:s12], [sflag:$0x3], $0x40, s7, s11, $0xb8;
	[tilespmem:$0x173A0] =	vst v63  }
0x6e: {  	_ =	swait.ge [sflag:s15], $0x1400  }
0x6f: {  	[sflag:s15] =	ssyncset.done $0x0  }
0x70: {  	s0 =	rddreg [dreg:$0xe];
	[sflag:s15] =	ssyncadd.s32 $0xFFFFEC00  }
0x71: {  	[tilespmem:s12], [sflag:$0x1] =	stream.indirect.gather [hbm4b:s2+s11], $0x40, s0, s11, $0xb8;
	[tilespmem:$0x173A0] =	vst v63  }
0x72: {  	_ =	swait.ge [sflag:s16], $0x1400  }
0x73: {  	[sflag:s16] =	ssyncset.done $0x0  }
0x74: {  	s6 =	rddreg [dreg:$0xf];
	[sflag:s16] =	ssyncadd.s32 $0xFFFFEC00  }
0x75: {  	[spmem:s3] =	stream.indirect.scatter.add.f32 [tilespmem:s13], [sflag:$0x4], $0x40, s6, s11, $0xb8;
	[tilespmem:$0x173A0] =	vst v63  }
0x76: {  	_ =	swait.ge [sflag:s17], $0x1400  }
0x77: {  	[sflag:s17] =	ssyncset.done $0x0  }
0x78: {  	s7 =	rddreg [dreg:$0x10];
	[sflag:s17] =	ssyncadd.s32 $0xFFFFEC00  }
0x79: {  	[tilespmem:s13], [sflag:$0x2] =	stream.indirect.gather [hbm4b:s2+s11], $0x40, s7, s11, $0xb8;
	[tilespmem:$0x173A0] =	vst v63  }
0x7a: {  	_ =	swait.ge [sflag:s14], $0x1400  }
0x7b: {  	[sflag:s14] =	ssyncset.done $0x0  }
0x7c: {  	s0 =	rddreg [dreg:$0x11];
	[sflag:s14] =	ssyncadd.s32 $0xFFFFEC00  }
0x7d: {  	[spmem:s3] =	stream.indirect.scatter.add.f32 [tilespmem:s12], [sflag:$0x3], $0x40, s0, s11, $0xb8;
	[tilespmem:$0x173A0] =	vst v63  }
0x7e: {  	_ =	swait.ge [sflag:s15], $0x1400  }
0x7f: {  	[sflag:s15] =	ssyncset.done $0x0  }
0x80: {  	s6 =	rddreg [dreg:$0x12];
	[sflag:s15] =	ssyncadd.s32 $0xFFFFEC00  }
0x81: {  	[tilespmem:s12], [sflag:$0x1] =	stream.indirect.gather [hbm4b:s2+s11], $0x40, s6, s11, $0xb8;
	[tilespmem:$0x173A0] =	vst v63  }
0x82: {  	_ =	swait.ge [sflag:s16], $0x1400  }
0x83: {  	[sflag:s16] =	ssyncset.done $0x0  }
0x84: {  	s7 =	rddreg [dreg:$0x13];
	[sflag:s16] =	ssyncadd.s32 $0xFFFFEC00  }
0x85: {  	[spmem:s3] =	stream.indirect.scatter.add.f32 [tilespmem:s13], [sflag:$0x4], $0x40, s7, s11, $0xb8;
	[tilespmem:$0x173A0] =	vst v63  }
0x86: {  	_ =	swait.ge [sflag:s17], $0x1400  }
0x87: {  	[sflag:s17] =	ssyncset.done $0x0  }
0x88: {  	s0 =	rddreg [dreg:$0x14];
	[sflag:s17] =	ssyncadd.s32 $0xFFFFEC00  }
0x89: {  	[tilespmem:s13], [sflag:$0x2] =	stream.indirect.gather [hbm4b:s2+s11], $0x40, s0, s11, $0xb8;
	[tilespmem:$0x173A0] =	vst v63  }
0x8a: {  	_ =	swait.ge [sflag:s14], $0x1400  }
0x8b: {  	[sflag:s14] =	ssyncset.done $0x0  }
0x8c: {  	s6 =	rddreg [dreg:$0x15];
	[sflag:s14] =	ssyncadd.s32 $0xFFFFEC00  }
0x8d: {  	[spmem:s3] =	stream.indirect.scatter.add.f32 [tilespmem:s12], [sflag:$0x3], $0x40, s6, s11, $0xb8;
	[tilespmem:$0x173A0] =	vst v63  }
0x8e: {  	_ =	swait.ge [sflag:s15], $0x1400  }
0x8f: {  	[sflag:s15] =	ssyncset.done $0x0  }
0x90: {  	s7 =	rddreg [dreg:$0x16];
	[sflag:s15] =	ssyncadd.s32 $0xFFFFEC00  }
0x91: {  	[tilespmem:s12], [sflag:$0x1] =	stream.indirect.gather [hbm4b:s2+s11], $0x40, s7, s11, $0xb8;
	[tilespmem:$0x173A0] =	vst v63  }
0x92: {  	_ =	swait.ge [sflag:s16], $0x1400  }
0x93: {  	[sflag:s16] =	ssyncset.done $0x0  }
0x94: {  	s0 =	rddreg [dreg:$0x17];
	[sflag:s16] =	ssyncadd.s32 $0xFFFFEC00  }
0x95: {  	[spmem:s3] =	stream.indirect.scatter.add.f32 [tilespmem:s13], [sflag:$0x4], $0x40, s0, s11, $0xb8;
	[tilespmem:$0x173A0] =	vst v63  }
0x96: {  	_ =	swait.ge [sflag:s17], $0x1400  }
0x97: {  	[sflag:s17] =	ssyncset.done $0x0  }
0x98: {  	s6 =	rddreg [dreg:$0x18];
	[sflag:s17] =	ssyncadd.s32 $0xFFFFEC00  }
0x99: {  	[tilespmem:s13], [sflag:$0x2] =	stream.indirect.gather [hbm4b:s2+s11], $0x40, s6, s11, $0xb8;
	[tilespmem:$0x173A0] =	vst v63  }
0x9a: {  	_ =	swait.ge [sflag:s14], $0x1400  }
0x9b: {  	[sflag:s14] =	ssyncset.done $0x0  }
0x9c: {  	s7 =	rddreg [dreg:$0x19];
	[sflag:s14] =	ssyncadd.s32 $0xFFFFEC00  }
0x9d: {  	[spmem:s3] =	stream.indirect.scatter.add.f32 [tilespmem:s12], [sflag:$0x3], $0x40, s7, s11, $0xb8;
	[tilespmem:$0x173A0] =	vst v63  }
0x9e: {  	_ =	swait.ge [sflag:s15], $0x1400  }
0x9f: {  	[sflag:s15] =	ssyncset.done $0x0  }
0xa0: {  	s0 =	rddreg [dreg:$0x1a];
	[sflag:s15] =	ssyncadd.s32 $0xFFFFEC00  }
0xa1: {  	[tilespmem:s12], [sflag:$0x1] =	stream.indirect.gather [hbm4b:s2+s11], $0x40, s0, s11, $0xb8;
	[tilespmem:$0x173A0] =	vst v63  }
0xa2: {  	_ =	swait.ge [sflag:s16], $0x1400  }
0xa3: {  	[sflag:s16] =	ssyncset.done $0x0  }
0xa4: {  	s6 =	rddreg [dreg:$0x1b];
	[sflag:s16] =	ssyncadd.s32 $0xFFFFEC00  }
0xa5: {  	[spmem:s3] =	stream.indirect.scatter.add.f32 [tilespmem:s13], [sflag:$0x4], $0x40, s6, s11, $0xb8;
	[tilespmem:$0x173A0] =	vst v63  }
0xa6: {  	_ =	swait.ge [sflag:s17], $0x1400  }
0xa7: {  	[sflag:s17] =	ssyncset.done $0x0  }
0xa8: {  	s7 =	rddreg [dreg:$0x1c];
	[sflag:s17] =	ssyncadd.s32 $0xFFFFEC00  }
0xa9: {  	[tilespmem:s13], [sflag:$0x2] =	stream.indirect.gather [hbm4b:s2+s11], $0x40, s7, s11, $0xb8;
	[tilespmem:$0x173A0] =	vst v63  }
0xaa: {  	_ =	swait.ge [sflag:s14], $0x1400  }
0xab: {  	[sflag:s14] =	ssyncset.done $0x0  }
0xac: {  	s0 =	rddreg [dreg:$0x1d];
	[sflag:s14] =	ssyncadd.s32 $0xFFFFEC00  }
0xad: {  	[spmem:s3] =	stream.indirect.scatter.add.f32 [tilespmem:s12], [sflag:$0x3], $0x40, s0, s11, $0xb8;
	[tilespmem:$0x173A0] =	vst v63  }
0xae: {  	_ =	swait.ge [sflag:s15], $0x1400  }
0xaf: {  	[sflag:s15] =	ssyncset.done $0x0  }
0xb0: {  	s6 =	rddreg [dreg:$0x1e];
	[sflag:s15] =	ssyncadd.s32 $0xFFFFEC00  }
0xb1: {  	[tilespmem:s12], [sflag:$0x1] =	stream.indirect.gather [hbm4b:s2+s11], $0x40, s6, s11, $0xb8;
	[tilespmem:$0x173A0] =	vst v63  }
0xb2: {  	_ =	swait.ge [sflag:s16], $0x1400  }
0xb3: {  	[sflag:s16] =	ssyncset.done $0x0  }
0xb4: {  	s7 =	rddreg [dreg:$0x1f];
	[sflag:s16] =	ssyncadd.s32 $0xFFFFEC00  }
0xb5: {  	[spmem:s3] =	stream.indirect.scatter.add.f32 [tilespmem:s13], [sflag:$0x4], $0x40, s7, s11, $0xb8;
	[tilespmem:$0x173A0] =	vst v63  }
0xb6: {  	_ =	swait.ge [sflag:s17], $0x1400  }
0xb7: {  	s0 =	sld [smem:$0x7F8]  }
0xb8: {  	[sflag:s17] =	ssyncset.done $0x0  }
0xb9: {  	[sflag:s17] =	ssyncadd.s32 $0xFFFFEC00  }
0xba: {  	[tilespmem:s13], [sflag:$0x2] =	stream.indirect.gather [hbm4b:s2+s11], $0x40, s0, s11, $0xb8;
	[tilespmem:$0x173A0] =	vst v63  }
0xbb: {  	_ =	swait.ge [sflag:s14], $0x1400  }
0xbc: {  	s6 =	sld [smem:$0x7F9]  }
0xbd: {  	[sflag:s14] =	ssyncset.done $0x0  }
0xbe: {  	[sflag:s14] =	ssyncadd.s32 $0xFFFFEC00  }
0xbf: {  	[spmem:s3] =	stream.indirect.scatter.add.f32 [tilespmem:s12], [sflag:$0x3], $0x40, s6, s11, $0xb8;
	[tilespmem:$0x173A0] =	vst v63  }
0xc0: {  	_ =	swait.ge [sflag:s15], $0x1400  }
0xc1: {  	s7 =	sld [smem:$0x7FA]  }
0xc2: {  	[sflag:s15] =	ssyncset.done $0x0  }
0xc3: {  	[sflag:s15] =	ssyncadd.s32 $0xFFFFEC00  }
0xc4: {  	[tilespmem:s12], [sflag:$0x1] =	stream.indirect.gather [hbm4b:s2+s11], $0x40, s7, s11, $0xb8;
	[tilespmem:$0x173A0] =	vst v63  }
0xc5: {  	_ =	swait.ge [sflag:s16], $0x1400  }
0xc6: {  	s0 =	sld [smem:$0x7FB]  }
0xc7: {  	[sflag:s16] =	ssyncset.done $0x0  }
0xc8: {  	[sflag:s16] =	ssyncadd.s32 $0xFFFFEC00  }
0xc9: {  	[spmem:s3] =	stream.indirect.scatter.add.f32 [tilespmem:s13], [sflag:$0x4], $0x40, s0, s11, $0xb8;
	[tilespmem:$0x173A0] =	vst v63  }
0xca: {  	_ =	swait.ge [sflag:s17], $0x1400  }
0xcb: {  	s6 =	sld [smem:$0x7FC]  }
0xcc: {  	[sflag:s17] =	ssyncset.done $0x0  }
0xcd: {  	[sflag:s17] =	ssyncadd.s32 $0xFFFFEC00  }
0xce: {  	[tilespmem:s13], [sflag:$0x2] =	stream.indirect.gather [hbm4b:s2+s11], $0x40, s6, s11, $0xb8;
	[tilespmem:$0x173A0] =	vst v63  }
0xcf: {  	_ =	swait.ge [sflag:s14], $0x1400  }
0xd0: {  	s7 =	sld [smem:$0x7FD]  }
0xd1: {  	[sflag:s14] =	ssyncset.done $0x0  }
0xd2: {  	[sflag:s14] =	ssyncadd.s32 $0xFFFFEC00  }
0xd3: {  	[spmem:s3] =	stream.indirect.scatter.add.f32 [tilespmem:s12], [sflag:$0x3], $0x40, s7, s11, $0xb8;
	[tilespmem:$0x173A0] =	vst v63  }
0xd4: {  	_ =	swait.ge [sflag:s15], $0x1400  }
0xd5: {  	[sflag:s15] =	ssyncset.done $0x0  }
0xd6: {  	[sflag:s15] =	ssyncadd.s32 $0xFFFFEC00  }
0xd7: {  	[tilespmem:s12], [sflag:$0x1] =	stream.indirect.gather [hbm4b:s2+s11], $0x40, s18, s11, $0xb8;
	[tilespmem:$0x173A0] =	vst v63  }
0xd8: {  	_ =	swait.ge [sflag:s16], $0x1400  }
0xd9: {  	[sflag:s16] =	ssyncset.done $0x0  }
0xda: {  	[sflag:s16] =	ssyncadd.s32 $0xFFFFEC00  }
0xdb: {  	[spmem:s3] =	stream.indirect.scatter.add.f32 [tilespmem:s13], [sflag:$0x4], $0x40, s19, s11, $0xb8;
	[tilespmem:$0x173A0] =	vst v63  }
0xdc: {  	_ =	swait.ge [sflag:s17], $0x1400  }
0xdd: {  	[sflag:s17] =	ssyncset.done $0x0  }
0xde: {  	[sflag:s17] =	ssyncadd.s32 $0xFFFFEC00  }
0xdf: {  	[tilespmem:s13], [sflag:$0x2] =	stream.indirect.gather [hbm4b:s2+s11], $0x40, s20, s11, $0xb8;
	[tilespmem:$0x173A0] =	vst v63  }
0xe0: {  	_ =	swait.ge [sflag:s14], $0x1400  }
0xe1: {  	[sflag:s14] =	ssyncset.done $0x0  }
0xe2: {  	[sflag:s14] =	ssyncadd.s32 $0xFFFFEC00  }
0xe3: {  	[spmem:s3] =	stream.indirect.scatter.add.f32 [tilespmem:s12], [sflag:$0x3], $0x40, s21, s11, $0xb8;
	[tilespmem:$0x173A0] =	vst v63  }
0xe4: {  	_ =	swait.ge [sflag:s15], $0x1400  }
0xe5: {  	[sflag:s15] =	ssyncset.done $0x0  }
0xe6: {  	[sflag:s15] =	ssyncadd.s32 $0xFFFFEC00  }
0xe7: {  	[tilespmem:s12], [sflag:$0x1] =	stream.indirect.gather [hbm4b:s2+s11], $0x40, s22, s11, $0xb8;
	[tilespmem:$0x173A0] =	vst v63  }
0xe8: {  	_ =	swait.ge [sflag:s16], $0x1400  }
0xe9: {  	[sflag:s16] =	ssyncset.done $0x0  }
0xea: {  	[sflag:s16] =	ssyncadd.s32 $0xFFFFEC00  }
0xeb: {  	[spmem:s3] =	stream.indirect.scatter.add.f32 [tilespmem:s13], [sflag:$0x4], $0x40, s23, s11, $0xb8;
	[tilespmem:$0x173A0] =	vst v63  }
0xec: {  	_ =	swait.ge [sflag:s17], $0x1400  }
0xed: {  	[sflag:s17] =	ssyncset.done $0x0  }
0xee: {  	[sflag:s17] =	ssyncadd.s32 $0xFFFFEC00  }
0xef: {  	[tilespmem:s13], [sflag:$0x2] =	stream.indirect.gather [hbm4b:s2+s11], $0x40, s24, s11, $0xb8;
	[tilespmem:$0x173A0] =	vst v63  }
0xf0: {  	_ =	swait.ge [sflag:s14], $0x1400  }
0xf1: {  	[sflag:s14] =	ssyncset.done $0x0  }
0xf2: {  	[sflag:s14] =	ssyncadd.s32 $0xFFFFEC00  }
0xf3: {  	[spmem:s3] =	stream.indirect.scatter.add.f32 [tilespmem:s12], [sflag:$0x3], $0x40, s25, s11, $0xb8;
	[tilespmem:$0x173A0] =	vst v63  }
0xf4: {  	_ =	swait.ge [sflag:s15], $0x1400  }
0xf5: {  	[sflag:s15] =	ssyncset.done $0x0  }
0xf6: {  	[sflag:s15] =	ssyncadd.s32 $0xFFFFEC00  }
0xf7: {  	[tilespmem:s12], [sflag:$0x1] =	stream.indirect.gather [hbm4b:s2+s11], $0x40, s26, s11, $0xb8;
	[tilespmem:$0x173A0] =	vst v63  }
0xf8: {  	_ =	swait.ge [sflag:s16], $0x1400  }
0xf9: {  	[sflag:s16] =	ssyncset.done $0x0  }
0xfa: {  	[sflag:s16] =	ssyncadd.s32 $0xFFFFEC00  }
0xfb: {  	[spmem:s3] =	stream.indirect.scatter.add.f32 [tilespmem:s13], [sflag:$0x4], $0x40, s28, s11, $0xb8;
	[tilespmem:$0x173A0] =	vst v63  }
0xfc: {  	_ =	swait.ge [sflag:s17], $0x1400  }
0xfd: {  	[sflag:s17] =	ssyncset.done $0x0  }
0xfe: {  	[sflag:s17] =	ssyncadd.s32 $0xFFFFEC00  }
0xff: {  	[tilespmem:s13], [sflag:$0x2] =	stream.indirect.gather [hbm4b:s2+s11], $0x40, s29, s11, $0xb8;
	[tilespmem:$0x173A0] =	vst v63  }
0x100: {  	_ =	swait.ge [sflag:s14], $0x1400  }
0x101: {  	[sflag:s14] =	ssyncset.done $0x0  }
0x102: {  	[sflag:s14] =	ssyncadd.s32 $0xFFFFEC00  }
0x103: {  	[spmem:s3] =	stream.indirect.scatter.add.f32 [tilespmem:s12], [sflag:$0x3], $0x40, s30, s11, $0xb8;
	[tilespmem:$0x173A0] =	vst v63  }
0x104: {  	_ =	swait.ge [sflag:s15], $0x1400  }
0x105: {  	[sflag:s15] =	ssyncset.done $0x0  }
0x106: {  	[sflag:s15] =	ssyncadd.s32 $0xFFFFEC00  }
0x107: {  	[tilespmem:s12], [sflag:$0x1] =	stream.indirect.gather [hbm4b:s2+s11], $0x40, s31, s11, $0xb8;
	[tilespmem:$0x173A0] =	vst v63  }
0x108: {  	_ =	swait.ge [sflag:s16], $0x1400  }
0x109: {  	[sflag:s16] =	ssyncset.done $0x0  }
0x10a: {  	[sflag:s16] =	ssyncadd.s32 $0xFFFFEC00  }
0x10b: {  	[spmem:s3] =	stream.indirect.scatter.add.f32 [tilespmem:s13], [sflag:$0x4], $0x40, s1, s11, $0xb8;
	[tilespmem:$0x173A0] =	vst v63  }
0x10c: {  	_ =	swait.ge [sflag:s17], $0x1400  }
0x10d: {  	[sflag:s17] =	ssyncset.done $0x0  }
0x10e: {  	[sflag:s17] =	ssyncadd.s32 $0xFFFFEC00  }
0x10f: {  	_ =	swait.ge [sflag:s14], $0x1400  }
0x110: {  	[sflag:s14] =	ssyncset.done $0x0  }
0x111: {  	[sflag:s14] =	ssyncadd.s32 $0xFFFFEC00  }
0x112: {  	[spmem:s3] =	stream.indirect.scatter.add.f32 [tilespmem:s12], [sflag:$0x3], $0x40, s8, s11, $0xb8;
	[tilespmem:$0x173A0] =	vst v63  }
0x113: {  	s6 =	simm.s32 $0xFA;
	_ =	swait.ge [sflag:s15], $0x1400  }
0x114: {  	s7 =	simm.s32 $0x1F4;
	s5 =	rddreg [dreg:$0x4];
	[sflag:s15] =	ssyncset.done $0x0  }
.LBB2_4:
0x115: {  	[sflag:s15] =	ssyncadd.s32 $0xFFFFEC00;
	s5 =	sadd.s32 s6, s5  }
0x116: {  	[tilespmem:s4], [sflag:$0x5] =	stream.linear.gather [hbm4b:s5+s4], $0x7D0, $0x38;
	[tilespmem:$0x173A0] =	vst v63  }
0x117: {  	_ =	swait.ge [sflag:s9], $0x7D0  }
0x118: {  	s5 =	rddreg [dreg:$0x5];
	[sflag:s9] =	ssyncset.done $0x0  }
0x119: {  	[sflag:s9] =	ssyncadd.s32 $0xFFFFF830;
	s5 =	sadd.s32 s6, s5  }
0x11a: {  	[tilespmem:s10], [sflag:$0x5] =	stream.linear.gather [hbm4b:s5+s4], $0x7D0, $0x38;
	[tilespmem:$0x173A0] =	vst v63  }
0x11b: {  	_ =	swait.ge [sflag:s9], $0x7D0  }
0x11c: {  	[sflag:s9] =	ssyncset.done $0x0  }
0x11d: {  	[sflag:s9] =	ssyncadd.s32 $0xFFFFF830  }
0x11e: {  	[tilespmem:s12], [sflag:$0x1] =	stream.indirect.gather [hbm4b:s2+s11], $0x40, s4, s11, $0xb8;
	[tilespmem:$0x173A0] =	vst v63  }
0x11f: {  	_ = 	snop  }
0x120: {  	[tilespmem:s13], [sflag:$0x2] =	stream.indirect.gather [hbm4b:s2+s11], $0x40, s11, s11, $0xb8;
	[tilespmem:$0x173A0] =	vst v63  }
0x121: {  	_ =	swait.ge [sflag:s14], $0x1400  }
0x122: {  	[sflag:s14] =	ssyncset.done $0x0  }
0x123: {  	[sflag:s14] =	ssyncadd.s32 $0xFFFFEC00  }
0x124: {  	[spmem:s3] =	stream.indirect.scatter.add.f32 [tilespmem:s12], [sflag:$0x3], $0x40, s10, s11, $0xb8;
	[tilespmem:$0x173A0] =	vst v63  }
0x125: {  	_ =	swait.ge [sflag:s15], $0x1400  }
0x126: {  	[sflag:s15] =	ssyncset.done $0x0  }
0x127: {  	s5 =	rddreg [dreg:$0x6];
	[sflag:s15] =	ssyncadd.s32 $0xFFFFEC00  }
0x128: {  	[tilespmem:s12], [sflag:$0x1] =	stream.indirect.gather [hbm4b:s2+s11], $0x40, s5, s11, $0xb8;
	[tilespmem:$0x173A0] =	vst v63  }
0x129: {  	_ =	swait.ge [sflag:s16], $0x1400  }
0x12a: {  	[sflag:s16] =	ssyncset.done $0x0  }
0x12b: {  	s5 =	rddreg [dreg:$0x7];
	[sflag:s16] =	ssyncadd.s32 $0xFFFFEC00  }
0x12c: {  	[spmem:s3] =	stream.indirect.scatter.add.f32 [tilespmem:s13], [sflag:$0x4], $0x40, s5, s11, $0xb8;
	[tilespmem:$0x173A0] =	vst v63  }
0x12d: {  	_ =	swait.ge [sflag:s17], $0x1400  }
0x12e: {  	[sflag:s17] =	ssyncset.done $0x0  }
0x12f: {  	s5 =	rddreg [dreg:$0x8];
	[sflag:s17] =	ssyncadd.s32 $0xFFFFEC00  }
0x130: {  	[tilespmem:s13], [sflag:$0x2] =	stream.indirect.gather [hbm4b:s2+s11], $0x40, s5, s11, $0xb8;
	[tilespmem:$0x173A0] =	vst v63  }
0x131: {  	_ =	swait.ge [sflag:s14], $0x1400  }
0x132: {  	[sflag:s14] =	ssyncset.done $0x0  }
0x133: {  	s5 =	rddreg [dreg:$0x9];
	[sflag:s14] =	ssyncadd.s32 $0xFFFFEC00  }
0x134: {  	[spmem:s3] =	stream.indirect.scatter.add.f32 [tilespmem:s12], [sflag:$0x3], $0x40, s5, s11, $0xb8;
	[tilespmem:$0x173A0] =	vst v63  }
0x135: {  	_ =	swait.ge [sflag:s15], $0x1400  }
0x136: {  	[sflag:s15] =	ssyncset.done $0x0  }
0x137: {  	s5 =	rddreg [dreg:$0xa];
	[sflag:s15] =	ssyncadd.s32 $0xFFFFEC00  }
0x138: {  	[tilespmem:s12], [sflag:$0x1] =	stream.indirect.gather [hbm4b:s2+s11], $0x40, s5, s11, $0xb8;
	[tilespmem:$0x173A0] =	vst v63  }
0x139: {  	_ =	swait.ge [sflag:s16], $0x1400  }
0x13a: {  	[sflag:s16] =	ssyncset.done $0x0  }
0x13b: {  	s5 =	rddreg [dreg:$0xb];
	[sflag:s16] =	ssyncadd.s32 $0xFFFFEC00  }
0x13c: {  	[spmem:s3] =	stream.indirect.scatter.add.f32 [tilespmem:s13], [sflag:$0x4], $0x40, s5, s11, $0xb8;
	[tilespmem:$0x173A0] =	vst v63  }
0x13d: {  	_ =	swait.ge [sflag:s17], $0x1400  }
0x13e: {  	[sflag:s17] =	ssyncset.done $0x0  }
0x13f: {  	s5 =	rddreg [dreg:$0xc];
	[sflag:s17] =	ssyncadd.s32 $0xFFFFEC00  }
0x140: {  	[tilespmem:s13], [sflag:$0x2] =	stream.indirect.gather [hbm4b:s2+s11], $0x40, s5, s11, $0xb8;
	[tilespmem:$0x173A0] =	vst v63  }
0x141: {  	_ =	swait.ge [sflag:s14], $0x1400  }
0x142: {  	[sflag:s14] =	ssyncset.done $0x0  }
0x143: {  	s5 =	rddreg [dreg:$0xd];
	[sflag:s14] =	ssyncadd.s32 $0xFFFFEC00  }
0x144: {  	[spmem:s3] =	stream.indirect.scatter.add.f32 [tilespmem:s12], [sflag:$0x3], $0x40, s5, s11, $0xb8;
	[tilespmem:$0x173A0] =	vst v63  }
0x145: {  	_ =	swait.ge [sflag:s15], $0x1400  }
0x146: {  	[sflag:s15] =	ssyncset.done $0x0  }
0x147: {  	s5 =	rddreg [dreg:$0xe];
	[sflag:s15] =	ssyncadd.s32 $0xFFFFEC00  }
0x148: {  	[tilespmem:s12], [sflag:$0x1] =	stream.indirect.gather [hbm4b:s2+s11], $0x40, s5, s11, $0xb8;
	[tilespmem:$0x173A0] =	vst v63  }
0x149: {  	_ =	swait.ge [sflag:s16], $0x1400  }
0x14a: {  	[sflag:s16] =	ssyncset.done $0x0  }
0x14b: {  	s5 =	rddreg [dreg:$0xf];
	[sflag:s16] =	ssyncadd.s32 $0xFFFFEC00  }
0x14c: {  	[spmem:s3] =	stream.indirect.scatter.add.f32 [tilespmem:s13], [sflag:$0x4], $0x40, s5, s11, $0xb8;
	[tilespmem:$0x173A0] =	vst v63  }
0x14d: {  	_ =	swait.ge [sflag:s17], $0x1400  }
0x14e: {  	[sflag:s17] =	ssyncset.done $0x0  }
0x14f: {  	s5 =	rddreg [dreg:$0x10];
	[sflag:s17] =	ssyncadd.s32 $0xFFFFEC00  }
0x150: {  	[tilespmem:s13], [sflag:$0x2] =	stream.indirect.gather [hbm4b:s2+s11], $0x40, s5, s11, $0xb8;
	[tilespmem:$0x173A0] =	vst v63  }
0x151: {  	_ =	swait.ge [sflag:s14], $0x1400  }
0x152: {  	[sflag:s14] =	ssyncset.done $0x0  }
0x153: {  	s5 =	rddreg [dreg:$0x11];
	[sflag:s14] =	ssyncadd.s32 $0xFFFFEC00  }
0x154: {  	[spmem:s3] =	stream.indirect.scatter.add.f32 [tilespmem:s12], [sflag:$0x3], $0x40, s5, s11, $0xb8;
	[tilespmem:$0x173A0] =	vst v63  }
0x155: {  	_ =	swait.ge [sflag:s15], $0x1400  }
0x156: {  	[sflag:s15] =	ssyncset.done $0x0  }
0x157: {  	s5 =	rddreg [dreg:$0x12];
	[sflag:s15] =	ssyncadd.s32 $0xFFFFEC00  }
0x158: {  	[tilespmem:s12], [sflag:$0x1] =	stream.indirect.gather [hbm4b:s2+s11], $0x40, s5, s11, $0xb8;
	[tilespmem:$0x173A0] =	vst v63  }
0x159: {  	_ =	swait.ge [sflag:s16], $0x1400  }
0x15a: {  	[sflag:s16] =	ssyncset.done $0x0  }
0x15b: {  	s5 =	rddreg [dreg:$0x13];
	[sflag:s16] =	ssyncadd.s32 $0xFFFFEC00  }
0x15c: {  	[spmem:s3] =	stream.indirect.scatter.add.f32 [tilespmem:s13], [sflag:$0x4], $0x40, s5, s11, $0xb8;
	[tilespmem:$0x173A0] =	vst v63  }
0x15d: {  	_ =	swait.ge [sflag:s17], $0x1400  }
0x15e: {  	[sflag:s17] =	ssyncset.done $0x0  }
0x15f: {  	s5 =	rddreg [dreg:$0x14];
	[sflag:s17] =	ssyncadd.s32 $0xFFFFEC00  }
0x160: {  	[tilespmem:s13], [sflag:$0x2] =	stream.indirect.gather [hbm4b:s2+s11], $0x40, s5, s11, $0xb8;
	[tilespmem:$0x173A0] =	vst v63  }
0x161: {  	_ =	swait.ge [sflag:s14], $0x1400  }
0x162: {  	[sflag:s14] =	ssyncset.done $0x0  }
0x163: {  	s5 =	rddreg [dreg:$0x15];
	[sflag:s14] =	ssyncadd.s32 $0xFFFFEC00  }
0x164: {  	[spmem:s3] =	stream.indirect.scatter.add.f32 [tilespmem:s12], [sflag:$0x3], $0x40, s5, s11, $0xb8;
	[tilespmem:$0x173A0] =	vst v63  }
0x165: {  	_ =	swait.ge [sflag:s15], $0x1400  }
0x166: {  	[sflag:s15] =	ssyncset.done $0x0  }
0x167: {  	s5 =	rddreg [dreg:$0x16];
	[sflag:s15] =	ssyncadd.s32 $0xFFFFEC00  }
0x168: {  	[tilespmem:s12], [sflag:$0x1] =	stream.indirect.gather [hbm4b:s2+s11], $0x40, s5, s11, $0xb8;
	[tilespmem:$0x173A0] =	vst v63  }
0x169: {  	_ =	swait.ge [sflag:s16], $0x1400  }
0x16a: {  	[sflag:s16] =	ssyncset.done $0x0  }
0x16b: {  	s5 =	rddreg [dreg:$0x17];
	[sflag:s16] =	ssyncadd.s32 $0xFFFFEC00  }
0x16c: {  	[spmem:s3] =	stream.indirect.scatter.add.f32 [tilespmem:s13], [sflag:$0x4], $0x40, s5, s11, $0xb8;
	[tilespmem:$0x173A0] =	vst v63  }
0x16d: {  	_ =	swait.ge [sflag:s17], $0x1400  }
0x16e: {  	[sflag:s17] =	ssyncset.done $0x0  }
0x16f: {  	s5 =	rddreg [dreg:$0x18];
	[sflag:s17] =	ssyncadd.s32 $0xFFFFEC00  }
0x170: {  	[tilespmem:s13], [sflag:$0x2] =	stream.indirect.gather [hbm4b:s2+s11], $0x40, s5, s11, $0xb8;
	[tilespmem:$0x173A0] =	vst v63  }
0x171: {  	_ =	swait.ge [sflag:s14], $0x1400  }
0x172: {  	[sflag:s14] =	ssyncset.done $0x0  }
0x173: {  	s5 =	rddreg [dreg:$0x19];
	[sflag:s14] =	ssyncadd.s32 $0xFFFFEC00  }
0x174: {  	[spmem:s3] =	stream.indirect.scatter.add.f32 [tilespmem:s12], [sflag:$0x3], $0x40, s5, s11, $0xb8;
	[tilespmem:$0x173A0] =	vst v63  }
0x175: {  	_ =	swait.ge [sflag:s15], $0x1400  }
0x176: {  	[sflag:s15] =	ssyncset.done $0x0  }
0x177: {  	s5 =	rddreg [dreg:$0x1a];
	[sflag:s15] =	ssyncadd.s32 $0xFFFFEC00  }
0x178: {  	[tilespmem:s12], [sflag:$0x1] =	stream.indirect.gather [hbm4b:s2+s11], $0x40, s5, s11, $0xb8;
	[tilespmem:$0x173A0] =	vst v63  }
0x179: {  	_ =	swait.ge [sflag:s16], $0x1400  }
0x17a: {  	[sflag:s16] =	ssyncset.done $0x0  }
0x17b: {  	s5 =	rddreg [dreg:$0x1b];
	[sflag:s16] =	ssyncadd.s32 $0xFFFFEC00  }
0x17c: {  	[spmem:s3] =	stream.indirect.scatter.add.f32 [tilespmem:s13], [sflag:$0x4], $0x40, s5, s11, $0xb8;
	[tilespmem:$0x173A0] =	vst v63  }
0x17d: {  	_ =	swait.ge [sflag:s17], $0x1400  }
0x17e: {  	[sflag:s17] =	ssyncset.done $0x0  }
0x17f: {  	s5 =	rddreg [dreg:$0x1c];
	[sflag:s17] =	ssyncadd.s32 $0xFFFFEC00  }
0x180: {  	[tilespmem:s13], [sflag:$0x2] =	stream.indirect.gather [hbm4b:s2+s11], $0x40, s5, s11, $0xb8;
	[tilespmem:$0x173A0] =	vst v63  }
0x181: {  	_ =	swait.ge [sflag:s14], $0x1400  }
0x182: {  	[sflag:s14] =	ssyncset.done $0x0  }
0x183: {  	s5 =	rddreg [dreg:$0x1d];
	[sflag:s14] =	ssyncadd.s32 $0xFFFFEC00  }
0x184: {  	[spmem:s3] =	stream.indirect.scatter.add.f32 [tilespmem:s12], [sflag:$0x3], $0x40, s5, s11, $0xb8;
	[tilespmem:$0x173A0] =	vst v63  }
0x185: {  	_ =	swait.ge [sflag:s15], $0x1400  }
0x186: {  	[sflag:s15] =	ssyncset.done $0x0  }
0x187: {  	s5 =	rddreg [dreg:$0x1e];
	[sflag:s15] =	ssyncadd.s32 $0xFFFFEC00  }
0x188: {  	[tilespmem:s12], [sflag:$0x1] =	stream.indirect.gather [hbm4b:s2+s11], $0x40, s5, s11, $0xb8;
	[tilespmem:$0x173A0] =	vst v63  }
0x189: {  	_ =	swait.ge [sflag:s16], $0x1400  }
0x18a: {  	[sflag:s16] =	ssyncset.done $0x0  }
0x18b: {  	s5 =	rddreg [dreg:$0x1f];
	[sflag:s16] =	ssyncadd.s32 $0xFFFFEC00  }
0x18c: {  	[spmem:s3] =	stream.indirect.scatter.add.f32 [tilespmem:s13], [sflag:$0x4], $0x40, s5, s11, $0xb8;
	[tilespmem:$0x173A0] =	vst v63  }
0x18d: {  	_ =	swait.ge [sflag:s17], $0x1400  }
0x18e: {  	s5 =	sld [smem:$0x7F8]  }
0x18f: {  	[sflag:s17] =	ssyncset.done $0x0  }
0x190: {  	[sflag:s17] =	ssyncadd.s32 $0xFFFFEC00  }
0x191: {  	[tilespmem:s13], [sflag:$0x2] =	stream.indirect.gather [hbm4b:s2+s11], $0x40, s5, s11, $0xb8;
	[tilespmem:$0x173A0] =	vst v63  }
0x192: {  	_ =	swait.ge [sflag:s14], $0x1400  }
0x193: {  	s5 =	sld [smem:$0x7F9]  }
0x194: {  	[sflag:s14] =	ssyncset.done $0x0  }
0x195: {  	[sflag:s14] =	ssyncadd.s32 $0xFFFFEC00  }
0x196: {  	[spmem:s3] =	stream.indirect.scatter.add.f32 [tilespmem:s12], [sflag:$0x3], $0x40, s5, s11, $0xb8;
	[tilespmem:$0x173A0] =	vst v63  }
0x197: {  	_ =	swait.ge [sflag:s15], $0x1400  }
0x198: {  	s5 =	sld [smem:$0x7FA]  }
0x199: {  	[sflag:s15] =	ssyncset.done $0x0  }
0x19a: {  	[sflag:s15] =	ssyncadd.s32 $0xFFFFEC00  }
0x19b: {  	[tilespmem:s12], [sflag:$0x1] =	stream.indirect.gather [hbm4b:s2+s11], $0x40, s5, s11, $0xb8;
	[tilespmem:$0x173A0] =	vst v63  }
0x19c: {  	_ =	swait.ge [sflag:s16], $0x1400  }
0x19d: {  	s5 =	sld [smem:$0x7FB]  }
0x19e: {  	[sflag:s16] =	ssyncset.done $0x0  }
0x19f: {  	[sflag:s16] =	ssyncadd.s32 $0xFFFFEC00  }
0x1a0: {  	[spmem:s3] =	stream.indirect.scatter.add.f32 [tilespmem:s13], [sflag:$0x4], $0x40, s5, s11, $0xb8;
	[tilespmem:$0x173A0] =	vst v63  }
0x1a1: {  	_ =	swait.ge [sflag:s17], $0x1400  }
0x1a2: {  	s5 =	sld [smem:$0x7FC]  }
0x1a3: {  	[sflag:s17] =	ssyncset.done $0x0  }
0x1a4: {  	[sflag:s17] =	ssyncadd.s32 $0xFFFFEC00  }
0x1a5: {  	[tilespmem:s13], [sflag:$0x2] =	stream.indirect.gather [hbm4b:s2+s11], $0x40, s5, s11, $0xb8;
	[tilespmem:$0x173A0] =	vst v63  }
0x1a6: {  	_ =	swait.ge [sflag:s14], $0x1400  }
0x1a7: {  	s5 =	sld [smem:$0x7FD]  }
0x1a8: {  	[sflag:s14] =	ssyncset.done $0x0  }
0x1a9: {  	[sflag:s14] =	ssyncadd.s32 $0xFFFFEC00  }
0x1aa: {  	[spmem:s3] =	stream.indirect.scatter.add.f32 [tilespmem:s12], [sflag:$0x3], $0x40, s5, s11, $0xb8;
	[tilespmem:$0x173A0] =	vst v63  }
0x1ab: {  	_ =	swait.ge [sflag:s15], $0x1400  }
0x1ac: {  	[sflag:s15] =	ssyncset.done $0x0  }
0x1ad: {  	[sflag:s15] =	ssyncadd.s32 $0xFFFFEC00  }
0x1ae: {  	[tilespmem:s12], [sflag:$0x1] =	stream.indirect.gather [hbm4b:s2+s11], $0x40, s18, s11, $0xb8;
	[tilespmem:$0x173A0] =	vst v63  }
0x1af: {  	_ =	swait.ge [sflag:s16], $0x1400  }
0x1b0: {  	[sflag:s16] =	ssyncset.done $0x0  }
0x1b1: {  	[sflag:s16] =	ssyncadd.s32 $0xFFFFEC00  }
0x1b2: {  	[spmem:s3] =	stream.indirect.scatter.add.f32 [tilespmem:s13], [sflag:$0x4], $0x40, s19, s11, $0xb8;
	[tilespmem:$0x173A0] =	vst v63  }
0x1b3: {  	_ =	swait.ge [sflag:s17], $0x1400  }
0x1b4: {  	[sflag:s17] =	ssyncset.done $0x0  }
0x1b5: {  	[sflag:s17] =	ssyncadd.s32 $0xFFFFEC00  }
0x1b6: {  	[tilespmem:s13], [sflag:$0x2] =	stream.indirect.gather [hbm4b:s2+s11], $0x40, s20, s11, $0xb8;
	[tilespmem:$0x173A0] =	vst v63  }
0x1b7: {  	_ =	swait.ge [sflag:s14], $0x1400  }
0x1b8: {  	[sflag:s14] =	ssyncset.done $0x0  }
0x1b9: {  	[sflag:s14] =	ssyncadd.s32 $0xFFFFEC00  }
0x1ba: {  	[spmem:s3] =	stream.indirect.scatter.add.f32 [tilespmem:s12], [sflag:$0x3], $0x40, s21, s11, $0xb8;
	[tilespmem:$0x173A0] =	vst v63  }
0x1bb: {  	_ =	swait.ge [sflag:s15], $0x1400  }
0x1bc: {  	[sflag:s15] =	ssyncset.done $0x0  }
0x1bd: {  	[sflag:s15] =	ssyncadd.s32 $0xFFFFEC00  }
0x1be: {  	[tilespmem:s12], [sflag:$0x1] =	stream.indirect.gather [hbm4b:s2+s11], $0x40, s22, s11, $0xb8;
	[tilespmem:$0x173A0] =	vst v63  }
0x1bf: {  	_ =	swait.ge [sflag:s16], $0x1400  }
0x1c0: {  	[sflag:s16] =	ssyncset.done $0x0  }
0x1c1: {  	[sflag:s16] =	ssyncadd.s32 $0xFFFFEC00  }
0x1c2: {  	[spmem:s3] =	stream.indirect.scatter.add.f32 [tilespmem:s13], [sflag:$0x4], $0x40, s23, s11, $0xb8;
	[tilespmem:$0x173A0] =	vst v63  }
0x1c3: {  	_ =	swait.ge [sflag:s17], $0x1400  }
0x1c4: {  	[sflag:s17] =	ssyncset.done $0x0  }
0x1c5: {  	[sflag:s17] =	ssyncadd.s32 $0xFFFFEC00  }
0x1c6: {  	[tilespmem:s13], [sflag:$0x2] =	stream.indirect.gather [hbm4b:s2+s11], $0x40, s24, s11, $0xb8;
	[tilespmem:$0x173A0] =	vst v63  }
0x1c7: {  	_ =	swait.ge [sflag:s14], $0x1400  }
0x1c8: {  	[sflag:s14] =	ssyncset.done $0x0  }
0x1c9: {  	[sflag:s14] =	ssyncadd.s32 $0xFFFFEC00  }
0x1ca: {  	[spmem:s3] =	stream.indirect.scatter.add.f32 [tilespmem:s12], [sflag:$0x3], $0x40, s25, s11, $0xb8;
	[tilespmem:$0x173A0] =	vst v63  }
0x1cb: {  	_ =	swait.ge [sflag:s15], $0x1400  }
0x1cc: {  	[sflag:s15] =	ssyncset.done $0x0  }
0x1cd: {  	[sflag:s15] =	ssyncadd.s32 $0xFFFFEC00  }
0x1ce: {  	[tilespmem:s12], [sflag:$0x1] =	stream.indirect.gather [hbm4b:s2+s11], $0x40, s26, s11, $0xb8;
	[tilespmem:$0x173A0] =	vst v63  }
0x1cf: {  	_ =	swait.ge [sflag:s16], $0x1400  }
0x1d0: {  	[sflag:s16] =	ssyncset.done $0x0  }
0x1d1: {  	[sflag:s16] =	ssyncadd.s32 $0xFFFFEC00  }
0x1d2: {  	[spmem:s3] =	stream.indirect.scatter.add.f32 [tilespmem:s13], [sflag:$0x4], $0x40, s28, s11, $0xb8;
	[tilespmem:$0x173A0] =	vst v63  }
0x1d3: {  	_ =	swait.ge [sflag:s17], $0x1400  }
0x1d4: {  	[sflag:s17] =	ssyncset.done $0x0  }
0x1d5: {  	[sflag:s17] =	ssyncadd.s32 $0xFFFFEC00  }
0x1d6: {  	[tilespmem:s13], [sflag:$0x2] =	stream.indirect.gather [hbm4b:s2+s11], $0x40, s29, s11, $0xb8;
	[tilespmem:$0x173A0] =	vst v63  }
0x1d7: {  	_ =	swait.ge [sflag:s14], $0x1400  }
0x1d8: {  	[sflag:s14] =	ssyncset.done $0x0  }
0x1d9: {  	[sflag:s14] =	ssyncadd.s32 $0xFFFFEC00  }
0x1da: {  	[spmem:s3] =	stream.indirect.scatter.add.f32 [tilespmem:s12], [sflag:$0x3], $0x40, s30, s11, $0xb8;
	[tilespmem:$0x173A0] =	vst v63  }
0x1db: {  	_ =	swait.ge [sflag:s15], $0x1400  }
0x1dc: {  	[sflag:s15] =	ssyncset.done $0x0  }
0x1dd: {  	[sflag:s15] =	ssyncadd.s32 $0xFFFFEC00  }
0x1de: {  	[tilespmem:s12], [sflag:$0x1] =	stream.indirect.gather [hbm4b:s2+s11], $0x40, s31, s11, $0xb8;
	[tilespmem:$0x173A0] =	vst v63  }
0x1df: {  	_ =	swait.ge [sflag:s16], $0x1400  }
0x1e0: {  	[sflag:s16] =	ssyncset.done $0x0  }
0x1e1: {  	[sflag:s16] =	ssyncadd.s32 $0xFFFFEC00  }
0x1e2: {  	[spmem:s3] =	stream.indirect.scatter.add.f32 [tilespmem:s13], [sflag:$0x4], $0x40, s1, s11, $0xb8;
	[tilespmem:$0x173A0] =	vst v63  }
0x1e3: {  	_ =	swait.ge [sflag:s17], $0x1400  }
0x1e4: {  	[sflag:s17] =	ssyncset.done $0x0  }
0x1e5: {  	[sflag:s17] =	ssyncadd.s32 $0xFFFFEC00  }
0x1e6: {  	p0 =	sne.s32 s7, $0x8CA;
	_ =	swait.ge [sflag:s14], $0x1400  }
.Ltmp1:
0x1e7: {  	[sflag:s14] =	ssyncset.done $0x0;
	(pc) =	sbr.rel @p0 .LBB2_4-.Ltmp1, $4  }
0x1e8: {  	[sflag:s14] =	ssyncadd.s32 $0xFFFFEC00  }
0x1e9: {  	[spmem:s3] =	stream.indirect.scatter.add.f32 [tilespmem:s12], [sflag:$0x3], $0x40, s8, s11, $0xb8;
	[tilespmem:$0x173A0] =	vst v63  }
0x1ea: {  	s0 =	smov.u32 s7;
	s7 =	sadd.s32 $0xFA, s7;
	_ =	swait.ge [sflag:s15], $0x1400  }
0x1eb: {  	s6 =	smov.u32 s0;
	s5 =	rddreg [dreg:$0x4];
	[sflag:s15] =	ssyncset.done $0x0  }
0x1ec: {  	[sflag:s15] =	ssyncadd.s32 $0xFFFFEC00;
	s0 =	sadd.s32 s6, s5  }
0x1ed: {  	[tilespmem:s4], [sflag:$0x5] =	stream.linear.gather [hbm4b:s0+s4], $0x7D0, $0x38;
	[tilespmem:$0x173A0] =	vst v63  }
0x1ee: {  	_ =	swait.ge [sflag:s9], $0x7D0  }
0x1ef: {  	s5 =	rddreg [dreg:$0x5];
	[sflag:s9] =	ssyncset.done $0x0  }
0x1f0: {  	[sflag:s9] =	ssyncadd.s32 $0xFFFFF830;
	s0 =	sadd.s32 s6, s5  }
0x1f1: {  	[tilespmem:s10], [sflag:$0x5] =	stream.linear.gather [hbm4b:s0+s4], $0x7D0, $0x38;
	[tilespmem:$0x173A0] =	vst v63  }
0x1f2: {  	_ =	swait.ge [sflag:s9], $0x7D0  }
0x1f3: {  	[sflag:s9] =	ssyncset.done $0x0  }
0x1f4: {  	[sflag:s9] =	ssyncadd.s32 $0xFFFFF830  }
0x1f5: {  	[tilespmem:s12], [sflag:$0x1] =	stream.indirect.gather [hbm4b:s2+s11], $0x40, s4, s11, $0xb8;
	[tilespmem:$0x173A0] =	vst v63  }
0x1f6: {  	_ = 	snop  }
0x1f7: {  	[tilespmem:s13], [sflag:$0x2] =	stream.indirect.gather [hbm4b:s2+s11], $0x40, s11, s11, $0xb8;
	[tilespmem:$0x173A0] =	vst v63  }
0x1f8: {  	_ =	swait.ge [sflag:s14], $0x1400  }
0x1f9: {  	[sflag:s14] =	ssyncset.done $0x0  }
0x1fa: {  	[sflag:s14] =	ssyncadd.s32 $0xFFFFEC00  }
0x1fb: {  	[spmem:s3] =	stream.indirect.scatter.add.f32 [tilespmem:s12], [sflag:$0x3], $0x40, s10, s11, $0xb8;
	[tilespmem:$0x173A0] =	vst v63  }
0x1fc: {  	_ =	swait.ge [sflag:s15], $0x1400  }
0x1fd: {  	[sflag:s15] =	ssyncset.done $0x0  }
0x1fe: {  	s6 =	rddreg [dreg:$0x6];
	[sflag:s15] =	ssyncadd.s32 $0xFFFFEC00  }
0x1ff: {  	[tilespmem:s12], [sflag:$0x1] =	stream.indirect.gather [hbm4b:s2+s11], $0x40, s6, s11, $0xb8;
	[tilespmem:$0x173A0] =	vst v63  }
0x200: {  	_ =	swait.ge [sflag:s16], $0x1400  }
0x201: {  	[sflag:s16] =	ssyncset.done $0x0  }
0x202: {  	s7 =	rddreg [dreg:$0x7];
	[sflag:s16] =	ssyncadd.s32 $0xFFFFEC00  }
0x203: {  	[spmem:s3] =	stream.indirect.scatter.add.f32 [tilespmem:s13], [sflag:$0x4], $0x40, s7, s11, $0xb8;
	[tilespmem:$0x173A0] =	vst v63  }
0x204: {  	_ =	swait.ge [sflag:s17], $0x1400  }
0x205: {  	[sflag:s17] =	ssyncset.done $0x0  }
0x206: {  	s5 =	rddreg [dreg:$0x8];
	[sflag:s17] =	ssyncadd.s32 $0xFFFFEC00  }
0x207: {  	[tilespmem:s13], [sflag:$0x2] =	stream.indirect.gather [hbm4b:s2+s11], $0x40, s5, s11, $0xb8;
	[tilespmem:$0x173A0] =	vst v63  }
0x208: {  	_ =	swait.ge [sflag:s14], $0x1400  }
0x209: {  	[sflag:s14] =	ssyncset.done $0x0  }
0x20a: {  	s6 =	rddreg [dreg:$0x9];
	[sflag:s14] =	ssyncadd.s32 $0xFFFFEC00  }
0x20b: {  	[spmem:s3] =	stream.indirect.scatter.add.f32 [tilespmem:s12], [sflag:$0x3], $0x40, s6, s11, $0xb8;
	[tilespmem:$0x173A0] =	vst v63  }
0x20c: {  	_ =	swait.ge [sflag:s15], $0x1400  }
0x20d: {  	[sflag:s15] =	ssyncset.done $0x0  }
0x20e: {  	s7 =	rddreg [dreg:$0xa];
	[sflag:s15] =	ssyncadd.s32 $0xFFFFEC00  }
0x20f: {  	[tilespmem:s12], [sflag:$0x1] =	stream.indirect.gather [hbm4b:s2+s11], $0x40, s7, s11, $0xb8;
	[tilespmem:$0x173A0] =	vst v63  }
0x210: {  	_ =	swait.ge [sflag:s16], $0x1400  }
0x211: {  	[sflag:s16] =	ssyncset.done $0x0  }
0x212: {  	s5 =	rddreg [dreg:$0xb];
	[sflag:s16] =	ssyncadd.s32 $0xFFFFEC00  }
0x213: {  	[spmem:s3] =	stream.indirect.scatter.add.f32 [tilespmem:s13], [sflag:$0x4], $0x40, s5, s11, $0xb8;
	[tilespmem:$0x173A0] =	vst v63  }
0x214: {  	_ =	swait.ge [sflag:s17], $0x1400  }
0x215: {  	[sflag:s17] =	ssyncset.done $0x0  }
0x216: {  	s6 =	rddreg [dreg:$0xc];
	[sflag:s17] =	ssyncadd.s32 $0xFFFFEC00  }
0x217: {  	[tilespmem:s13], [sflag:$0x2] =	stream.indirect.gather [hbm4b:s2+s11], $0x40, s6, s11, $0xb8;
	[tilespmem:$0x173A0] =	vst v63  }
0x218: {  	_ =	swait.ge [sflag:s14], $0x1400  }
0x219: {  	[sflag:s14] =	ssyncset.done $0x0  }
0x21a: {  	s7 =	rddreg [dreg:$0xd];
	[sflag:s14] =	ssyncadd.s32 $0xFFFFEC00  }
0x21b: {  	[spmem:s3] =	stream.indirect.scatter.add.f32 [tilespmem:s12], [sflag:$0x3], $0x40, s7, s11, $0xb8;
	[tilespmem:$0x173A0] =	vst v63  }
0x21c: {  	_ =	swait.ge [sflag:s15], $0x1400  }
0x21d: {  	[sflag:s15] =	ssyncset.done $0x0  }
0x21e: {  	s5 =	rddreg [dreg:$0xe];
	[sflag:s15] =	ssyncadd.s32 $0xFFFFEC00  }
0x21f: {  	[tilespmem:s12], [sflag:$0x1] =	stream.indirect.gather [hbm4b:s2+s11], $0x40, s5, s11, $0xb8;
	[tilespmem:$0x173A0] =	vst v63  }
0x220: {  	_ =	swait.ge [sflag:s16], $0x1400  }
0x221: {  	[sflag:s16] =	ssyncset.done $0x0  }
0x222: {  	s6 =	rddreg [dreg:$0xf];
	[sflag:s16] =	ssyncadd.s32 $0xFFFFEC00  }
0x223: {  	[spmem:s3] =	stream.indirect.scatter.add.f32 [tilespmem:s13], [sflag:$0x4], $0x40, s6, s11, $0xb8;
	[tilespmem:$0x173A0] =	vst v63  }
0x224: {  	_ =	swait.ge [sflag:s17], $0x1400  }
0x225: {  	[sflag:s17] =	ssyncset.done $0x0  }
0x226: {  	s7 =	rddreg [dreg:$0x10];
	[sflag:s17] =	ssyncadd.s32 $0xFFFFEC00  }
0x227: {  	[tilespmem:s13], [sflag:$0x2] =	stream.indirect.gather [hbm4b:s2+s11], $0x40, s7, s11, $0xb8;
	[tilespmem:$0x173A0] =	vst v63  }
0x228: {  	_ =	swait.ge [sflag:s14], $0x1400  }
0x229: {  	[sflag:s14] =	ssyncset.done $0x0  }
0x22a: {  	s5 =	rddreg [dreg:$0x11];
	[sflag:s14] =	ssyncadd.s32 $0xFFFFEC00  }
0x22b: {  	[spmem:s3] =	stream.indirect.scatter.add.f32 [tilespmem:s12], [sflag:$0x3], $0x40, s5, s11, $0xb8;
	[tilespmem:$0x173A0] =	vst v63  }
0x22c: {  	_ =	swait.ge [sflag:s15], $0x1400  }
0x22d: {  	[sflag:s15] =	ssyncset.done $0x0  }
0x22e: {  	s6 =	rddreg [dreg:$0x12];
	[sflag:s15] =	ssyncadd.s32 $0xFFFFEC00  }
0x22f: {  	[tilespmem:s12], [sflag:$0x1] =	stream.indirect.gather [hbm4b:s2+s11], $0x40, s6, s11, $0xb8;
	[tilespmem:$0x173A0] =	vst v63  }
0x230: {  	_ =	swait.ge [sflag:s16], $0x1400  }
0x231: {  	[sflag:s16] =	ssyncset.done $0x0  }
0x232: {  	s7 =	rddreg [dreg:$0x13];
	[sflag:s16] =	ssyncadd.s32 $0xFFFFEC00  }
0x233: {  	[spmem:s3] =	stream.indirect.scatter.add.f32 [tilespmem:s13], [sflag:$0x4], $0x40, s7, s11, $0xb8;
	[tilespmem:$0x173A0] =	vst v63  }
0x234: {  	_ =	swait.ge [sflag:s17], $0x1400  }
0x235: {  	[sflag:s17] =	ssyncset.done $0x0  }
0x236: {  	s5 =	rddreg [dreg:$0x14];
	[sflag:s17] =	ssyncadd.s32 $0xFFFFEC00  }
0x237: {  	[tilespmem:s13], [sflag:$0x2] =	stream.indirect.gather [hbm4b:s2+s11], $0x40, s5, s11, $0xb8;
	[tilespmem:$0x173A0] =	vst v63  }
0x238: {  	_ =	swait.ge [sflag:s14], $0x1400  }
0x239: {  	[sflag:s14] =	ssyncset.done $0x0  }
0x23a: {  	s6 =	rddreg [dreg:$0x15];
	[sflag:s14] =	ssyncadd.s32 $0xFFFFEC00  }
0x23b: {  	[spmem:s3] =	stream.indirect.scatter.add.f32 [tilespmem:s12], [sflag:$0x3], $0x40, s6, s11, $0xb8;
	[tilespmem:$0x173A0] =	vst v63  }
0x23c: {  	_ =	swait.ge [sflag:s15], $0x1400  }
0x23d: {  	[sflag:s15] =	ssyncset.done $0x0  }
0x23e: {  	s7 =	rddreg [dreg:$0x16];
	[sflag:s15] =	ssyncadd.s32 $0xFFFFEC00  }
0x23f: {  	[tilespmem:s12], [sflag:$0x1] =	stream.indirect.gather [hbm4b:s2+s11], $0x40, s7, s11, $0xb8;
	[tilespmem:$0x173A0] =	vst v63  }
0x240: {  	_ =	swait.ge [sflag:s16], $0x1400  }
0x241: {  	[sflag:s16] =	ssyncset.done $0x0  }
0x242: {  	s5 =	rddreg [dreg:$0x17];
	[sflag:s16] =	ssyncadd.s32 $0xFFFFEC00  }
0x243: {  	[spmem:s3] =	stream.indirect.scatter.add.f32 [tilespmem:s13], [sflag:$0x4], $0x40, s5, s11, $0xb8;
	[tilespmem:$0x173A0] =	vst v63  }
0x244: {  	_ =	swait.ge [sflag:s17], $0x1400  }
0x245: {  	[sflag:s17] =	ssyncset.done $0x0  }
0x246: {  	s6 =	rddreg [dreg:$0x18];
	[sflag:s17] =	ssyncadd.s32 $0xFFFFEC00  }
0x247: {  	[tilespmem:s13], [sflag:$0x2] =	stream.indirect.gather [hbm4b:s2+s11], $0x40, s6, s11, $0xb8;
	[tilespmem:$0x173A0] =	vst v63  }
0x248: {  	_ =	swait.ge [sflag:s14], $0x1400  }
0x249: {  	[sflag:s14] =	ssyncset.done $0x0  }
0x24a: {  	s7 =	rddreg [dreg:$0x19];
	[sflag:s14] =	ssyncadd.s32 $0xFFFFEC00  }
0x24b: {  	[spmem:s3] =	stream.indirect.scatter.add.f32 [tilespmem:s12], [sflag:$0x3], $0x40, s7, s11, $0xb8;
	[tilespmem:$0x173A0] =	vst v63  }
0x24c: {  	_ =	swait.ge [sflag:s15], $0x1400  }
0x24d: {  	[sflag:s15] =	ssyncset.done $0x0  }
0x24e: {  	s5 =	rddreg [dreg:$0x1a];
	[sflag:s15] =	ssyncadd.s32 $0xFFFFEC00  }
0x24f: {  	[tilespmem:s12], [sflag:$0x1] =	stream.indirect.gather [hbm4b:s2+s11], $0x40, s5, s11, $0xb8;
	[tilespmem:$0x173A0] =	vst v63  }
0x250: {  	_ =	swait.ge [sflag:s16], $0x1400  }
0x251: {  	[sflag:s16] =	ssyncset.done $0x0  }
0x252: {  	s6 =	rddreg [dreg:$0x1b];
	[sflag:s16] =	ssyncadd.s32 $0xFFFFEC00  }
0x253: {  	[spmem:s3] =	stream.indirect.scatter.add.f32 [tilespmem:s13], [sflag:$0x4], $0x40, s6, s11, $0xb8;
	[tilespmem:$0x173A0] =	vst v63  }
0x254: {  	_ =	swait.ge [sflag:s17], $0x1400  }
0x255: {  	[sflag:s17] =	ssyncset.done $0x0  }
0x256: {  	s7 =	rddreg [dreg:$0x1c];
	[sflag:s17] =	ssyncadd.s32 $0xFFFFEC00  }
0x257: {  	[tilespmem:s13], [sflag:$0x2] =	stream.indirect.gather [hbm4b:s2+s11], $0x40, s7, s11, $0xb8;
	[tilespmem:$0x173A0] =	vst v63  }
0x258: {  	_ =	swait.ge [sflag:s14], $0x1400  }
0x259: {  	[sflag:s14] =	ssyncset.done $0x0  }
0x25a: {  	s5 =	rddreg [dreg:$0x1d];
	[sflag:s14] =	ssyncadd.s32 $0xFFFFEC00  }
0x25b: {  	[spmem:s3] =	stream.indirect.scatter.add.f32 [tilespmem:s12], [sflag:$0x3], $0x40, s5, s11, $0xb8;
	[tilespmem:$0x173A0] =	vst v63  }
0x25c: {  	_ =	swait.ge [sflag:s15], $0x1400  }
0x25d: {  	[sflag:s15] =	ssyncset.done $0x0  }
0x25e: {  	s6 =	rddreg [dreg:$0x1e];
	[sflag:s15] =	ssyncadd.s32 $0xFFFFEC00  }
0x25f: {  	[tilespmem:s12], [sflag:$0x1] =	stream.indirect.gather [hbm4b:s2+s11], $0x40, s6, s11, $0xb8;
	[tilespmem:$0x173A0] =	vst v63  }
0x260: {  	_ =	swait.ge [sflag:s16], $0x1400  }
0x261: {  	[sflag:s16] =	ssyncset.done $0x0  }
0x262: {  	s7 =	rddreg [dreg:$0x1f];
	[sflag:s16] =	ssyncadd.s32 $0xFFFFEC00  }
0x263: {  	[spmem:s3] =	stream.indirect.scatter.add.f32 [tilespmem:s13], [sflag:$0x4], $0x40, s7, s11, $0xb8;
	[tilespmem:$0x173A0] =	vst v63  }
0x264: {  	_ =	swait.ge [sflag:s17], $0x1400  }
0x265: {  	s5 =	sld [smem:$0x7F8]  }
0x266: {  	[sflag:s17] =	ssyncset.done $0x0  }
0x267: {  	[sflag:s17] =	ssyncadd.s32 $0xFFFFEC00  }
0x268: {  	[tilespmem:s13], [sflag:$0x2] =	stream.indirect.gather [hbm4b:s2+s11], $0x40, s5, s11, $0xb8;
	[tilespmem:$0x173A0] =	vst v63  }
0x269: {  	_ =	swait.ge [sflag:s14], $0x1400  }
0x26a: {  	s6 =	sld [smem:$0x7F9]  }
0x26b: {  	[sflag:s14] =	ssyncset.done $0x0  }
0x26c: {  	[sflag:s14] =	ssyncadd.s32 $0xFFFFEC00  }
0x26d: {  	[spmem:s3] =	stream.indirect.scatter.add.f32 [tilespmem:s12], [sflag:$0x3], $0x40, s6, s11, $0xb8;
	[tilespmem:$0x173A0] =	vst v63  }
0x26e: {  	_ =	swait.ge [sflag:s15], $0x1400  }
0x26f: {  	s7 =	sld [smem:$0x7FA]  }
0x270: {  	[sflag:s15] =	ssyncset.done $0x0  }
0x271: {  	[sflag:s15] =	ssyncadd.s32 $0xFFFFEC00  }
0x272: {  	[tilespmem:s12], [sflag:$0x1] =	stream.indirect.gather [hbm4b:s2+s11], $0x40, s7, s11, $0xb8;
	[tilespmem:$0x173A0] =	vst v63  }
0x273: {  	_ =	swait.ge [sflag:s16], $0x1400  }
0x274: {  	s5 =	sld [smem:$0x7FB]  }
0x275: {  	[sflag:s16] =	ssyncset.done $0x0  }
0x276: {  	[sflag:s16] =	ssyncadd.s32 $0xFFFFEC00  }
0x277: {  	[spmem:s3] =	stream.indirect.scatter.add.f32 [tilespmem:s13], [sflag:$0x4], $0x40, s5, s11, $0xb8;
	[tilespmem:$0x173A0] =	vst v63  }
0x278: {  	_ =	swait.ge [sflag:s17], $0x1400  }
0x279: {  	s6 =	sld [smem:$0x7FC]  }
0x27a: {  	[sflag:s17] =	ssyncset.done $0x0  }
0x27b: {  	[sflag:s17] =	ssyncadd.s32 $0xFFFFEC00  }
0x27c: {  	[tilespmem:s13], [sflag:$0x2] =	stream.indirect.gather [hbm4b:s2+s11], $0x40, s6, s11, $0xb8;
	[tilespmem:$0x173A0] =	vst v63  }
0x27d: {  	_ =	swait.ge [sflag:s14], $0x1400  }
0x27e: {  	s7 =	sld [smem:$0x7FD]  }
0x27f: {  	[sflag:s14] =	ssyncset.done $0x0  }
0x280: {  	[sflag:s14] =	ssyncadd.s32 $0xFFFFEC00  }
0x281: {  	[spmem:s3] =	stream.indirect.scatter.add.f32 [tilespmem:s12], [sflag:$0x3], $0x40, s7, s11, $0xb8;
	[tilespmem:$0x173A0] =	vst v63  }
0x282: {  	_ =	swait.ge [sflag:s15], $0x1400  }
0x283: {  	[sflag:s15] =	ssyncset.done $0x0  }
0x284: {  	[sflag:s15] =	ssyncadd.s32 $0xFFFFEC00  }
0x285: {  	[tilespmem:s12], [sflag:$0x1] =	stream.indirect.gather [hbm4b:s2+s11], $0x40, s18, s11, $0xb8;
	[tilespmem:$0x173A0] =	vst v63  }
0x286: {  	_ =	swait.ge [sflag:s16], $0x1400  }
0x287: {  	[sflag:s16] =	ssyncset.done $0x0  }
0x288: {  	[sflag:s16] =	ssyncadd.s32 $0xFFFFEC00  }
0x289: {  	[spmem:s3] =	stream.indirect.scatter.add.f32 [tilespmem:s13], [sflag:$0x4], $0x40, s19, s11, $0xb8;
	[tilespmem:$0x173A0] =	vst v63  }
0x28a: {  	_ =	swait.ge [sflag:s17], $0x1400  }
0x28b: {  	[sflag:s17] =	ssyncset.done $0x0  }
0x28c: {  	[sflag:s17] =	ssyncadd.s32 $0xFFFFEC00  }
0x28d: {  	[tilespmem:s13], [sflag:$0x2] =	stream.indirect.gather [hbm4b:s2+s11], $0x40, s20, s11, $0xb8;
	[tilespmem:$0x173A0] =	vst v63  }
0x28e: {  	_ =	swait.ge [sflag:s14], $0x1400  }
0x28f: {  	[sflag:s14] =	ssyncset.done $0x0  }
0x290: {  	[sflag:s14] =	ssyncadd.s32 $0xFFFFEC00  }
0x291: {  	[spmem:s3] =	stream.indirect.scatter.add.f32 [tilespmem:s12], [sflag:$0x3], $0x40, s21, s11, $0xb8;
	[tilespmem:$0x173A0] =	vst v63  }
0x292: {  	_ =	swait.ge [sflag:s15], $0x1400  }
0x293: {  	[sflag:s15] =	ssyncset.done $0x0  }
0x294: {  	[sflag:s15] =	ssyncadd.s32 $0xFFFFEC00  }
0x295: {  	[tilespmem:s12], [sflag:$0x1] =	stream.indirect.gather [hbm4b:s2+s11], $0x40, s22, s11, $0xb8;
	[tilespmem:$0x173A0] =	vst v63  }
0x296: {  	_ =	swait.ge [sflag:s16], $0x1400  }
0x297: {  	[sflag:s16] =	ssyncset.done $0x0  }
0x298: {  	[sflag:s16] =	ssyncadd.s32 $0xFFFFEC00  }
0x299: {  	[spmem:s3] =	stream.indirect.scatter.add.f32 [tilespmem:s13], [sflag:$0x4], $0x40, s23, s11, $0xb8;
	[tilespmem:$0x173A0] =	vst v63  }
0x29a: {  	_ =	swait.ge [sflag:s17], $0x1400  }
0x29b: {  	[sflag:s17] =	ssyncset.done $0x0  }
0x29c: {  	[sflag:s17] =	ssyncadd.s32 $0xFFFFEC00  }
0x29d: {  	[tilespmem:s13], [sflag:$0x2] =	stream.indirect.gather [hbm4b:s2+s11], $0x40, s24, s11, $0xb8;
	[tilespmem:$0x173A0] =	vst v63  }
0x29e: {  	_ =	swait.ge [sflag:s14], $0x1400  }
0x29f: {  	[sflag:s14] =	ssyncset.done $0x0  }
0x2a0: {  	[sflag:s14] =	ssyncadd.s32 $0xFFFFEC00  }
0x2a1: {  	[spmem:s3] =	stream.indirect.scatter.add.f32 [tilespmem:s12], [sflag:$0x3], $0x40, s25, s11, $0xb8;
	[tilespmem:$0x173A0] =	vst v63  }
0x2a2: {  	_ =	swait.ge [sflag:s15], $0x1400  }
0x2a3: {  	[sflag:s15] =	ssyncset.done $0x0  }
0x2a4: {  	[sflag:s15] =	ssyncadd.s32 $0xFFFFEC00  }
0x2a5: {  	[tilespmem:s12], [sflag:$0x1] =	stream.indirect.gather [hbm4b:s2+s11], $0x40, s26, s11, $0xb8;
	[tilespmem:$0x173A0] =	vst v63  }
0x2a6: {  	_ =	swait.ge [sflag:s16], $0x1400  }
0x2a7: {  	[sflag:s16] =	ssyncset.done $0x0  }
0x2a8: {  	[sflag:s16] =	ssyncadd.s32 $0xFFFFEC00  }
0x2a9: {  	[spmem:s3] =	stream.indirect.scatter.add.f32 [tilespmem:s13], [sflag:$0x4], $0x40, s28, s11, $0xb8;
	[tilespmem:$0x173A0] =	vst v63  }
0x2aa: {  	_ =	swait.ge [sflag:s17], $0x1400  }
0x2ab: {  	[sflag:s17] =	ssyncset.done $0x0  }
0x2ac: {  	[sflag:s17] =	ssyncadd.s32 $0xFFFFEC00  }
0x2ad: {  	[tilespmem:s13], [sflag:$0x2] =	stream.indirect.gather [hbm4b:s2+s11], $0x40, s29, s11, $0xb8;
	[tilespmem:$0x173A0] =	vst v63  }
0x2ae: {  	_ =	swait.ge [sflag:s14], $0x1400  }
0x2af: {  	[sflag:s14] =	ssyncset.done $0x0  }
0x2b0: {  	[sflag:s14] =	ssyncadd.s32 $0xFFFFEC00  }
0x2b1: {  	[spmem:s3] =	stream.indirect.scatter.add.f32 [tilespmem:s12], [sflag:$0x3], $0x40, s30, s11, $0xb8;
	[tilespmem:$0x173A0] =	vst v63  }
0x2b2: {  	_ =	swait.ge [sflag:s15], $0x1400  }
0x2b3: {  	[sflag:s15] =	ssyncset.done $0x0  }
0x2b4: {  	[sflag:s15] =	ssyncadd.s32 $0xFFFFEC00  }
0x2b5: {  	[tilespmem:s12], [sflag:$0x1] =	stream.indirect.gather [hbm4b:s2+s11], $0x40, s31, s11, $0xb8;
	[tilespmem:$0x173A0] =	vst v63  }
0x2b6: {  	_ =	swait.ge [sflag:s16], $0x1400  }
0x2b7: {  	[sflag:s16] =	ssyncset.done $0x0  }
0x2b8: {  	[sflag:s16] =	ssyncadd.s32 $0xFFFFEC00  }
0x2b9: {  	[spmem:s3] =	stream.indirect.scatter.add.f32 [tilespmem:s13], [sflag:$0x4], $0x40, s1, s11, $0xb8;
	[tilespmem:$0x173A0] =	vst v63  }
0x2ba: {  	_ =	swait.ge [sflag:s17], $0x1400  }
0x2bb: {  	[sflag:s17] =	ssyncset.done $0x0  }
0x2bc: {  	[sflag:s17] =	ssyncadd.s32 $0xFFFFEC00  }
0x2bd: {  	_ =	swait.ge [sflag:s14], $0x1400  }
0x2be: {  	[sflag:s14] =	ssyncset.done $0x0  }
0x2bf: {  	[sflag:s14] =	ssyncadd.s32 $0xFFFFEC00  }
0x2c0: {  	[spmem:s3] =	stream.indirect.scatter.add.f32 [tilespmem:s12], [sflag:$0x3], $0x40, s8, s11, $0xb8;
	[tilespmem:$0x173A0] =	vst v63  }
0x2c1: {  	_ =	swait.ge [sflag:s15], $0x1400  }
0x2c2: {  	[sflag:s15] =	ssyncset.done $0x0  }
0x2c3: {  	[sflag:s15] =	ssyncadd.s32 $0xFFFFEC00  }
0x2c4: {  	[bflag:$0x0] =	sbarrier.arrive $0xFFFF  }
0x2c5: {  	s6 =	sld [smem:$0x7F5]  }
0x2c6: {  	s5 =	stileid.u32;
	s7 =	sld [smem:$0x7F6]  }
0x2c7: {  	s0 =	sshll.u32 s5, $0x6  }
0x2c8: {  	s0 =	sor.u32 $0x1C05, s0;
	s5 =	sshrl.u32 s6, $0x3  }
0x2c9: {  	[hbm:s7], [sflag:s0] =	dma.local [spmem:s5], $0x13C0  }
0x2ca: {  	_ =	swait.ge [sflag:s9], $0x13C0  }
0x2cb: {  	s6 =	sld [smem:$0x7F4]  }
0x2cc: {  	s7 =	sld [smem:$0x7F7];
	_ =	sdelay $0x1  }
0x2cd: {  	s5 =	sadd.s32 $0x1, s6  }
0x2ce: {  	p0 =	sne.s32 s5, s7  }
.Ltmp2:
0x2cf: {  	_ = 	snop;
	(pc) =	sbr.rel @p0 .LBB2_1-.Ltmp2, $3  }
0x2d0: {  	_ =	sdelay $0x1  }
0x2d1: {  	[sflag:s9] =	ssyncset.done $0x0  }
0x2d2: {  	[sflag:s9] =	ssyncadd.s32 $0xFFFFEC40  }
0x2d3: {  	_ =	sfence.sel $0x180000  }
0x2d4: {  	[bflag:$0x0] =	sbarrier.arrive $0xFFFF  }
0x2d5: {  	_ =	strace $0x9000004D  }
0x2d6: {  	s0 =	stileid.u32;
	[bflag:$0x2] =	sbarrier.arrive $0xFFFF  }
0x2d7: {  	p0 =	sne.s32 s0, $0x0;
	s0 =	rddreg [dreg:$0x3]  }
0x2d8: {  	s0 =	sadd.s32 @!p0 $0x100000, s0  }
0x2d9: {  	[sflag:s0] =	ssyncadd.tile.s32 @!p0 $0x1;
	_ =	shalt  }
.Lfunc_end2:
_tile_overlayer_lowered:
.L_overlay_start_2:
0x2da: {  	(tag) =	ssettag $0x2  }
0x2db: {  	s0 =	rddreg [dreg:$0x0];
	s2 =	stileid.u32  }
0x2dc: {  	s1 =	rddreg [dreg:$0x1];
	p0 =	sne.s32 s2, $0x0  }
0x2dd: {  	s3 =	rddreg [dreg:$0x2];
	[bflag:$0x3] =	sbarrier.arrive $0xFFFF;
	s2 =	simm.s32 @!p0 $0x1C05  }
0x2de: {  	[timem:s3], [sflag:s2] =	dma.local @!p0 [hbm:s0], s1  }
0x2df: {  	s0 =	simm.s32 @!p0 $0x5  }
0x2e0: {  	_ =	swait.ge @!p0 [sflag:s0], s1  }
0x2e1: {  	s1 =	ssub.s32 @!p0 $0x0, s1;
	[sflag:s0] =	ssyncset.done @!p0 $0x0  }
0x2e2: {  	[sflag:s0] =	ssyncadd.s32 @!p0 s1  }
0x2e3: {  	[bflag:$0x3] =	sbarrier.arrive $0xFFFF  }
0x2e4: {  	_ =	shalt  }

// kernel: kernel.8.cloned.1.call-start
scs
__scs_entry_jumppad:
0x0: {  	(pc) =	sbr.rel $0x88, $3  }
0x1: {  	(tag) =	ssettag $0x0;
	lr =	simm.s32 $0x1  }
0x2: {  	[smem:$0x3F9B] =	sst lr;
	_ =	strace $0xD0000000  }
0x3: {  	_ = 	snop  }
0x4: {  	_ = 	snop  }
0x5: {  	_ = 	snop  }
0x6: {  	_ = 	snop  }
0x7: {  	_ = 	snop  }
__scs_overlays_trampoline_lowered:
0x8: {  	[smem:$0x3FAA] =	sst s0  }
0x9: {  	[smem:$0x3FAB] =	sst s1  }
0xa: {  	[smem:$0x3FAC] =	sst s2  }
0xb: {  	[smem:$0x3FAD] =	sst s3  }
0xc: {  	[smem:$0x3FAE] =	sst s4  }
0xd: {  	[smem:$0x3FAF] =	sst s5  }
0xe: {  	[smem:$0x3FB0] =	sst s6  }
0xf: {  	[smem:$0x3FB1] =	sst s7  }
0x10: {  	[smem:$0x3FB2] =	sst s8  }
0x11: {  	[smem:$0x3FB3] =	sst s9;
	s0 =	simm.s32 @!p0 $0x0  }
0x12: {  	s1 =	sld [smem:$0x3F99];
	s0 =	simm.s32 @p0 $0x1  }
0x13: {  	[smem:$0x3FB4] =	sst s0;
	s0 =	simm.s32 @!p1 $0x0  }
0x14: {  	s2 =	sld [smem:$0x3F98];
	s0 =	simm.s32 @p1 $0x1  }
0x15: {  	[smem:$0x3FB5] =	sst s0;
	s0 =	simm.s32 @!p2 $0x0  }
0x16: {  	s3 =	sld [smem:$0x3FDB];
	s0 =	simm.s32 @p2 $0x1  }
0x17: {  	s4 =	simm.s32 $0x1BF5;
	[smem:$0x3FB7] =	sst s0  }
0x18: {  	s0 =	sld [smem:$0x3F9A];
	_ =	swait.ge [sflag:s4], $0x0  }
0x19: {  	s7 =	sld [smem:$0x3F9B]  }
0x1a: {  	s8 =	sadd.s32 $0xFFFFE003, lr  }
0x1b: {  	s9 =	sadd.s32 $0xFFFFFEF7, lr;
	s5 =	simm.s32 $0xFFFFFFFF;
	p2 =	slt.u32 s8, $0xFFFFF086  }
0x1c: {  	p1 =	slt.u32 s9, $0xF7A;
	s5 =	simm.s32 @!p2 $0x0  }
0x1d: {  	s5 =	simm.s32 @p1 $0x1;
	p0 =	seq.s32 s7, s2  }
0x1e: {  	s7 =	smul.u32 @!p0 $0xF7A, s2;
	p2 =	seq.s32 @!p0 s5, $0x0  }
0x1f: {  	s9 =	smul.u32 $0xF7A, s1;
	s8 =	simm.s32 @!p0 $0x1BF5;
	p2 =	por !p2, p0  }
0x20: {  	[sflag:s8] =	ssyncset.s32 @!p0 $0xFFFFF086;
	s6 =	sadd.s32 @!p0 s3, s7;
	s7 =	simm.s32 @!p0 $0x108  }
0x21: {  	s3 =	sadd.s32 s3, s9;
	s6 =	sadd.s32 @!p0 $0x88, s6;
	s7 =	simm.s32 @p2 $0x1082  }
0x22: {  	[simem:s7], [sflag:s8] =	dma.local @!p0 [hbm:s6], $0xF7A  }
0x23: {  	s9 =	sor.u32 $0xD0000000, s2;
	s6 =	simm.s32 $0x108;
	_ =	swait.ge @!p0 [sflag:s8], $0x0  }
0x24: {  	s3 =	sadd.s32 $0x88, s3;
	s6 =	simm.s32 @!p1 $0x1082;
	[sflag:s4] =	ssyncset.s32 $0xFFFFF086  }
0x25: {  	[simem:s6], [sflag:s4] =	dma.local [hbm:s3], $0xF7A  }
0x26: {  	[smem:$0x3F9B] =	sst s1;
	(tag) =	ssettag s2;
	_ =	strace s9  }
0x27: {  	s1 =	sld [smem:$0x3FAB]  }
0x28: {  	s2 =	sld [smem:$0x3FAC]  }
0x29: {  	s4 =	sld [smem:$0x3FAE]  }
0x2a: {  	p0 =	seq.s32 s5, $0x0;
	s5 =	sld [smem:$0x3FAF]  }
0x2b: {  	s6 =	sld [smem:$0x3FB0]  }
0x2c: {  	s7 =	sld [smem:$0x3FB1]  }
0x2d: {  	s3 =	simm.s32 $0x108;
	s8 =	sld [smem:$0x3FB2]  }
0x2e: {  	s3 =	simm.s32 @!p0 $0x1082;
	s9 =	sld [smem:$0x3FB3]  }
0x2f: {  	lr =	sadd.s32 s0, s3;
	s0 =	sld [smem:$0x3FAA]  }
0x30: {  	s3 =	sld [smem:$0x3FAD]  }
0x31: {  	[smem:$0x3FB6] =	sst s10  }
0x32: {  	s10 =	sld [smem:$0x3FB4];
	_ =	sdelay $0x3  }
0x33: {  	p0 =	seq.s32 s10, $0x1;
	s10 =	sld [smem:$0x3FB6];
	_ =	sdelay $0x3  }
0x34: {  	[smem:$0x3FB6] =	sst s10  }
0x35: {  	s10 =	sld [smem:$0x3FB5];
	_ =	sdelay $0x3  }
0x36: {  	p1 =	seq.s32 s10, $0x1;
	s10 =	sld [smem:$0x3FB6];
	_ =	sdelay $0x3  }
0x37: {  	[smem:$0x3FB6] =	sst s10  }
0x38: {  	s10 =	sld [smem:$0x3FB7]  }
0x39: {  	_ = 	snop;
	(pc) =	sbr.ind lr, $3  }
0x3a: {  	_ = 	snop  }
0x3b: {  	_ = 	snop  }
0x3c: {  	p2 =	seq.s32 s10, $0x1;
	s10 =	sld [smem:$0x3FB6]  }
0x3d: {  	_ =	shalt  }
0x3e: {  	_ =	shalt  }
0x3f: {  	_ =	shalt  }
0x40: {  	_ =	shalt  }
0x41: {  	_ =	shalt  }
0x42: {  	_ =	shalt  }
0x43: {  	_ =	shalt  }
0x44: {  	_ =	shalt  }
0x45: {  	_ =	shalt  }
0x46: {  	_ =	shalt  }
0x47: {  	_ =	shalt  }
0x48: {  	_ =	shalt  }
0x49: {  	_ =	shalt  }
0x4a: {  	_ =	shalt  }
0x4b: {  	_ =	shalt  }
0x4c: {  	_ =	shalt  }
0x4d: {  	_ =	shalt  }
0x4e: {  	_ =	shalt  }
0x4f: {  	_ =	shalt  }
0x50: {  	_ =	shalt  }
0x51: {  	_ =	shalt  }
0x52: {  	_ =	shalt  }
0x53: {  	_ =	shalt  }
0x54: {  	_ =	shalt  }
0x55: {  	_ =	shalt  }
0x56: {  	_ =	shalt  }
0x57: {  	_ =	shalt  }
0x58: {  	_ =	shalt  }
0x59: {  	_ =	shalt  }
0x5a: {  	_ =	shalt  }
0x5b: {  	_ =	shalt  }
0x5c: {  	_ =	shalt  }
0x5d: {  	_ =	shalt  }
0x5e: {  	_ =	shalt  }
0x5f: {  	_ =	shalt  }
0x60: {  	_ =	shalt  }
0x61: {  	_ =	shalt  }
0x62: {  	_ =	shalt  }
0x63: {  	_ =	shalt  }
0x64: {  	_ =	shalt  }
0x65: {  	_ =	shalt  }
0x66: {  	_ =	shalt  }
0x67: {  	_ =	shalt  }
0x68: {  	_ =	shalt  }
0x69: {  	_ =	shalt  }
0x6a: {  	_ =	shalt  }
0x6b: {  	_ =	shalt  }
0x6c: {  	_ =	shalt  }
0x6d: {  	_ =	shalt  }
0x6e: {  	_ =	shalt  }
0x6f: {  	_ =	shalt  }
0x70: {  	_ =	shalt  }
0x71: {  	_ =	shalt  }
0x72: {  	_ =	shalt  }
0x73: {  	_ =	shalt  }
0x74: {  	_ =	shalt  }
0x75: {  	_ =	shalt  }
0x76: {  	_ =	shalt  }
0x77: {  	_ =	shalt  }
0x78: {  	_ =	shalt  }
0x79: {  	_ =	shalt  }
0x7a: {  	_ =	shalt  }
0x7b: {  	_ =	shalt  }
0x7c: {  	_ =	shalt  }
0x7d: {  	_ =	shalt  }
0x7e: {  	_ =	shalt  }
0x7f: {  	_ =	shalt  }
0x80: {  	_ =	shalt  }
0x81: {  	_ =	shalt  }
0x82: {  	_ =	shalt  }
0x83: {  	_ =	shalt  }
0x84: {  	_ =	shalt  }
0x85: {  	_ =	shalt  }
0x86: {  	_ =	shalt  }
0x87: {  	_ =	shalt  }
.Lfunc_end0:
.L_simem_size_0:
called_computation_lowered:
.L_overlay_start_0:
0x88: {  	s2 =	sld [smem:$0x3FD9]  }
0x89: {  	s3 =	sld [smem:$0x3FFE];
	_ =	sdelay $0x1  }
0x8a: {  	s1 =	srdreg.scid  }
0x8b: {  	s0 =	sand.u32 $0x1, s1  }
0x8c: {  	s17 =	sshll.u32 s0, $0xA;
	s2 =	sadd.s32 s3, s2  }
0x8d: {  	s2 =	sadd.s32 s2, s17  }
0x8e: {  	[smem:$0x3FC2] =	sst s2  }
0x8f: {  	_ = 	snop  }
0x90: {  	s2 =	sld [smem:$0x3FD0];
	(tm) =	ssettm $0x1  }
0x91: {  	s18 =	sld [smem:$0x3FFB];
	_ =	sdelay $0x3  }
0x92: {  	_ =	strace s18  }
0x93: {  	s3 =	sld [smem:$0x3FFC];
	_ =	sdelay $0x3  }
0x94: {  	_ =	strace s3  }
0x95: {  	s3 =	sld [smem:$0x3FFD];
	_ =	sdelay $0x3  }
0x96: {  	_ =	strace s3  }
0x97: {  	_ =	strace $0x8FFFFFFF  }
0x98: {  	s19 =	sld [smem:$0x3FDB];
	_ =	sdelay $0x1  }
0x99: {  	s4 =	simm.s32 $_scs_section_size  }
0x9a: {  	s5 =	simm.s32 $_size__tile_overlayer_lowered;
	s6 =	simm.s32 $_tile_overlayer_lowered  }
0x9b: {  	s22 =	simm.s32 $0x1BFF;
	s21 =	sshll.u32 s6, $0x1;
	s3 =	sadd.s32 s4, s19  }
0x9c: {  	s7 =	simm.s32 $0x0;
	s20 =	sshll.u32 s5, $0x1;
	s5 =	sadd.s32 s21, s3  }
0x9d: {  	[timem:s7], [sflag:s22] =	dma.local [hbm:s5], s20  }
0x9e: {  	_ =	swait.ge [sflag:s22], s20  }
0x9f: {  	s4 =	ssub.s32 $0x0, s20;
	[sflag:s22] =	ssyncset.done $0x0  }
0xa0: {  	[sflag:s22] =	ssyncadd.s32 s4;
	_ =	sdelay $0x1  }
0xa1: {  	s23 =	simm.s32 $0x1B8B  }
0xa2: {  	_ =	swait.ge [sflag:s23], $0x1  }
0xa3: {  	[sflag:s23] =	ssyncset.done $0x0  }
0xa4: {  	s25 =	simm.s32 $0x1B8E;
	s24 =	sld [smem:$0x3FFE];
	[sflag:s23] =	ssyncadd.s32 $0xFFFFFFFF  }
0xa5: {  	s26 =	simm.s32 $execute0_lowered;
	[smem:$0x3FD2] =	sst s25  }
0xa6: {  	s5 =	sshll.u32 s26, $0x1;
	_ =	strace $0x80000046;
	[dreg:$0x1] =	wrdreg $0xFFFFFFFF  }
0xa7: {  	s28 =	simm.s32 $_size_execute0_lowered;
	s3 =	sadd.s32 s3, s5;
	[dreg:$0x0] =	wrdreg $0x0  }
0xa8: {  	s5 =	sshll.u32 s28, $0x1;
	[dreg:$0x2] =	wrdreg s3  }
0xa9: {  	[dreg:$0x3] =	wrdreg s5  }
0xaa: {  	[dreg:$0x4] =	wrdreg $0xC0  }
0xab: {  	_ =	task [dreg:s7], $0x5FFFF  }
0xac: {  	[dreg:$0x1] =	wrdreg $0xFFFFFFFF  }
0xad: {  	[dreg:$0x0] =	wrdreg $0x60  }
0xae: {  	[dreg:$0x2] =	wrdreg s24  }
0xaf: {  	[dreg:$0x3] =	wrdreg s2  }
0xb0: {  	[dreg:$0x4] =	wrdreg $0x34500  }
0xb1: {  	[dreg:$0x5] =	wrdreg $0x9  }
0xb2: {  	_ =	task.clear_ibuf [dreg:s7], $0x6FFFF;
	_ =	strace $0x90000046  }
0xb3: {  	s29 =	simm.s32 $0x9;
	_ =	strace $0x80000048  }
0xb4: {  	_ =	swait.ge [sflag:s29], $0x1  }
0xb5: {  	[sflag:s29] =	ssyncadd.s32 $0xFFFFFFFF  }
0xb6: {  	_ =	strace $0x90000048  }
0xb7: {  	_ =	sfence  }
0xb8: {  	s30 =	sld [smem:$0x0];
	_ =	sdelay $0x2  }
0xb9: {  	s31 =	sshll.u32 s1, $0xD;
	s1 =	sshrl.u32 s1, $0x2  }
0xba: {  	s3 =	sand.u32 $0x4000, s31;
	s1 =	sadd.s32 s1, s30  }
0xbb: {  	s0 =	sor.u32 s3, s0;
	s1 =	sshll.u32 s1, $0x11  }
0xbc: {  	s0 =	sor.u32 s1, s0  }
0xbd: {  	s0 =	sadd.s32 $0x8F2B, s0  }
0xbe: {  	[sflag:s0] =	ssyncadd.remote.s32 $0x1  }
0xbf: {  	_ =	sfence.sel $0xFFFF  }
0xc0: {  	[dreg:$0x0] =	wrdreg $0xFFFFFFFF;
	(pc) =	sbr.abs _section_cstart, $3  }
0xc1: {  	[dreg:$0x1] =	wrdreg $0xFFFFFFFF  }
0xc2: {  	_ =	task.clear_ibuf [dreg:s7], $0x2FFFF;
	_ =	strace $0x9FFFFFFF  }
0xc3: {  	(tm) =	ssettm $0x7FFFFFFF  }
tec
execute0_lowered:
.L_overlay_start_1:
0x0: {  	(tag) =	ssettag $0x1  }
0x1: {  	s0 =	rddreg [dreg:$0x0]  }
0x2: {  	s1 =	rddreg [dreg:$0x1];
	s3 =	srdreg.scid  }
0x3: {  	s7 =	stileid.u32;
	s2 =	rddreg [dreg:$0x2];
	s26 =	simm.s32 $0xA0  }
0x4: {  	s9 =	simm.s32 $0x50;
	s10 =	simm.s32 $0x7D0;
	s12 =	simm.s32 $0x140  }
0x5: {  	s13 =	simm.s32 $0x190;
	s14 =	simm.s32 $0x1E0;
	s15 =	simm.s32 $0x230  }
0x6: {  	s16 =	simm.s32 $0x280;
	s17 =	simm.s32 $0x2D0;
	s18 =	simm.s32 $0x320  }
0x7: {  	s19 =	simm.s32 $0x370;
	s20 =	simm.s32 $0x3C0;
	s21 =	simm.s32 $0x410  }
0x8: {  	s22 =	simm.s32 $0x460;
	s28 =	simm.s32 $0x5F0;
	s29 =	simm.s32 $0x640  }
0x9: {  	s30 =	simm.s32 $0x690;
	s31 =	simm.s32 $0x6E0;
	s5 =	smul.u32 $0x4E20, s7  }
0xa: {  	s4 =	sand.u32 $0x1, s3;
	s3 =	simm.s32 $0x0;
	s7 =	smul.u32 $0x2780, s7  }
0xb: {  	s6 =	smul.u32 $0x2710, s4;
	[smem:$0x7FF] =	sst s3;
	s23 =	ssub.s32 $0x2, s4  }
0xc: {  	s4 =	smul.u32 $0x27800, s4;
	_ =	strace $0x80000047;
	s8 =	sshrl.u32 s23, $0x1  }
0xd: {  	[dreg:$0x5] =	wrdreg s26;
	s26 =	simm.s32 $0x5A0;
	s5 =	sadd.s32 s6, s5  }
0xe: {  	s24 =	ssub.s32 s23, s8;
	s4 =	sadd.s32 s7, s4;
	s6 =	sadd.s32 s7, s2  }
0xf: {  	s8 =	simm.s32 $0x2;
	s23 =	simm.s32 $0x4B0;
	s7 =	simm.s32 $0x780  }
0x10: {  	s5 =	sshrl.u32 s5, $0x3;
	s4 =	sshrl.u32 s4, $0x3;
	s25 =	smax.u32 s24, $0x1  }
0x11: {  	s24 =	simm.s32 $0x500;
	[dreg:$0x6] =	wrdreg s6;
	s0 =	sadd.s32 s5, s0  }
0x12: {  	s1 =	sadd.s32 s1, s4;
	[dreg:$0x8] =	wrdreg s25;
	s25 =	simm.s32 $0x550  }
0x13: {  	s5 =	simm.s32 $0x0;
	s0 =	sadd.s32 $0x2A00, s0;
	[dreg:$0x7] =	wrdreg s1  }
0x14: {  	v0 =	vimm.f32 $1.000000000e+00;
	v1 =	vimm.f32 $0.0e+00;
	s1 =	simm.s32 $0x730;
	[dreg:$0x4] =	wrdreg s0;
	s0 =	simm.s32 $0x1  }
.LBB2_1:
0x15: {  	[dreg:$0x9] =	wrdreg s5;
	s4 =	simm.s32 $0x0  }
.LBB2_2:
0x16: {  	p0 =	sne.s32 s4, $0x13C0  }
.Ltmp0:
0x17: {  	_ = 	snop;
	(pc) =	sbr.rel @p0 .LBB2_2-.Ltmp0, $4  }
0x18: {  	_ = 	snop  }
0x19: {  	s5 =	sshra.s32 s4, $0x2  }
0x1a: {  	[tilespmem:s5+$0x7D0] =	vst v0  }
0x1b: {  	s4 =	sadd.s32 $0x40, s4;
	[tilespmem:s5+$0xCD0] =	vst v1  }
0x1c: {  	s4 =	simm.s32 $0x40;
	s5 =	simm.s32 $0x0;
	s11 =	simm.s32 $0xF0  }
.LBB2_4:
0x1d: {  	p0 =	sne.s32 s4, $0x9DC0;
	[tilespmem:s5+$0xCD0] =	vst v1;
	s5 =	smov.u32 s4;
	s4 =	sadd.s32 $0x40, s4  }
.Ltmp1:
0x1e: {  	(pc) =	sbr.rel @p0 .LBB2_4-.Ltmp1, $2  }
0x1f: {  	_ =	sdelay $0x2  }
0x20: {  	s5 =	sshra.s32 s5, $0x2  }
0x21: {  	[tilespmem:s5+$0xCD0] =	vst v1;
	s4 =	simm.s32 $0xCD0  }
0x22: {  	[spmem:s6] =	stream.linear.scatter [tilespmem:s4], [sflag:$0x2], $0x2780, $0x38;
	[tilespmem:$0x5BD0] =	vst v63  }
0x23: {  	_ =	swait.ge [sflag:s8], $0x2780  }
0x24: {  	[sflag:s8] =	ssyncset.done $0x0  }
0x25: {  	[sflag:s8] =	ssyncadd.s32 $0xFFFFD880  }
0x26: {  	[bflag:$0x0] =	sbarrier.arrive $0xFFFF  }
0x27: {  	s5 =	rddreg [dreg:$0x4]  }
0x28: {  	s4 =	sadd.s32 $0x0, s5  }
0x29: {  	[tilespmem:s3], [sflag:$0x2] =	stream.linear.gather [hbm4b:s4+s3], $0x7D0, $0x38;
	[tilespmem:$0x5BD0] =	vst v63  }
0x2a: {  	_ =	swait.ge [sflag:s8], $0x7D0  }
0x2b: {  	[sflag:s8] =	ssyncset.done $0x0  }
0x2c: {  	[sflag:s8] =	ssyncadd.s32 $0xFFFFF830  }
0x2d: {  	[spmem:s2] =	stream.indirect.scatter.add.f32 [tilespmem:s10], [sflag:$0x1], $0x10, s3, s9, $0xb8;
	[tilespmem:$0x5BD0] =	vst v63  }
0x2e: {  	_ = 	snop  }
0x2f: {  	[spmem:s2] =	stream.indirect.scatter.add.f32 [tilespmem:s10], [sflag:$0x1], $0x10, s9, s9, $0xb8;
	[tilespmem:$0x5BD0] =	vst v63  }
0x30: {  	s6 =	rddreg [dreg:$0x5]  }
0x31: {  	[spmem:s2] =	stream.indirect.scatter.add.f32 [tilespmem:s10], [sflag:$0x1], $0x10, s6, s9, $0xb8;
	[tilespmem:$0x5BD0] =	vst v63  }
0x32: {  	_ = 	snop  }
0x33: {  	[spmem:s2] =	stream.indirect.scatter.add.f32 [tilespmem:s10], [sflag:$0x1], $0x10, s11, s9, $0xb8;
	[tilespmem:$0x5BD0] =	vst v63  }
0x34: {  	_ = 	snop  }
0x35: {  	[spmem:s2] =	stream.indirect.scatter.add.f32 [tilespmem:s10], [sflag:$0x1], $0x10, s12, s9, $0xb8;
	[tilespmem:$0x5BD0] =	vst v63  }
0x36: {  	_ = 	snop  }
0x37: {  	[spmem:s2] =	stream.indirect.scatter.add.f32 [tilespmem:s10], [sflag:$0x1], $0x10, s13, s9, $0xb8;
	[tilespmem:$0x5BD0] =	vst v63  }
0x38: {  	_ = 	snop  }
0x39: {  	[spmem:s2] =	stream.indirect.scatter.add.f32 [tilespmem:s10], [sflag:$0x1], $0x10, s14, s9, $0xb8;
	[tilespmem:$0x5BD0] =	vst v63  }
0x3a: {  	_ = 	snop  }
0x3b: {  	[spmem:s2] =	stream.indirect.scatter.add.f32 [tilespmem:s10], [sflag:$0x1], $0x10, s15, s9, $0xb8;
	[tilespmem:$0x5BD0] =	vst v63  }
0x3c: {  	_ = 	snop  }
0x3d: {  	[spmem:s2] =	stream.indirect.scatter.add.f32 [tilespmem:s10], [sflag:$0x1], $0x10, s16, s9, $0xb8;
	[tilespmem:$0x5BD0] =	vst v63  }
0x3e: {  	_ = 	snop  }
0x3f: {  	[spmem:s2] =	stream.indirect.scatter.add.f32 [tilespmem:s10], [sflag:$0x1], $0x10, s17, s9, $0xb8;
	[tilespmem:$0x5BD0] =	vst v63  }
0x40: {  	_ = 	snop  }
0x41: {  	[spmem:s2] =	stream.indirect.scatter.add.f32 [tilespmem:s10], [sflag:$0x1], $0x10, s18, s9, $0xb8;
	[tilespmem:$0x5BD0] =	vst v63  }
0x42: {  	_ = 	snop  }
0x43: {  	[spmem:s2] =	stream.indirect.scatter.add.f32 [tilespmem:s10], [sflag:$0x1], $0x10, s19, s9, $0xb8;
	[tilespmem:$0x5BD0] =	vst v63  }
0x44: {  	_ = 	snop  }
0x45: {  	[spmem:s2] =	stream.indirect.scatter.add.f32 [tilespmem:s10], [sflag:$0x1], $0x10, s20, s9, $0xb8;
	[tilespmem:$0x5BD0] =	vst v63  }
0x46: {  	_ = 	snop  }
0x47: {  	[spmem:s2] =	stream.indirect.scatter.add.f32 [tilespmem:s10], [sflag:$0x1], $0x10, s21, s9, $0xb8;
	[tilespmem:$0x5BD0] =	vst v63  }
0x48: {  	_ = 	snop  }
0x49: {  	[spmem:s2] =	stream.indirect.scatter.add.f32 [tilespmem:s10], [sflag:$0x1], $0x10, s22, s9, $0xb8;
	[tilespmem:$0x5BD0] =	vst v63  }
0x4a: {  	_ = 	snop  }
0x4b: {  	[spmem:s2] =	stream.indirect.scatter.add.f32 [tilespmem:s10], [sflag:$0x1], $0x10, s23, s9, $0xb8;
	[tilespmem:$0x5BD0] =	vst v63  }
0x4c: {  	_ = 	snop  }
0x4d: {  	[spmem:s2] =	stream.indirect.scatter.add.f32 [tilespmem:s10], [sflag:$0x1], $0x10, s24, s9, $0xb8;
	[tilespmem:$0x5BD0] =	vst v63  }
0x4e: {  	_ = 	snop  }
0x4f: {  	[spmem:s2] =	stream.indirect.scatter.add.f32 [tilespmem:s10], [sflag:$0x1], $0x10, s25, s9, $0xb8;
	[tilespmem:$0x5BD0] =	vst v63  }
0x50: {  	_ = 	snop  }
0x51: {  	[spmem:s2] =	stream.indirect.scatter.add.f32 [tilespmem:s10], [sflag:$0x1], $0x10, s26, s9, $0xb8;
	[tilespmem:$0x5BD0] =	vst v63  }
0x52: {  	_ = 	snop  }
0x53: {  	[spmem:s2] =	stream.indirect.scatter.add.f32 [tilespmem:s10], [sflag:$0x1], $0x10, s28, s9, $0xb8;
	[tilespmem:$0x5BD0] =	vst v63  }
0x54: {  	_ = 	snop  }
0x55: {  	[spmem:s2] =	stream.indirect.scatter.add.f32 [tilespmem:s10], [sflag:$0x1], $0x10, s29, s9, $0xb8;
	[tilespmem:$0x5BD0] =	vst v63  }
0x56: {  	_ = 	snop  }
0x57: {  	[spmem:s2] =	stream.indirect.scatter.add.f32 [tilespmem:s10], [sflag:$0x1], $0x10, s30, s9, $0xb8;
	[tilespmem:$0x5BD0] =	vst v63  }
0x58: {  	_ = 	snop  }
0x59: {  	[spmem:s2] =	stream.indirect.scatter.add.f32 [tilespmem:s10], [sflag:$0x1], $0x10, s31, s9, $0xb8;
	[tilespmem:$0x5BD0] =	vst v63  }
0x5a: {  	_ = 	snop  }
0x5b: {  	[spmem:s2] =	stream.indirect.scatter.add.f32 [tilespmem:s10], [sflag:$0x1], $0x10, s1, s9, $0xb8;
	[tilespmem:$0x5BD0] =	vst v63  }
0x5c: {  	_ = 	snop  }
0x5d: {  	[spmem:s2] =	stream.indirect.scatter.add.f32 [tilespmem:s10], [sflag:$0x1], $0x10, s7, s9, $0xb8;
	[tilespmem:$0x5BD0] =	vst v63  }
0x5e: {  	_ =	swait.ge [sflag:s0], $0x500  }
0x5f: {  	[sflag:s0] =	ssyncset.done $0x0  }
0x60: {  	[sflag:s0] =	ssyncadd.s32 $0xFFFFFB00  }
0x61: {  	_ =	swait.ge [sflag:s0], $0x500  }
0x62: {  	[sflag:s0] =	ssyncset.done $0x0  }
0x63: {  	[sflag:s0] =	ssyncadd.s32 $0xFFFFFB00  }
0x64: {  	_ =	swait.ge [sflag:s0], $0x500  }
0x65: {  	[sflag:s0] =	ssyncset.done $0x0  }
0x66: {  	[sflag:s0] =	ssyncadd.s32 $0xFFFFFB00  }
0x67: {  	_ =	swait.ge [sflag:s0], $0x500  }
0x68: {  	[sflag:s0] =	ssyncset.done $0x0  }
0x69: {  	[sflag:s0] =	ssyncadd.s32 $0xFFFFFB00  }
0x6a: {  	_ =	swait.ge [sflag:s0], $0x500  }
0x6b: {  	[sflag:s0] =	ssyncset.done $0x0  }
0x6c: {  	[sflag:s0] =	ssyncadd.s32 $0xFFFFFB00  }
0x6d: {  	_ =	swait.ge [sflag:s0], $0x500  }
0x6e: {  	[sflag:s0] =	ssyncset.done $0x0  }
0x6f: {  	[sflag:s0] =	ssyncadd.s32 $0xFFFFFB00  }
0x70: {  	_ =	swait.ge [sflag:s0], $0x500  }
0x71: {  	[sflag:s0] =	ssyncset.done $0x0  }
0x72: {  	[sflag:s0] =	ssyncadd.s32 $0xFFFFFB00  }
0x73: {  	_ =	swait.ge [sflag:s0], $0x500  }
0x74: {  	[sflag:s0] =	ssyncset.done $0x0  }
0x75: {  	[sflag:s0] =	ssyncadd.s32 $0xFFFFFB00  }
0x76: {  	_ =	swait.ge [sflag:s0], $0x500  }
0x77: {  	[sflag:s0] =	ssyncset.done $0x0  }
0x78: {  	[sflag:s0] =	ssyncadd.s32 $0xFFFFFB00  }
0x79: {  	_ =	swait.ge [sflag:s0], $0x500  }
0x7a: {  	[sflag:s0] =	ssyncset.done $0x0  }
0x7b: {  	[sflag:s0] =	ssyncadd.s32 $0xFFFFFB00  }
0x7c: {  	_ =	swait.ge [sflag:s0], $0x500  }
0x7d: {  	[sflag:s0] =	ssyncset.done $0x0  }
0x7e: {  	[sflag:s0] =	ssyncadd.s32 $0xFFFFFB00  }
0x7f: {  	_ =	swait.ge [sflag:s0], $0x500  }
0x80: {  	[sflag:s0] =	ssyncset.done $0x0  }
0x81: {  	[sflag:s0] =	ssyncadd.s32 $0xFFFFFB00  }
0x82: {  	_ =	swait.ge [sflag:s0], $0x500  }
0x83: {  	[sflag:s0] =	ssyncset.done $0x0  }
0x84: {  	[sflag:s0] =	ssyncadd.s32 $0xFFFFFB00  }
0x85: {  	_ =	swait.ge [sflag:s0], $0x500  }
0x86: {  	[sflag:s0] =	ssyncset.done $0x0  }
0x87: {  	[sflag:s0] =	ssyncadd.s32 $0xFFFFFB00  }
0x88: {  	_ =	swait.ge [sflag:s0], $0x500  }
0x89: {  	[sflag:s0] =	ssyncset.done $0x0  }
0x8a: {  	[sflag:s0] =	ssyncadd.s32 $0xFFFFFB00  }
0x8b: {  	_ =	swait.ge [sflag:s0], $0x500  }
0x8c: {  	[sflag:s0] =	ssyncset.done $0x0  }
0x8d: {  	[sflag:s0] =	ssyncadd.s32 $0xFFFFFB00  }
0x8e: {  	_ =	swait.ge [sflag:s0], $0x500  }
0x8f: {  	[sflag:s0] =	ssyncset.done $0x0  }
0x90: {  	[sflag:s0] =	ssyncadd.s32 $0xFFFFFB00  }
0x91: {  	_ =	swait.ge [sflag:s0], $0x500  }
0x92: {  	[sflag:s0] =	ssyncset.done $0x0  }
0x93: {  	[sflag:s0] =	ssyncadd.s32 $0xFFFFFB00  }
0x94: {  	_ =	swait.ge [sflag:s0], $0x500  }
0x95: {  	[sflag:s0] =	ssyncset.done $0x0  }
0x96: {  	[sflag:s0] =	ssyncadd.s32 $0xFFFFFB00  }
0x97: {  	_ =	swait.ge [sflag:s0], $0x500  }
0x98: {  	[sflag:s0] =	ssyncset.done $0x0  }
0x99: {  	[sflag:s0] =	ssyncadd.s32 $0xFFFFFB00  }
0x9a: {  	_ =	swait.ge [sflag:s0], $0x500  }
0x9b: {  	[sflag:s0] =	ssyncset.done $0x0  }
0x9c: {  	[sflag:s0] =	ssyncadd.s32 $0xFFFFFB00  }
0x9d: {  	_ =	swait.ge [sflag:s0], $0x500  }
0x9e: {  	[sflag:s0] =	ssyncset.done $0x0  }
0x9f: {  	[sflag:s0] =	ssyncadd.s32 $0xFFFFFB00  }
0xa0: {  	_ =	swait.ge [sflag:s0], $0x500  }
0xa1: {  	[sflag:s0] =	ssyncset.done $0x0  }
0xa2: {  	[sflag:s0] =	ssyncadd.s32 $0xFFFFFB00  }
0xa3: {  	_ =	swait.ge [sflag:s0], $0x500  }
0xa4: {  	[sflag:s0] =	ssyncset.done $0x0  }
0xa5: {  	[sflag:s0] =	ssyncadd.s32 $0xFFFFFB00  }
0xa6: {  	s4 =	simm.s32 $0x1F4;
	_ =	swait.ge [sflag:s0], $0x500  }
0xa7: {  	s6 =	simm.s32 $0xFA;
	s5 =	rddreg [dreg:$0x4];
	[sflag:s0] =	ssyncset.done $0x0  }
.LBB2_6:
0xa8: {  	[sflag:s0] =	ssyncadd.s32 $0xFFFFFB00;
	s5 =	sadd.s32 s6, s5  }
0xa9: {  	[tilespmem:s3], [sflag:$0x2] =	stream.linear.gather [hbm4b:s5+s3], $0x7D0, $0x38;
	[tilespmem:$0x5BD0] =	vst v63  }
0xaa: {  	_ =	swait.ge [sflag:s8], $0x7D0  }
0xab: {  	[sflag:s8] =	ssyncset.done $0x0  }
0xac: {  	[sflag:s8] =	ssyncadd.s32 $0xFFFFF830  }
0xad: {  	[spmem:s2] =	stream.indirect.scatter.add.f32 [tilespmem:s10], [sflag:$0x1], $0x10, s3, s9, $0xb8;
	[tilespmem:$0x5BD0] =	vst v63  }
0xae: {  	_ = 	snop  }
0xaf: {  	[spmem:s2] =	stream.indirect.scatter.add.f32 [tilespmem:s10], [sflag:$0x1], $0x10, s9, s9, $0xb8;
	[tilespmem:$0x5BD0] =	vst v63  }
0xb0: {  	s11 =	smov.u32 s4;
	s5 =	rddreg [dreg:$0x5]  }
0xb1: {  	[spmem:s2] =	stream.indirect.scatter.add.f32 [tilespmem:s10], [sflag:$0x1], $0x10, s5, s9, $0xb8;
	[tilespmem:$0x5BD0] =	vst v63  }
0xb2: {  	s6 =	smov.u32 s11;
	s11 =	simm.s32 $0xF0  }
0xb3: {  	[spmem:s2] =	stream.indirect.scatter.add.f32 [tilespmem:s10], [sflag:$0x1], $0x10, s11, s9, $0xb8;
	[tilespmem:$0x5BD0] =	vst v63  }
0xb4: {  	_ = 	snop  }
0xb5: {  	[spmem:s2] =	stream.indirect.scatter.add.f32 [tilespmem:s10], [sflag:$0x1], $0x10, s12, s9, $0xb8;
	[tilespmem:$0x5BD0] =	vst v63  }
0xb6: {  	_ = 	snop  }
0xb7: {  	[spmem:s2] =	stream.indirect.scatter.add.f32 [tilespmem:s10], [sflag:$0x1], $0x10, s13, s9, $0xb8;
	[tilespmem:$0x5BD0] =	vst v63  }
0xb8: {  	_ = 	snop  }
0xb9: {  	[spmem:s2] =	stream.indirect.scatter.add.f32 [tilespmem:s10], [sflag:$0x1], $0x10, s14, s9, $0xb8;
	[tilespmem:$0x5BD0] =	vst v63  }
0xba: {  	_ = 	snop  }
0xbb: {  	[spmem:s2] =	stream.indirect.scatter.add.f32 [tilespmem:s10], [sflag:$0x1], $0x10, s15, s9, $0xb8;
	[tilespmem:$0x5BD0] =	vst v63  }
0xbc: {  	_ = 	snop  }
0xbd: {  	[spmem:s2] =	stream.indirect.scatter.add.f32 [tilespmem:s10], [sflag:$0x1], $0x10, s16, s9, $0xb8;
	[tilespmem:$0x5BD0] =	vst v63  }
0xbe: {  	_ = 	snop  }
0xbf: {  	[spmem:s2] =	stream.indirect.scatter.add.f32 [tilespmem:s10], [sflag:$0x1], $0x10, s17, s9, $0xb8;
	[tilespmem:$0x5BD0] =	vst v63  }
0xc0: {  	_ = 	snop  }
0xc1: {  	[spmem:s2] =	stream.indirect.scatter.add.f32 [tilespmem:s10], [sflag:$0x1], $0x10, s18, s9, $0xb8;
	[tilespmem:$0x5BD0] =	vst v63  }
0xc2: {  	_ = 	snop  }
0xc3: {  	[spmem:s2] =	stream.indirect.scatter.add.f32 [tilespmem:s10], [sflag:$0x1], $0x10, s19, s9, $0xb8;
	[tilespmem:$0x5BD0] =	vst v63  }
0xc4: {  	_ = 	snop  }
0xc5: {  	[spmem:s2] =	stream.indirect.scatter.add.f32 [tilespmem:s10], [sflag:$0x1], $0x10, s20, s9, $0xb8;
	[tilespmem:$0x5BD0] =	vst v63  }
0xc6: {  	_ = 	snop  }
0xc7: {  	[spmem:s2] =	stream.indirect.scatter.add.f32 [tilespmem:s10], [sflag:$0x1], $0x10, s21, s9, $0xb8;
	[tilespmem:$0x5BD0] =	vst v63  }
0xc8: {  	_ = 	snop  }
0xc9: {  	[spmem:s2] =	stream.indirect.scatter.add.f32 [tilespmem:s10], [sflag:$0x1], $0x10, s22, s9, $0xb8;
	[tilespmem:$0x5BD0] =	vst v63  }
0xca: {  	_ = 	snop  }
0xcb: {  	[spmem:s2] =	stream.indirect.scatter.add.f32 [tilespmem:s10], [sflag:$0x1], $0x10, s23, s9, $0xb8;
	[tilespmem:$0x5BD0] =	vst v63  }
0xcc: {  	_ = 	snop  }
0xcd: {  	[spmem:s2] =	stream.indirect.scatter.add.f32 [tilespmem:s10], [sflag:$0x1], $0x10, s24, s9, $0xb8;
	[tilespmem:$0x5BD0] =	vst v63  }
0xce: {  	_ = 	snop  }
0xcf: {  	[spmem:s2] =	stream.indirect.scatter.add.f32 [tilespmem:s10], [sflag:$0x1], $0x10, s25, s9, $0xb8;
	[tilespmem:$0x5BD0] =	vst v63  }
0xd0: {  	_ = 	snop  }
0xd1: {  	[spmem:s2] =	stream.indirect.scatter.add.f32 [tilespmem:s10], [sflag:$0x1], $0x10, s26, s9, $0xb8;
	[tilespmem:$0x5BD0] =	vst v63  }
0xd2: {  	_ = 	snop  }
0xd3: {  	[spmem:s2] =	stream.indirect.scatter.add.f32 [tilespmem:s10], [sflag:$0x1], $0x10, s28, s9, $0xb8;
	[tilespmem:$0x5BD0] =	vst v63  }
0xd4: {  	_ = 	snop  }
0xd5: {  	[spmem:s2] =	stream.indirect.scatter.add.f32 [tilespmem:s10], [sflag:$0x1], $0x10, s29, s9, $0xb8;
	[tilespmem:$0x5BD0] =	vst v63  }
0xd6: {  	_ = 	snop  }
0xd7: {  	[spmem:s2] =	stream.indirect.scatter.add.f32 [tilespmem:s10], [sflag:$0x1], $0x10, s30, s9, $0xb8;
	[tilespmem:$0x5BD0] =	vst v63  }
0xd8: {  	_ = 	snop  }
0xd9: {  	[spmem:s2] =	stream.indirect.scatter.add.f32 [tilespmem:s10], [sflag:$0x1], $0x10, s31, s9, $0xb8;
	[tilespmem:$0x5BD0] =	vst v63  }
0xda: {  	_ = 	snop  }
0xdb: {  	[spmem:s2] =	stream.indirect.scatter.add.f32 [tilespmem:s10], [sflag:$0x1], $0x10, s1, s9, $0xb8;
	[tilespmem:$0x5BD0] =	vst v63  }
0xdc: {  	_ = 	snop  }
0xdd: {  	[spmem:s2] =	stream.indirect.scatter.add.f32 [tilespmem:s10], [sflag:$0x1], $0x10, s7, s9, $0xb8;
	[tilespmem:$0x5BD0] =	vst v63  }
0xde: {  	_ =	swait.ge [sflag:s0], $0x500  }
0xdf: {  	[sflag:s0] =	ssyncset.done $0x0  }
0xe0: {  	[sflag:s0] =	ssyncadd.s32 $0xFFFFFB00  }
0xe1: {  	_ =	swait.ge [sflag:s0], $0x500  }
0xe2: {  	[sflag:s0] =	ssyncset.done $0x0  }
0xe3: {  	[sflag:s0] =	ssyncadd.s32 $0xFFFFFB00  }
0xe4: {  	_ =	swait.ge [sflag:s0], $0x500  }
0xe5: {  	[sflag:s0] =	ssyncset.done $0x0  }
0xe6: {  	[sflag:s0] =	ssyncadd.s32 $0xFFFFFB00  }
0xe7: {  	_ =	swait.ge [sflag:s0], $0x500  }
0xe8: {  	[sflag:s0] =	ssyncset.done $0x0  }
0xe9: {  	[sflag:s0] =	ssyncadd.s32 $0xFFFFFB00  }
0xea: {  	_ =	swait.ge [sflag:s0], $0x500  }
0xeb: {  	[sflag:s0] =	ssyncset.done $0x0  }
0xec: {  	[sflag:s0] =	ssyncadd.s32 $0xFFFFFB00  }
0xed: {  	_ =	swait.ge [sflag:s0], $0x500  }
0xee: {  	[sflag:s0] =	ssyncset.done $0x0  }
0xef: {  	[sflag:s0] =	ssyncadd.s32 $0xFFFFFB00  }
0xf0: {  	_ =	swait.ge [sflag:s0], $0x500  }
0xf1: {  	[sflag:s0] =	ssyncset.done $0x0  }
0xf2: {  	[sflag:s0] =	ssyncadd.s32 $0xFFFFFB00  }
0xf3: {  	_ =	swait.ge [sflag:s0], $0x500  }
0xf4: {  	[sflag:s0] =	ssyncset.done $0x0  }
0xf5: {  	[sflag:s0] =	ssyncadd.s32 $0xFFFFFB00  }
0xf6: {  	_ =	swait.ge [sflag:s0], $0x500  }
0xf7: {  	[sflag:s0] =	ssyncset.done $0x0  }
0xf8: {  	[sflag:s0] =	ssyncadd.s32 $0xFFFFFB00  }
0xf9: {  	_ =	swait.ge [sflag:s0], $0x500  }
0xfa: {  	[sflag:s0] =	ssyncset.done $0x0  }
0xfb: {  	[sflag:s0] =	ssyncadd.s32 $0xFFFFFB00  }
0xfc: {  	_ =	swait.ge [sflag:s0], $0x500  }
0xfd: {  	[sflag:s0] =	ssyncset.done $0x0  }
0xfe: {  	[sflag:s0] =	ssyncadd.s32 $0xFFFFFB00  }
0xff: {  	_ =	swait.ge [sflag:s0], $0x500  }
0x100: {  	[sflag:s0] =	ssyncset.done $0x0  }
0x101: {  	[sflag:s0] =	ssyncadd.s32 $0xFFFFFB00  }
0x102: {  	_ =	swait.ge [sflag:s0], $0x500  }
0x103: {  	[sflag:s0] =	ssyncset.done $0x0  }
0x104: {  	[sflag:s0] =	ssyncadd.s32 $0xFFFFFB00  }
0x105: {  	_ =	swait.ge [sflag:s0], $0x500  }
0x106: {  	[sflag:s0] =	ssyncset.done $0x0  }
0x107: {  	[sflag:s0] =	ssyncadd.s32 $0xFFFFFB00  }
0x108: {  	_ =	swait.ge [sflag:s0], $0x500  }
0x109: {  	[sflag:s0] =	ssyncset.done $0x0  }
0x10a: {  	[sflag:s0] =	ssyncadd.s32 $0xFFFFFB00  }
0x10b: {  	_ =	swait.ge [sflag:s0], $0x500  }
0x10c: {  	[sflag:s0] =	ssyncset.done $0x0  }
0x10d: {  	[sflag:s0] =	ssyncadd.s32 $0xFFFFFB00  }
0x10e: {  	_ =	swait.ge [sflag:s0], $0x500  }
0x10f: {  	[sflag:s0] =	ssyncset.done $0x0  }
0x110: {  	[sflag:s0] =	ssyncadd.s32 $0xFFFFFB00  }
0x111: {  	_ =	swait.ge [sflag:s0], $0x500  }
0x112: {  	[sflag:s0] =	ssyncset.done $0x0  }
0x113: {  	[sflag:s0] =	ssyncadd.s32 $0xFFFFFB00  }
0x114: {  	_ =	swait.ge [sflag:s0], $0x500  }
0x115: {  	[sflag:s0] =	ssyncset.done $0x0  }
0x116: {  	[sflag:s0] =	ssyncadd.s32 $0xFFFFFB00  }
0x117: {  	_ =	swait.ge [sflag:s0], $0x500  }
0x118: {  	[sflag:s0] =	ssyncset.done $0x0  }
0x119: {  	[sflag:s0] =	ssyncadd.s32 $0xFFFFFB00  }
0x11a: {  	_ =	swait.ge [sflag:s0], $0x500  }
0x11b: {  	[sflag:s0] =	ssyncset.done $0x0  }
0x11c: {  	[sflag:s0] =	ssyncadd.s32 $0xFFFFFB00  }
0x11d: {  	_ =	swait.ge [sflag:s0], $0x500  }
0x11e: {  	[sflag:s0] =	ssyncset.done $0x0  }
0x11f: {  	[sflag:s0] =	ssyncadd.s32 $0xFFFFFB00  }
0x120: {  	_ =	swait.ge [sflag:s0], $0x500  }
0x121: {  	[sflag:s0] =	ssyncset.done $0x0  }
0x122: {  	p0 =	sne.s32 s4, $0x3E8;
	[sflag:s0] =	ssyncadd.s32 $0xFFFFFB00  }
.Ltmp2:
0x123: {  	_ =	swait.ge [sflag:s0], $0x500;
	(pc) =	sbr.rel @p0 .LBB2_6-.Ltmp2, $4  }
0x124: {  	[sflag:s0] =	ssyncset.done $0x0  }
0x125: {  	[sflag:s0] =	ssyncadd.s32 $0xFFFFFB00  }
0x126: {  	_ =	swait.ge [sflag:s0], $0x500  }
0x127: {  	s4 =	sadd.s32 $0xFA, s4;
	s5 =	rddreg [dreg:$0x4];
	[sflag:s0] =	ssyncset.done $0x0  }
0x128: {  	[sflag:s0] =	ssyncadd.s32 $0xFFFFFB00;
	s4 =	sadd.s32 s6, s5  }
0x129: {  	[tilespmem:s3], [sflag:$0x2] =	stream.linear.gather [hbm4b:s4+s3], $0x7D0, $0x38;
	[tilespmem:$0x5BD0] =	vst v63  }
0x12a: {  	_ =	swait.ge [sflag:s8], $0x7D0  }
0x12b: {  	[sflag:s8] =	ssyncset.done $0x0  }
0x12c: {  	[sflag:s8] =	ssyncadd.s32 $0xFFFFF830  }
0x12d: {  	[spmem:s2] =	stream.indirect.scatter.add.f32 [tilespmem:s10], [sflag:$0x1], $0x10, s3, s9, $0xb8;
	[tilespmem:$0x5BD0] =	vst v63  }
0x12e: {  	_ = 	snop  }
0x12f: {  	[spmem:s2] =	stream.indirect.scatter.add.f32 [tilespmem:s10], [sflag:$0x1], $0x10, s9, s9, $0xb8;
	[tilespmem:$0x5BD0] =	vst v63  }
0x130: {  	s6 =	rddreg [dreg:$0x5]  }
0x131: {  	[spmem:s2] =	stream.indirect.scatter.add.f32 [tilespmem:s10], [sflag:$0x1], $0x10, s6, s9, $0xb8;
	[tilespmem:$0x5BD0] =	vst v63  }
0x132: {  	_ = 	snop  }
0x133: {  	[spmem:s2] =	stream.indirect.scatter.add.f32 [tilespmem:s10], [sflag:$0x1], $0x10, s11, s9, $0xb8;
	[tilespmem:$0x5BD0] =	vst v63  }
0x134: {  	_ = 	snop  }
0x135: {  	[spmem:s2] =	stream.indirect.scatter.add.f32 [tilespmem:s10], [sflag:$0x1], $0x10, s12, s9, $0xb8;
	[tilespmem:$0x5BD0] =	vst v63  }
0x136: {  	_ = 	snop  }
0x137: {  	[spmem:s2] =	stream.indirect.scatter.add.f32 [tilespmem:s10], [sflag:$0x1], $0x10, s13, s9, $0xb8;
	[tilespmem:$0x5BD0] =	vst v63  }
0x138: {  	_ = 	snop  }
0x139: {  	[spmem:s2] =	stream.indirect.scatter.add.f32 [tilespmem:s10], [sflag:$0x1], $0x10, s14, s9, $0xb8;
	[tilespmem:$0x5BD0] =	vst v63  }
0x13a: {  	_ = 	snop  }
0x13b: {  	[spmem:s2] =	stream.indirect.scatter.add.f32 [tilespmem:s10], [sflag:$0x1], $0x10, s15, s9, $0xb8;
	[tilespmem:$0x5BD0] =	vst v63  }
0x13c: {  	_ = 	snop  }
0x13d: {  	[spmem:s2] =	stream.indirect.scatter.add.f32 [tilespmem:s10], [sflag:$0x1], $0x10, s16, s9, $0xb8;
	[tilespmem:$0x5BD0] =	vst v63  }
0x13e: {  	_ = 	snop  }
0x13f: {  	[spmem:s2] =	stream.indirect.scatter.add.f32 [tilespmem:s10], [sflag:$0x1], $0x10, s17, s9, $0xb8;
	[tilespmem:$0x5BD0] =	vst v63  }
0x140: {  	_ = 	snop  }
0x141: {  	[spmem:s2] =	stream.indirect.scatter.add.f32 [tilespmem:s10], [sflag:$0x1], $0x10, s18, s9, $0xb8;
	[tilespmem:$0x5BD0] =	vst v63  }
0x142: {  	_ = 	snop  }
0x143: {  	[spmem:s2] =	stream.indirect.scatter.add.f32 [tilespmem:s10], [sflag:$0x1], $0x10, s19, s9, $0xb8;
	[tilespmem:$0x5BD0] =	vst v63  }
0x144: {  	_ = 	snop  }
0x145: {  	[spmem:s2] =	stream.indirect.scatter.add.f32 [tilespmem:s10], [sflag:$0x1], $0x10, s20, s9, $0xb8;
	[tilespmem:$0x5BD0] =	vst v63  }
0x146: {  	_ = 	snop  }
0x147: {  	[spmem:s2] =	stream.indirect.scatter.add.f32 [tilespmem:s10], [sflag:$0x1], $0x10, s21, s9, $0xb8;
	[tilespmem:$0x5BD0] =	vst v63  }
0x148: {  	_ = 	snop  }
0x149: {  	[spmem:s2] =	stream.indirect.scatter.add.f32 [tilespmem:s10], [sflag:$0x1], $0x10, s22, s9, $0xb8;
	[tilespmem:$0x5BD0] =	vst v63  }
0x14a: {  	_ = 	snop  }
0x14b: {  	[spmem:s2] =	stream.indirect.scatter.add.f32 [tilespmem:s10], [sflag:$0x1], $0x10, s23, s9, $0xb8;
	[tilespmem:$0x5BD0] =	vst v63  }
0x14c: {  	_ = 	snop  }
0x14d: {  	[spmem:s2] =	stream.indirect.scatter.add.f32 [tilespmem:s10], [sflag:$0x1], $0x10, s24, s9, $0xb8;
	[tilespmem:$0x5BD0] =	vst v63  }
0x14e: {  	_ = 	snop  }
0x14f: {  	[spmem:s2] =	stream.indirect.scatter.add.f32 [tilespmem:s10], [sflag:$0x1], $0x10, s25, s9, $0xb8;
	[tilespmem:$0x5BD0] =	vst v63  }
0x150: {  	_ = 	snop  }
0x151: {  	[spmem:s2] =	stream.indirect.scatter.add.f32 [tilespmem:s10], [sflag:$0x1], $0x10, s26, s9, $0xb8;
	[tilespmem:$0x5BD0] =	vst v63  }
0x152: {  	_ = 	snop  }
0x153: {  	[spmem:s2] =	stream.indirect.scatter.add.f32 [tilespmem:s10], [sflag:$0x1], $0x10, s28, s9, $0xb8;
	[tilespmem:$0x5BD0] =	vst v63  }
0x154: {  	_ = 	snop  }
0x155: {  	[spmem:s2] =	stream.indirect.scatter.add.f32 [tilespmem:s10], [sflag:$0x1], $0x10, s29, s9, $0xb8;
	[tilespmem:$0x5BD0] =	vst v63  }
0x156: {  	_ = 	snop  }
0x157: {  	[spmem:s2] =	stream.indirect.scatter.add.f32 [tilespmem:s10], [sflag:$0x1], $0x10, s30, s9, $0xb8;
	[tilespmem:$0x5BD0] =	vst v63  }
0x158: {  	_ = 	snop  }
0x159: {  	[spmem:s2] =	stream.indirect.scatter.add.f32 [tilespmem:s10], [sflag:$0x1], $0x10, s31, s9, $0xb8;
	[tilespmem:$0x5BD0] =	vst v63  }
0x15a: {  	_ = 	snop  }
0x15b: {  	[spmem:s2] =	stream.indirect.scatter.add.f32 [tilespmem:s10], [sflag:$0x1], $0x10, s1, s9, $0xb8;
	[tilespmem:$0x5BD0] =	vst v63  }
0x15c: {  	_ = 	snop  }
0x15d: {  	[spmem:s2] =	stream.indirect.scatter.add.f32 [tilespmem:s10], [sflag:$0x1], $0x10, s7, s9, $0xb8;
	[tilespmem:$0x5BD0] =	vst v63  }
0x15e: {  	_ =	swait.ge [sflag:s0], $0x500  }
0x15f: {  	[sflag:s0] =	ssyncset.done $0x0  }
0x160: {  	[sflag:s0] =	ssyncadd.s32 $0xFFFFFB00  }
0x161: {  	_ =	swait.ge [sflag:s0], $0x500  }
0x162: {  	[sflag:s0] =	ssyncset.done $0x0  }
0x163: {  	[sflag:s0] =	ssyncadd.s32 $0xFFFFFB00  }
0x164: {  	_ =	swait.ge [sflag:s0], $0x500  }
0x165: {  	[sflag:s0] =	ssyncset.done $0x0  }
0x166: {  	[sflag:s0] =	ssyncadd.s32 $0xFFFFFB00  }
0x167: {  	_ =	swait.ge [sflag:s0], $0x500  }
0x168: {  	[sflag:s0] =	ssyncset.done $0x0  }
0x169: {  	[sflag:s0] =	ssyncadd.s32 $0xFFFFFB00  }
0x16a: {  	_ =	swait.ge [sflag:s0], $0x500  }
0x16b: {  	[sflag:s0] =	ssyncset.done $0x0  }
0x16c: {  	[sflag:s0] =	ssyncadd.s32 $0xFFFFFB00  }
0x16d: {  	_ =	swait.ge [sflag:s0], $0x500  }
0x16e: {  	[sflag:s0] =	ssyncset.done $0x0  }
0x16f: {  	[sflag:s0] =	ssyncadd.s32 $0xFFFFFB00  }
0x170: {  	_ =	swait.ge [sflag:s0], $0x500  }
0x171: {  	[sflag:s0] =	ssyncset.done $0x0  }
0x172: {  	[sflag:s0] =	ssyncadd.s32 $0xFFFFFB00  }
0x173: {  	_ =	swait.ge [sflag:s0], $0x500  }
0x174: {  	[sflag:s0] =	ssyncset.done $0x0  }
0x175: {  	[sflag:s0] =	ssyncadd.s32 $0xFFFFFB00  }
0x176: {  	_ =	swait.ge [sflag:s0], $0x500  }
0x177: {  	[sflag:s0] =	ssyncset.done $0x0  }
0x178: {  	[sflag:s0] =	ssyncadd.s32 $0xFFFFFB00  }
0x179: {  	_ =	swait.ge [sflag:s0], $0x500  }
0x17a: {  	[sflag:s0] =	ssyncset.done $0x0  }
0x17b: {  	[sflag:s0] =	ssyncadd.s32 $0xFFFFFB00  }
0x17c: {  	_ =	swait.ge [sflag:s0], $0x500  }
0x17d: {  	[sflag:s0] =	ssyncset.done $0x0  }
0x17e: {  	[sflag:s0] =	ssyncadd.s32 $0xFFFFFB00  }
0x17f: {  	_ =	swait.ge [sflag:s0], $0x500  }
0x180: {  	[sflag:s0] =	ssyncset.done $0x0  }
0x181: {  	[sflag:s0] =	ssyncadd.s32 $0xFFFFFB00  }
0x182: {  	_ =	swait.ge [sflag:s0], $0x500  }
0x183: {  	[sflag:s0] =	ssyncset.done $0x0  }
0x184: {  	[sflag:s0] =	ssyncadd.s32 $0xFFFFFB00  }
0x185: {  	_ =	swait.ge [sflag:s0], $0x500  }
0x186: {  	[sflag:s0] =	ssyncset.done $0x0  }
0x187: {  	[sflag:s0] =	ssyncadd.s32 $0xFFFFFB00  }
0x188: {  	_ =	swait.ge [sflag:s0], $0x500  }
0x189: {  	[sflag:s0] =	ssyncset.done $0x0  }
0x18a: {  	[sflag:s0] =	ssyncadd.s32 $0xFFFFFB00  }
0x18b: {  	_ =	swait.ge [sflag:s0], $0x500  }
0x18c: {  	[sflag:s0] =	ssyncset.done $0x0  }
0x18d: {  	[sflag:s0] =	ssyncadd.s32 $0xFFFFFB00  }
0x18e: {  	_ =	swait.ge [sflag:s0], $0x500  }
0x18f: {  	[sflag:s0] =	ssyncset.done $0x0  }
0x190: {  	[sflag:s0] =	ssyncadd.s32 $0xFFFFFB00  }
0x191: {  	_ =	swait.ge [sflag:s0], $0x500  }
0x192: {  	[sflag:s0] =	ssyncset.done $0x0  }
0x193: {  	[sflag:s0] =	ssyncadd.s32 $0xFFFFFB00  }
0x194: {  	_ =	swait.ge [sflag:s0], $0x500  }
0x195: {  	[sflag:s0] =	ssyncset.done $0x0  }
0x196: {  	[sflag:s0] =	ssyncadd.s32 $0xFFFFFB00  }
0x197: {  	_ =	swait.ge [sflag:s0], $0x500  }
0x198: {  	[sflag:s0] =	ssyncset.done $0x0  }
0x199: {  	[sflag:s0] =	ssyncadd.s32 $0xFFFFFB00  }
0x19a: {  	_ =	swait.ge [sflag:s0], $0x500  }
0x19b: {  	[sflag:s0] =	ssyncset.done $0x0  }
0x19c: {  	[sflag:s0] =	ssyncadd.s32 $0xFFFFFB00  }
0x19d: {  	_ =	swait.ge [sflag:s0], $0x500  }
0x19e: {  	[sflag:s0] =	ssyncset.done $0x0  }
0x19f: {  	[sflag:s0] =	ssyncadd.s32 $0xFFFFFB00  }
0x1a0: {  	_ =	swait.ge [sflag:s0], $0x500  }
0x1a1: {  	[sflag:s0] =	ssyncset.done $0x0  }
0x1a2: {  	[sflag:s0] =	ssyncadd.s32 $0xFFFFFB00  }
0x1a3: {  	_ =	swait.ge [sflag:s0], $0x500  }
0x1a4: {  	[sflag:s0] =	ssyncset.done $0x0  }
0x1a5: {  	[sflag:s0] =	ssyncadd.s32 $0xFFFFFB00  }
0x1a6: {  	_ =	swait.ge [sflag:s0], $0x500  }
0x1a7: {  	[sflag:s0] =	ssyncset.done $0x0  }
0x1a8: {  	[sflag:s0] =	ssyncadd.s32 $0xFFFFFB00  }
0x1a9: {  	s11 =	stileid.u32;
	[bflag:$0x0] =	sbarrier.arrive $0xFFFF  }
0x1aa: {  	s4 =	sshll.u32 s11, $0x6;
	s6 =	rddreg [dreg:$0x6]  }
0x1ab: {  	s4 =	sor.u32 $0x1C02, s4;
	s11 =	rddreg [dreg:$0x7];
	s5 =	sshrl.u32 s6, $0x3  }
0x1ac: {  	[hbm:s11], [sflag:s4] =	dma.local [spmem:s5], $0x4F0  }
0x1ad: {  	_ =	swait.ge [sflag:s8], $0x4F0  }
0x1ae: {  	s4 =	rddreg [dreg:$0x9]  }
0x1af: {  	s11 =	rddreg [dreg:$0x8];
	s5 =	sadd.s32 $0x1, s4  }
0x1b0: {  	p0 =	sne.s32 s5, s11  }
.Ltmp3:
0x1b1: {  	_ = 	snop;
	(pc) =	sbr.rel @p0 .LBB2_1-.Ltmp3, $3  }
0x1b2: {  	_ =	sdelay $0x1  }
0x1b3: {  	[sflag:s8] =	ssyncset.done $0x0  }
0x1b4: {  	[sflag:s8] =	ssyncadd.s32 $0xFFFFFB10  }
0x1b5: {  	_ =	sfence.sel $0x180000  }
0x1b6: {  	[bflag:$0x0] =	sbarrier.arrive $0xFFFF  }
0x1b7: {  	_ =	strace $0x90000047  }
0x1b8: {  	s0 =	stileid.u32;
	[bflag:$0x2] =	sbarrier.arrive $0xFFFF  }
0x1b9: {  	p0 =	sne.s32 s0, $0x0;
	s0 =	rddreg [dreg:$0x3]  }
0x1ba: {  	s0 =	sadd.s32 @!p0 $0x100000, s0  }
0x1bb: {  	[sflag:s0] =	ssyncadd.tile.s32 @!p0 $0x1;
	_ =	shalt  }
.Lfunc_end2:
_tile_overlayer_lowered:
.L_overlay_start_2:
0x1bc: {  	(tag) =	ssettag $0x2  }
0x1bd: {  	s0 =	rddreg [dreg:$0x0];
	s2 =	stileid.u32  }
0x1be: {  	s1 =	rddreg [dreg:$0x1];
	p0 =	sne.s32 s2, $0x0  }
0x1bf: {  	s3 =	rddreg [dreg:$0x2];
	[bflag:$0x3] =	sbarrier.arrive $0xFFFF;
	s2 =	simm.s32 @!p0 $0x1C02  }
0x1c0: {  	[timem:s3], [sflag:s2] =	dma.local @!p0 [hbm:s0], s1  }
0x1c1: {  	s0 =	simm.s32 @!p0 $0x2  }
0x1c2: {  	_ =	swait.ge @!p0 [sflag:s0], s1  }
0x1c3: {  	s1 =	ssub.s32 @!p0 $0x0, s1;
	[sflag:s0] =	ssyncset.done @!p0 $0x0  }
0x1c4: {  	[sflag:s0] =	ssyncadd.s32 @!p0 s1  }
0x1c5: {  	[bflag:$0x3] =	sbarrier.arrive $0xFFFF  }
0x1c6: {  	_ =	shalt  }

</sc_bundles>
